<compile_context>
chip_gen: v7x
topology: tpu7x:2x2x1
jax: 0.10.2.dev20260603
libtpu: 0.0.44.dev20260713+nightly
codegen_flags: <defaults>
</compile_context>

<pallas_src>
import functools

import jax
import jax.numpy as jnp
from jax import lax
from jax.experimental import pallas as pl
from jax.experimental.pallas import tpu as pltpu
from jax.experimental.pallas import tpu_sc as plsc

F32 = jnp.float32

N_BLK = 1000
E_BLK = 1792


def _silu(x):
    return x * jax.nn.sigmoid(x)


def _dot(a, b):
    return jnp.dot(a, b, preferred_element_type=F32)


def _dotb(a, b):
    return jnp.dot(a.astype(jnp.bfloat16), b.astype(jnp.bfloat16),
                   preferred_element_type=F32)


def _dt(a, b):
    return lax.dot_general(a, b, (((0,), (0,)), ((), ())),
                           preferred_element_type=F32)



def _p1_body(nf_ref, cp_ref, db_ref, w1r_ref, w1c_ref,
             tr_ref, tc_ref, sumc_ref, cnt_ref):
    i = pl.program_id(0)
    nf = nf_ref[...]
    cp = cp_ref[...]
    oh = (db_ref[...] == lax.broadcasted_iota(jnp.int32, (1, 16), 1)
          ).astype(F32)
    z48 = jnp.zeros((nf.shape[0], 56), F32)
    for w_ref, t_ref in ((w1r_ref, tr_ref), (w1c_ref, tc_ref)):
        p = _dotb(nf, w_ref[...]).astype(jnp.bfloat16)
        hi = lax.bitcast_convert_type(p[:, :64], jnp.uint16).astype(jnp.uint32)
        lo = lax.bitcast_convert_type(p[:, 64:], jnp.uint16).astype(jnp.uint32)
        packed = lax.bitcast_convert_type((hi << 16) | lo, F32)
        t_ref[...] = jnp.concatenate([packed, cp, z48], axis=1)

    @pl.when(i == 0)
    def _():
        sumc_ref[...] = jnp.zeros_like(sumc_ref)
        cnt_ref[...] = jnp.zeros_like(cnt_ref)

    sumc_ref[...] += _dt(oh, cp)
    cnt_ref[...] += _dt(oh, jnp.ones((oh.shape[0], 8), F32))


def _a_body(sumc_ref, cnt_ref, vct_ref, vnf_ref, w1v_ref, w1m_ref, b1_ref,
            tcs_ref, vcs_ref, ccl_ref):
    ccl = jnp.maximum(cnt_ref[...], 1.0)
    cm = sumc_ref[...] / ccl
    ccl_ref[...] = ccl
    r64 = lax.broadcasted_iota(jnp.int32, (64, 1), 0)
    col16 = lax.broadcasted_iota(jnp.int32, (64, 16), 1)
    col64 = lax.broadcasted_iota(jnp.int32, (64, 64), 1)
    col8 = lax.broadcasted_iota(jnp.int32, (1, 8), 1)
    oh_b = (r64 // 4 == col16).astype(F32)
    vct = vct_ref[...]
    z = vct - _dot(oh_b, cm)
    mx8 = jnp.zeros((64, 8), F32)
    for j in range(4):
        gj = (col64 == (r64 // 4) * 4 + j).astype(F32)
        zsel = _dot(gj, z)
        mx8 = mx8 + jnp.sum(z * zsel, axis=1, keepdims=True) * (
            col8 == j).astype(F32)
    t64 = _dot(vnf_ref[...], w1v_ref[...]) + _dot(mx8, w1m_ref[...]) \
        + b1_ref[...]
    pcb = (col64 == (r64 % 16) * 4 + r64 // 16).astype(F32)
    tcs_ref[...] = _dot(pcb, t64)
    vcs_ref[...] = _dot(pcb, vct)


def _b_body(nf_ref, cp_ref, db_ref, na_ref, vcs_ref, tcs_ref,
            w1a_ref, wvr_ref, w2_ref, b2_ref,
            crv1_ref, crvb_ref, crv2_ref, cvv1_ref, cvvb_ref, cvv2_ref,
            wv_ref, nm1a_ref, nm1d_ref, nmb1_ref,
            tv_ref, pre_ref, st2_ref, svef_ref):
    i = pl.program_id(0)
    nf = nf_ref[...]
    cp = cp_ref[...]
    oh = (db_ref[...] == lax.broadcasted_iota(jnp.int32, (1, 16), 1)
          ).astype(F32)
    qn = _dotb(nf, w1a_ref[...])
    pre_n = _dotb(nf, nm1a_ref[...]) + _dot(na_ref[...], nm1d_ref[...]) \
        + nmb1_ref[...]
    tv = jnp.zeros((nf.shape[0], 8), F32)

    @pl.when(i == 0)
    def _():
        st2_ref[...] = jnp.zeros_like(st2_ref)
        svef_ref[...] = jnp.zeros_like(svef_ref)

    for c in range(4):
        vcd = _dot(oh, vcs_ref[c * 16:(c + 1) * 16, :]) - cp
        vr = jnp.sqrt(jnp.sum(vcd * vcd, axis=1, keepdims=True))
        pre_v = qn + _dot(oh, tcs_ref[c * 16:(c + 1) * 16, :]) \
            + vr * wvr_ref[...]
        vef = _silu(_dotb(_silu(pre_v), w2_ref[...]) + b2_ref[...])
        srv = _dot(_silu(_dotb(vef, crv1_ref[...]) + crvb_ref[...]),
                   crv2_ref[...])
        svv = _dot(_silu(_dotb(vef, cvv1_ref[...]) + cvvb_ref[...]),
                   cvv2_ref[...])
        tv = tv + vcd * srv
        st2_ref[c * 16:(c + 1) * 16, :] += _dt(oh, vcd * svv)
        svef_ref[c * 16:(c + 1) * 16, :] += _dt(oh, vef)
        pre_n = pre_n + _dotb(vef, wv_ref[c * 128:(c + 1) * 128, :])
    tv_ref[...] = tv * (-0.25)
    pre_ref[...] = pre_n


def _c_body(st2_ref, svef_ref, ccl_ref, vnf_ref, vct_ref,
            w1_ref, b1_ref, w2_ref, b2_ref, vco_ref, vno_ref):
    ccl = ccl_ref[...]
    ccl64 = jnp.concatenate([ccl, ccl, ccl, ccl], axis=0)
    r64 = lax.broadcasted_iota(jnp.int32, (64, 1), 0)
    col64 = lax.broadcasted_iota(jnp.int32, (64, 64), 1)
    pbc = (col64 == (r64 % 4) * 16 + r64 // 4).astype(F32)
    agg2 = st2_ref[...] / ccl64
    aggv = svef_ref[...] / ccl64[:, :1]
    vco_ref[...] = vct_ref[...] + _dot(pbc, agg2)
    in64 = jnp.concatenate([vnf_ref[...], _dot(pbc, aggv)], axis=1)
    out64 = _dot(_silu(_dot(in64, w1_ref[...]) + b1_ref[...]), w2_ref[...]) \
        + b2_ref[...]
    vno_ref[...] = vnf_ref[...] + out64


def _unpack(x):
    u = lax.bitcast_convert_type(x, jnp.uint32)
    hi = lax.bitcast_convert_type((u >> 16).astype(jnp.uint16), jnp.bfloat16)
    lo = lax.bitcast_convert_type(u.astype(jnp.uint16), jnp.bfloat16)
    return jnp.concatenate([hi, lo], axis=1).astype(F32)


def _d_body(ne, gr_ref, gc_ref, ea_ref,
            wrad_ref, wea_ref, b1_ref, w2_ref, b2_ref,
            cr1_ref, crb_ref, cr2_ref, ef_ref, tr_ref):
    i = pl.program_id(0)
    nb = gr_ref.shape[0]
    gr = gr_ref[...]
    gc = gc_ref[...]
    cd = gr[:, 64:72] - gc[:, 64:72]
    radial = jnp.sum(cd * cd, axis=1, keepdims=True)
    pre = _unpack(gr[:, :64]) + _unpack(gc[:, :64]) \
        + radial * wrad_ref[...] \
        + _dot(ea_ref[...], wea_ref[...]) + b1_ref[...]
    ef = _silu(_dotb(_silu(pre), w2_ref[...]) + b2_ref[...])
    s = _dot(_silu(_dotb(ef, cr1_ref[...]) + crb_ref[...]), cr2_ref[...])
    col8 = lax.broadcasted_iota(jnp.int32, (1, 8), 1)
    tr8 = cd * s + (col8 == 3).astype(F32)
    gid = i * nb + lax.broadcasted_iota(jnp.int32, (nb, 1), 0)
    msk = (gid < ne).astype(F32)
    ef_ref[...] = ef * msk
    tr_ref[...] = tr8 * msk


def _e_body(ae0_ref, ae1_ref, at0_ref, at1_ref, nf_ref, cp_ref, tv_ref,
            pre_ref, nm1b_ref, nmw2_ref, nmb2_ref, no_ref, co_ref):
    tr8 = at0_ref[...] + at1_ref[...]
    col8 = lax.broadcasted_iota(jnp.int32, (1, 8), 1)
    cnt = jnp.sum(tr8 * (col8 == 3).astype(F32), axis=1, keepdims=True)
    ce = jnp.maximum(cnt, 1.0)
    agg_e = (ae0_ref[...] + ae1_ref[...]) / ce
    co_ref[...] = cp_ref[...] + tr8 * (col8 < 3).astype(F32) / ce + tv_ref[...]
    no_ref[...] = nf_ref[...] + _dotb(
        _silu(pre_ref[...] + _dotb(agg_e, nm1b_ref[...])), nmw2_ref[...]) \
        + nmb2_ref[...]



def _full(shape):
    return pl.BlockSpec(shape, lambda *_: tuple(0 for _ in shape))


def _tc_calls(N, E):
    nb = N // N_BLK
    eb = E // E_BLK

    p1 = pl.pallas_call(
        _p1_body,
        grid=(nb,),
        in_specs=[
            pl.BlockSpec((N_BLK, 128), lambda i: (i, 0)),
            pl.BlockSpec((N_BLK, 8), lambda i: (i, 0)),
            pl.BlockSpec((N_BLK, 1), lambda i: (i, 0)),
            _full((128, 128)), _full((128, 128)),
        ],
        out_specs=[
            pl.BlockSpec((N_BLK, 128), lambda i: (i, 0)),
            pl.BlockSpec((N_BLK, 128), lambda i: (i, 0)),
            _full((16, 8)), _full((16, 8)),
        ],
        out_shape=[
            jax.ShapeDtypeStruct((N, 128), F32),
            jax.ShapeDtypeStruct((N, 128), F32),
            jax.ShapeDtypeStruct((16, 8), F32),
            jax.ShapeDtypeStruct((16, 8), F32),
        ],
    )

    ka = pl.pallas_call(
        _a_body,
        out_shape=[
            jax.ShapeDtypeStruct((64, 128), F32),
            jax.ShapeDtypeStruct((64, 8), F32),
            jax.ShapeDtypeStruct((16, 8), F32),
        ],
    )

    kb = pl.pallas_call(
        _b_body,
        grid=(nb,),
        in_specs=[
            pl.BlockSpec((N_BLK, 128), lambda i: (i, 0)),
            pl.BlockSpec((N_BLK, 8), lambda i: (i, 0)),
            pl.BlockSpec((N_BLK, 1), lambda i: (i, 0)),
            pl.BlockSpec((N_BLK, 16), lambda i: (i, 0)),
            _full((64, 8)), _full((64, 128)),
            _full((128, 128)), _full((1, 128)), _full((128, 128)),
            _full((1, 128)),
            _full((128, 128)), _full((1, 128)), _full((128, 1)),
            _full((128, 128)), _full((1, 128)), _full((128, 1)),
            _full((512, 128)), _full((128, 128)), _full((16, 128)),
            _full((1, 128)),
        ],
        out_specs=[
            pl.BlockSpec((N_BLK, 8), lambda i: (i, 0)),
            pl.BlockSpec((N_BLK, 128), lambda i: (i, 0)),
            _full((64, 8)), _full((64, 128)),
        ],
        out_shape=[
            jax.ShapeDtypeStruct((N, 8), F32),
            jax.ShapeDtypeStruct((N, 128), F32),
            jax.ShapeDtypeStruct((64, 8), F32),
            jax.ShapeDtypeStruct((64, 128), F32),
        ],
    )

    kc = pl.pallas_call(
        _c_body,
        out_shape=[
            jax.ShapeDtypeStruct((64, 8), F32),
            jax.ShapeDtypeStruct((64, 128), F32),
        ],
    )

    ep = _EPAD
    ebp = ep // E_BLK
    kd = pl.pallas_call(
        functools.partial(_d_body, E),
        grid=(ebp,),
        in_specs=[
            pl.BlockSpec((E_BLK, 128), lambda i: (i, 0)),
            pl.BlockSpec((E_BLK, 128), lambda i: (i, 0)),
            pl.BlockSpec((E_BLK, 16), lambda i: (i, 0)),
            _full((1, 128)), _full((16, 128)), _full((1, 128)),
            _full((128, 128)), _full((1, 128)),
            _full((128, 128)), _full((1, 128)), _full((128, 1)),
        ],
        out_specs=[
            pl.BlockSpec((E_BLK, 128), lambda i: (i, 0)),
            pl.BlockSpec((E_BLK, 8), lambda i: (i, 0)),
        ],
        out_shape=[
            jax.ShapeDtypeStruct((ep, 128), F32),
            jax.ShapeDtypeStruct((ep, 8), F32),
        ],
    )

    ke = pl.pallas_call(
        _e_body,
        grid=(nb,),
        in_specs=[
            pl.BlockSpec((N_BLK, 128), lambda i: (i, 0)),
            pl.BlockSpec((N_BLK, 128), lambda i: (i, 0)),
            pl.BlockSpec((N_BLK, 8), lambda i: (i, 0)),
            pl.BlockSpec((N_BLK, 8), lambda i: (i, 0)),
            pl.BlockSpec((N_BLK, 128), lambda i: (i, 0)),
            pl.BlockSpec((N_BLK, 8), lambda i: (i, 0)),
            pl.BlockSpec((N_BLK, 8), lambda i: (i, 0)),
            pl.BlockSpec((N_BLK, 128), lambda i: (i, 0)),
            _full((128, 128)), _full((128, 128)), _full((1, 128)),
        ],
        out_specs=[
            pl.BlockSpec((N_BLK, 128), lambda i: (i, 0)),
            pl.BlockSpec((N_BLK, 8), lambda i: (i, 0)),
        ],
        out_shape=[
            jax.ShapeDtypeStruct((N, 128), F32),
            jax.ShapeDtypeStruct((N, 8), F32),
        ],
    )
    return p1, ka, kb, kc, kd, ke



_K = 104
_NW = 32
_EPAD = 326144
_NP = 10240


def _sc_gather_fn(W, tiled):
    CH = _EPAD // _K // _NW
    mesh = plsc.VectorSubcoreMesh(core_axis_name="c", subcore_axis_name="s")

    @functools.partial(
        pl.kernel, mesh=mesh,
        compiler_params=pltpu.CompilerParams(use_tc_tiling_on_sc=tiled),
        out_type=[jax.ShapeDtypeStruct((_EPAD // _K, _K, W), F32),
                  jax.ShapeDtypeStruct((_EPAD // _K, _K, W), F32)],
        scratch_types=[
            pltpu.VMEM((CH, 1, _K), jnp.int32),
            pltpu.VMEM((CH, 1, _K), jnp.int32),
            pltpu.VMEM((2, _K, W), F32),
            pltpu.VMEM((2, _K, W), F32),
        ] + [pltpu.SemaphoreType.DMA] * 4)
    def k(tr_hbm, tc_hbm, r4_hbm, c4_hbm, gr_hbm, gc_hbm,
          ridx, cidx, bufr, bufc, *sems):
        wid = lax.axis_index("c") * 16 + lax.axis_index("s")
        cbase = wid * CH
        pltpu.sync_copy(r4_hbm.at[wid], ridx)
        pltpu.sync_copy(c4_hbm.at[wid], cidx)
        semr = sems[:2]
        semc = sems[2:]
        for p in range(2):
            pltpu.async_copy(tr_hbm.at[ridx.at[p, 0]], bufr.at[p], semr[p])
            pltpu.async_copy(tc_hbm.at[cidx.at[p, 0]], bufc.at[p], semc[p])

        def body(j):
            for p in range(2):
                ch = j + p
                pltpu.make_async_copy(
                    gr_hbm.at[0], bufr.at[p], semr[p]).wait()
                pltpu.sync_copy(bufr.at[p], gr_hbm.at[cbase + ch])
                pltpu.make_async_copy(
                    gc_hbm.at[0], bufc.at[p], semc[p]).wait()
                pltpu.sync_copy(bufc.at[p], gc_hbm.at[cbase + ch])

                @pl.when(ch + 2 < CH)
                def _():
                    pltpu.async_copy(
                        tr_hbm.at[ridx.at[ch + 2, 0]], bufr.at[p], semr[p])
                    pltpu.async_copy(
                        tc_hbm.at[cidx.at[ch + 2, 0]], bufc.at[p], semc[p])

        lax.fori_loop(0, CH // 2, lambda t, c: (body(t * 2), c)[1], 0)

    return k


def _sc_scatter_fn(W, tiled):
    CH = _EPAD // _K // _NW
    NPER = _NP // 16
    mesh = plsc.VectorSubcoreMesh(core_axis_name="c", subcore_axis_name="s")

    @functools.partial(
        pl.kernel, mesh=mesh,
        compiler_params=pltpu.CompilerParams(use_tc_tiling_on_sc=tiled),
        out_type=jax.ShapeDtypeStruct((2, _NP, W), F32),
        scratch_types=[
            pltpu.VMEM((CH, 1, _K), jnp.int32),
            pltpu.VMEM((2, _K, W), F32),
            pltpu.VMEM_SHARED((_NP, W), F32),
            pltpu.SemaphoreType.DMA,
            pltpu.SemaphoreType.DMA,
        ])
    def k(oe_hbm, r4_hbm, z_hbm, acc_hbm, ridx, buf, shacc, s0, s1):
        cid = lax.axis_index("c")
        sid = lax.axis_index("s")
        wid = cid * 16 + sid
        pltpu.sync_copy(z_hbm, shacc.at[pl.ds(sid * NPER, NPER)])
        plsc.subcore_barrier()
        pltpu.sync_copy(r4_hbm.at[wid], ridx)
        sems = (s0, s1)
        for p in range(2):
            pltpu.async_copy(oe_hbm.at[wid * CH + p], buf.at[p], sems[p])

        def body(j):
            for p in range(2):
                ch = j + p
                pltpu.make_async_copy(
                    oe_hbm.at[0], buf.at[p], sems[p]).wait()
                pltpu.sync_copy(buf.at[p], shacc.at[ridx.at[ch, 0]], add=True)

                @pl.when(ch + 2 < CH)
                def _():
                    pltpu.async_copy(
                        oe_hbm.at[wid * CH + ch + 2], buf.at[p], sems[p])

        lax.fori_loop(0, CH // 2, lambda t, c: (body(t * 2), c)[1], 0)
        plsc.subcore_barrier()
        pltpu.sync_copy(shacc.at[pl.ds(sid * NPER, NPER)],
                        acc_hbm.at[cid].at[pl.ds(sid * NPER, NPER)])

    return k



def kernel(node_feat, edge_index, coord, virtual_coord, virtual_node_feat,
           data_batch, edge_attr, node_attr,
           em_W1, em_b1, em_W2, em_b2, emv_W1, emv_b1, emv_W2, emv_b2,
           cr_W1, cr_b1, cr_W2, crv_W1, crv_b1, crv_W2,
           cvv_W1, cvv_b1, cvv_W2,
           nm_W1, nm_b1, nm_W2, nm_b2, nmv_W1, nmv_b1, nmv_W2, nmv_b2):
    N, NF = node_feat.shape
    E = edge_index.shape[1]
    B, _, C = virtual_coord.shape
    H = em_W2.shape[0]

    cp = jnp.pad(coord, ((0, 0), (0, 5)))
    db2 = data_batch[:, None].astype(jnp.int32)
    vct64 = jnp.pad(
        jnp.transpose(virtual_coord, (0, 2, 1)).reshape(B * C, 3),
        ((0, 0), (0, 5)))
    vnf_t = jnp.transpose(virtual_node_feat, (0, 2, 1)).reshape(B * C, NF)
    w1m8 = jnp.pad(emv_W1[2 * NF + 1:], ((0, 4), (0, 0)))
    wv = nm_W1[2 * H:2 * H + C * H].reshape(H, C, H) \
        .transpose(1, 0, 2).reshape(C * H, H)
    row = edge_index[0].astype(jnp.int32)
    col = edge_index[1].astype(jnp.int32)

    p1, ka, kb, kc, kd, ke = _tc_calls(N, E)

    table_r, table_c, sumc, cnt16 = p1(
        node_feat, cp, db2, em_W1[:NF], em_W1[NF:2 * NF])
    tcs, vcs, ccl16 = ka(sumc, cnt16, vct64, vnf_t,
                         emv_W1[NF:2 * NF], w1m8, emv_b1[None])
    tv, pre_n, st2, svef = kb(
        node_feat, cp, db2, node_attr, vcs, tcs,
        emv_W1[:NF], emv_W1[2 * NF][None], emv_W2, emv_b2[None],
        crv_W1, crv_b1[None], crv_W2, cvv_W1, cvv_b1[None], cvv_W2,
        wv, nm_W1[:H], nm_W1[2 * H + C * H:], nm_b1[None])
    vco64, vno64 = kc(st2, svef, ccl16, vnf_t, vct64,
                      nmv_W1, nmv_b1[None], nmv_W2, nmv_b2[None])

    CH = _EPAD // _K // _NW
    pad1 = jnp.zeros((_EPAD - E,), jnp.int32)
    r4 = jnp.concatenate([row, pad1]).reshape(_NW, CH, 1, _K)
    c4 = jnp.concatenate([col, pad1]).reshape(_NW, CH, 1, _K)
    gr3, gc3 = _sc_gather_fn(128, False)(table_r, table_c, r4, c4)

    ea_pad = jnp.pad(edge_attr, ((0, _EPAD - E), (0, 0)))
    ef, tr8 = kd(gr3.reshape(_EPAD, 128), gc3.reshape(_EPAD, 128), ea_pad,
                 em_W1[2 * NF][None], em_W1[2 * NF + 1:], em_b1[None],
                 em_W2, em_b2[None], cr_W1, cr_b1[None], cr_W2)

    accE = _sc_scatter_fn(128, True)(
        ef.reshape(_EPAD // _K, _K, 128), r4, jnp.zeros((_NP // 16, 128), F32))
    accT = _sc_scatter_fn(8, False)(
        tr8.reshape(_EPAD // _K, _K, 8), r4, jnp.zeros((_NP // 16, 8), F32))

    node_out, co8 = ke(accE[0, :N], accE[1, :N], accT[0, :N], accT[1, :N],
                       node_feat, cp, tv, pre_n,
                       nm_W1[H:2 * H], nm_W2, nm_b2[None])

    coord_out = co8[:, :3]
    vc_out = jnp.transpose(vco64[:, :3].reshape(B, C, 3), (0, 2, 1))
    vn_out = jnp.transpose(vno64.reshape(B, C, NF), (0, 2, 1))
    return node_out, coord_out, vn_out, vc_out

# --- scband reference (transcript-rebuilt; emitter-appended) ---
"""Pipeline reference for scband-e-gcl-31928786878562 (READ-ONLY COPY).

The authoritative reference and input builder live on the scoring server;
editing this copy changes nothing except your own understanding.
"""

import jax, jax.numpy as jnp
import numpy as np


def _silu(x):
    return x * jax.nn.sigmoid(x)


def _seg_mean(data, seg, num):
    s = jax.ops.segment_sum(data, seg, num_segments=num)
    c = jax.ops.segment_sum(jnp.ones_like(data), seg, num_segments=num)
    return s / jnp.clip(c, 1.0, None)


def setup_inputs(seed: int = 0):
    key = jax.random.key(seed)
    ks = [jax.random.fold_in(key, i) for i in range(40)]
    N, E, B, NF, H, C, EA, NA = 10000, 320000, 16, 128, 128, 4, 16, 16
    inp = {}
    inp["node_feat"] = jax.random.normal(ks[0], (N, NF))
    inp["edge_index"] = jax.random.randint(ks[1], (2, E), 0, N)
    inp["coord"] = jax.random.normal(ks[2], (N, 3))
    inp["virtual_coord"] = jax.random.normal(ks[3], (B, 3, C))
    inp["virtual_node_feat"] = jax.random.normal(ks[4], (B, NF, C))
    inp["data_batch"] = jnp.sort(jax.random.randint(ks[5], (N,), 0, B))
    inp["edge_attr"] = jax.random.normal(ks[6], (E, EA))
    inp["node_attr"] = jax.random.normal(ks[7], (N, NA))
    w = lambda k, i, o: jax.random.normal(k, (i, o)) * 0.05
    inp["em_W1"] = w(ks[8], 2 * NF + 1 + EA, H); inp["em_b1"] = jnp.zeros((H,))
    inp["em_W2"] = w(ks[9], H, H); inp["em_b2"] = jnp.zeros((H,))
    inp["emv_W1"] = w(ks[10], 2 * NF + 1 + C, H); inp["emv_b1"] = jnp.zeros((H,))
    inp["emv_W2"] = w(ks[11], H, H); inp["emv_b2"] = jnp.zeros((H,))
    inp["cr_W1"] = w(ks[12], H, H); inp["cr_b1"] = jnp.zeros((H,))
    inp["cr_W2"] = jax.random.normal(ks[13], (H, 1)) * 0.001
    inp["crv_W1"] = w(ks[14], H, H); inp["crv_b1"] = jnp.zeros((H,))
    inp["crv_W2"] = jax.random.normal(ks[15], (H, 1)) * 0.001
    inp["cvv_W1"] = w(ks[16], H, H); inp["cvv_b1"] = jnp.zeros((H,))
    inp["cvv_W2"] = jax.random.normal(ks[17], (H, 1)) * 0.001
    inp["nm_W1"] = w(ks[18], H + H + C * H + NA, H); inp["nm_b1"] = jnp.zeros((H,))
    inp["nm_W2"] = w(ks[19], H, NF); inp["nm_b2"] = jnp.zeros((NF,))
    inp["nmv_W1"] = w(ks[20], 2 * H, H); inp["nmv_b1"] = jnp.zeros((H,))
    inp["nmv_W2"] = w(ks[21], H, NF); inp["nmv_b2"] = jnp.zeros((NF,))
    return inp


def reference(node_feat, edge_index, coord, virtual_coord, virtual_node_feat, data_batch,
              edge_attr, node_attr,
              em_W1, em_b1, em_W2, em_b2, emv_W1, emv_b1, emv_W2, emv_b2,
              cr_W1, cr_b1, cr_W2, crv_W1, crv_b1, crv_W2, cvv_W1, cvv_b1, cvv_W2,
              nm_W1, nm_b1, nm_W2, nm_b2, nmv_W1, nmv_b1, nmv_W2, nmv_b2):
    N = node_feat.shape[0]
    B = virtual_coord.shape[0]
    C = virtual_coord.shape[2]
    row, col = edge_index[0], edge_index[1]
    # coord2radial (normalize=False)
    coord_diff = coord[row] - coord[col]
    radial = jnp.sum(coord_diff ** 2, axis=1, keepdims=True)
    virtual_coord_diff = virtual_coord[data_batch] - coord[:, :, None]  # [N,3,C]
    virtual_radial = jnp.sqrt(jnp.sum(virtual_coord_diff ** 2, axis=1, keepdims=True))  # [N,1,C]
    # edge_model (attention=False)
    e_in = jnp.concatenate([node_feat[row], node_feat[col], radial, edge_attr], axis=1)
    edge_feat = _silu(_silu(e_in @ em_W1 + em_b1) @ em_W2 + em_b2)  # [E,H]
    # virtual second-moment features
    coord_mean = _seg_mean(coord, data_batch, B)  # [B,3]
    m_X = virtual_coord - coord_mean[:, :, None]  # [B,3,C]
    m_X = jnp.einsum('bij,bjk->bik', jnp.transpose(m_X, (0, 2, 1)), m_X)  # [B,C,C]
    # edge_mode_virtual
    feat_R = jnp.repeat(node_feat[:, :, None], C, axis=2)  # [N,NF,C]
    v_in = jnp.concatenate([feat_R, virtual_node_feat[data_batch], virtual_radial, m_X[data_batch]], axis=1)
    v_in = jnp.transpose(v_in, (0, 2, 1))  # [N,C,2NF+1+C]
    vef = _silu(_silu(v_in @ emv_W1 + emv_b1) @ emv_W2 + emv_b2)  # [N,C,H]
    virtual_edge_feat = jnp.transpose(vef, (0, 2, 1))  # [N,H,C]
    # coord_model_vel (coords_agg='mean', gravity=None)
    s_r = _silu(edge_feat @ cr_W1 + cr_b1) @ cr_W2  # [E,1]
    trans = coord_diff * s_r
    coord = coord + _seg_mean(trans, row, N)
    s_rv = jnp.transpose(_silu(vef @ crv_W1 + crv_b1) @ crv_W2, (0, 2, 1))  # [N,1,C]
    trans_v = jnp.mean(-virtual_coord_diff * s_rv, axis=-1)  # [N,3]
    coord = coord + trans_v
    # coord_model_virtual
    s_vv = jnp.transpose(_silu(vef @ cvv_W1 + cvv_b1) @ cvv_W2, (0, 2, 1))  # [N,1,C]
    trans2 = virtual_coord_diff * s_vv  # [N,3,C]
    agg2 = _seg_mean(trans2.reshape(N, -1), data_batch, B).reshape(B, 3, C)
    virtual_coord = virtual_coord + agg2
    # node_model (residual=True)
    agg_e = _seg_mean(edge_feat, row, N)
    n_in = jnp.concatenate([node_feat, agg_e, virtual_edge_feat.reshape(N, -1), node_attr], axis=1)
    node_out = node_feat + (_silu(n_in @ nm_W1 + nm_b1) @ nm_W2 + nm_b2)
    # node_model_virtual (residual=True)
    aggv = _seg_mean(virtual_edge_feat.reshape(N, -1), data_batch, B).reshape(B, -1, C)
    vcat = jnp.concatenate([virtual_node_feat, aggv], axis=1)  # [B,2H,C]
    vout = jnp.transpose(_silu(jnp.transpose(vcat, (0, 2, 1)) @ nmv_W1 + nmv_b1) @ nmv_W2 + nmv_b2, (0, 2, 1))
    virtual_node_out = virtual_node_feat + vout
    return node_out, coord, virtual_node_out, virtual_coord

if __name__ == "__main__":
    import jax
    _d = setup_inputs()
    print(jax.jit(kernel)(*tuple(_d.values())))

</pallas_src>

<mosaic_0001>
#map = affine_map<(d0, d1) -> (0, 0, 0)>
#map1 = affine_map<(d0, d1) -> (0, 0, 0, 0)>
#map2 = affine_map<(d0, d1) -> (0, 0)>
module attributes {stable_mosaic.version = 14 : i64} {
  func.func @k(%arg0: i32, %arg1: i32, %arg2: memref<3136x104x128xf32, #tpu.memory_space<hbm>>, %arg3: memref<32x98x1x104xi32, #tpu.memory_space<hbm>>, %arg4: memref<640x128xf32, #tpu.memory_space<hbm>>, %arg5: memref<2x10240x128xf32, #tpu.memory_space<hbm>>, %arg6: memref<98x1x104xi32, #tpu.memory_space<vmem>>, %arg7: memref<2x104x128xf32, #tpu.memory_space<vmem>>, %arg8: memref<10240x128xf32, #tpu.memory_space<vmem_shared>>, %arg9: memref<!tpu.dma_semaphore, #tpu.memory_space<semaphore_mem>>, %arg10: memref<!tpu.dma_semaphore, #tpu.memory_space<semaphore_mem>>) attributes {dimension_semantics = [#tpu.dimension_semantics<core_parallel>, #tpu.dimension_semantics<subcore_parallel>], iteration_bounds = array<i64: 2, 16>, scalar_prefetch = 0 : i64, scratch_operands = 5 : i64, tpu.core_type = #tpu.core_type<sc_vector_subcore>, window_params = [{transform_indices = #map}, {transform_indices = #map1}, {transform_indices = #map2}, {transform_indices = #map}]} {
    %mul3A = arith.constant 16 : i32
    %mul3A_0 = arith.muli %arg0, %mul3A : i32
    %add3A = arith.addi %mul3A_0, %arg1 : i32
    %mul3A_1 = arith.constant 640 : i32
    %mul3A_2 = arith.muli %arg1, %mul3A_1 : i32
    "tpu.region"() ({
      %run_scoped3A = tpu.sem_alloc : memref<!tpu.dma_semaphore, #tpu.memory_space<semaphore_mem>>
      %dma_start3A_54 = arith.constant 0 : i32
      %dma_start3A_55 = tpu.memref_slice %arg8[%mul3A_2, %dma_start3A_54] : memref<10240x128xf32, #tpu.memory_space<vmem_shared>> -> memref<640x128xf32, #tpu.memory_space<vmem_shared>>
      tpu.enqueue_dma source(%arg4 : memref<640x128xf32, #tpu.memory_space<hbm>>) target(%dma_start3A_55 : memref<640x128xf32, #tpu.memory_space<vmem_shared>>) target_semaphore(%run_scoped3A : memref<!tpu.dma_semaphore, #tpu.memory_space<semaphore_mem>>)
      %dma_wait3A = arith.constant 0 : i32
      %dma_wait3A_56 = tpu.memref_slice %arg8[%mul3A_2, %dma_wait3A] : memref<10240x128xf32, #tpu.memory_space<vmem_shared>> -> memref<640x128xf32, #tpu.memory_space<vmem_shared>>
      tpu.wait_dma2 semaphore(%run_scoped3A : memref<!tpu.dma_semaphore, #tpu.memory_space<semaphore_mem>>) src(%arg4 : memref<640x128xf32, #tpu.memory_space<hbm>>) dst(%dma_wait3A_56 : memref<640x128xf32, #tpu.memory_space<vmem_shared>>)
      tpu.yield
    }) : () -> ()
    %barrier3A = arith.constant 0 : index
    tpu.barrier barrier_id(%barrier3A)
    "tpu.region"() ({
      %run_scoped3A = tpu.sem_alloc : memref<!tpu.dma_semaphore, #tpu.memory_space<semaphore_mem>>
      %dma_start3A_54 = arith.constant 0 : i32
      %dma_start3A_55 = arith.constant 0 : i32
      %dma_start3A_56 = arith.constant 0 : i32
      %dma_start3A_57 = tpu.memref_slice %arg3[%add3A, %dma_start3A_54, %dma_start3A_55, %dma_start3A_56] : memref<32x98x1x104xi32, #tpu.memory_space<hbm>> -> memref<1x98x1x104xi32, #tpu.memory_space<hbm>>
      %dma_start3A_58 = tpu.memref_squeeze %dma_start3A_57 : memref<1x98x1x104xi32, #tpu.memory_space<hbm>> -> memref<98x1x104xi32, #tpu.memory_space<hbm>>
      %dma_start3A_59 = arith.constant 0 : i32
      %dma_start3A_60 = arith.constant 0 : i32
      %dma_start3A_61 = arith.constant 0 : i32
      %dma_start3A_62 = tpu.memref_slice %arg3[%add3A, %dma_start3A_59, %dma_start3A_60, %dma_start3A_61] : memref<32x98x1x104xi32, #tpu.memory_space<hbm>> -> memref<1x98x1x104xi32, #tpu.memory_space<hbm>>
      %dma_start3A_63 = tpu.memref_squeeze %dma_start3A_62 : memref<1x98x1x104xi32, #tpu.memory_space<hbm>> -> memref<98x1x104xi32, #tpu.memory_space<hbm>>
      tpu.enqueue_dma source(%dma_start3A_63 : memref<98x1x104xi32, #tpu.memory_space<hbm>>) target(%arg6 : memref<98x1x104xi32, #tpu.memory_space<vmem>>) target_semaphore(%run_scoped3A : memref<!tpu.dma_semaphore, #tpu.memory_space<semaphore_mem>>)
      %dma_wait3A = arith.constant 0 : i32
      %dma_wait3A_64 = arith.constant 0 : i32
      %dma_wait3A_65 = arith.constant 0 : i32
      %dma_wait3A_66 = tpu.memref_slice %arg3[%add3A, %dma_wait3A, %dma_wait3A_64, %dma_wait3A_65] : memref<32x98x1x104xi32, #tpu.memory_space<hbm>> -> memref<1x98x1x104xi32, #tpu.memory_space<hbm>>
      %dma_wait3A_67 = tpu.memref_squeeze %dma_wait3A_66 : memref<1x98x1x104xi32, #tpu.memory_space<hbm>> -> memref<98x1x104xi32, #tpu.memory_space<hbm>>
      %dma_wait3A_68 = arith.constant 0 : i32
      %dma_wait3A_69 = arith.constant 0 : i32
      %dma_wait3A_70 = arith.constant 0 : i32
      %dma_wait3A_71 = tpu.memref_slice %arg3[%add3A, %dma_wait3A_68, %dma_wait3A_69, %dma_wait3A_70] : memref<32x98x1x104xi32, #tpu.memory_space<hbm>> -> memref<1x98x1x104xi32, #tpu.memory_space<hbm>>
      %dma_wait3A_72 = tpu.memref_squeeze %dma_wait3A_71 : memref<1x98x1x104xi32, #tpu.memory_space<hbm>> -> memref<98x1x104xi32, #tpu.memory_space<hbm>>
      tpu.wait_dma2 semaphore(%run_scoped3A : memref<!tpu.dma_semaphore, #tpu.memory_space<semaphore_mem>>) src(%dma_wait3A_72 : memref<98x1x104xi32, #tpu.memory_space<hbm>>) dst(%arg6 : memref<98x1x104xi32, #tpu.memory_space<vmem>>)
      tpu.yield
    }) : () -> ()
    %mul3A_3 = arith.constant 98 : i32
    %mul3A_4 = arith.muli %add3A, %mul3A_3 : i32
    %add3A_5 = arith.constant 0 : i32
    %add3A_6 = arith.addi %mul3A_4, %add3A_5 : i32
    %dma_start3A = arith.constant 0 : i32
    %dma_start3A_7 = arith.constant 0 : i32
    %dma_start3A_8 = arith.constant 0 : i32
    %dma_start3A_9 = tpu.memref_slice %arg7[%dma_start3A, %dma_start3A_7, %dma_start3A_8] : memref<2x104x128xf32, #tpu.memory_space<vmem>> -> memref<1x104x128xf32, #tpu.memory_space<vmem>>
    %dma_start3A_10 = tpu.memref_squeeze %dma_start3A_9 : memref<1x104x128xf32, #tpu.memory_space<vmem>> -> memref<104x128xf32, #tpu.memory_space<vmem>>
    %dma_start3A_11 = arith.constant 0 : i32
    %dma_start3A_12 = arith.constant 0 : i32
    %dma_start3A_13 = tpu.memref_slice %arg2[%add3A_6, %dma_start3A_11, %dma_start3A_12] : memref<3136x104x128xf32, #tpu.memory_space<hbm>> -> memref<1x104x128xf32, #tpu.memory_space<hbm>>
    %dma_start3A_14 = tpu.memref_squeeze %dma_start3A_13 : memref<1x104x128xf32, #tpu.memory_space<hbm>> -> memref<104x128xf32, #tpu.memory_space<hbm>>
    %dma_start3A_15 = arith.constant 0 : i32
    %dma_start3A_16 = arith.constant 0 : i32
    %dma_start3A_17 = tpu.memref_slice %arg7[%dma_start3A, %dma_start3A_15, %dma_start3A_16] : memref<2x104x128xf32, #tpu.memory_space<vmem>> -> memref<1x104x128xf32, #tpu.memory_space<vmem>>
    %dma_start3A_18 = tpu.memref_squeeze %dma_start3A_17 : memref<1x104x128xf32, #tpu.memory_space<vmem>> -> memref<104x128xf32, #tpu.memory_space<vmem>>
    %dma_start3A_19 = arith.constant 0 : i32
    %dma_start3A_20 = arith.constant 0 : i32
    %dma_start3A_21 = tpu.memref_slice %arg2[%add3A_6, %dma_start3A_19, %dma_start3A_20] : memref<3136x104x128xf32, #tpu.memory_space<hbm>> -> memref<1x104x128xf32, #tpu.memory_space<hbm>>
    %dma_start3A_22 = tpu.memref_squeeze %dma_start3A_21 : memref<1x104x128xf32, #tpu.memory_space<hbm>> -> memref<104x128xf32, #tpu.memory_space<hbm>>
    tpu.enqueue_dma source(%dma_start3A_22 : memref<104x128xf32, #tpu.memory_space<hbm>>) target(%dma_start3A_18 : memref<104x128xf32, #tpu.memory_space<vmem>>) target_semaphore(%arg9 : memref<!tpu.dma_semaphore, #tpu.memory_space<semaphore_mem>>)
    %mul3A_23 = arith.constant 98 : i32
    %mul3A_24 = arith.muli %add3A, %mul3A_23 : i32
    %add3A_25 = arith.constant 1 : i32
    %add3A_26 = arith.addi %mul3A_24, %add3A_25 : i32
    %dma_start3A_27 = arith.constant 1 : i32
    %dma_start3A_28 = arith.constant 0 : i32
    %dma_start3A_29 = arith.constant 0 : i32
    %dma_start3A_30 = tpu.memref_slice %arg7[%dma_start3A_27, %dma_start3A_28, %dma_start3A_29] : memref<2x104x128xf32, #tpu.memory_space<vmem>> -> memref<1x104x128xf32, #tpu.memory_space<vmem>>
    %dma_start3A_31 = tpu.memref_squeeze %dma_start3A_30 : memref<1x104x128xf32, #tpu.memory_space<vmem>> -> memref<104x128xf32, #tpu.memory_space<vmem>>
    %dma_start3A_32 = arith.constant 0 : i32
    %dma_start3A_33 = arith.constant 0 : i32
    %dma_start3A_34 = tpu.memref_slice %arg2[%add3A_26, %dma_start3A_32, %dma_start3A_33] : memref<3136x104x128xf32, #tpu.memory_space<hbm>> -> memref<1x104x128xf32, #tpu.memory_space<hbm>>
    %dma_start3A_35 = tpu.memref_squeeze %dma_start3A_34 : memref<1x104x128xf32, #tpu.memory_space<hbm>> -> memref<104x128xf32, #tpu.memory_space<hbm>>
    %dma_start3A_36 = arith.constant 0 : i32
    %dma_start3A_37 = arith.constant 0 : i32
    %dma_start3A_38 = tpu.memref_slice %arg7[%dma_start3A_27, %dma_start3A_36, %dma_start3A_37] : memref<2x104x128xf32, #tpu.memory_space<vmem>> -> memref<1x104x128xf32, #tpu.memory_space<vmem>>
    %dma_start3A_39 = tpu.memref_squeeze %dma_start3A_38 : memref<1x104x128xf32, #tpu.memory_space<vmem>> -> memref<104x128xf32, #tpu.memory_space<vmem>>
    %dma_start3A_40 = arith.constant 0 : i32
    %dma_start3A_41 = arith.constant 0 : i32
    %dma_start3A_42 = tpu.memref_slice %arg2[%add3A_26, %dma_start3A_40, %dma_start3A_41] : memref<3136x104x128xf32, #tpu.memory_space<hbm>> -> memref<1x104x128xf32, #tpu.memory_space<hbm>>
    %dma_start3A_43 = tpu.memref_squeeze %dma_start3A_42 : memref<1x104x128xf32, #tpu.memory_space<hbm>> -> memref<104x128xf32, #tpu.memory_space<hbm>>
    tpu.enqueue_dma source(%dma_start3A_43 : memref<104x128xf32, #tpu.memory_space<hbm>>) target(%dma_start3A_39 : memref<104x128xf32, #tpu.memory_space<vmem>>) target_semaphore(%arg10 : memref<!tpu.dma_semaphore, #tpu.memory_space<semaphore_mem>>)
    %scan3A = arith.constant 0 : i32
    %scan3A_44 = arith.constant 0 : i32
    %scan3A_45 = arith.constant 49 : i32
    %scan3A_46 = arith.addi %scan3A_44, %scan3A_45 : i32
    %scan3A_47 = arith.constant 1 : i32
    scf.for %scan3A_54 = %scan3A_44 to %scan3A_46 step %scan3A_47  : i32 {
      %mul3A_55 = arith.constant 2 : i32
      %mul3A_56 = arith.muli %scan3A_54, %mul3A_55 : i32
      %add3A_57 = arith.constant 0 : i32
      %add3A_58 = arith.addi %mul3A_56, %add3A_57 : i32
      %dma_wait3A = arith.constant 0 : i32
      %dma_wait3A_59 = arith.constant 0 : i32
      %dma_wait3A_60 = arith.constant 0 : i32
      %dma_wait3A_61 = arith.constant 0 : i32
      %dma_wait3A_62 = tpu.memref_slice %arg7[%dma_wait3A_59, %dma_wait3A_60, %dma_wait3A_61] : memref<2x104x128xf32, #tpu.memory_space<vmem>> -> memref<1x104x128xf32, #tpu.memory_space<vmem>>
      %dma_wait3A_63 = tpu.memref_squeeze %dma_wait3A_62 : memref<1x104x128xf32, #tpu.memory_space<vmem>> -> memref<104x128xf32, #tpu.memory_space<vmem>>
      %dma_wait3A_64 = arith.constant 0 : i32
      %dma_wait3A_65 = arith.constant 0 : i32
      %dma_wait3A_66 = tpu.memref_slice %arg2[%dma_wait3A, %dma_wait3A_64, %dma_wait3A_65] : memref<3136x104x128xf32, #tpu.memory_space<hbm>> -> memref<1x104x128xf32, #tpu.memory_space<hbm>>
      %dma_wait3A_67 = tpu.memref_squeeze %dma_wait3A_66 : memref<1x104x128xf32, #tpu.memory_space<hbm>> -> memref<104x128xf32, #tpu.memory_space<hbm>>
      %dma_wait3A_68 = arith.constant 0 : i32
      %dma_wait3A_69 = arith.constant 0 : i32
      %dma_wait3A_70 = tpu.memref_slice %arg7[%dma_wait3A_59, %dma_wait3A_68, %dma_wait3A_69] : memref<2x104x128xf32, #tpu.memory_space<vmem>> -> memref<1x104x128xf32, #tpu.memory_space<vmem>>
      %dma_wait3A_71 = tpu.memref_squeeze %dma_wait3A_70 : memref<1x104x128xf32, #tpu.memory_space<vmem>> -> memref<104x128xf32, #tpu.memory_space<vmem>>
      %dma_wait3A_72 = arith.constant 0 : i32
      %dma_wait3A_73 = arith.constant 0 : i32
      %dma_wait3A_74 = tpu.memref_slice %arg2[%dma_wait3A, %dma_wait3A_72, %dma_wait3A_73] : memref<3136x104x128xf32, #tpu.memory_space<hbm>> -> memref<1x104x128xf32, #tpu.memory_space<hbm>>
      %dma_wait3A_75 = tpu.memref_squeeze %dma_wait3A_74 : memref<1x104x128xf32, #tpu.memory_space<hbm>> -> memref<104x128xf32, #tpu.memory_space<hbm>>
      tpu.wait_dma2 semaphore(%arg9 : memref<!tpu.dma_semaphore, #tpu.memory_space<semaphore_mem>>) src(%dma_wait3A_75 : memref<104x128xf32, #tpu.memory_space<hbm>>) dst(%dma_wait3A_71 : memref<104x128xf32, #tpu.memory_space<vmem>>)
      %run_scoped3A = arith.constant 0 : i32
      %run_scoped3A_76 = arith.constant 0 : i32
      "tpu.region"() ({
        %run_scoped3A_110 = tpu.sem_alloc : memref<!tpu.dma_semaphore, #tpu.memory_space<semaphore_mem>>
        %dma_start3A_111 = arith.constant 0 : i32
        %dma_start3A_112 = arith.constant 0 : i32
        %dma_start3A_113 = tpu.memref_slice %arg7[%run_scoped3A, %dma_start3A_111, %dma_start3A_112] : memref<2x104x128xf32, #tpu.memory_space<vmem>> -> memref<1x104x128xf32, #tpu.memory_space<vmem>>
        %dma_start3A_114 = tpu.memref_squeeze %dma_start3A_113 : memref<1x104x128xf32, #tpu.memory_space<vmem>> -> memref<104x128xf32, #tpu.memory_space<vmem>>
        %dma_start3A_115 = arith.constant 0 : i32
        %dma_start3A_116 = tpu.memref_slice %arg6[%add3A_58, %run_scoped3A_76, %dma_start3A_115] : memref<98x1x104xi32, #tpu.memory_space<vmem>> -> memref<1x1x104xi32, #tpu.memory_space<vmem>>
        %dma_start3A_117 = tpu.memref_squeeze %dma_start3A_116 : memref<1x1x104xi32, #tpu.memory_space<vmem>> -> memref<104xi32, #tpu.memory_space<vmem>>
        %dma_start3A_118 = arith.constant 0 : i32
        %dma_start3A_119 = arith.constant 0 : i32
        %dma_start3A_120 = tpu.memref_slice %arg8[%dma_start3A_118, %dma_start3A_119] : memref<10240x128xf32, #tpu.memory_space<vmem_shared>> -> memref<10240x128xf32, #tpu.memory_space<vmem_shared>>
        tpu.enqueue_indirect_dma source(%dma_start3A_114 : memref<104x128xf32, #tpu.memory_space<vmem>>) target(%dma_start3A_120 : memref<10240x128xf32, #tpu.memory_space<vmem_shared>>) offsets(%dma_start3A_117 : memref<104xi32, #tpu.memory_space<vmem>>) semaphore(%run_scoped3A_110 : memref<!tpu.dma_semaphore, #tpu.memory_space<semaphore_mem>>) {add = true}
        %dma_wait3A_121 = arith.constant 0 : i32
        %dma_wait3A_122 = arith.constant 0 : i32
        %dma_wait3A_123 = tpu.memref_slice %arg7[%run_scoped3A, %dma_wait3A_121, %dma_wait3A_122] : memref<2x104x128xf32, #tpu.memory_space<vmem>> -> memref<1x104x128xf32, #tpu.memory_space<vmem>>
        %dma_wait3A_124 = tpu.memref_squeeze %dma_wait3A_123 : memref<1x104x128xf32, #tpu.memory_space<vmem>> -> memref<104x128xf32, #tpu.memory_space<vmem>>
        %dma_wait3A_125 = arith.constant 0 : i32
        %dma_wait3A_126 = tpu.memref_slice %arg6[%add3A_58, %run_scoped3A_76, %dma_wait3A_125] : memref<98x1x104xi32, #tpu.memory_space<vmem>> -> memref<1x1x104xi32, #tpu.memory_space<vmem>>
        %dma_wait3A_127 = tpu.memref_squeeze %dma_wait3A_126 : memref<1x1x104xi32, #tpu.memory_space<vmem>> -> memref<104xi32, #tpu.memory_space<vmem>>
        %dma_wait3A_128 = arith.constant 0 : i32
        %dma_wait3A_129 = arith.constant 0 : i32
        %dma_wait3A_130 = tpu.memref_slice %arg8[%dma_wait3A_128, %dma_wait3A_129] : memref<10240x128xf32, #tpu.memory_space<vmem_shared>> -> memref<10240x128xf32, #tpu.memory_space<vmem_shared>>
        tpu.wait_indirect_dma semaphore(%run_scoped3A_110 : memref<!tpu.dma_semaphore, #tpu.memory_space<semaphore_mem>>) src(%dma_wait3A_124 : memref<104x128xf32, #tpu.memory_space<vmem>>) dst(%dma_wait3A_130 : memref<10240x128xf32, #tpu.memory_space<vmem_shared>>)
        tpu.yield
      }) : () -> ()
      %add3A_77 = arith.constant 2 : i32
      %add3A_78 = arith.addi %add3A_58, %add3A_77 : i32
      %lt3A = arith.constant 98 : i32
      %lt3A_79 = arith.cmpi slt, %add3A_78, %lt3A : i32
      %convert_element_type3A = arith.extui %lt3A_79 : i1 to i32
      %cond3A = arith.constant 0 : i32
      %cond3A_80 = arith.cmpi ne, %convert_element_type3A, %cond3A : i32
      scf.if %cond3A_80 {
        %mul3A_110 = arith.constant 98 : i32
        %mul3A_111 = arith.muli %add3A, %mul3A_110 : i32
        %add3A_112 = arith.addi %mul3A_111, %add3A_58 : i32
        %add3A_113 = arith.constant 2 : i32
        %add3A_114 = arith.addi %add3A_112, %add3A_113 : i32
        %dma_start3A_115 = arith.constant 0 : i32
        %dma_start3A_116 = arith.constant 0 : i32
        %dma_start3A_117 = arith.constant 0 : i32
        %dma_start3A_118 = tpu.memref_slice %arg7[%dma_start3A_115, %dma_start3A_116, %dma_start3A_117] : memref<2x104x128xf32, #tpu.memory_space<vmem>> -> memref<1x104x128xf32, #tpu.memory_space<vmem>>
        %dma_start3A_119 = tpu.memref_squeeze %dma_start3A_118 : memref<1x104x128xf32, #tpu.memory_space<vmem>> -> memref<104x128xf32, #tpu.memory_space<vmem>>
        %dma_start3A_120 = arith.constant 0 : i32
        %dma_start3A_121 = arith.constant 0 : i32
        %dma_start3A_122 = tpu.memref_slice %arg2[%add3A_114, %dma_start3A_120, %dma_start3A_121] : memref<3136x104x128xf32, #tpu.memory_space<hbm>> -> memref<1x104x128xf32, #tpu.memory_space<hbm>>
        %dma_start3A_123 = tpu.memref_squeeze %dma_start3A_122 : memref<1x104x128xf32, #tpu.memory_space<hbm>> -> memref<104x128xf32, #tpu.memory_space<hbm>>
        %dma_start3A_124 = arith.constant 0 : i32
        %dma_start3A_125 = arith.constant 0 : i32
        %dma_start3A_126 = tpu.memref_slice %arg7[%dma_start3A_115, %dma_start3A_124, %dma_start3A_125] : memref<2x104x128xf32, #tpu.memory_space<vmem>> -> memref<1x104x128xf32, #tpu.memory_space<vmem>>
        %dma_start3A_127 = tpu.memref_squeeze %dma_start3A_126 : memref<1x104x128xf32, #tpu.memory_space<vmem>> -> memref<104x128xf32, #tpu.memory_space<vmem>>
        %dma_start3A_128 = arith.constant 0 : i32
        %dma_start3A_129 = arith.constant 0 : i32
        %dma_start3A_130 = tpu.memref_slice %arg2[%add3A_114, %dma_start3A_128, %dma_start3A_129] : memref<3136x104x128xf32, #tpu.memory_space<hbm>> -> memref<1x104x128xf32, #tpu.memory_space<hbm>>
        %dma_start3A_131 = tpu.memref_squeeze %dma_start3A_130 : memref<1x104x128xf32, #tpu.memory_space<hbm>> -> memref<104x128xf32, #tpu.memory_space<hbm>>
        tpu.enqueue_dma source(%dma_start3A_131 : memref<104x128xf32, #tpu.memory_space<hbm>>) target(%dma_start3A_127 : memref<104x128xf32, #tpu.memory_space<vmem>>) target_semaphore(%arg9 : memref<!tpu.dma_semaphore, #tpu.memory_space<semaphore_mem>>)
      } else {
      }
      %add3A_81 = arith.constant 1 : i32
      %add3A_82 = arith.addi %mul3A_56, %add3A_81 : i32
      %dma_wait3A_83 = arith.constant 0 : i32
      %dma_wait3A_84 = arith.constant 1 : i32
      %dma_wait3A_85 = arith.constant 0 : i32
      %dma_wait3A_86 = arith.constant 0 : i32
      %dma_wait3A_87 = tpu.memref_slice %arg7[%dma_wait3A_84, %dma_wait3A_85, %dma_wait3A_86] : memref<2x104x128xf32, #tpu.memory_space<vmem>> -> memref<1x104x128xf32, #tpu.memory_space<vmem>>
      %dma_wait3A_88 = tpu.memref_squeeze %dma_wait3A_87 : memref<1x104x128xf32, #tpu.memory_space<vmem>> -> memref<104x128xf32, #tpu.memory_space<vmem>>
      %dma_wait3A_89 = arith.constant 0 : i32
      %dma_wait3A_90 = arith.constant 0 : i32
      %dma_wait3A_91 = tpu.memref_slice %arg2[%dma_wait3A_83, %dma_wait3A_89, %dma_wait3A_90] : memref<3136x104x128xf32, #tpu.memory_space<hbm>> -> memref<1x104x128xf32, #tpu.memory_space<hbm>>
      %dma_wait3A_92 = tpu.memref_squeeze %dma_wait3A_91 : memref<1x104x128xf32, #tpu.memory_space<hbm>> -> memref<104x128xf32, #tpu.memory_space<hbm>>
      %dma_wait3A_93 = arith.constant 0 : i32
      %dma_wait3A_94 = arith.constant 0 : i32
      %dma_wait3A_95 = tpu.memref_slice %arg7[%dma_wait3A_84, %dma_wait3A_93, %dma_wait3A_94] : memref<2x104x128xf32, #tpu.memory_space<vmem>> -> memref<1x104x128xf32, #tpu.memory_space<vmem>>
      %dma_wait3A_96 = tpu.memref_squeeze %dma_wait3A_95 : memref<1x104x128xf32, #tpu.memory_space<vmem>> -> memref<104x128xf32, #tpu.memory_space<vmem>>
      %dma_wait3A_97 = arith.constant 0 : i32
      %dma_wait3A_98 = arith.constant 0 : i32
      %dma_wait3A_99 = tpu.memref_slice %arg2[%dma_wait3A_83, %dma_wait3A_97, %dma_wait3A_98] : memref<3136x104x128xf32, #tpu.memory_space<hbm>> -> memref<1x104x128xf32, #tpu.memory_space<hbm>>
      %dma_wait3A_100 = tpu.memref_squeeze %dma_wait3A_99 : memref<1x104x128xf32, #tpu.memory_space<hbm>> -> memref<104x128xf32, #tpu.memory_space<hbm>>
      tpu.wait_dma2 semaphore(%arg10 : memref<!tpu.dma_semaphore, #tpu.memory_space<semaphore_mem>>) src(%dma_wait3A_100 : memref<104x128xf32, #tpu.memory_space<hbm>>) dst(%dma_wait3A_96 : memref<104x128xf32, #tpu.memory_space<vmem>>)
      %run_scoped3A_101 = arith.constant 1 : i32
      %run_scoped3A_102 = arith.constant 0 : i32
      "tpu.region"() ({
        %run_scoped3A_110 = tpu.sem_alloc : memref<!tpu.dma_semaphore, #tpu.memory_space<semaphore_mem>>
        %dma_start3A_111 = arith.constant 0 : i32
        %dma_start3A_112 = arith.constant 0 : i32
        %dma_start3A_113 = tpu.memref_slice %arg7[%run_scoped3A_101, %dma_start3A_111, %dma_start3A_112] : memref<2x104x128xf32, #tpu.memory_space<vmem>> -> memref<1x104x128xf32, #tpu.memory_space<vmem>>
        %dma_start3A_114 = tpu.memref_squeeze %dma_start3A_113 : memref<1x104x128xf32, #tpu.memory_space<vmem>> -> memref<104x128xf32, #tpu.memory_space<vmem>>
        %dma_start3A_115 = arith.constant 0 : i32
        %dma_start3A_116 = tpu.memref_slice %arg6[%add3A_82, %run_scoped3A_102, %dma_start3A_115] : memref<98x1x104xi32, #tpu.memory_space<vmem>> -> memref<1x1x104xi32, #tpu.memory_space<vmem>>
        %dma_start3A_117 = tpu.memref_squeeze %dma_start3A_116 : memref<1x1x104xi32, #tpu.memory_space<vmem>> -> memref<104xi32, #tpu.memory_space<vmem>>
        %dma_start3A_118 = arith.constant 0 : i32
        %dma_start3A_119 = arith.constant 0 : i32
        %dma_start3A_120 = tpu.memref_slice %arg8[%dma_start3A_118, %dma_start3A_119] : memref<10240x128xf32, #tpu.memory_space<vmem_shared>> -> memref<10240x128xf32, #tpu.memory_space<vmem_shared>>
        tpu.enqueue_indirect_dma source(%dma_start3A_114 : memref<104x128xf32, #tpu.memory_space<vmem>>) target(%dma_start3A_120 : memref<10240x128xf32, #tpu.memory_space<vmem_shared>>) offsets(%dma_start3A_117 : memref<104xi32, #tpu.memory_space<vmem>>) semaphore(%run_scoped3A_110 : memref<!tpu.dma_semaphore, #tpu.memory_space<semaphore_mem>>) {add = true}
        %dma_wait3A_121 = arith.constant 0 : i32
        %dma_wait3A_122 = arith.constant 0 : i32
        %dma_wait3A_123 = tpu.memref_slice %arg7[%run_scoped3A_101, %dma_wait3A_121, %dma_wait3A_122] : memref<2x104x128xf32, #tpu.memory_space<vmem>> -> memref<1x104x128xf32, #tpu.memory_space<vmem>>
        %dma_wait3A_124 = tpu.memref_squeeze %dma_wait3A_123 : memref<1x104x128xf32, #tpu.memory_space<vmem>> -> memref<104x128xf32, #tpu.memory_space<vmem>>
        %dma_wait3A_125 = arith.constant 0 : i32
        %dma_wait3A_126 = tpu.memref_slice %arg6[%add3A_82, %run_scoped3A_102, %dma_wait3A_125] : memref<98x1x104xi32, #tpu.memory_space<vmem>> -> memref<1x1x104xi32, #tpu.memory_space<vmem>>
        %dma_wait3A_127 = tpu.memref_squeeze %dma_wait3A_126 : memref<1x1x104xi32, #tpu.memory_space<vmem>> -> memref<104xi32, #tpu.memory_space<vmem>>
        %dma_wait3A_128 = arith.constant 0 : i32
        %dma_wait3A_129 = arith.constant 0 : i32
        %dma_wait3A_130 = tpu.memref_slice %arg8[%dma_wait3A_128, %dma_wait3A_129] : memref<10240x128xf32, #tpu.memory_space<vmem_shared>> -> memref<10240x128xf32, #tpu.memory_space<vmem_shared>>
        tpu.wait_indirect_dma semaphore(%run_scoped3A_110 : memref<!tpu.dma_semaphore, #tpu.memory_space<semaphore_mem>>) src(%dma_wait3A_124 : memref<104x128xf32, #tpu.memory_space<vmem>>) dst(%dma_wait3A_130 : memref<10240x128xf32, #tpu.memory_space<vmem_shared>>)
        tpu.yield
      }) : () -> ()
      %add3A_103 = arith.constant 2 : i32
      %add3A_104 = arith.addi %add3A_82, %add3A_103 : i32
      %lt3A_105 = arith.constant 98 : i32
      %lt3A_106 = arith.cmpi slt, %add3A_104, %lt3A_105 : i32
      %convert_element_type3A_107 = arith.extui %lt3A_106 : i1 to i32
      %cond3A_108 = arith.constant 0 : i32
      %cond3A_109 = arith.cmpi ne, %convert_element_type3A_107, %cond3A_108 : i32
      scf.if %cond3A_109 {
        %mul3A_110 = arith.constant 98 : i32
        %mul3A_111 = arith.muli %add3A, %mul3A_110 : i32
        %add3A_112 = arith.addi %mul3A_111, %add3A_82 : i32
        %add3A_113 = arith.constant 2 : i32
        %add3A_114 = arith.addi %add3A_112, %add3A_113 : i32
        %dma_start3A_115 = arith.constant 1 : i32
        %dma_start3A_116 = arith.constant 0 : i32
        %dma_start3A_117 = arith.constant 0 : i32
        %dma_start3A_118 = tpu.memref_slice %arg7[%dma_start3A_115, %dma_start3A_116, %dma_start3A_117] : memref<2x104x128xf32, #tpu.memory_space<vmem>> -> memref<1x104x128xf32, #tpu.memory_space<vmem>>
        %dma_start3A_119 = tpu.memref_squeeze %dma_start3A_118 : memref<1x104x128xf32, #tpu.memory_space<vmem>> -> memref<104x128xf32, #tpu.memory_space<vmem>>
        %dma_start3A_120 = arith.constant 0 : i32
        %dma_start3A_121 = arith.constant 0 : i32
        %dma_start3A_122 = tpu.memref_slice %arg2[%add3A_114, %dma_start3A_120, %dma_start3A_121] : memref<3136x104x128xf32, #tpu.memory_space<hbm>> -> memref<1x104x128xf32, #tpu.memory_space<hbm>>
        %dma_start3A_123 = tpu.memref_squeeze %dma_start3A_122 : memref<1x104x128xf32, #tpu.memory_space<hbm>> -> memref<104x128xf32, #tpu.memory_space<hbm>>
        %dma_start3A_124 = arith.constant 0 : i32
        %dma_start3A_125 = arith.constant 0 : i32
        %dma_start3A_126 = tpu.memref_slice %arg7[%dma_start3A_115, %dma_start3A_124, %dma_start3A_125] : memref<2x104x128xf32, #tpu.memory_space<vmem>> -> memref<1x104x128xf32, #tpu.memory_space<vmem>>
        %dma_start3A_127 = tpu.memref_squeeze %dma_start3A_126 : memref<1x104x128xf32, #tpu.memory_space<vmem>> -> memref<104x128xf32, #tpu.memory_space<vmem>>
        %dma_start3A_128 = arith.constant 0 : i32
        %dma_start3A_129 = arith.constant 0 : i32
        %dma_start3A_130 = tpu.memref_slice %arg2[%add3A_114, %dma_start3A_128, %dma_start3A_129] : memref<3136x104x128xf32, #tpu.memory_space<hbm>> -> memref<1x104x128xf32, #tpu.memory_space<hbm>>
        %dma_start3A_131 = tpu.memref_squeeze %dma_start3A_130 : memref<1x104x128xf32, #tpu.memory_space<hbm>> -> memref<104x128xf32, #tpu.memory_space<hbm>>
        tpu.enqueue_dma source(%dma_start3A_131 : memref<104x128xf32, #tpu.memory_space<hbm>>) target(%dma_start3A_127 : memref<104x128xf32, #tpu.memory_space<vmem>>) target_semaphore(%arg10 : memref<!tpu.dma_semaphore, #tpu.memory_space<semaphore_mem>>)
      } else {
      }
    }
    %scan3A_48 = arith.constant 49 : i32
    %barrier3A_49 = arith.constant 0 : index
    tpu.barrier barrier_id(%barrier3A_49)
    %mul3A_50 = arith.constant 640 : i32
    %mul3A_51 = arith.muli %arg1, %mul3A_50 : i32
    %mul3A_52 = arith.constant 640 : i32
    %mul3A_53 = arith.muli %arg1, %mul3A_52 : i32
    "tpu.region"() ({
      %run_scoped3A = tpu.sem_alloc : memref<!tpu.dma_semaphore, #tpu.memory_space<semaphore_mem>>
      %dma_start3A_54 = arith.constant 0 : i32
      %dma_start3A_55 = arith.constant 0 : i32
      %dma_start3A_56 = tpu.memref_slice %arg5[%arg0, %dma_start3A_54, %dma_start3A_55] : memref<2x10240x128xf32, #tpu.memory_space<hbm>> -> memref<1x10240x128xf32, #tpu.memory_space<hbm>>
      %dma_start3A_57 = tpu.memref_squeeze %dma_start3A_56 : memref<1x10240x128xf32, #tpu.memory_space<hbm>> -> memref<10240x128xf32, #tpu.memory_space<hbm>>
      %dma_start3A_58 = arith.constant 0 : i32
      %dma_start3A_59 = tpu.memref_slice %dma_start3A_57[%mul3A_53, %dma_start3A_58] : memref<10240x128xf32, #tpu.memory_space<hbm>> -> memref<640x128xf32, #tpu.memory_space<hbm>>
      %dma_start3A_60 = arith.constant 0 : i32
      %dma_start3A_61 = tpu.memref_slice %arg8[%mul3A_51, %dma_start3A_60] : memref<10240x128xf32, #tpu.memory_space<vmem_shared>> -> memref<640x128xf32, #tpu.memory_space<vmem_shared>>
      tpu.enqueue_dma source(%dma_start3A_61 : memref<640x128xf32, #tpu.memory_space<vmem_shared>>) target(%dma_start3A_59 : memref<640x128xf32, #tpu.memory_space<hbm>>) target_semaphore(%run_scoped3A : memref<!tpu.dma_semaphore, #tpu.memory_space<semaphore_mem>>)
      %dma_wait3A = arith.constant 0 : i32
      %dma_wait3A_62 = arith.constant 0 : i32
      %dma_wait3A_63 = tpu.memref_slice %arg5[%arg0, %dma_wait3A, %dma_wait3A_62] : memref<2x10240x128xf32, #tpu.memory_space<hbm>> -> memref<1x10240x128xf32, #tpu.memory_space<hbm>>
      %dma_wait3A_64 = tpu.memref_squeeze %dma_wait3A_63 : memref<1x10240x128xf32, #tpu.memory_space<hbm>> -> memref<10240x128xf32, #tpu.memory_space<hbm>>
      %dma_wait3A_65 = arith.constant 0 : i32
      %dma_wait3A_66 = tpu.memref_slice %dma_wait3A_64[%mul3A_53, %dma_wait3A_65] : memref<10240x128xf32, #tpu.memory_space<hbm>> -> memref<640x128xf32, #tpu.memory_space<hbm>>
      %dma_wait3A_67 = arith.constant 0 : i32
      %dma_wait3A_68 = tpu.memref_slice %arg8[%mul3A_51, %dma_wait3A_67] : memref<10240x128xf32, #tpu.memory_space<vmem_shared>> -> memref<640x128xf32, #tpu.memory_space<vmem_shared>>
      tpu.wait_dma2 semaphore(%run_scoped3A : memref<!tpu.dma_semaphore, #tpu.memory_space<semaphore_mem>>) src(%dma_wait3A_68 : memref<640x128xf32, #tpu.memory_space<vmem_shared>>) dst(%dma_wait3A_66 : memref<640x128xf32, #tpu.memory_space<hbm>>)
      tpu.yield
    }) : () -> ()
    return
  }
}

#map = affine_map<(d0, d1) -> (0, 0, 0)>
#map1 = affine_map<(d0, d1) -> (0, 0, 0, 0)>
#map2 = affine_map<(d0, d1) -> (0, 0)>
module attributes {stable_mosaic.version = 14 : i64} {
  func.func @k(%arg0: i32, %arg1: i32, %arg2: memref<3136x104x8xf32, #tpu.memory_space<hbm>>, %arg3: memref<32x98x1x104xi32, #tpu.memory_space<hbm>>, %arg4: memref<640x8xf32, #tpu.memory_space<hbm>>, %arg5: memref<2x10240x8xf32, #tpu.memory_space<hbm>>, %arg6: memref<98x1x104xi32, #tpu.memory_space<vmem>>, %arg7: memref<2x104x8xf32, #tpu.memory_space<vmem>>, %arg8: memref<10240x8xf32, #tpu.memory_space<vmem_shared>>, %arg9: memref<!tpu.dma_semaphore, #tpu.memory_space<semaphore_mem>>, %arg10: memref<!tpu.dma_semaphore, #tpu.memory_space<semaphore_mem>>) attributes {dimension_semantics = [#tpu.dimension_semantics<core_parallel>, #tpu.dimension_semantics<subcore_parallel>], iteration_bounds = array<i64: 2, 16>, scalar_prefetch = 0 : i64, scratch_operands = 5 : i64, tpu.core_type = #tpu.core_type<sc_vector_subcore>, window_params = [{transform_indices = #map}, {transform_indices = #map1}, {transform_indices = #map2}, {transform_indices = #map}]} {
    %mul3A = arith.constant 16 : i32
    %mul3A_0 = arith.muli %arg0, %mul3A : i32
    %add3A = arith.addi %mul3A_0, %arg1 : i32
    %mul3A_1 = arith.constant 640 : i32
    %mul3A_2 = arith.muli %arg1, %mul3A_1 : i32
    "tpu.region"() ({
      %run_scoped3A = tpu.sem_alloc : memref<!tpu.dma_semaphore, #tpu.memory_space<semaphore_mem>>
      %dma_start3A_54 = arith.constant 0 : i32
      %dma_start3A_55 = tpu.memref_slice %arg8[%mul3A_2, %dma_start3A_54] : memref<10240x8xf32, #tpu.memory_space<vmem_shared>> -> memref<640x8xf32, #tpu.memory_space<vmem_shared>>
      tpu.enqueue_dma source(%arg4 : memref<640x8xf32, #tpu.memory_space<hbm>>) target(%dma_start3A_55 : memref<640x8xf32, #tpu.memory_space<vmem_shared>>) target_semaphore(%run_scoped3A : memref<!tpu.dma_semaphore, #tpu.memory_space<semaphore_mem>>)
      %dma_wait3A = arith.constant 0 : i32
      %dma_wait3A_56 = tpu.memref_slice %arg8[%mul3A_2, %dma_wait3A] : memref<10240x8xf32, #tpu.memory_space<vmem_shared>> -> memref<640x8xf32, #tpu.memory_space<vmem_shared>>
      tpu.wait_dma2 semaphore(%run_scoped3A : memref<!tpu.dma_semaphore, #tpu.memory_space<semaphore_mem>>) src(%arg4 : memref<640x8xf32, #tpu.memory_space<hbm>>) dst(%dma_wait3A_56 : memref<640x8xf32, #tpu.memory_space<vmem_shared>>)
      tpu.yield
    }) : () -> ()
    %barrier3A = arith.constant 0 : index
    tpu.barrier barrier_id(%barrier3A)
    "tpu.region"() ({
      %run_scoped3A = tpu.sem_alloc : memref<!tpu.dma_semaphore, #tpu.memory_space<semaphore_mem>>
      %dma_start3A_54 = arith.constant 0 : i32
      %dma_start3A_55 = arith.constant 0 : i32
      %dma_start3A_56 = arith.constant 0 : i32
      %dma_start3A_57 = tpu.memref_slice %arg3[%add3A, %dma_start3A_54, %dma_start3A_55, %dma_start3A_56] : memref<32x98x1x104xi32, #tpu.memory_space<hbm>> -> memref<1x98x1x104xi32, #tpu.memory_space<hbm>>
      %dma_start3A_58 = tpu.memref_squeeze %dma_start3A_57 : memref<1x98x1x104xi32, #tpu.memory_space<hbm>> -> memref<98x1x104xi32, #tpu.memory_space<hbm>>
      %dma_start3A_59 = arith.constant 0 : i32
      %dma_start3A_60 = arith.constant 0 : i32
      %dma_start3A_61 = arith.constant 0 : i32
      %dma_start3A_62 = tpu.memref_slice %arg3[%add3A, %dma_start3A_59, %dma_start3A_60, %dma_start3A_61] : memref<32x98x1x104xi32, #tpu.memory_space<hbm>> -> memref<1x98x1x104xi32, #tpu.memory_space<hbm>>
      %dma_start3A_63 = tpu.memref_squeeze %dma_start3A_62 : memref<1x98x1x104xi32, #tpu.memory_space<hbm>> -> memref<98x1x104xi32, #tpu.memory_space<hbm>>
      tpu.enqueue_dma source(%dma_start3A_63 : memref<98x1x104xi32, #tpu.memory_space<hbm>>) target(%arg6 : memref<98x1x104xi32, #tpu.memory_space<vmem>>) target_semaphore(%run_scoped3A : memref<!tpu.dma_semaphore, #tpu.memory_space<semaphore_mem>>)
      %dma_wait3A = arith.constant 0 : i32
      %dma_wait3A_64 = arith.constant 0 : i32
      %dma_wait3A_65 = arith.constant 0 : i32
      %dma_wait3A_66 = tpu.memref_slice %arg3[%add3A, %dma_wait3A, %dma_wait3A_64, %dma_wait3A_65] : memref<32x98x1x104xi32, #tpu.memory_space<hbm>> -> memref<1x98x1x104xi32, #tpu.memory_space<hbm>>
      %dma_wait3A_67 = tpu.memref_squeeze %dma_wait3A_66 : memref<1x98x1x104xi32, #tpu.memory_space<hbm>> -> memref<98x1x104xi32, #tpu.memory_space<hbm>>
      %dma_wait3A_68 = arith.constant 0 : i32
      %dma_wait3A_69 = arith.constant 0 : i32
      %dma_wait3A_70 = arith.constant 0 : i32
      %dma_wait3A_71 = tpu.memref_slice %arg3[%add3A, %dma_wait3A_68, %dma_wait3A_69, %dma_wait3A_70] : memref<32x98x1x104xi32, #tpu.memory_space<hbm>> -> memref<1x98x1x104xi32, #tpu.memory_space<hbm>>
      %dma_wait3A_72 = tpu.memref_squeeze %dma_wait3A_71 : memref<1x98x1x104xi32, #tpu.memory_space<hbm>> -> memref<98x1x104xi32, #tpu.memory_space<hbm>>
      tpu.wait_dma2 semaphore(%run_scoped3A : memref<!tpu.dma_semaphore, #tpu.memory_space<semaphore_mem>>) src(%dma_wait3A_72 : memref<98x1x104xi32, #tpu.memory_space<hbm>>) dst(%arg6 : memref<98x1x104xi32, #tpu.memory_space<vmem>>)
      tpu.yield
    }) : () -> ()
    %mul3A_3 = arith.constant 98 : i32
    %mul3A_4 = arith.muli %add3A, %mul3A_3 : i32
    %add3A_5 = arith.constant 0 : i32
    %add3A_6 = arith.addi %mul3A_4, %add3A_5 : i32
    %dma_start3A = arith.constant 0 : i32
    %dma_start3A_7 = arith.constant 0 : i32
    %dma_start3A_8 = arith.constant 0 : i32
    %dma_start3A_9 = tpu.memref_slice %arg7[%dma_start3A, %dma_start3A_7, %dma_start3A_8] : memref<2x104x8xf32, #tpu.memory_space<vmem>> -> memref<1x104x8xf32, #tpu.memory_space<vmem>>
    %dma_start3A_10 = tpu.memref_squeeze %dma_start3A_9 : memref<1x104x8xf32, #tpu.memory_space<vmem>> -> memref<104x8xf32, #tpu.memory_space<vmem>>
    %dma_start3A_11 = arith.constant 0 : i32
    %dma_start3A_12 = arith.constant 0 : i32
    %dma_start3A_13 = tpu.memref_slice %arg2[%add3A_6, %dma_start3A_11, %dma_start3A_12] : memref<3136x104x8xf32, #tpu.memory_space<hbm>> -> memref<1x104x8xf32, #tpu.memory_space<hbm>>
    %dma_start3A_14 = tpu.memref_squeeze %dma_start3A_13 : memref<1x104x8xf32, #tpu.memory_space<hbm>> -> memref<104x8xf32, #tpu.memory_space<hbm>>
    %dma_start3A_15 = arith.constant 0 : i32
    %dma_start3A_16 = arith.constant 0 : i32
    %dma_start3A_17 = tpu.memref_slice %arg7[%dma_start3A, %dma_start3A_15, %dma_start3A_16] : memref<2x104x8xf32, #tpu.memory_space<vmem>> -> memref<1x104x8xf32, #tpu.memory_space<vmem>>
    %dma_start3A_18 = tpu.memref_squeeze %dma_start3A_17 : memref<1x104x8xf32, #tpu.memory_space<vmem>> -> memref<104x8xf32, #tpu.memory_space<vmem>>
    %dma_start3A_19 = arith.constant 0 : i32
    %dma_start3A_20 = arith.constant 0 : i32
    %dma_start3A_21 = tpu.memref_slice %arg2[%add3A_6, %dma_start3A_19, %dma_start3A_20] : memref<3136x104x8xf32, #tpu.memory_space<hbm>> -> memref<1x104x8xf32, #tpu.memory_space<hbm>>
    %dma_start3A_22 = tpu.memref_squeeze %dma_start3A_21 : memref<1x104x8xf32, #tpu.memory_space<hbm>> -> memref<104x8xf32, #tpu.memory_space<hbm>>
    tpu.enqueue_dma source(%dma_start3A_22 : memref<104x8xf32, #tpu.memory_space<hbm>>) target(%dma_start3A_18 : memref<104x8xf32, #tpu.memory_space<vmem>>) target_semaphore(%arg9 : memref<!tpu.dma_semaphore, #tpu.memory_space<semaphore_mem>>)
    %mul3A_23 = arith.constant 98 : i32
    %mul3A_24 = arith.muli %add3A, %mul3A_23 : i32
    %add3A_25 = arith.constant 1 : i32
    %add3A_26 = arith.addi %mul3A_24, %add3A_25 : i32
    %dma_start3A_27 = arith.constant 1 : i32
    %dma_start3A_28 = arith.constant 0 : i32
    %dma_start3A_29 = arith.constant 0 : i32
    %dma_start3A_30 = tpu.memref_slice %arg7[%dma_start3A_27, %dma_start3A_28, %dma_start3A_29] : memref<2x104x8xf32, #tpu.memory_space<vmem>> -> memref<1x104x8xf32, #tpu.memory_space<vmem>>
    %dma_start3A_31 = tpu.memref_squeeze %dma_start3A_30 : memref<1x104x8xf32, #tpu.memory_space<vmem>> -> memref<104x8xf32, #tpu.memory_space<vmem>>
    %dma_start3A_32 = arith.constant 0 : i32
    %dma_start3A_33 = arith.constant 0 : i32
    %dma_start3A_34 = tpu.memref_slice %arg2[%add3A_26, %dma_start3A_32, %dma_start3A_33] : memref<3136x104x8xf32, #tpu.memory_space<hbm>> -> memref<1x104x8xf32, #tpu.memory_space<hbm>>
    %dma_start3A_35 = tpu.memref_squeeze %dma_start3A_34 : memref<1x104x8xf32, #tpu.memory_space<hbm>> -> memref<104x8xf32, #tpu.memory_space<hbm>>
    %dma_start3A_36 = arith.constant 0 : i32
    %dma_start3A_37 = arith.constant 0 : i32
    %dma_start3A_38 = tpu.memref_slice %arg7[%dma_start3A_27, %dma_start3A_36, %dma_start3A_37] : memref<2x104x8xf32, #tpu.memory_space<vmem>> -> memref<1x104x8xf32, #tpu.memory_space<vmem>>
    %dma_start3A_39 = tpu.memref_squeeze %dma_start3A_38 : memref<1x104x8xf32, #tpu.memory_space<vmem>> -> memref<104x8xf32, #tpu.memory_space<vmem>>
    %dma_start3A_40 = arith.constant 0 : i32
    %dma_start3A_41 = arith.constant 0 : i32
    %dma_start3A_42 = tpu.memref_slice %arg2[%add3A_26, %dma_start3A_40, %dma_start3A_41] : memref<3136x104x8xf32, #tpu.memory_space<hbm>> -> memref<1x104x8xf32, #tpu.memory_space<hbm>>
    %dma_start3A_43 = tpu.memref_squeeze %dma_start3A_42 : memref<1x104x8xf32, #tpu.memory_space<hbm>> -> memref<104x8xf32, #tpu.memory_space<hbm>>
    tpu.enqueue_dma source(%dma_start3A_43 : memref<104x8xf32, #tpu.memory_space<hbm>>) target(%dma_start3A_39 : memref<104x8xf32, #tpu.memory_space<vmem>>) target_semaphore(%arg10 : memref<!tpu.dma_semaphore, #tpu.memory_space<semaphore_mem>>)
    %scan3A = arith.constant 0 : i32
    %scan3A_44 = arith.constant 0 : i32
    %scan3A_45 = arith.constant 49 : i32
    %scan3A_46 = arith.addi %scan3A_44, %scan3A_45 : i32
    %scan3A_47 = arith.constant 1 : i32
    scf.for %scan3A_54 = %scan3A_44 to %scan3A_46 step %scan3A_47  : i32 {
      %mul3A_55 = arith.constant 2 : i32
      %mul3A_56 = arith.muli %scan3A_54, %mul3A_55 : i32
      %add3A_57 = arith.constant 0 : i32
      %add3A_58 = arith.addi %mul3A_56, %add3A_57 : i32
      %dma_wait3A = arith.constant 0 : i32
      %dma_wait3A_59 = arith.constant 0 : i32
      %dma_wait3A_60 = arith.constant 0 : i32
      %dma_wait3A_61 = arith.constant 0 : i32
      %dma_wait3A_62 = tpu.memref_slice %arg7[%dma_wait3A_59, %dma_wait3A_60, %dma_wait3A_61] : memref<2x104x8xf32, #tpu.memory_space<vmem>> -> memref<1x104x8xf32, #tpu.memory_space<vmem>>
      %dma_wait3A_63 = tpu.memref_squeeze %dma_wait3A_62 : memref<1x104x8xf32, #tpu.memory_space<vmem>> -> memref<104x8xf32, #tpu.memory_space<vmem>>
      %dma_wait3A_64 = arith.constant 0 : i32
      %dma_wait3A_65 = arith.constant 0 : i32
      %dma_wait3A_66 = tpu.memref_slice %arg2[%dma_wait3A, %dma_wait3A_64, %dma_wait3A_65] : memref<3136x104x8xf32, #tpu.memory_space<hbm>> -> memref<1x104x8xf32, #tpu.memory_space<hbm>>
      %dma_wait3A_67 = tpu.memref_squeeze %dma_wait3A_66 : memref<1x104x8xf32, #tpu.memory_space<hbm>> -> memref<104x8xf32, #tpu.memory_space<hbm>>
      %dma_wait3A_68 = arith.constant 0 : i32
      %dma_wait3A_69 = arith.constant 0 : i32
      %dma_wait3A_70 = tpu.memref_slice %arg7[%dma_wait3A_59, %dma_wait3A_68, %dma_wait3A_69] : memref<2x104x8xf32, #tpu.memory_space<vmem>> -> memref<1x104x8xf32, #tpu.memory_space<vmem>>
      %dma_wait3A_71 = tpu.memref_squeeze %dma_wait3A_70 : memref<1x104x8xf32, #tpu.memory_space<vmem>> -> memref<104x8xf32, #tpu.memory_space<vmem>>
      %dma_wait3A_72 = arith.constant 0 : i32
      %dma_wait3A_73 = arith.constant 0 : i32
      %dma_wait3A_74 = tpu.memref_slice %arg2[%dma_wait3A, %dma_wait3A_72, %dma_wait3A_73] : memref<3136x104x8xf32, #tpu.memory_space<hbm>> -> memref<1x104x8xf32, #tpu.memory_space<hbm>>
      %dma_wait3A_75 = tpu.memref_squeeze %dma_wait3A_74 : memref<1x104x8xf32, #tpu.memory_space<hbm>> -> memref<104x8xf32, #tpu.memory_space<hbm>>
      tpu.wait_dma2 semaphore(%arg9 : memref<!tpu.dma_semaphore, #tpu.memory_space<semaphore_mem>>) src(%dma_wait3A_75 : memref<104x8xf32, #tpu.memory_space<hbm>>) dst(%dma_wait3A_71 : memref<104x8xf32, #tpu.memory_space<vmem>>)
      %run_scoped3A = arith.constant 0 : i32
      %run_scoped3A_76 = arith.constant 0 : i32
      "tpu.region"() ({
        %run_scoped3A_110 = tpu.sem_alloc : memref<!tpu.dma_semaphore, #tpu.memory_space<semaphore_mem>>
        %dma_start3A_111 = arith.constant 0 : i32
        %dma_start3A_112 = arith.constant 0 : i32
        %dma_start3A_113 = tpu.memref_slice %arg7[%run_scoped3A, %dma_start3A_111, %dma_start3A_112] : memref<2x104x8xf32, #tpu.memory_space<vmem>> -> memref<1x104x8xf32, #tpu.memory_space<vmem>>
        %dma_start3A_114 = tpu.memref_squeeze %dma_start3A_113 : memref<1x104x8xf32, #tpu.memory_space<vmem>> -> memref<104x8xf32, #tpu.memory_space<vmem>>
        %dma_start3A_115 = arith.constant 0 : i32
        %dma_start3A_116 = tpu.memref_slice %arg6[%add3A_58, %run_scoped3A_76, %dma_start3A_115] : memref<98x1x104xi32, #tpu.memory_space<vmem>> -> memref<1x1x104xi32, #tpu.memory_space<vmem>>
        %dma_start3A_117 = tpu.memref_squeeze %dma_start3A_116 : memref<1x1x104xi32, #tpu.memory_space<vmem>> -> memref<104xi32, #tpu.memory_space<vmem>>
        %dma_start3A_118 = arith.constant 0 : i32
        %dma_start3A_119 = arith.constant 0 : i32
        %dma_start3A_120 = tpu.memref_slice %arg8[%dma_start3A_118, %dma_start3A_119] : memref<10240x8xf32, #tpu.memory_space<vmem_shared>> -> memref<10240x8xf32, #tpu.memory_space<vmem_shared>>
        tpu.enqueue_indirect_dma source(%dma_start3A_114 : memref<104x8xf32, #tpu.memory_space<vmem>>) target(%dma_start3A_120 : memref<10240x8xf32, #tpu.memory_space<vmem_shared>>) offsets(%dma_start3A_117 : memref<104xi32, #tpu.memory_space<vmem>>) semaphore(%run_scoped3A_110 : memref<!tpu.dma_semaphore, #tpu.memory_space<semaphore_mem>>) {add = true}
        %dma_wait3A_121 = arith.constant 0 : i32
        %dma_wait3A_122 = arith.constant 0 : i32
        %dma_wait3A_123 = tpu.memref_slice %arg7[%run_scoped3A, %dma_wait3A_121, %dma_wait3A_122] : memref<2x104x8xf32, #tpu.memory_space<vmem>> -> memref<1x104x8xf32, #tpu.memory_space<vmem>>
        %dma_wait3A_124 = tpu.memref_squeeze %dma_wait3A_123 : memref<1x104x8xf32, #tpu.memory_space<vmem>> -> memref<104x8xf32, #tpu.memory_space<vmem>>
        %dma_wait3A_125 = arith.constant 0 : i32
        %dma_wait3A_126 = tpu.memref_slice %arg6[%add3A_58, %run_scoped3A_76, %dma_wait3A_125] : memref<98x1x104xi32, #tpu.memory_space<vmem>> -> memref<1x1x104xi32, #tpu.memory_space<vmem>>
        %dma_wait3A_127 = tpu.memref_squeeze %dma_wait3A_126 : memref<1x1x104xi32, #tpu.memory_space<vmem>> -> memref<104xi32, #tpu.memory_space<vmem>>
        %dma_wait3A_128 = arith.constant 0 : i32
        %dma_wait3A_129 = arith.constant 0 : i32
        %dma_wait3A_130 = tpu.memref_slice %arg8[%dma_wait3A_128, %dma_wait3A_129] : memref<10240x8xf32, #tpu.memory_space<vmem_shared>> -> memref<10240x8xf32, #tpu.memory_space<vmem_shared>>
        tpu.wait_indirect_dma semaphore(%run_scoped3A_110 : memref<!tpu.dma_semaphore, #tpu.memory_space<semaphore_mem>>) src(%dma_wait3A_124 : memref<104x8xf32, #tpu.memory_space<vmem>>) dst(%dma_wait3A_130 : memref<10240x8xf32, #tpu.memory_space<vmem_shared>>)
        tpu.yield
      }) : () -> ()
      %add3A_77 = arith.constant 2 : i32
      %add3A_78 = arith.addi %add3A_58, %add3A_77 : i32
      %lt3A = arith.constant 98 : i32
      %lt3A_79 = arith.cmpi slt, %add3A_78, %lt3A : i32
      %convert_element_type3A = arith.extui %lt3A_79 : i1 to i32
      %cond3A = arith.constant 0 : i32
      %cond3A_80 = arith.cmpi ne, %convert_element_type3A, %cond3A : i32
      scf.if %cond3A_80 {
        %mul3A_110 = arith.constant 98 : i32
        %mul3A_111 = arith.muli %add3A, %mul3A_110 : i32
        %add3A_112 = arith.addi %mul3A_111, %add3A_58 : i32
        %add3A_113 = arith.constant 2 : i32
        %add3A_114 = arith.addi %add3A_112, %add3A_113 : i32
        %dma_start3A_115 = arith.constant 0 : i32
        %dma_start3A_116 = arith.constant 0 : i32
        %dma_start3A_117 = arith.constant 0 : i32
        %dma_start3A_118 = tpu.memref_slice %arg7[%dma_start3A_115, %dma_start3A_116, %dma_start3A_117] : memref<2x104x8xf32, #tpu.memory_space<vmem>> -> memref<1x104x8xf32, #tpu.memory_space<vmem>>
        %dma_start3A_119 = tpu.memref_squeeze %dma_start3A_118 : memref<1x104x8xf32, #tpu.memory_space<vmem>> -> memref<104x8xf32, #tpu.memory_space<vmem>>
        %dma_start3A_120 = arith.constant 0 : i32
        %dma_start3A_121 = arith.constant 0 : i32
        %dma_start3A_122 = tpu.memref_slice %arg2[%add3A_114, %dma_start3A_120, %dma_start3A_121] : memref<3136x104x8xf32, #tpu.memory_space<hbm>> -> memref<1x104x8xf32, #tpu.memory_space<hbm>>
        %dma_start3A_123 = tpu.memref_squeeze %dma_start3A_122 : memref<1x104x8xf32, #tpu.memory_space<hbm>> -> memref<104x8xf32, #tpu.memory_space<hbm>>
        %dma_start3A_124 = arith.constant 0 : i32
        %dma_start3A_125 = arith.constant 0 : i32
        %dma_start3A_126 = tpu.memref_slice %arg7[%dma_start3A_115, %dma_start3A_124, %dma_start3A_125] : memref<2x104x8xf32, #tpu.memory_space<vmem>> -> memref<1x104x8xf32, #tpu.memory_space<vmem>>
        %dma_start3A_127 = tpu.memref_squeeze %dma_start3A_126 : memref<1x104x8xf32, #tpu.memory_space<vmem>> -> memref<104x8xf32, #tpu.memory_space<vmem>>
        %dma_start3A_128 = arith.constant 0 : i32
        %dma_start3A_129 = arith.constant 0 : i32
        %dma_start3A_130 = tpu.memref_slice %arg2[%add3A_114, %dma_start3A_128, %dma_start3A_129] : memref<3136x104x8xf32, #tpu.memory_space<hbm>> -> memref<1x104x8xf32, #tpu.memory_space<hbm>>
        %dma_start3A_131 = tpu.memref_squeeze %dma_start3A_130 : memref<1x104x8xf32, #tpu.memory_space<hbm>> -> memref<104x8xf32, #tpu.memory_space<hbm>>
        tpu.enqueue_dma source(%dma_start3A_131 : memref<104x8xf32, #tpu.memory_space<hbm>>) target(%dma_start3A_127 : memref<104x8xf32, #tpu.memory_space<vmem>>) target_semaphore(%arg9 : memref<!tpu.dma_semaphore, #tpu.memory_space<semaphore_mem>>)
      } else {
      }
      %add3A_81 = arith.constant 1 : i32
      %add3A_82 = arith.addi %mul3A_56, %add3A_81 : i32
      %dma_wait3A_83 = arith.constant 0 : i32
      %dma_wait3A_84 = arith.constant 1 : i32
      %dma_wait3A_85 = arith.constant 0 : i32
      %dma_wait3A_86 = arith.constant 0 : i32
      %dma_wait3A_87 = tpu.memref_slice %arg7[%dma_wait3A_84, %dma_wait3A_85, %dma_wait3A_86] : memref<2x104x8xf32, #tpu.memory_space<vmem>> -> memref<1x104x8xf32, #tpu.memory_space<vmem>>
      %dma_wait3A_88 = tpu.memref_squeeze %dma_wait3A_87 : memref<1x104x8xf32, #tpu.memory_space<vmem>> -> memref<104x8xf32, #tpu.memory_space<vmem>>
      %dma_wait3A_89 = arith.constant 0 : i32
      %dma_wait3A_90 = arith.constant 0 : i32
      %dma_wait3A_91 = tpu.memref_slice %arg2[%dma_wait3A_83, %dma_wait3A_89, %dma_wait3A_90] : memref<3136x104x8xf32, #tpu.memory_space<hbm>> -> memref<1x104x8xf32, #tpu.memory_space<hbm>>
      %dma_wait3A_92 = tpu.memref_squeeze %dma_wait3A_91 : memref<1x104x8xf32, #tpu.memory_space<hbm>> -> memref<104x8xf32, #tpu.memory_space<hbm>>
      %dma_wait3A_93 = arith.constant 0 : i32
      %dma_wait3A_94 = arith.constant 0 : i32
      %dma_wait3A_95 = tpu.memref_slice %arg7[%dma_wait3A_84, %dma_wait3A_93, %dma_wait3A_94] : memref<2x104x8xf32, #tpu.memory_space<vmem>> -> memref<1x104x8xf32, #tpu.memory_space<vmem>>
      %dma_wait3A_96 = tpu.memref_squeeze %dma_wait3A_95 : memref<1x104x8xf32, #tpu.memory_space<vmem>> -> memref<104x8xf32, #tpu.memory_space<vmem>>
      %dma_wait3A_97 = arith.constant 0 : i32
      %dma_wait3A_98 = arith.constant 0 : i32
      %dma_wait3A_99 = tpu.memref_slice %arg2[%dma_wait3A_83, %dma_wait3A_97, %dma_wait3A_98] : memref<3136x104x8xf32, #tpu.memory_space<hbm>> -> memref<1x104x8xf32, #tpu.memory_space<hbm>>
      %dma_wait3A_100 = tpu.memref_squeeze %dma_wait3A_99 : memref<1x104x8xf32, #tpu.memory_space<hbm>> -> memref<104x8xf32, #tpu.memory_space<hbm>>
      tpu.wait_dma2 semaphore(%arg10 : memref<!tpu.dma_semaphore, #tpu.memory_space<semaphore_mem>>) src(%dma_wait3A_100 : memref<104x8xf32, #tpu.memory_space<hbm>>) dst(%dma_wait3A_96 : memref<104x8xf32, #tpu.memory_space<vmem>>)
      %run_scoped3A_101 = arith.constant 1 : i32
      %run_scoped3A_102 = arith.constant 0 : i32
      "tpu.region"() ({
        %run_scoped3A_110 = tpu.sem_alloc : memref<!tpu.dma_semaphore, #tpu.memory_space<semaphore_mem>>
        %dma_start3A_111 = arith.constant 0 : i32
        %dma_start3A_112 = arith.constant 0 : i32
        %dma_start3A_113 = tpu.memref_slice %arg7[%run_scoped3A_101, %dma_start3A_111, %dma_start3A_112] : memref<2x104x8xf32, #tpu.memory_space<vmem>> -> memref<1x104x8xf32, #tpu.memory_space<vmem>>
        %dma_start3A_114 = tpu.memref_squeeze %dma_start3A_113 : memref<1x104x8xf32, #tpu.memory_space<vmem>> -> memref<104x8xf32, #tpu.memory_space<vmem>>
        %dma_start3A_115 = arith.constant 0 : i32
        %dma_start3A_116 = tpu.memref_slice %arg6[%add3A_82, %run_scoped3A_102, %dma_start3A_115] : memref<98x1x104xi32, #tpu.memory_space<vmem>> -> memref<1x1x104xi32, #tpu.memory_space<vmem>>
        %dma_start3A_117 = tpu.memref_squeeze %dma_start3A_116 : memref<1x1x104xi32, #tpu.memory_space<vmem>> -> memref<104xi32, #tpu.memory_space<vmem>>
        %dma_start3A_118 = arith.constant 0 : i32
        %dma_start3A_119 = arith.constant 0 : i32
        %dma_start3A_120 = tpu.memref_slice %arg8[%dma_start3A_118, %dma_start3A_119] : memref<10240x8xf32, #tpu.memory_space<vmem_shared>> -> memref<10240x8xf32, #tpu.memory_space<vmem_shared>>
        tpu.enqueue_indirect_dma source(%dma_start3A_114 : memref<104x8xf32, #tpu.memory_space<vmem>>) target(%dma_start3A_120 : memref<10240x8xf32, #tpu.memory_space<vmem_shared>>) offsets(%dma_start3A_117 : memref<104xi32, #tpu.memory_space<vmem>>) semaphore(%run_scoped3A_110 : memref<!tpu.dma_semaphore, #tpu.memory_space<semaphore_mem>>) {add = true}
        %dma_wait3A_121 = arith.constant 0 : i32
        %dma_wait3A_122 = arith.constant 0 : i32
        %dma_wait3A_123 = tpu.memref_slice %arg7[%run_scoped3A_101, %dma_wait3A_121, %dma_wait3A_122] : memref<2x104x8xf32, #tpu.memory_space<vmem>> -> memref<1x104x8xf32, #tpu.memory_space<vmem>>
        %dma_wait3A_124 = tpu.memref_squeeze %dma_wait3A_123 : memref<1x104x8xf32, #tpu.memory_space<vmem>> -> memref<104x8xf32, #tpu.memory_space<vmem>>
        %dma_wait3A_125 = arith.constant 0 : i32
        %dma_wait3A_126 = tpu.memref_slice %arg6[%add3A_82, %run_scoped3A_102, %dma_wait3A_125] : memref<98x1x104xi32, #tpu.memory_space<vmem>> -> memref<1x1x104xi32, #tpu.memory_space<vmem>>
        %dma_wait3A_127 = tpu.memref_squeeze %dma_wait3A_126 : memref<1x1x104xi32, #tpu.memory_space<vmem>> -> memref<104xi32, #tpu.memory_space<vmem>>
        %dma_wait3A_128 = arith.constant 0 : i32
        %dma_wait3A_129 = arith.constant 0 : i32
        %dma_wait3A_130 = tpu.memref_slice %arg8[%dma_wait3A_128, %dma_wait3A_129] : memref<10240x8xf32, #tpu.memory_space<vmem_shared>> -> memref<10240x8xf32, #tpu.memory_space<vmem_shared>>
        tpu.wait_indirect_dma semaphore(%run_scoped3A_110 : memref<!tpu.dma_semaphore, #tpu.memory_space<semaphore_mem>>) src(%dma_wait3A_124 : memref<104x8xf32, #tpu.memory_space<vmem>>) dst(%dma_wait3A_130 : memref<10240x8xf32, #tpu.memory_space<vmem_shared>>)
        tpu.yield
      }) : () -> ()
      %add3A_103 = arith.constant 2 : i32
      %add3A_104 = arith.addi %add3A_82, %add3A_103 : i32
      %lt3A_105 = arith.constant 98 : i32
      %lt3A_106 = arith.cmpi slt, %add3A_104, %lt3A_105 : i32
      %convert_element_type3A_107 = arith.extui %lt3A_106 : i1 to i32
      %cond3A_108 = arith.constant 0 : i32
      %cond3A_109 = arith.cmpi ne, %convert_element_type3A_107, %cond3A_108 : i32
      scf.if %cond3A_109 {
        %mul3A_110 = arith.constant 98 : i32
        %mul3A_111 = arith.muli %add3A, %mul3A_110 : i32
        %add3A_112 = arith.addi %mul3A_111, %add3A_82 : i32
        %add3A_113 = arith.constant 2 : i32
        %add3A_114 = arith.addi %add3A_112, %add3A_113 : i32
        %dma_start3A_115 = arith.constant 1 : i32
        %dma_start3A_116 = arith.constant 0 : i32
        %dma_start3A_117 = arith.constant 0 : i32
        %dma_start3A_118 = tpu.memref_slice %arg7[%dma_start3A_115, %dma_start3A_116, %dma_start3A_117] : memref<2x104x8xf32, #tpu.memory_space<vmem>> -> memref<1x104x8xf32, #tpu.memory_space<vmem>>
        %dma_start3A_119 = tpu.memref_squeeze %dma_start3A_118 : memref<1x104x8xf32, #tpu.memory_space<vmem>> -> memref<104x8xf32, #tpu.memory_space<vmem>>
        %dma_start3A_120 = arith.constant 0 : i32
        %dma_start3A_121 = arith.constant 0 : i32
        %dma_start3A_122 = tpu.memref_slice %arg2[%add3A_114, %dma_start3A_120, %dma_start3A_121] : memref<3136x104x8xf32, #tpu.memory_space<hbm>> -> memref<1x104x8xf32, #tpu.memory_space<hbm>>
        %dma_start3A_123 = tpu.memref_squeeze %dma_start3A_122 : memref<1x104x8xf32, #tpu.memory_space<hbm>> -> memref<104x8xf32, #tpu.memory_space<hbm>>
        %dma_start3A_124 = arith.constant 0 : i32
        %dma_start3A_125 = arith.constant 0 : i32
        %dma_start3A_126 = tpu.memref_slice %arg7[%dma_start3A_115, %dma_start3A_124, %dma_start3A_125] : memref<2x104x8xf32, #tpu.memory_space<vmem>> -> memref<1x104x8xf32, #tpu.memory_space<vmem>>
        %dma_start3A_127 = tpu.memref_squeeze %dma_start3A_126 : memref<1x104x8xf32, #tpu.memory_space<vmem>> -> memref<104x8xf32, #tpu.memory_space<vmem>>
        %dma_start3A_128 = arith.constant 0 : i32
        %dma_start3A_129 = arith.constant 0 : i32
        %dma_start3A_130 = tpu.memref_slice %arg2[%add3A_114, %dma_start3A_128, %dma_start3A_129] : memref<3136x104x8xf32, #tpu.memory_space<hbm>> -> memref<1x104x8xf32, #tpu.memory_space<hbm>>
        %dma_start3A_131 = tpu.memref_squeeze %dma_start3A_130 : memref<1x104x8xf32, #tpu.memory_space<hbm>> -> memref<104x8xf32, #tpu.memory_space<hbm>>
        tpu.enqueue_dma source(%dma_start3A_131 : memref<104x8xf32, #tpu.memory_space<hbm>>) target(%dma_start3A_127 : memref<104x8xf32, #tpu.memory_space<vmem>>) target_semaphore(%arg10 : memref<!tpu.dma_semaphore, #tpu.memory_space<semaphore_mem>>)
      } else {
      }
    }
    %scan3A_48 = arith.constant 49 : i32
    %barrier3A_49 = arith.constant 0 : index
    tpu.barrier barrier_id(%barrier3A_49)
    %mul3A_50 = arith.constant 640 : i32
    %mul3A_51 = arith.muli %arg1, %mul3A_50 : i32
    %mul3A_52 = arith.constant 640 : i32
    %mul3A_53 = arith.muli %arg1, %mul3A_52 : i32
    "tpu.region"() ({
      %run_scoped3A = tpu.sem_alloc : memref<!tpu.dma_semaphore, #tpu.memory_space<semaphore_mem>>
      %dma_start3A_54 = arith.constant 0 : i32
      %dma_start3A_55 = arith.constant 0 : i32
      %dma_start3A_56 = tpu.memref_slice %arg5[%arg0, %dma_start3A_54, %dma_start3A_55] : memref<2x10240x8xf32, #tpu.memory_space<hbm>> -> memref<1x10240x8xf32, #tpu.memory_space<hbm>>
      %dma_start3A_57 = tpu.memref_squeeze %dma_start3A_56 : memref<1x10240x8xf32, #tpu.memory_space<hbm>> -> memref<10240x8xf32, #tpu.memory_space<hbm>>
      %dma_start3A_58 = arith.constant 0 : i32
      %dma_start3A_59 = tpu.memref_slice %dma_start3A_57[%mul3A_53, %dma_start3A_58] : memref<10240x8xf32, #tpu.memory_space<hbm>> -> memref<640x8xf32, #tpu.memory_space<hbm>>
      %dma_start3A_60 = arith.constant 0 : i32
      %dma_start3A_61 = tpu.memref_slice %arg8[%mul3A_51, %dma_start3A_60] : memref<10240x8xf32, #tpu.memory_space<vmem_shared>> -> memref<640x8xf32, #tpu.memory_space<vmem_shared>>
      tpu.enqueue_dma source(%dma_start3A_61 : memref<640x8xf32, #tpu.memory_space<vmem_shared>>) target(%dma_start3A_59 : memref<640x8xf32, #tpu.memory_space<hbm>>) target_semaphore(%run_scoped3A : memref<!tpu.dma_semaphore, #tpu.memory_space<semaphore_mem>>)
      %dma_wait3A = arith.constant 0 : i32
      %dma_wait3A_62 = arith.constant 0 : i32
      %dma_wait3A_63 = tpu.memref_slice %arg5[%arg0, %dma_wait3A, %dma_wait3A_62] : memref<2x10240x8xf32, #tpu.memory_space<hbm>> -> memref<1x10240x8xf32, #tpu.memory_space<hbm>>
      %dma_wait3A_64 = tpu.memref_squeeze %dma_wait3A_63 : memref<1x10240x8xf32, #tpu.memory_space<hbm>> -> memref<10240x8xf32, #tpu.memory_space<hbm>>
      %dma_wait3A_65 = arith.constant 0 : i32
      %dma_wait3A_66 = tpu.memref_slice %dma_wait3A_64[%mul3A_53, %dma_wait3A_65] : memref<10240x8xf32, #tpu.memory_space<hbm>> -> memref<640x8xf32, #tpu.memory_space<hbm>>
      %dma_wait3A_67 = arith.constant 0 : i32
      %dma_wait3A_68 = tpu.memref_slice %arg8[%mul3A_51, %dma_wait3A_67] : memref<10240x8xf32, #tpu.memory_space<vmem_shared>> -> memref<640x8xf32, #tpu.memory_space<vmem_shared>>
      tpu.wait_dma2 semaphore(%run_scoped3A : memref<!tpu.dma_semaphore, #tpu.memory_space<semaphore_mem>>) src(%dma_wait3A_68 : memref<640x8xf32, #tpu.memory_space<vmem_shared>>) dst(%dma_wait3A_66 : memref<640x8xf32, #tpu.memory_space<hbm>>)
      tpu.yield
    }) : () -> ()
    return
  }
}

#map = affine_map<(d0, d1) -> (0, 0)>
#map1 = affine_map<(d0, d1) -> (0, 0, 0, 0)>
#map2 = affine_map<(d0, d1) -> (0, 0, 0)>
module attributes {stable_mosaic.version = 14 : i64} {
  func.func @k(%arg0: i32, %arg1: i32, %arg2: memref<10000x128xf32, #tpu.memory_space<hbm>>, %arg3: memref<10000x128xf32, #tpu.memory_space<hbm>>, %arg4: memref<32x98x1x104xi32, #tpu.memory_space<hbm>>, %arg5: memref<32x98x1x104xi32, #tpu.memory_space<hbm>>, %arg6: memref<3136x104x128xf32, #tpu.memory_space<hbm>>, %arg7: memref<3136x104x128xf32, #tpu.memory_space<hbm>>, %arg8: memref<98x1x104xi32, #tpu.memory_space<vmem>>, %arg9: memref<98x1x104xi32, #tpu.memory_space<vmem>>, %arg10: memref<2x104x128xf32, #tpu.memory_space<vmem>>, %arg11: memref<2x104x128xf32, #tpu.memory_space<vmem>>, %arg12: memref<!tpu.dma_semaphore, #tpu.memory_space<semaphore_mem>>, %arg13: memref<!tpu.dma_semaphore, #tpu.memory_space<semaphore_mem>>, %arg14: memref<!tpu.dma_semaphore, #tpu.memory_space<semaphore_mem>>, %arg15: memref<!tpu.dma_semaphore, #tpu.memory_space<semaphore_mem>>) attributes {dimension_semantics = [#tpu.dimension_semantics<core_parallel>, #tpu.dimension_semantics<subcore_parallel>], iteration_bounds = array<i64: 2, 16>, scalar_prefetch = 0 : i64, scratch_operands = 8 : i64, tpu.core_type = #tpu.core_type<sc_vector_subcore>, window_params = [{transform_indices = #map}, {transform_indices = #map}, {transform_indices = #map1}, {transform_indices = #map1}, {transform_indices = #map2}, {transform_indices = #map2}]} {
    %mul3A = arith.constant 16 : i32
    %mul3A_0 = arith.muli %arg0, %mul3A : i32
    %add3A = arith.addi %mul3A_0, %arg1 : i32
    %mul3A_1 = arith.constant 98 : i32
    %mul3A_2 = arith.muli %add3A, %mul3A_1 : i32
    "tpu.region"() ({
      %run_scoped3A = tpu.sem_alloc : memref<!tpu.dma_semaphore, #tpu.memory_space<semaphore_mem>>
      %dma_start3A_59 = arith.constant 0 : i32
      %dma_start3A_60 = arith.constant 0 : i32
      %dma_start3A_61 = arith.constant 0 : i32
      %dma_start3A_62 = tpu.memref_slice %arg4[%add3A, %dma_start3A_59, %dma_start3A_60, %dma_start3A_61] : memref<32x98x1x104xi32, #tpu.memory_space<hbm>> -> memref<1x98x1x104xi32, #tpu.memory_space<hbm>>
      %dma_start3A_63 = tpu.memref_squeeze %dma_start3A_62 : memref<1x98x1x104xi32, #tpu.memory_space<hbm>> -> memref<98x1x104xi32, #tpu.memory_space<hbm>>
      %dma_start3A_64 = arith.constant 0 : i32
      %dma_start3A_65 = arith.constant 0 : i32
      %dma_start3A_66 = arith.constant 0 : i32
      %dma_start3A_67 = tpu.memref_slice %arg4[%add3A, %dma_start3A_64, %dma_start3A_65, %dma_start3A_66] : memref<32x98x1x104xi32, #tpu.memory_space<hbm>> -> memref<1x98x1x104xi32, #tpu.memory_space<hbm>>
      %dma_start3A_68 = tpu.memref_squeeze %dma_start3A_67 : memref<1x98x1x104xi32, #tpu.memory_space<hbm>> -> memref<98x1x104xi32, #tpu.memory_space<hbm>>
      tpu.enqueue_dma source(%dma_start3A_68 : memref<98x1x104xi32, #tpu.memory_space<hbm>>) target(%arg8 : memref<98x1x104xi32, #tpu.memory_space<vmem>>) target_semaphore(%run_scoped3A : memref<!tpu.dma_semaphore, #tpu.memory_space<semaphore_mem>>)
      %dma_wait3A = arith.constant 0 : i32
      %dma_wait3A_69 = arith.constant 0 : i32
      %dma_wait3A_70 = arith.constant 0 : i32
      %dma_wait3A_71 = tpu.memref_slice %arg4[%add3A, %dma_wait3A, %dma_wait3A_69, %dma_wait3A_70] : memref<32x98x1x104xi32, #tpu.memory_space<hbm>> -> memref<1x98x1x104xi32, #tpu.memory_space<hbm>>
      %dma_wait3A_72 = tpu.memref_squeeze %dma_wait3A_71 : memref<1x98x1x104xi32, #tpu.memory_space<hbm>> -> memref<98x1x104xi32, #tpu.memory_space<hbm>>
      %dma_wait3A_73 = arith.constant 0 : i32
      %dma_wait3A_74 = arith.constant 0 : i32
      %dma_wait3A_75 = arith.constant 0 : i32
      %dma_wait3A_76 = tpu.memref_slice %arg4[%add3A, %dma_wait3A_73, %dma_wait3A_74, %dma_wait3A_75] : memref<32x98x1x104xi32, #tpu.memory_space<hbm>> -> memref<1x98x1x104xi32, #tpu.memory_space<hbm>>
      %dma_wait3A_77 = tpu.memref_squeeze %dma_wait3A_76 : memref<1x98x1x104xi32, #tpu.memory_space<hbm>> -> memref<98x1x104xi32, #tpu.memory_space<hbm>>
      tpu.wait_dma2 semaphore(%run_scoped3A : memref<!tpu.dma_semaphore, #tpu.memory_space<semaphore_mem>>) src(%dma_wait3A_77 : memref<98x1x104xi32, #tpu.memory_space<hbm>>) dst(%arg8 : memref<98x1x104xi32, #tpu.memory_space<vmem>>)
      tpu.yield
    }) : () -> ()
    "tpu.region"() ({
      %run_scoped3A = tpu.sem_alloc : memref<!tpu.dma_semaphore, #tpu.memory_space<semaphore_mem>>
      %dma_start3A_59 = arith.constant 0 : i32
      %dma_start3A_60 = arith.constant 0 : i32
      %dma_start3A_61 = arith.constant 0 : i32
      %dma_start3A_62 = tpu.memref_slice %arg5[%add3A, %dma_start3A_59, %dma_start3A_60, %dma_start3A_61] : memref<32x98x1x104xi32, #tpu.memory_space<hbm>> -> memref<1x98x1x104xi32, #tpu.memory_space<hbm>>
      %dma_start3A_63 = tpu.memref_squeeze %dma_start3A_62 : memref<1x98x1x104xi32, #tpu.memory_space<hbm>> -> memref<98x1x104xi32, #tpu.memory_space<hbm>>
      %dma_start3A_64 = arith.constant 0 : i32
      %dma_start3A_65 = arith.constant 0 : i32
      %dma_start3A_66 = arith.constant 0 : i32
      %dma_start3A_67 = tpu.memref_slice %arg5[%add3A, %dma_start3A_64, %dma_start3A_65, %dma_start3A_66] : memref<32x98x1x104xi32, #tpu.memory_space<hbm>> -> memref<1x98x1x104xi32, #tpu.memory_space<hbm>>
      %dma_start3A_68 = tpu.memref_squeeze %dma_start3A_67 : memref<1x98x1x104xi32, #tpu.memory_space<hbm>> -> memref<98x1x104xi32, #tpu.memory_space<hbm>>
      tpu.enqueue_dma source(%dma_start3A_68 : memref<98x1x104xi32, #tpu.memory_space<hbm>>) target(%arg9 : memref<98x1x104xi32, #tpu.memory_space<vmem>>) target_semaphore(%run_scoped3A : memref<!tpu.dma_semaphore, #tpu.memory_space<semaphore_mem>>)
      %dma_wait3A = arith.constant 0 : i32
      %dma_wait3A_69 = arith.constant 0 : i32
      %dma_wait3A_70 = arith.constant 0 : i32
      %dma_wait3A_71 = tpu.memref_slice %arg5[%add3A, %dma_wait3A, %dma_wait3A_69, %dma_wait3A_70] : memref<32x98x1x104xi32, #tpu.memory_space<hbm>> -> memref<1x98x1x104xi32, #tpu.memory_space<hbm>>
      %dma_wait3A_72 = tpu.memref_squeeze %dma_wait3A_71 : memref<1x98x1x104xi32, #tpu.memory_space<hbm>> -> memref<98x1x104xi32, #tpu.memory_space<hbm>>
      %dma_wait3A_73 = arith.constant 0 : i32
      %dma_wait3A_74 = arith.constant 0 : i32
      %dma_wait3A_75 = arith.constant 0 : i32
      %dma_wait3A_76 = tpu.memref_slice %arg5[%add3A, %dma_wait3A_73, %dma_wait3A_74, %dma_wait3A_75] : memref<32x98x1x104xi32, #tpu.memory_space<hbm>> -> memref<1x98x1x104xi32, #tpu.memory_space<hbm>>
      %dma_wait3A_77 = tpu.memref_squeeze %dma_wait3A_76 : memref<1x98x1x104xi32, #tpu.memory_space<hbm>> -> memref<98x1x104xi32, #tpu.memory_space<hbm>>
      tpu.wait_dma2 semaphore(%run_scoped3A : memref<!tpu.dma_semaphore, #tpu.memory_space<semaphore_mem>>) src(%dma_wait3A_77 : memref<98x1x104xi32, #tpu.memory_space<hbm>>) dst(%arg9 : memref<98x1x104xi32, #tpu.memory_space<vmem>>)
      tpu.yield
    }) : () -> ()
    %dma_start3A = arith.constant 0 : i32
    %dma_start3A_3 = arith.constant 0 : i32
    %dma_start3A_4 = arith.constant 0 : i32
    %dma_start3A_5 = arith.constant 0 : i32
    %dma_start3A_6 = arith.constant 0 : i32
    %dma_start3A_7 = tpu.memref_slice %arg10[%dma_start3A_4, %dma_start3A_5, %dma_start3A_6] : memref<2x104x128xf32, #tpu.memory_space<vmem>> -> memref<1x104x128xf32, #tpu.memory_space<vmem>>
    %dma_start3A_8 = tpu.memref_squeeze %dma_start3A_7 : memref<1x104x128xf32, #tpu.memory_space<vmem>> -> memref<104x128xf32, #tpu.memory_space<vmem>>
    %dma_start3A_9 = arith.constant 0 : i32
    %dma_start3A_10 = tpu.memref_slice %arg8[%dma_start3A, %dma_start3A_3, %dma_start3A_9] : memref<98x1x104xi32, #tpu.memory_space<vmem>> -> memref<1x1x104xi32, #tpu.memory_space<vmem>>
    %dma_start3A_11 = tpu.memref_squeeze %dma_start3A_10 : memref<1x1x104xi32, #tpu.memory_space<vmem>> -> memref<104xi32, #tpu.memory_space<vmem>>
    %dma_start3A_12 = arith.constant 0 : i32
    %dma_start3A_13 = arith.constant 0 : i32
    %dma_start3A_14 = tpu.memref_slice %arg2[%dma_start3A_12, %dma_start3A_13] : memref<10000x128xf32, #tpu.memory_space<hbm>> -> memref<10000x128xf32, #tpu.memory_space<hbm>>
    tpu.enqueue_indirect_dma source(%dma_start3A_14 : memref<10000x128xf32, #tpu.memory_space<hbm>>) target(%dma_start3A_8 : memref<104x128xf32, #tpu.memory_space<vmem>>) offsets(%dma_start3A_11 : memref<104xi32, #tpu.memory_space<vmem>>) semaphore(%arg12 : memref<!tpu.dma_semaphore, #tpu.memory_space<semaphore_mem>>)
    %dma_start3A_15 = arith.constant 0 : i32
    %dma_start3A_16 = arith.constant 0 : i32
    %dma_start3A_17 = arith.constant 0 : i32
    %dma_start3A_18 = arith.constant 0 : i32
    %dma_start3A_19 = arith.constant 0 : i32
    %dma_start3A_20 = tpu.memref_slice %arg11[%dma_start3A_17, %dma_start3A_18, %dma_start3A_19] : memref<2x104x128xf32, #tpu.memory_space<vmem>> -> memref<1x104x128xf32, #tpu.memory_space<vmem>>
    %dma_start3A_21 = tpu.memref_squeeze %dma_start3A_20 : memref<1x104x128xf32, #tpu.memory_space<vmem>> -> memref<104x128xf32, #tpu.memory_space<vmem>>
    %dma_start3A_22 = arith.constant 0 : i32
    %dma_start3A_23 = tpu.memref_slice %arg9[%dma_start3A_15, %dma_start3A_16, %dma_start3A_22] : memref<98x1x104xi32, #tpu.memory_space<vmem>> -> memref<1x1x104xi32, #tpu.memory_space<vmem>>
    %dma_start3A_24 = tpu.memref_squeeze %dma_start3A_23 : memref<1x1x104xi32, #tpu.memory_space<vmem>> -> memref<104xi32, #tpu.memory_space<vmem>>
    %dma_start3A_25 = arith.constant 0 : i32
    %dma_start3A_26 = arith.constant 0 : i32
    %dma_start3A_27 = tpu.memref_slice %arg3[%dma_start3A_25, %dma_start3A_26] : memref<10000x128xf32, #tpu.memory_space<hbm>> -> memref<10000x128xf32, #tpu.memory_space<hbm>>
    tpu.enqueue_indirect_dma source(%dma_start3A_27 : memref<10000x128xf32, #tpu.memory_space<hbm>>) target(%dma_start3A_21 : memref<104x128xf32, #tpu.memory_space<vmem>>) offsets(%dma_start3A_24 : memref<104xi32, #tpu.memory_space<vmem>>) semaphore(%arg14 : memref<!tpu.dma_semaphore, #tpu.memory_space<semaphore_mem>>)
    %dma_start3A_28 = arith.constant 1 : i32
    %dma_start3A_29 = arith.constant 0 : i32
    %dma_start3A_30 = arith.constant 1 : i32
    %dma_start3A_31 = arith.constant 0 : i32
    %dma_start3A_32 = arith.constant 0 : i32
    %dma_start3A_33 = tpu.memref_slice %arg10[%dma_start3A_30, %dma_start3A_31, %dma_start3A_32] : memref<2x104x128xf32, #tpu.memory_space<vmem>> -> memref<1x104x128xf32, #tpu.memory_space<vmem>>
    %dma_start3A_34 = tpu.memref_squeeze %dma_start3A_33 : memref<1x104x128xf32, #tpu.memory_space<vmem>> -> memref<104x128xf32, #tpu.memory_space<vmem>>
    %dma_start3A_35 = arith.constant 0 : i32
    %dma_start3A_36 = tpu.memref_slice %arg8[%dma_start3A_28, %dma_start3A_29, %dma_start3A_35] : memref<98x1x104xi32, #tpu.memory_space<vmem>> -> memref<1x1x104xi32, #tpu.memory_space<vmem>>
    %dma_start3A_37 = tpu.memref_squeeze %dma_start3A_36 : memref<1x1x104xi32, #tpu.memory_space<vmem>> -> memref<104xi32, #tpu.memory_space<vmem>>
    %dma_start3A_38 = arith.constant 0 : i32
    %dma_start3A_39 = arith.constant 0 : i32
    %dma_start3A_40 = tpu.memref_slice %arg2[%dma_start3A_38, %dma_start3A_39] : memref<10000x128xf32, #tpu.memory_space<hbm>> -> memref<10000x128xf32, #tpu.memory_space<hbm>>
    tpu.enqueue_indirect_dma source(%dma_start3A_40 : memref<10000x128xf32, #tpu.memory_space<hbm>>) target(%dma_start3A_34 : memref<104x128xf32, #tpu.memory_space<vmem>>) offsets(%dma_start3A_37 : memref<104xi32, #tpu.memory_space<vmem>>) semaphore(%arg13 : memref<!tpu.dma_semaphore, #tpu.memory_space<semaphore_mem>>)
    %dma_start3A_41 = arith.constant 1 : i32
    %dma_start3A_42 = arith.constant 0 : i32
    %dma_start3A_43 = arith.constant 1 : i32
    %dma_start3A_44 = arith.constant 0 : i32
    %dma_start3A_45 = arith.constant 0 : i32
    %dma_start3A_46 = tpu.memref_slice %arg11[%dma_start3A_43, %dma_start3A_44, %dma_start3A_45] : memref<2x104x128xf32, #tpu.memory_space<vmem>> -> memref<1x104x128xf32, #tpu.memory_space<vmem>>
    %dma_start3A_47 = tpu.memref_squeeze %dma_start3A_46 : memref<1x104x128xf32, #tpu.memory_space<vmem>> -> memref<104x128xf32, #tpu.memory_space<vmem>>
    %dma_start3A_48 = arith.constant 0 : i32
    %dma_start3A_49 = tpu.memref_slice %arg9[%dma_start3A_41, %dma_start3A_42, %dma_start3A_48] : memref<98x1x104xi32, #tpu.memory_space<vmem>> -> memref<1x1x104xi32, #tpu.memory_space<vmem>>
    %dma_start3A_50 = tpu.memref_squeeze %dma_start3A_49 : memref<1x1x104xi32, #tpu.memory_space<vmem>> -> memref<104xi32, #tpu.memory_space<vmem>>
    %dma_start3A_51 = arith.constant 0 : i32
    %dma_start3A_52 = arith.constant 0 : i32
    %dma_start3A_53 = tpu.memref_slice %arg3[%dma_start3A_51, %dma_start3A_52] : memref<10000x128xf32, #tpu.memory_space<hbm>> -> memref<10000x128xf32, #tpu.memory_space<hbm>>
    tpu.enqueue_indirect_dma source(%dma_start3A_53 : memref<10000x128xf32, #tpu.memory_space<hbm>>) target(%dma_start3A_47 : memref<104x128xf32, #tpu.memory_space<vmem>>) offsets(%dma_start3A_50 : memref<104xi32, #tpu.memory_space<vmem>>) semaphore(%arg15 : memref<!tpu.dma_semaphore, #tpu.memory_space<semaphore_mem>>)
    %scan3A = arith.constant 0 : i32
    %scan3A_54 = arith.constant 0 : i32
    %scan3A_55 = arith.constant 49 : i32
    %scan3A_56 = arith.addi %scan3A_54, %scan3A_55 : i32
    %scan3A_57 = arith.constant 1 : i32
    scf.for %scan3A_59 = %scan3A_54 to %scan3A_56 step %scan3A_57  : i32 {
      %mul3A_60 = arith.constant 2 : i32
      %mul3A_61 = arith.muli %scan3A_59, %mul3A_60 : i32
      %add3A_62 = arith.constant 0 : i32
      %add3A_63 = arith.addi %mul3A_61, %add3A_62 : i32
      %dma_wait3A = arith.constant 0 : i32
      %dma_wait3A_64 = arith.constant 0 : i32
      %dma_wait3A_65 = arith.constant 0 : i32
      %dma_wait3A_66 = arith.constant 0 : i32
      %dma_wait3A_67 = tpu.memref_slice %arg10[%dma_wait3A_64, %dma_wait3A_65, %dma_wait3A_66] : memref<2x104x128xf32, #tpu.memory_space<vmem>> -> memref<1x104x128xf32, #tpu.memory_space<vmem>>
      %dma_wait3A_68 = tpu.memref_squeeze %dma_wait3A_67 : memref<1x104x128xf32, #tpu.memory_space<vmem>> -> memref<104x128xf32, #tpu.memory_space<vmem>>
      %dma_wait3A_69 = arith.constant 0 : i32
      %dma_wait3A_70 = arith.constant 0 : i32
      %dma_wait3A_71 = tpu.memref_slice %arg6[%dma_wait3A, %dma_wait3A_69, %dma_wait3A_70] : memref<3136x104x128xf32, #tpu.memory_space<hbm>> -> memref<1x104x128xf32, #tpu.memory_space<hbm>>
      %dma_wait3A_72 = tpu.memref_squeeze %dma_wait3A_71 : memref<1x104x128xf32, #tpu.memory_space<hbm>> -> memref<104x128xf32, #tpu.memory_space<hbm>>
      %dma_wait3A_73 = arith.constant 0 : i32
      %dma_wait3A_74 = arith.constant 0 : i32
      %dma_wait3A_75 = tpu.memref_slice %arg10[%dma_wait3A_64, %dma_wait3A_73, %dma_wait3A_74] : memref<2x104x128xf32, #tpu.memory_space<vmem>> -> memref<1x104x128xf32, #tpu.memory_space<vmem>>
      %dma_wait3A_76 = tpu.memref_squeeze %dma_wait3A_75 : memref<1x104x128xf32, #tpu.memory_space<vmem>> -> memref<104x128xf32, #tpu.memory_space<vmem>>
      %dma_wait3A_77 = arith.constant 0 : i32
      %dma_wait3A_78 = arith.constant 0 : i32
      %dma_wait3A_79 = tpu.memref_slice %arg6[%dma_wait3A, %dma_wait3A_77, %dma_wait3A_78] : memref<3136x104x128xf32, #tpu.memory_space<hbm>> -> memref<1x104x128xf32, #tpu.memory_space<hbm>>
      %dma_wait3A_80 = tpu.memref_squeeze %dma_wait3A_79 : memref<1x104x128xf32, #tpu.memory_space<hbm>> -> memref<104x128xf32, #tpu.memory_space<hbm>>
      tpu.wait_dma2 semaphore(%arg12 : memref<!tpu.dma_semaphore, #tpu.memory_space<semaphore_mem>>) src(%dma_wait3A_80 : memref<104x128xf32, #tpu.memory_space<hbm>>) dst(%dma_wait3A_76 : memref<104x128xf32, #tpu.memory_space<vmem>>)
      %add3A_81 = arith.addi %mul3A_2, %add3A_63 : i32
      %run_scoped3A = arith.constant 0 : i32
      "tpu.region"() ({
        %run_scoped3A_155 = tpu.sem_alloc : memref<!tpu.dma_semaphore, #tpu.memory_space<semaphore_mem>>
        %dma_start3A_156 = arith.constant 0 : i32
        %dma_start3A_157 = arith.constant 0 : i32
        %dma_start3A_158 = tpu.memref_slice %arg10[%run_scoped3A, %dma_start3A_156, %dma_start3A_157] : memref<2x104x128xf32, #tpu.memory_space<vmem>> -> memref<1x104x128xf32, #tpu.memory_space<vmem>>
        %dma_start3A_159 = tpu.memref_squeeze %dma_start3A_158 : memref<1x104x128xf32, #tpu.memory_space<vmem>> -> memref<104x128xf32, #tpu.memory_space<vmem>>
        %dma_start3A_160 = arith.constant 0 : i32
        %dma_start3A_161 = arith.constant 0 : i32
        %dma_start3A_162 = tpu.memref_slice %arg6[%add3A_81, %dma_start3A_160, %dma_start3A_161] : memref<3136x104x128xf32, #tpu.memory_space<hbm>> -> memref<1x104x128xf32, #tpu.memory_space<hbm>>
        %dma_start3A_163 = tpu.memref_squeeze %dma_start3A_162 : memref<1x104x128xf32, #tpu.memory_space<hbm>> -> memref<104x128xf32, #tpu.memory_space<hbm>>
        %dma_start3A_164 = arith.constant 0 : i32
        %dma_start3A_165 = arith.constant 0 : i32
        %dma_start3A_166 = tpu.memref_slice %arg6[%add3A_81, %dma_start3A_164, %dma_start3A_165] : memref<3136x104x128xf32, #tpu.memory_space<hbm>> -> memref<1x104x128xf32, #tpu.memory_space<hbm>>
        %dma_start3A_167 = tpu.memref_squeeze %dma_start3A_166 : memref<1x104x128xf32, #tpu.memory_space<hbm>> -> memref<104x128xf32, #tpu.memory_space<hbm>>
        %dma_start3A_168 = arith.constant 0 : i32
        %dma_start3A_169 = arith.constant 0 : i32
        %dma_start3A_170 = tpu.memref_slice %arg10[%run_scoped3A, %dma_start3A_168, %dma_start3A_169] : memref<2x104x128xf32, #tpu.memory_space<vmem>> -> memref<1x104x128xf32, #tpu.memory_space<vmem>>
        %dma_start3A_171 = tpu.memref_squeeze %dma_start3A_170 : memref<1x104x128xf32, #tpu.memory_space<vmem>> -> memref<104x128xf32, #tpu.memory_space<vmem>>
        tpu.enqueue_dma source(%dma_start3A_171 : memref<104x128xf32, #tpu.memory_space<vmem>>) target(%dma_start3A_167 : memref<104x128xf32, #tpu.memory_space<hbm>>) target_semaphore(%run_scoped3A_155 : memref<!tpu.dma_semaphore, #tpu.memory_space<semaphore_mem>>)
        %dma_wait3A_172 = arith.constant 0 : i32
        %dma_wait3A_173 = arith.constant 0 : i32
        %dma_wait3A_174 = tpu.memref_slice %arg10[%run_scoped3A, %dma_wait3A_172, %dma_wait3A_173] : memref<2x104x128xf32, #tpu.memory_space<vmem>> -> memref<1x104x128xf32, #tpu.memory_space<vmem>>
        %dma_wait3A_175 = tpu.memref_squeeze %dma_wait3A_174 : memref<1x104x128xf32, #tpu.memory_space<vmem>> -> memref<104x128xf32, #tpu.memory_space<vmem>>
        %dma_wait3A_176 = arith.constant 0 : i32
        %dma_wait3A_177 = arith.constant 0 : i32
        %dma_wait3A_178 = tpu.memref_slice %arg6[%add3A_81, %dma_wait3A_176, %dma_wait3A_177] : memref<3136x104x128xf32, #tpu.memory_space<hbm>> -> memref<1x104x128xf32, #tpu.memory_space<hbm>>
        %dma_wait3A_179 = tpu.memref_squeeze %dma_wait3A_178 : memref<1x104x128xf32, #tpu.memory_space<hbm>> -> memref<104x128xf32, #tpu.memory_space<hbm>>
        %dma_wait3A_180 = arith.constant 0 : i32
        %dma_wait3A_181 = arith.constant 0 : i32
        %dma_wait3A_182 = tpu.memref_slice %arg6[%add3A_81, %dma_wait3A_180, %dma_wait3A_181] : memref<3136x104x128xf32, #tpu.memory_space<hbm>> -> memref<1x104x128xf32, #tpu.memory_space<hbm>>
        %dma_wait3A_183 = tpu.memref_squeeze %dma_wait3A_182 : memref<1x104x128xf32, #tpu.memory_space<hbm>> -> memref<104x128xf32, #tpu.memory_space<hbm>>
        %dma_wait3A_184 = arith.constant 0 : i32
        %dma_wait3A_185 = arith.constant 0 : i32
        %dma_wait3A_186 = tpu.memref_slice %arg10[%run_scoped3A, %dma_wait3A_184, %dma_wait3A_185] : memref<2x104x128xf32, #tpu.memory_space<vmem>> -> memref<1x104x128xf32, #tpu.memory_space<vmem>>
        %dma_wait3A_187 = tpu.memref_squeeze %dma_wait3A_186 : memref<1x104x128xf32, #tpu.memory_space<vmem>> -> memref<104x128xf32, #tpu.memory_space<vmem>>
        tpu.wait_dma2 semaphore(%run_scoped3A_155 : memref<!tpu.dma_semaphore, #tpu.memory_space<semaphore_mem>>) src(%dma_wait3A_187 : memref<104x128xf32, #tpu.memory_space<vmem>>) dst(%dma_wait3A_183 : memref<104x128xf32, #tpu.memory_space<hbm>>)
        tpu.yield
      }) : () -> ()
      %dma_wait3A_82 = arith.constant 0 : i32
      %dma_wait3A_83 = arith.constant 0 : i32
      %dma_wait3A_84 = arith.constant 0 : i32
      %dma_wait3A_85 = arith.constant 0 : i32
      %dma_wait3A_86 = tpu.memref_slice %arg11[%dma_wait3A_83, %dma_wait3A_84, %dma_wait3A_85] : memref<2x104x128xf32, #tpu.memory_space<vmem>> -> memref<1x104x128xf32, #tpu.memory_space<vmem>>
      %dma_wait3A_87 = tpu.memref_squeeze %dma_wait3A_86 : memref<1x104x128xf32, #tpu.memory_space<vmem>> -> memref<104x128xf32, #tpu.memory_space<vmem>>
      %dma_wait3A_88 = arith.constant 0 : i32
      %dma_wait3A_89 = arith.constant 0 : i32
      %dma_wait3A_90 = tpu.memref_slice %arg7[%dma_wait3A_82, %dma_wait3A_88, %dma_wait3A_89] : memref<3136x104x128xf32, #tpu.memory_space<hbm>> -> memref<1x104x128xf32, #tpu.memory_space<hbm>>
      %dma_wait3A_91 = tpu.memref_squeeze %dma_wait3A_90 : memref<1x104x128xf32, #tpu.memory_space<hbm>> -> memref<104x128xf32, #tpu.memory_space<hbm>>
      %dma_wait3A_92 = arith.constant 0 : i32
      %dma_wait3A_93 = arith.constant 0 : i32
      %dma_wait3A_94 = tpu.memref_slice %arg11[%dma_wait3A_83, %dma_wait3A_92, %dma_wait3A_93] : memref<2x104x128xf32, #tpu.memory_space<vmem>> -> memref<1x104x128xf32, #tpu.memory_space<vmem>>
      %dma_wait3A_95 = tpu.memref_squeeze %dma_wait3A_94 : memref<1x104x128xf32, #tpu.memory_space<vmem>> -> memref<104x128xf32, #tpu.memory_space<vmem>>
      %dma_wait3A_96 = arith.constant 0 : i32
      %dma_wait3A_97 = arith.constant 0 : i32
      %dma_wait3A_98 = tpu.memref_slice %arg7[%dma_wait3A_82, %dma_wait3A_96, %dma_wait3A_97] : memref<3136x104x128xf32, #tpu.memory_space<hbm>> -> memref<1x104x128xf32, #tpu.memory_space<hbm>>
      %dma_wait3A_99 = tpu.memref_squeeze %dma_wait3A_98 : memref<1x104x128xf32, #tpu.memory_space<hbm>> -> memref<104x128xf32, #tpu.memory_space<hbm>>
      tpu.wait_dma2 semaphore(%arg14 : memref<!tpu.dma_semaphore, #tpu.memory_space<semaphore_mem>>) src(%dma_wait3A_99 : memref<104x128xf32, #tpu.memory_space<hbm>>) dst(%dma_wait3A_95 : memref<104x128xf32, #tpu.memory_space<vmem>>)
      %add3A_100 = arith.addi %mul3A_2, %add3A_63 : i32
      %run_scoped3A_101 = arith.constant 0 : i32
      "tpu.region"() ({
        %run_scoped3A_155 = tpu.sem_alloc : memref<!tpu.dma_semaphore, #tpu.memory_space<semaphore_mem>>
        %dma_start3A_156 = arith.constant 0 : i32
        %dma_start3A_157 = arith.constant 0 : i32
        %dma_start3A_158 = tpu.memref_slice %arg11[%run_scoped3A_101, %dma_start3A_156, %dma_start3A_157] : memref<2x104x128xf32, #tpu.memory_space<vmem>> -> memref<1x104x128xf32, #tpu.memory_space<vmem>>
        %dma_start3A_159 = tpu.memref_squeeze %dma_start3A_158 : memref<1x104x128xf32, #tpu.memory_space<vmem>> -> memref<104x128xf32, #tpu.memory_space<vmem>>
        %dma_start3A_160 = arith.constant 0 : i32
        %dma_start3A_161 = arith.constant 0 : i32
        %dma_start3A_162 = tpu.memref_slice %arg7[%add3A_100, %dma_start3A_160, %dma_start3A_161] : memref<3136x104x128xf32, #tpu.memory_space<hbm>> -> memref<1x104x128xf32, #tpu.memory_space<hbm>>
        %dma_start3A_163 = tpu.memref_squeeze %dma_start3A_162 : memref<1x104x128xf32, #tpu.memory_space<hbm>> -> memref<104x128xf32, #tpu.memory_space<hbm>>
        %dma_start3A_164 = arith.constant 0 : i32
        %dma_start3A_165 = arith.constant 0 : i32
        %dma_start3A_166 = tpu.memref_slice %arg7[%add3A_100, %dma_start3A_164, %dma_start3A_165] : memref<3136x104x128xf32, #tpu.memory_space<hbm>> -> memref<1x104x128xf32, #tpu.memory_space<hbm>>
        %dma_start3A_167 = tpu.memref_squeeze %dma_start3A_166 : memref<1x104x128xf32, #tpu.memory_space<hbm>> -> memref<104x128xf32, #tpu.memory_space<hbm>>
        %dma_start3A_168 = arith.constant 0 : i32
        %dma_start3A_169 = arith.constant 0 : i32
        %dma_start3A_170 = tpu.memref_slice %arg11[%run_scoped3A_101, %dma_start3A_168, %dma_start3A_169] : memref<2x104x128xf32, #tpu.memory_space<vmem>> -> memref<1x104x128xf32, #tpu.memory_space<vmem>>
        %dma_start3A_171 = tpu.memref_squeeze %dma_start3A_170 : memref<1x104x128xf32, #tpu.memory_space<vmem>> -> memref<104x128xf32, #tpu.memory_space<vmem>>
        tpu.enqueue_dma source(%dma_start3A_171 : memref<104x128xf32, #tpu.memory_space<vmem>>) target(%dma_start3A_167 : memref<104x128xf32, #tpu.memory_space<hbm>>) target_semaphore(%run_scoped3A_155 : memref<!tpu.dma_semaphore, #tpu.memory_space<semaphore_mem>>)
        %dma_wait3A_172 = arith.constant 0 : i32
        %dma_wait3A_173 = arith.constant 0 : i32
        %dma_wait3A_174 = tpu.memref_slice %arg11[%run_scoped3A_101, %dma_wait3A_172, %dma_wait3A_173] : memref<2x104x128xf32, #tpu.memory_space<vmem>> -> memref<1x104x128xf32, #tpu.memory_space<vmem>>
        %dma_wait3A_175 = tpu.memref_squeeze %dma_wait3A_174 : memref<1x104x128xf32, #tpu.memory_space<vmem>> -> memref<104x128xf32, #tpu.memory_space<vmem>>
        %dma_wait3A_176 = arith.constant 0 : i32
        %dma_wait3A_177 = arith.constant 0 : i32
        %dma_wait3A_178 = tpu.memref_slice %arg7[%add3A_100, %dma_wait3A_176, %dma_wait3A_177] : memref<3136x104x128xf32, #tpu.memory_space<hbm>> -> memref<1x104x128xf32, #tpu.memory_space<hbm>>
        %dma_wait3A_179 = tpu.memref_squeeze %dma_wait3A_178 : memref<1x104x128xf32, #tpu.memory_space<hbm>> -> memref<104x128xf32, #tpu.memory_space<hbm>>
        %dma_wait3A_180 = arith.constant 0 : i32
        %dma_wait3A_181 = arith.constant 0 : i32
        %dma_wait3A_182 = tpu.memref_slice %arg7[%add3A_100, %dma_wait3A_180, %dma_wait3A_181] : memref<3136x104x128xf32, #tpu.memory_space<hbm>> -> memref<1x104x128xf32, #tpu.memory_space<hbm>>
        %dma_wait3A_183 = tpu.memref_squeeze %dma_wait3A_182 : memref<1x104x128xf32, #tpu.memory_space<hbm>> -> memref<104x128xf32, #tpu.memory_space<hbm>>
        %dma_wait3A_184 = arith.constant 0 : i32
        %dma_wait3A_185 = arith.constant 0 : i32
        %dma_wait3A_186 = tpu.memref_slice %arg11[%run_scoped3A_101, %dma_wait3A_184, %dma_wait3A_185] : memref<2x104x128xf32, #tpu.memory_space<vmem>> -> memref<1x104x128xf32, #tpu.memory_space<vmem>>
        %dma_wait3A_187 = tpu.memref_squeeze %dma_wait3A_186 : memref<1x104x128xf32, #tpu.memory_space<vmem>> -> memref<104x128xf32, #tpu.memory_space<vmem>>
        tpu.wait_dma2 semaphore(%run_scoped3A_155 : memref<!tpu.dma_semaphore, #tpu.memory_space<semaphore_mem>>) src(%dma_wait3A_187 : memref<104x128xf32, #tpu.memory_space<vmem>>) dst(%dma_wait3A_183 : memref<104x128xf32, #tpu.memory_space<hbm>>)
        tpu.yield
      }) : () -> ()
      %add3A_102 = arith.constant 2 : i32
      %add3A_103 = arith.addi %add3A_63, %add3A_102 : i32
      %lt3A = arith.constant 98 : i32
      %lt3A_104 = arith.cmpi slt, %add3A_103, %lt3A : i32
      %convert_element_type3A = arith.extui %lt3A_104 : i1 to i32
      %cond3A = arith.constant 0 : i32
      %cond3A_105 = arith.cmpi ne, %convert_element_type3A, %cond3A : i32
      scf.if %cond3A_105 {
        %add3A_155 = arith.constant 2 : i32
        %add3A_156 = arith.addi %add3A_63, %add3A_155 : i32
        %dma_start3A_157 = arith.constant 0 : i32
        %dma_start3A_158 = arith.constant 0 : i32
        %dma_start3A_159 = arith.constant 0 : i32
        %dma_start3A_160 = arith.constant 0 : i32
        %dma_start3A_161 = tpu.memref_slice %arg10[%dma_start3A_158, %dma_start3A_159, %dma_start3A_160] : memref<2x104x128xf32, #tpu.memory_space<vmem>> -> memref<1x104x128xf32, #tpu.memory_space<vmem>>
        %dma_start3A_162 = tpu.memref_squeeze %dma_start3A_161 : memref<1x104x128xf32, #tpu.memory_space<vmem>> -> memref<104x128xf32, #tpu.memory_space<vmem>>
        %dma_start3A_163 = arith.constant 0 : i32
        %dma_start3A_164 = tpu.memref_slice %arg8[%add3A_156, %dma_start3A_157, %dma_start3A_163] : memref<98x1x104xi32, #tpu.memory_space<vmem>> -> memref<1x1x104xi32, #tpu.memory_space<vmem>>
        %dma_start3A_165 = tpu.memref_squeeze %dma_start3A_164 : memref<1x1x104xi32, #tpu.memory_space<vmem>> -> memref<104xi32, #tpu.memory_space<vmem>>
        %dma_start3A_166 = arith.constant 0 : i32
        %dma_start3A_167 = arith.constant 0 : i32
        %dma_start3A_168 = tpu.memref_slice %arg2[%dma_start3A_166, %dma_start3A_167] : memref<10000x128xf32, #tpu.memory_space<hbm>> -> memref<10000x128xf32, #tpu.memory_space<hbm>>
        tpu.enqueue_indirect_dma source(%dma_start3A_168 : memref<10000x128xf32, #tpu.memory_space<hbm>>) target(%dma_start3A_162 : memref<104x128xf32, #tpu.memory_space<vmem>>) offsets(%dma_start3A_165 : memref<104xi32, #tpu.memory_space<vmem>>) semaphore(%arg12 : memref<!tpu.dma_semaphore, #tpu.memory_space<semaphore_mem>>)
        %add3A_169 = arith.constant 2 : i32
        %add3A_170 = arith.addi %add3A_63, %add3A_169 : i32
        %dma_start3A_171 = arith.constant 0 : i32
        %dma_start3A_172 = arith.constant 0 : i32
        %dma_start3A_173 = arith.constant 0 : i32
        %dma_start3A_174 = arith.constant 0 : i32
        %dma_start3A_175 = tpu.memref_slice %arg11[%dma_start3A_172, %dma_start3A_173, %dma_start3A_174] : memref<2x104x128xf32, #tpu.memory_space<vmem>> -> memref<1x104x128xf32, #tpu.memory_space<vmem>>
        %dma_start3A_176 = tpu.memref_squeeze %dma_start3A_175 : memref<1x104x128xf32, #tpu.memory_space<vmem>> -> memref<104x128xf32, #tpu.memory_space<vmem>>
        %dma_start3A_177 = arith.constant 0 : i32
        %dma_start3A_178 = tpu.memref_slice %arg9[%add3A_170, %dma_start3A_171, %dma_start3A_177] : memref<98x1x104xi32, #tpu.memory_space<vmem>> -> memref<1x1x104xi32, #tpu.memory_space<vmem>>
        %dma_start3A_179 = tpu.memref_squeeze %dma_start3A_178 : memref<1x1x104xi32, #tpu.memory_space<vmem>> -> memref<104xi32, #tpu.memory_space<vmem>>
        %dma_start3A_180 = arith.constant 0 : i32
        %dma_start3A_181 = arith.constant 0 : i32
        %dma_start3A_182 = tpu.memref_slice %arg3[%dma_start3A_180, %dma_start3A_181] : memref<10000x128xf32, #tpu.memory_space<hbm>> -> memref<10000x128xf32, #tpu.memory_space<hbm>>
        tpu.enqueue_indirect_dma source(%dma_start3A_182 : memref<10000x128xf32, #tpu.memory_space<hbm>>) target(%dma_start3A_176 : memref<104x128xf32, #tpu.memory_space<vmem>>) offsets(%dma_start3A_179 : memref<104xi32, #tpu.memory_space<vmem>>) semaphore(%arg14 : memref<!tpu.dma_semaphore, #tpu.memory_space<semaphore_mem>>)
      } else {
      }
      %add3A_106 = arith.constant 1 : i32
      %add3A_107 = arith.addi %mul3A_61, %add3A_106 : i32
      %dma_wait3A_108 = arith.constant 0 : i32
      %dma_wait3A_109 = arith.constant 1 : i32
      %dma_wait3A_110 = arith.constant 0 : i32
      %dma_wait3A_111 = arith.constant 0 : i32
      %dma_wait3A_112 = tpu.memref_slice %arg10[%dma_wait3A_109, %dma_wait3A_110, %dma_wait3A_111] : memref<2x104x128xf32, #tpu.memory_space<vmem>> -> memref<1x104x128xf32, #tpu.memory_space<vmem>>
      %dma_wait3A_113 = tpu.memref_squeeze %dma_wait3A_112 : memref<1x104x128xf32, #tpu.memory_space<vmem>> -> memref<104x128xf32, #tpu.memory_space<vmem>>
      %dma_wait3A_114 = arith.constant 0 : i32
      %dma_wait3A_115 = arith.constant 0 : i32
      %dma_wait3A_116 = tpu.memref_slice %arg6[%dma_wait3A_108, %dma_wait3A_114, %dma_wait3A_115] : memref<3136x104x128xf32, #tpu.memory_space<hbm>> -> memref<1x104x128xf32, #tpu.memory_space<hbm>>
      %dma_wait3A_117 = tpu.memref_squeeze %dma_wait3A_116 : memref<1x104x128xf32, #tpu.memory_space<hbm>> -> memref<104x128xf32, #tpu.memory_space<hbm>>
      %dma_wait3A_118 = arith.constant 0 : i32
      %dma_wait3A_119 = arith.constant 0 : i32
      %dma_wait3A_120 = tpu.memref_slice %arg10[%dma_wait3A_109, %dma_wait3A_118, %dma_wait3A_119] : memref<2x104x128xf32, #tpu.memory_space<vmem>> -> memref<1x104x128xf32, #tpu.memory_space<vmem>>
      %dma_wait3A_121 = tpu.memref_squeeze %dma_wait3A_120 : memref<1x104x128xf32, #tpu.memory_space<vmem>> -> memref<104x128xf32, #tpu.memory_space<vmem>>
      %dma_wait3A_122 = arith.constant 0 : i32
      %dma_wait3A_123 = arith.constant 0 : i32
      %dma_wait3A_124 = tpu.memref_slice %arg6[%dma_wait3A_108, %dma_wait3A_122, %dma_wait3A_123] : memref<3136x104x128xf32, #tpu.memory_space<hbm>> -> memref<1x104x128xf32, #tpu.memory_space<hbm>>
      %dma_wait3A_125 = tpu.memref_squeeze %dma_wait3A_124 : memref<1x104x128xf32, #tpu.memory_space<hbm>> -> memref<104x128xf32, #tpu.memory_space<hbm>>
      tpu.wait_dma2 semaphore(%arg13 : memref<!tpu.dma_semaphore, #tpu.memory_space<semaphore_mem>>) src(%dma_wait3A_125 : memref<104x128xf32, #tpu.memory_space<hbm>>) dst(%dma_wait3A_121 : memref<104x128xf32, #tpu.memory_space<vmem>>)
      %add3A_126 = arith.addi %mul3A_2, %add3A_107 : i32
      %run_scoped3A_127 = arith.constant 1 : i32
      "tpu.region"() ({
        %run_scoped3A_155 = tpu.sem_alloc : memref<!tpu.dma_semaphore, #tpu.memory_space<semaphore_mem>>
        %dma_start3A_156 = arith.constant 0 : i32
        %dma_start3A_157 = arith.constant 0 : i32
        %dma_start3A_158 = tpu.memref_slice %arg10[%run_scoped3A_127, %dma_start3A_156, %dma_start3A_157] : memref<2x104x128xf32, #tpu.memory_space<vmem>> -> memref<1x104x128xf32, #tpu.memory_space<vmem>>
        %dma_start3A_159 = tpu.memref_squeeze %dma_start3A_158 : memref<1x104x128xf32, #tpu.memory_space<vmem>> -> memref<104x128xf32, #tpu.memory_space<vmem>>
        %dma_start3A_160 = arith.constant 0 : i32
        %dma_start3A_161 = arith.constant 0 : i32
        %dma_start3A_162 = tpu.memref_slice %arg6[%add3A_126, %dma_start3A_160, %dma_start3A_161] : memref<3136x104x128xf32, #tpu.memory_space<hbm>> -> memref<1x104x128xf32, #tpu.memory_space<hbm>>
        %dma_start3A_163 = tpu.memref_squeeze %dma_start3A_162 : memref<1x104x128xf32, #tpu.memory_space<hbm>> -> memref<104x128xf32, #tpu.memory_space<hbm>>
        %dma_start3A_164 = arith.constant 0 : i32
        %dma_start3A_165 = arith.constant 0 : i32
        %dma_start3A_166 = tpu.memref_slice %arg6[%add3A_126, %dma_start3A_164, %dma_start3A_165] : memref<3136x104x128xf32, #tpu.memory_space<hbm>> -> memref<1x104x128xf32, #tpu.memory_space<hbm>>
        %dma_start3A_167 = tpu.memref_squeeze %dma_start3A_166 : memref<1x104x128xf32, #tpu.memory_space<hbm>> -> memref<104x128xf32, #tpu.memory_space<hbm>>
        %dma_start3A_168 = arith.constant 0 : i32
        %dma_start3A_169 = arith.constant 0 : i32
        %dma_start3A_170 = tpu.memref_slice %arg10[%run_scoped3A_127, %dma_start3A_168, %dma_start3A_169] : memref<2x104x128xf32, #tpu.memory_space<vmem>> -> memref<1x104x128xf32, #tpu.memory_space<vmem>>
        %dma_start3A_171 = tpu.memref_squeeze %dma_start3A_170 : memref<1x104x128xf32, #tpu.memory_space<vmem>> -> memref<104x128xf32, #tpu.memory_space<vmem>>
        tpu.enqueue_dma source(%dma_start3A_171 : memref<104x128xf32, #tpu.memory_space<vmem>>) target(%dma_start3A_167 : memref<104x128xf32, #tpu.memory_space<hbm>>) target_semaphore(%run_scoped3A_155 : memref<!tpu.dma_semaphore, #tpu.memory_space<semaphore_mem>>)
        %dma_wait3A_172 = arith.constant 0 : i32
        %dma_wait3A_173 = arith.constant 0 : i32
        %dma_wait3A_174 = tpu.memref_slice %arg10[%run_scoped3A_127, %dma_wait3A_172, %dma_wait3A_173] : memref<2x104x128xf32, #tpu.memory_space<vmem>> -> memref<1x104x128xf32, #tpu.memory_space<vmem>>
        %dma_wait3A_175 = tpu.memref_squeeze %dma_wait3A_174 : memref<1x104x128xf32, #tpu.memory_space<vmem>> -> memref<104x128xf32, #tpu.memory_space<vmem>>
        %dma_wait3A_176 = arith.constant 0 : i32
        %dma_wait3A_177 = arith.constant 0 : i32
        %dma_wait3A_178 = tpu.memref_slice %arg6[%add3A_126, %dma_wait3A_176, %dma_wait3A_177] : memref<3136x104x128xf32, #tpu.memory_space<hbm>> -> memref<1x104x128xf32, #tpu.memory_space<hbm>>
        %dma_wait3A_179 = tpu.memref_squeeze %dma_wait3A_178 : memref<1x104x128xf32, #tpu.memory_space<hbm>> -> memref<104x128xf32, #tpu.memory_space<hbm>>
        %dma_wait3A_180 = arith.constant 0 : i32
        %dma_wait3A_181 = arith.constant 0 : i32
        %dma_wait3A_182 = tpu.memref_slice %arg6[%add3A_126, %dma_wait3A_180, %dma_wait3A_181] : memref<3136x104x128xf32, #tpu.memory_space<hbm>> -> memref<1x104x128xf32, #tpu.memory_space<hbm>>
        %dma_wait3A_183 = tpu.memref_squeeze %dma_wait3A_182 : memref<1x104x128xf32, #tpu.memory_space<hbm>> -> memref<104x128xf32, #tpu.memory_space<hbm>>
        %dma_wait3A_184 = arith.constant 0 : i32
        %dma_wait3A_185 = arith.constant 0 : i32
        %dma_wait3A_186 = tpu.memref_slice %arg10[%run_scoped3A_127, %dma_wait3A_184, %dma_wait3A_185] : memref<2x104x128xf32, #tpu.memory_space<vmem>> -> memref<1x104x128xf32, #tpu.memory_space<vmem>>
        %dma_wait3A_187 = tpu.memref_squeeze %dma_wait3A_186 : memref<1x104x128xf32, #tpu.memory_space<vmem>> -> memref<104x128xf32, #tpu.memory_space<vmem>>
        tpu.wait_dma2 semaphore(%run_scoped3A_155 : memref<!tpu.dma_semaphore, #tpu.memory_space<semaphore_mem>>) src(%dma_wait3A_187 : memref<104x128xf32, #tpu.memory_space<vmem>>) dst(%dma_wait3A_183 : memref<104x128xf32, #tpu.memory_space<hbm>>)
        tpu.yield
      }) : () -> ()
      %dma_wait3A_128 = arith.constant 0 : i32
      %dma_wait3A_129 = arith.constant 1 : i32
      %dma_wait3A_130 = arith.constant 0 : i32
      %dma_wait3A_131 = arith.constant 0 : i32
      %dma_wait3A_132 = tpu.memref_slice %arg11[%dma_wait3A_129, %dma_wait3A_130, %dma_wait3A_131] : memref<2x104x128xf32, #tpu.memory_space<vmem>> -> memref<1x104x128xf32, #tpu.memory_space<vmem>>
      %dma_wait3A_133 = tpu.memref_squeeze %dma_wait3A_132 : memref<1x104x128xf32, #tpu.memory_space<vmem>> -> memref<104x128xf32, #tpu.memory_space<vmem>>
      %dma_wait3A_134 = arith.constant 0 : i32
      %dma_wait3A_135 = arith.constant 0 : i32
      %dma_wait3A_136 = tpu.memref_slice %arg7[%dma_wait3A_128, %dma_wait3A_134, %dma_wait3A_135] : memref<3136x104x128xf32, #tpu.memory_space<hbm>> -> memref<1x104x128xf32, #tpu.memory_space<hbm>>
      %dma_wait3A_137 = tpu.memref_squeeze %dma_wait3A_136 : memref<1x104x128xf32, #tpu.memory_space<hbm>> -> memref<104x128xf32, #tpu.memory_space<hbm>>
      %dma_wait3A_138 = arith.constant 0 : i32
      %dma_wait3A_139 = arith.constant 0 : i32
      %dma_wait3A_140 = tpu.memref_slice %arg11[%dma_wait3A_129, %dma_wait3A_138, %dma_wait3A_139] : memref<2x104x128xf32, #tpu.memory_space<vmem>> -> memref<1x104x128xf32, #tpu.memory_space<vmem>>
      %dma_wait3A_141 = tpu.memref_squeeze %dma_wait3A_140 : memref<1x104x128xf32, #tpu.memory_space<vmem>> -> memref<104x128xf32, #tpu.memory_space<vmem>>
      %dma_wait3A_142 = arith.constant 0 : i32
      %dma_wait3A_143 = arith.constant 0 : i32
      %dma_wait3A_144 = tpu.memref_slice %arg7[%dma_wait3A_128, %dma_wait3A_142, %dma_wait3A_143] : memref<3136x104x128xf32, #tpu.memory_space<hbm>> -> memref<1x104x128xf32, #tpu.memory_space<hbm>>
      %dma_wait3A_145 = tpu.memref_squeeze %dma_wait3A_144 : memref<1x104x128xf32, #tpu.memory_space<hbm>> -> memref<104x128xf32, #tpu.memory_space<hbm>>
      tpu.wait_dma2 semaphore(%arg15 : memref<!tpu.dma_semaphore, #tpu.memory_space<semaphore_mem>>) src(%dma_wait3A_145 : memref<104x128xf32, #tpu.memory_space<hbm>>) dst(%dma_wait3A_141 : memref<104x128xf32, #tpu.memory_space<vmem>>)
      %add3A_146 = arith.addi %mul3A_2, %add3A_107 : i32
      %run_scoped3A_147 = arith.constant 1 : i32
      "tpu.region"() ({
        %run_scoped3A_155 = tpu.sem_alloc : memref<!tpu.dma_semaphore, #tpu.memory_space<semaphore_mem>>
        %dma_start3A_156 = arith.constant 0 : i32
        %dma_start3A_157 = arith.constant 0 : i32
        %dma_start3A_158 = tpu.memref_slice %arg11[%run_scoped3A_147, %dma_start3A_156, %dma_start3A_157] : memref<2x104x128xf32, #tpu.memory_space<vmem>> -> memref<1x104x128xf32, #tpu.memory_space<vmem>>
        %dma_start3A_159 = tpu.memref_squeeze %dma_start3A_158 : memref<1x104x128xf32, #tpu.memory_space<vmem>> -> memref<104x128xf32, #tpu.memory_space<vmem>>
        %dma_start3A_160 = arith.constant 0 : i32
        %dma_start3A_161 = arith.constant 0 : i32
        %dma_start3A_162 = tpu.memref_slice %arg7[%add3A_146, %dma_start3A_160, %dma_start3A_161] : memref<3136x104x128xf32, #tpu.memory_space<hbm>> -> memref<1x104x128xf32, #tpu.memory_space<hbm>>
        %dma_start3A_163 = tpu.memref_squeeze %dma_start3A_162 : memref<1x104x128xf32, #tpu.memory_space<hbm>> -> memref<104x128xf32, #tpu.memory_space<hbm>>
        %dma_start3A_164 = arith.constant 0 : i32
        %dma_start3A_165 = arith.constant 0 : i32
        %dma_start3A_166 = tpu.memref_slice %arg7[%add3A_146, %dma_start3A_164, %dma_start3A_165] : memref<3136x104x128xf32, #tpu.memory_space<hbm>> -> memref<1x104x128xf32, #tpu.memory_space<hbm>>
        %dma_start3A_167 = tpu.memref_squeeze %dma_start3A_166 : memref<1x104x128xf32, #tpu.memory_space<hbm>> -> memref<104x128xf32, #tpu.memory_space<hbm>>
        %dma_start3A_168 = arith.constant 0 : i32
        %dma_start3A_169 = arith.constant 0 : i32
        %dma_start3A_170 = tpu.memref_slice %arg11[%run_scoped3A_147, %dma_start3A_168, %dma_start3A_169] : memref<2x104x128xf32, #tpu.memory_space<vmem>> -> memref<1x104x128xf32, #tpu.memory_space<vmem>>
        %dma_start3A_171 = tpu.memref_squeeze %dma_start3A_170 : memref<1x104x128xf32, #tpu.memory_space<vmem>> -> memref<104x128xf32, #tpu.memory_space<vmem>>
        tpu.enqueue_dma source(%dma_start3A_171 : memref<104x128xf32, #tpu.memory_space<vmem>>) target(%dma_start3A_167 : memref<104x128xf32, #tpu.memory_space<hbm>>) target_semaphore(%run_scoped3A_155 : memref<!tpu.dma_semaphore, #tpu.memory_space<semaphore_mem>>)
        %dma_wait3A_172 = arith.constant 0 : i32
        %dma_wait3A_173 = arith.constant 0 : i32
        %dma_wait3A_174 = tpu.memref_slice %arg11[%run_scoped3A_147, %dma_wait3A_172, %dma_wait3A_173] : memref<2x104x128xf32, #tpu.memory_space<vmem>> -> memref<1x104x128xf32, #tpu.memory_space<vmem>>
        %dma_wait3A_175 = tpu.memref_squeeze %dma_wait3A_174 : memref<1x104x128xf32, #tpu.memory_space<vmem>> -> memref<104x128xf32, #tpu.memory_space<vmem>>
        %dma_wait3A_176 = arith.constant 0 : i32
        %dma_wait3A_177 = arith.constant 0 : i32
        %dma_wait3A_178 = tpu.memref_slice %arg7[%add3A_146, %dma_wait3A_176, %dma_wait3A_177] : memref<3136x104x128xf32, #tpu.memory_space<hbm>> -> memref<1x104x128xf32, #tpu.memory_space<hbm>>
        %dma_wait3A_179 = tpu.memref_squeeze %dma_wait3A_178 : memref<1x104x128xf32, #tpu.memory_space<hbm>> -> memref<104x128xf32, #tpu.memory_space<hbm>>
        %dma_wait3A_180 = arith.constant 0 : i32
        %dma_wait3A_181 = arith.constant 0 : i32
        %dma_wait3A_182 = tpu.memref_slice %arg7[%add3A_146, %dma_wait3A_180, %dma_wait3A_181] : memref<3136x104x128xf32, #tpu.memory_space<hbm>> -> memref<1x104x128xf32, #tpu.memory_space<hbm>>
        %dma_wait3A_183 = tpu.memref_squeeze %dma_wait3A_182 : memref<1x104x128xf32, #tpu.memory_space<hbm>> -> memref<104x128xf32, #tpu.memory_space<hbm>>
        %dma_wait3A_184 = arith.constant 0 : i32
        %dma_wait3A_185 = arith.constant 0 : i32
        %dma_wait3A_186 = tpu.memref_slice %arg11[%run_scoped3A_147, %dma_wait3A_184, %dma_wait3A_185] : memref<2x104x128xf32, #tpu.memory_space<vmem>> -> memref<1x104x128xf32, #tpu.memory_space<vmem>>
        %dma_wait3A_187 = tpu.memref_squeeze %dma_wait3A_186 : memref<1x104x128xf32, #tpu.memory_space<vmem>> -> memref<104x128xf32, #tpu.memory_space<vmem>>
        tpu.wait_dma2 semaphore(%run_scoped3A_155 : memref<!tpu.dma_semaphore, #tpu.memory_space<semaphore_mem>>) src(%dma_wait3A_187 : memref<104x128xf32, #tpu.memory_space<vmem>>) dst(%dma_wait3A_183 : memref<104x128xf32, #tpu.memory_space<hbm>>)
        tpu.yield
      }) : () -> ()
      %add3A_148 = arith.constant 2 : i32
      %add3A_149 = arith.addi %add3A_107, %add3A_148 : i32
      %lt3A_150 = arith.constant 98 : i32
      %lt3A_151 = arith.cmpi slt, %add3A_149, %lt3A_150 : i32
      %convert_element_type3A_152 = arith.extui %lt3A_151 : i1 to i32
      %cond3A_153 = arith.constant 0 : i32
      %cond3A_154 = arith.cmpi ne, %convert_element_type3A_152, %cond3A_153 : i32
      scf.if %cond3A_154 {
        %add3A_155 = arith.constant 2 : i32
        %add3A_156 = arith.addi %add3A_107, %add3A_155 : i32
        %dma_start3A_157 = arith.constant 0 : i32
        %dma_start3A_158 = arith.constant 1 : i32
        %dma_start3A_159 = arith.constant 0 : i32
        %dma_start3A_160 = arith.constant 0 : i32
        %dma_start3A_161 = tpu.memref_slice %arg10[%dma_start3A_158, %dma_start3A_159, %dma_start3A_160] : memref<2x104x128xf32, #tpu.memory_space<vmem>> -> memref<1x104x128xf32, #tpu.memory_space<vmem>>
        %dma_start3A_162 = tpu.memref_squeeze %dma_start3A_161 : memref<1x104x128xf32, #tpu.memory_space<vmem>> -> memref<104x128xf32, #tpu.memory_space<vmem>>
        %dma_start3A_163 = arith.constant 0 : i32
        %dma_start3A_164 = tpu.memref_slice %arg8[%add3A_156, %dma_start3A_157, %dma_start3A_163] : memref<98x1x104xi32, #tpu.memory_space<vmem>> -> memref<1x1x104xi32, #tpu.memory_space<vmem>>
        %dma_start3A_165 = tpu.memref_squeeze %dma_start3A_164 : memref<1x1x104xi32, #tpu.memory_space<vmem>> -> memref<104xi32, #tpu.memory_space<vmem>>
        %dma_start3A_166 = arith.constant 0 : i32
        %dma_start3A_167 = arith.constant 0 : i32
        %dma_start3A_168 = tpu.memref_slice %arg2[%dma_start3A_166, %dma_start3A_167] : memref<10000x128xf32, #tpu.memory_space<hbm>> -> memref<10000x128xf32, #tpu.memory_space<hbm>>
        tpu.enqueue_indirect_dma source(%dma_start3A_168 : memref<10000x128xf32, #tpu.memory_space<hbm>>) target(%dma_start3A_162 : memref<104x128xf32, #tpu.memory_space<vmem>>) offsets(%dma_start3A_165 : memref<104xi32, #tpu.memory_space<vmem>>) semaphore(%arg13 : memref<!tpu.dma_semaphore, #tpu.memory_space<semaphore_mem>>)
        %add3A_169 = arith.constant 2 : i32
        %add3A_170 = arith.addi %add3A_107, %add3A_169 : i32
        %dma_start3A_171 = arith.constant 0 : i32
        %dma_start3A_172 = arith.constant 1 : i32
        %dma_start3A_173 = arith.constant 0 : i32
        %dma_start3A_174 = arith.constant 0 : i32
        %dma_start3A_175 = tpu.memref_slice %arg11[%dma_start3A_172, %dma_start3A_173, %dma_start3A_174] : memref<2x104x128xf32, #tpu.memory_space<vmem>> -> memref<1x104x128xf32, #tpu.memory_space<vmem>>
        %dma_start3A_176 = tpu.memref_squeeze %dma_start3A_175 : memref<1x104x128xf32, #tpu.memory_space<vmem>> -> memref<104x128xf32, #tpu.memory_space<vmem>>
        %dma_start3A_177 = arith.constant 0 : i32
        %dma_start3A_178 = tpu.memref_slice %arg9[%add3A_170, %dma_start3A_171, %dma_start3A_177] : memref<98x1x104xi32, #tpu.memory_space<vmem>> -> memref<1x1x104xi32, #tpu.memory_space<vmem>>
        %dma_start3A_179 = tpu.memref_squeeze %dma_start3A_178 : memref<1x1x104xi32, #tpu.memory_space<vmem>> -> memref<104xi32, #tpu.memory_space<vmem>>
        %dma_start3A_180 = arith.constant 0 : i32
        %dma_start3A_181 = arith.constant 0 : i32
        %dma_start3A_182 = tpu.memref_slice %arg3[%dma_start3A_180, %dma_start3A_181] : memref<10000x128xf32, #tpu.memory_space<hbm>> -> memref<10000x128xf32, #tpu.memory_space<hbm>>
        tpu.enqueue_indirect_dma source(%dma_start3A_182 : memref<10000x128xf32, #tpu.memory_space<hbm>>) target(%dma_start3A_176 : memref<104x128xf32, #tpu.memory_space<vmem>>) offsets(%dma_start3A_179 : memref<104xi32, #tpu.memory_space<vmem>>) semaphore(%arg15 : memref<!tpu.dma_semaphore, #tpu.memory_space<semaphore_mem>>)
      } else {
      }
    }
    %scan3A_58 = arith.constant 49 : i32
    return
  }
}

module attributes {stable_mosaic.version = 14 : i64} {
  func.func @_p1_body(%arg0: i32, %arg1: memref<1000x128xf32, #tpu.memory_space<vmem>>, %arg2: memref<1000x8xf32, #tpu.memory_space<vmem>>, %arg3: memref<1000x1xi32, #tpu.memory_space<vmem>>, %arg4: memref<128x128xf32, #tpu.memory_space<vmem>>, %arg5: memref<128x128xf32, #tpu.memory_space<vmem>>, %arg6: memref<1000x128xf32, #tpu.memory_space<vmem>>, %arg7: memref<1000x128xf32, #tpu.memory_space<vmem>>, %arg8: memref<16x8xf32, #tpu.memory_space<vmem>>, %arg9: memref<16x8xf32, #tpu.memory_space<vmem>>) attributes {dimension_semantics = [#tpu.dimension_semantics<arbitrary>], iteration_bounds = array<i64: 10>, scalar_prefetch = 0 : i64, scratch_operands = 0 : i64, tpu.core_type = #tpu.core_type<tc>, window_params = [{transform_indices = @transform_0, window_bounds = array<i64: 1000, 128>}, {transform_indices = @transform_1, window_bounds = array<i64: 1000, 8>}, {transform_indices = @transform_2, window_bounds = array<i64: 1000, 1>}, {pipeline_mode = #tpu.pipeline_mode<synchronous>, transform_indices = @transform_3, window_bounds = array<i64: 128, 128>}, {pipeline_mode = #tpu.pipeline_mode<synchronous>, transform_indices = @transform_4, window_bounds = array<i64: 128, 128>}, {transform_indices = @transform_5, window_bounds = array<i64: 1000, 128>}, {transform_indices = @transform_6, window_bounds = array<i64: 1000, 128>}, {pipeline_mode = #tpu.pipeline_mode<synchronous>, transform_indices = @transform_7, window_bounds = array<i64: 16, 8>}, {pipeline_mode = #tpu.pipeline_mode<synchronous>, transform_indices = @transform_8, window_bounds = array<i64: 16, 8>}]} {
    %get3A = arith.constant 0 : index
    %get3A_0 = arith.constant 0 : index
    %get3A_1 = vector.load %arg1[%get3A, %get3A_0] : memref<1000x128xf32, #tpu.memory_space<vmem>>, vector<1000x128xf32>
    %get3A_2 = arith.constant 0 : index
    %get3A_3 = arith.constant 0 : index
    %get3A_4 = vector.load %arg2[%get3A_2, %get3A_3] : memref<1000x8xf32, #tpu.memory_space<vmem>>, vector<1000x8xf32>
    %get3A_5 = arith.constant 0 : index
    %get3A_6 = arith.constant 0 : index
    %get3A_7 = vector.load %arg3[%get3A_5, %get3A_6] : memref<1000x1xi32, #tpu.memory_space<vmem>>, vector<1000x1xi32>
    %iota3A = tpu.iota {dimensions = array<i32: 1>} : vector<1x16xi32>
    %eq3A = vector.broadcast %get3A_7 : vector<1000x1xi32> to vector<1000x16xi32>
    %eq3A_8 = vector.broadcast %iota3A : vector<1x16xi32> to vector<1000x16xi32>
    %eq3A_9 = arith.cmpi eq, %eq3A, %eq3A_8 : vector<1000x16xi32>
    %convert_element_type3A = arith.extui %eq3A_9 : vector<1000x16xi1> to vector<1000x16xi32>
    %convert_element_type3A_10 = arith.sitofp %convert_element_type3A : vector<1000x16xi32> to vector<1000x16xf32>
    %broadcast_in_dim3A = arith.constant 0.000000e+00 : f32
    %broadcast_in_dim3A_11 = vector.broadcast %broadcast_in_dim3A : f32 to vector<1000x56xf32>
    %get3A_12 = arith.constant 0 : index
    %get3A_13 = arith.constant 0 : index
    %get3A_14 = vector.load %arg4[%get3A_12, %get3A_13] : memref<128x128xf32, #tpu.memory_space<vmem>>, vector<128x128xf32>
    %convert_element_type3A_15 = arith.truncf %get3A_1 : vector<1000x128xf32> to vector<1000x128xbf16>
    %convert_element_type3A_16 = arith.truncf %get3A_14 : vector<128x128xf32> to vector<128x128xbf16>
    %dot_general3A = arith.constant dense<0.000000e+00> : vector<1000x128xf32>
    %dot_general3A_17 = tpu.matmul %convert_element_type3A_15, %convert_element_type3A_16, %dot_general3A {dimension_numbers = #tpu.dot_dimension_numbers<[1], [0], [0], [1], [0, 0, 1, 1], [], []>, transpose_lhs_hint = false} : vector<1000x128xbf16>, vector<128x128xbf16>, vector<1000x128xf32> -> vector<1000x128xf32>
    %convert_element_type3A_18 = arith.truncf %dot_general3A_17 : vector<1000x128xf32> to vector<1000x128xbf16>
    %slice3A = vector.extract_strided_slice %convert_element_type3A_18 {offsets = [0, 0], sizes = [1000, 64], strides = [1, 1]} : vector<1000x128xbf16> to vector<1000x64xbf16>
    %bitcast_convert_type3A = tpu.bitcast %slice3A : vector<1000x64xbf16> -> vector<1000x64xi16>
    %convert_element_type3A_19 = arith.extui %bitcast_convert_type3A : vector<1000x64xi16> to vector<1000x64xi32>
    %slice3A_20 = vector.extract_strided_slice %convert_element_type3A_18 {offsets = [0, 64], sizes = [1000, 64], strides = [1, 1]} : vector<1000x128xbf16> to vector<1000x64xbf16>
    %bitcast_convert_type3A_21 = tpu.bitcast %slice3A_20 : vector<1000x64xbf16> -> vector<1000x64xi16>
    %convert_element_type3A_22 = arith.extui %bitcast_convert_type3A_21 : vector<1000x64xi16> to vector<1000x64xi32>
    %shift_left3A = arith.constant 16 : i32
    %shift_left3A_23 = vector.broadcast %shift_left3A : i32 to vector<1000x64xi32>
    %shift_left3A_24 = arith.shli %convert_element_type3A_19, %shift_left3A_23 : vector<1000x64xi32>
    %or3A = arith.ori %shift_left3A_24, %convert_element_type3A_22 : vector<1000x64xi32>
    %bitcast_convert_type3A_25 = tpu.bitcast %or3A : vector<1000x64xi32> -> vector<1000x64xf32>
    %concatenate3A = tpu.concatenate %bitcast_convert_type3A_25, %get3A_4, %broadcast_in_dim3A_11 in 1 : vector<1000x64xf32>, vector<1000x8xf32>, vector<1000x56xf32> -> vector<1000x128xf32>
    %swap3A = arith.constant 0 : index
    %swap3A_26 = arith.constant 0 : index
    %swap3A_27 = vector.load %arg6[%swap3A, %swap3A_26] : memref<1000x128xf32, #tpu.memory_space<vmem>>, vector<1000x128xf32>
    tpu.vector_store %arg6[%swap3A, %swap3A_26], %concatenate3A {strides = array<i32>} : memref<1000x128xf32, #tpu.memory_space<vmem>>, vector<1000x128xf32>,
    %get3A_28 = arith.constant 0 : index
    %get3A_29 = arith.constant 0 : index
    %get3A_30 = vector.load %arg5[%get3A_28, %get3A_29] : memref<128x128xf32, #tpu.memory_space<vmem>>, vector<128x128xf32>
    %convert_element_type3A_31 = arith.truncf %get3A_1 : vector<1000x128xf32> to vector<1000x128xbf16>
    %convert_element_type3A_32 = arith.truncf %get3A_30 : vector<128x128xf32> to vector<128x128xbf16>
    %dot_general3A_33 = arith.constant dense<0.000000e+00> : vector<1000x128xf32>
    %dot_general3A_34 = tpu.matmul %convert_element_type3A_31, %convert_element_type3A_32, %dot_general3A_33 {dimension_numbers = #tpu.dot_dimension_numbers<[1], [0], [0], [1], [0, 0, 1, 1], [], []>, transpose_lhs_hint = false} : vector<1000x128xbf16>, vector<128x128xbf16>, vector<1000x128xf32> -> vector<1000x128xf32>
    %convert_element_type3A_35 = arith.truncf %dot_general3A_34 : vector<1000x128xf32> to vector<1000x128xbf16>
    %slice3A_36 = vector.extract_strided_slice %convert_element_type3A_35 {offsets = [0, 0], sizes = [1000, 64], strides = [1, 1]} : vector<1000x128xbf16> to vector<1000x64xbf16>
    %bitcast_convert_type3A_37 = tpu.bitcast %slice3A_36 : vector<1000x64xbf16> -> vector<1000x64xi16>
    %convert_element_type3A_38 = arith.extui %bitcast_convert_type3A_37 : vector<1000x64xi16> to vector<1000x64xi32>
    %slice3A_39 = vector.extract_strided_slice %convert_element_type3A_35 {offsets = [0, 64], sizes = [1000, 64], strides = [1, 1]} : vector<1000x128xbf16> to vector<1000x64xbf16>
    %bitcast_convert_type3A_40 = tpu.bitcast %slice3A_39 : vector<1000x64xbf16> -> vector<1000x64xi16>
    %convert_element_type3A_41 = arith.extui %bitcast_convert_type3A_40 : vector<1000x64xi16> to vector<1000x64xi32>
    %shift_left3A_42 = arith.constant 16 : i32
    %shift_left3A_43 = vector.broadcast %shift_left3A_42 : i32 to vector<1000x64xi32>
    %shift_left3A_44 = arith.shli %convert_element_type3A_38, %shift_left3A_43 : vector<1000x64xi32>
    %or3A_45 = arith.ori %shift_left3A_44, %convert_element_type3A_41 : vector<1000x64xi32>
    %bitcast_convert_type3A_46 = tpu.bitcast %or3A_45 : vector<1000x64xi32> -> vector<1000x64xf32>
    %concatenate3A_47 = tpu.concatenate %bitcast_convert_type3A_46, %get3A_4, %broadcast_in_dim3A_11 in 1 : vector<1000x64xf32>, vector<1000x8xf32>, vector<1000x56xf32> -> vector<1000x128xf32>
    %swap3A_48 = arith.constant 0 : index
    %swap3A_49 = arith.constant 0 : index
    %swap3A_50 = vector.load %arg7[%swap3A_48, %swap3A_49] : memref<1000x128xf32, #tpu.memory_space<vmem>>, vector<1000x128xf32>
    tpu.vector_store %arg7[%swap3A_48, %swap3A_49], %concatenate3A_47 {strides = array<i32>} : memref<1000x128xf32, #tpu.memory_space<vmem>>, vector<1000x128xf32>,
    %eq3A_51 = arith.constant 0 : i32
    %eq3A_52 = arith.cmpi eq, %arg0, %eq3A_51 : i32
    %convert_element_type3A_53 = arith.extui %eq3A_52 : i1 to i32
    %cond3A = arith.constant 0 : i32
    %cond3A_54 = arith.cmpi ne, %convert_element_type3A_53, %cond3A : i32
    scf.if %cond3A_54 {
      %broadcast_in_dim3A_74 = arith.constant 0.000000e+00 : f32
      %broadcast_in_dim3A_75 = vector.broadcast %broadcast_in_dim3A_74 : f32 to vector<16x8xf32>
      %swap3A_76 = arith.constant 0 : index
      %swap3A_77 = arith.constant 0 : index
      %swap3A_78 = vector.load %arg8[%swap3A_76, %swap3A_77] : memref<16x8xf32, #tpu.memory_space<vmem>>, vector<16x8xf32>
      tpu.vector_store %arg8[%swap3A_76, %swap3A_77], %broadcast_in_dim3A_75 {strides = array<i32>} : memref<16x8xf32, #tpu.memory_space<vmem>>, vector<16x8xf32>,
      %broadcast_in_dim3A_79 = arith.constant 0.000000e+00 : f32
      %broadcast_in_dim3A_80 = vector.broadcast %broadcast_in_dim3A_79 : f32 to vector<16x8xf32>
      %swap3A_81 = arith.constant 0 : index
      %swap3A_82 = arith.constant 0 : index
      %swap3A_83 = vector.load %arg9[%swap3A_81, %swap3A_82] : memref<16x8xf32, #tpu.memory_space<vmem>>, vector<16x8xf32>
      tpu.vector_store %arg9[%swap3A_81, %swap3A_82], %broadcast_in_dim3A_80 {strides = array<i32>} : memref<16x8xf32, #tpu.memory_space<vmem>>, vector<16x8xf32>,
    } else {
    }
    %get3A_55 = arith.constant 0 : index
    %get3A_56 = arith.constant 0 : index
    %get3A_57 = vector.load %arg8[%get3A_55, %get3A_56] : memref<16x8xf32, #tpu.memory_space<vmem>>, vector<16x8xf32>
    %dot_general3A_58 = arith.constant dense<0.000000e+00> : vector<16x8xf32>
    %dot_general3A_59 = tpu.matmul %convert_element_type3A_10, %get3A_4, %dot_general3A_58 {dimension_numbers = #tpu.dot_dimension_numbers<[0], [0], [1], [1], [0, 1, 1, 1], [], []>, transpose_lhs_hint = false} : vector<1000x16xf32>, vector<1000x8xf32>, vector<16x8xf32> -> vector<16x8xf32>
    %add3A = arith.addf %get3A_57, %dot_general3A_59 : vector<16x8xf32>
    %swap3A_60 = arith.constant 0 : index
    %swap3A_61 = arith.constant 0 : index
    %swap3A_62 = vector.load %arg8[%swap3A_60, %swap3A_61] : memref<16x8xf32, #tpu.memory_space<vmem>>, vector<16x8xf32>
    tpu.vector_store %arg8[%swap3A_60, %swap3A_61], %add3A {strides = array<i32>} : memref<16x8xf32, #tpu.memory_space<vmem>>, vector<16x8xf32>,
    %get3A_63 = arith.constant 0 : index
    %get3A_64 = arith.constant 0 : index
    %get3A_65 = vector.load %arg9[%get3A_63, %get3A_64] : memref<16x8xf32, #tpu.memory_space<vmem>>, vector<16x8xf32>
    %broadcast_in_dim3A_66 = arith.constant 1.000000e+00 : f32
    %broadcast_in_dim3A_67 = vector.broadcast %broadcast_in_dim3A_66 : f32 to vector<1000x8xf32>
    %dot_general3A_68 = arith.constant dense<0.000000e+00> : vector<16x8xf32>
    %dot_general3A_69 = tpu.matmul %convert_element_type3A_10, %broadcast_in_dim3A_67, %dot_general3A_68 {dimension_numbers = #tpu.dot_dimension_numbers<[0], [0], [1], [1], [0, 1, 1, 1], [], []>, transpose_lhs_hint = false} : vector<1000x16xf32>, vector<1000x8xf32>, vector<16x8xf32> -> vector<16x8xf32>
    %add3A_70 = arith.addf %get3A_65, %dot_general3A_69 : vector<16x8xf32>
    %swap3A_71 = arith.constant 0 : index
    %swap3A_72 = arith.constant 0 : index
    %swap3A_73 = vector.load %arg9[%swap3A_71, %swap3A_72] : memref<16x8xf32, #tpu.memory_space<vmem>>, vector<16x8xf32>
    tpu.vector_store %arg9[%swap3A_71, %swap3A_72], %add3A_70 {strides = array<i32>} : memref<16x8xf32, #tpu.memory_space<vmem>>, vector<16x8xf32>,
    return
  }
  func.func @transform_0(%arg0: i32) -> (i32, i32) {
    %c0_i32 = arith.constant 0 : i32
    %c0_i32_0 = arith.constant 0 : i32
    return %arg0, %c0_i32 : i32, i32
  }
  func.func @transform_1(%arg0: i32) -> (i32, i32) {
    %c0_i32 = arith.constant 0 : i32
    %c0_i32_0 = arith.constant 0 : i32
    return %arg0, %c0_i32 : i32, i32
  }
  func.func @transform_2(%arg0: i32) -> (i32, i32) {
    %c0_i32 = arith.constant 0 : i32
    %c0_i32_0 = arith.constant 0 : i32
    return %arg0, %c0_i32 : i32, i32
  }
  func.func @transform_3(%arg0: i32) -> (i32, i32) {
    %c0_i32 = arith.constant 0 : i32
    %c0_i32_0 = arith.constant 0 : i32
    %c0_i32_1 = arith.constant 0 : i32
    return %c0_i32, %c0_i32_0 : i32, i32
  }
  func.func @transform_4(%arg0: i32) -> (i32, i32) {
    %c0_i32 = arith.constant 0 : i32
    %c0_i32_0 = arith.constant 0 : i32
    %c0_i32_1 = arith.constant 0 : i32
    return %c0_i32, %c0_i32_0 : i32, i32
  }
  func.func @transform_5(%arg0: i32) -> (i32, i32) {
    %c0_i32 = arith.constant 0 : i32
    %c0_i32_0 = arith.constant 0 : i32
    return %arg0, %c0_i32 : i32, i32
  }
  func.func @transform_6(%arg0: i32) -> (i32, i32) {
    %c0_i32 = arith.constant 0 : i32
    %c0_i32_0 = arith.constant 0 : i32
    return %arg0, %c0_i32 : i32, i32
  }
  func.func @transform_7(%arg0: i32) -> (i32, i32) {
    %c0_i32 = arith.constant 0 : i32
    %c0_i32_0 = arith.constant 0 : i32
    %c0_i32_1 = arith.constant 0 : i32
    return %c0_i32, %c0_i32_0 : i32, i32
  }
  func.func @transform_8(%arg0: i32) -> (i32, i32) {
    %c0_i32 = arith.constant 0 : i32
    %c0_i32_0 = arith.constant 0 : i32
    %c0_i32_1 = arith.constant 0 : i32
    return %c0_i32, %c0_i32_0 : i32, i32
  }
}

module attributes {stable_mosaic.version = 14 : i64} {
  func.func @_d_body(%arg0: i32, %arg1: memref<1792x128xf32, #tpu.memory_space<vmem>>, %arg2: memref<1792x128xf32, #tpu.memory_space<vmem>>, %arg3: memref<1792x16xf32, #tpu.memory_space<vmem>>, %arg4: memref<1x128xf32, #tpu.memory_space<vmem>>, %arg5: memref<16x128xf32, #tpu.memory_space<vmem>>, %arg6: memref<1x128xf32, #tpu.memory_space<vmem>>, %arg7: memref<128x128xf32, #tpu.memory_space<vmem>>, %arg8: memref<1x128xf32, #tpu.memory_space<vmem>>, %arg9: memref<128x128xf32, #tpu.memory_space<vmem>>, %arg10: memref<1x128xf32, #tpu.memory_space<vmem>>, %arg11: memref<128x1xf32, #tpu.memory_space<vmem>>, %arg12: memref<1792x128xf32, #tpu.memory_space<vmem>>, %arg13: memref<1792x8xf32, #tpu.memory_space<vmem>>) attributes {dimension_semantics = [#tpu.dimension_semantics<arbitrary>], iteration_bounds = array<i64: 182>, scalar_prefetch = 0 : i64, scratch_operands = 0 : i64, tpu.core_type = #tpu.core_type<tc>, window_params = [{transform_indices = @transform_0, window_bounds = array<i64: 1792, 128>}, {transform_indices = @transform_1, window_bounds = array<i64: 1792, 128>}, {transform_indices = @transform_2, window_bounds = array<i64: 1792, 16>}, {pipeline_mode = #tpu.pipeline_mode<synchronous>, transform_indices = @transform_3, window_bounds = array<i64: 1, 128>}, {pipeline_mode = #tpu.pipeline_mode<synchronous>, transform_indices = @transform_4, window_bounds = array<i64: 16, 128>}, {pipeline_mode = #tpu.pipeline_mode<synchronous>, transform_indices = @transform_5, window_bounds = array<i64: 1, 128>}, {pipeline_mode = #tpu.pipeline_mode<synchronous>, transform_indices = @transform_6, window_bounds = array<i64: 128, 128>}, {pipeline_mode = #tpu.pipeline_mode<synchronous>, transform_indices = @transform_7, window_bounds = array<i64: 1, 128>}, {pipeline_mode = #tpu.pipeline_mode<synchronous>, transform_indices = @transform_8, window_bounds = array<i64: 128, 128>}, {pipeline_mode = #tpu.pipeline_mode<synchronous>, transform_indices = @transform_9, window_bounds = array<i64: 1, 128>}, {pipeline_mode = #tpu.pipeline_mode<synchronous>, transform_indices = @transform_10, window_bounds = array<i64: 128, 1>}, {transform_indices = @transform_11, window_bounds = array<i64: 1792, 128>}, {transform_indices = @transform_12, window_bounds = array<i64: 1792, 8>}]} {
    %get3A = arith.constant 0 : index
    %get3A_0 = arith.constant 0 : index
    %get3A_1 = vector.load %arg1[%get3A, %get3A_0] : memref<1792x128xf32, #tpu.memory_space<vmem>>, vector<1792x128xf32>
    %get3A_2 = arith.constant 0 : index
    %get3A_3 = arith.constant 0 : index
    %get3A_4 = vector.load %arg2[%get3A_2, %get3A_3] : memref<1792x128xf32, #tpu.memory_space<vmem>>, vector<1792x128xf32>
    %slice3A = vector.extract_strided_slice %get3A_1 {offsets = [0, 64], sizes = [1792, 8], strides = [1, 1]} : vector<1792x128xf32> to vector<1792x8xf32>
    %slice3A_5 = vector.extract_strided_slice %get3A_4 {offsets = [0, 64], sizes = [1792, 8], strides = [1, 1]} : vector<1792x128xf32> to vector<1792x8xf32>
    %sub3A = arith.subf %slice3A, %slice3A_5 : vector<1792x8xf32>
    %mul3A = arith.mulf %sub3A, %sub3A : vector<1792x8xf32>
    %reduce_sum3A = arith.constant dense<0.000000e+00> : vector<1792xf32>
    %reduce_sum3A_6 = vector.multi_reduction <add>, %mul3A, %reduce_sum3A [1] : vector<1792x8xf32> to vector<1792xf32>
    %broadcast_in_dim3A = vector.shape_cast %reduce_sum3A_6 : vector<1792xf32> to vector<1792x1xf32>
    %slice3A_7 = vector.extract_strided_slice %get3A_1 {offsets = [0, 0], sizes = [1792, 64], strides = [1, 1]} : vector<1792x128xf32> to vector<1792x64xf32>
    %bitcast_convert_type3A = tpu.bitcast %slice3A_7 : vector<1792x64xf32> -> vector<1792x64xi32>
    %shift_right_logical3A = arith.constant 16 : i32
    %shift_right_logical3A_8 = vector.broadcast %shift_right_logical3A : i32 to vector<1792x64xi32>
    %shift_right_logical3A_9 = arith.shrui %bitcast_convert_type3A, %shift_right_logical3A_8 : vector<1792x64xi32>
    %convert_element_type3A = arith.trunci %shift_right_logical3A_9 : vector<1792x64xi32> to vector<1792x64xi16>
    %bitcast_convert_type3A_10 = tpu.bitcast %convert_element_type3A : vector<1792x64xi16> -> vector<1792x64xbf16>
    %convert_element_type3A_11 = arith.trunci %bitcast_convert_type3A : vector<1792x64xi32> to vector<1792x64xi16>
    %bitcast_convert_type3A_12 = tpu.bitcast %convert_element_type3A_11 : vector<1792x64xi16> -> vector<1792x64xbf16>
    %concatenate3A = tpu.concatenate %bitcast_convert_type3A_10, %bitcast_convert_type3A_12 in 1 : vector<1792x64xbf16>, vector<1792x64xbf16> -> vector<1792x128xbf16>
    %convert_element_type3A_13 = arith.extf %concatenate3A : vector<1792x128xbf16> to vector<1792x128xf32>
    %slice3A_14 = vector.extract_strided_slice %get3A_4 {offsets = [0, 0], sizes = [1792, 64], strides = [1, 1]} : vector<1792x128xf32> to vector<1792x64xf32>
    %bitcast_convert_type3A_15 = tpu.bitcast %slice3A_14 : vector<1792x64xf32> -> vector<1792x64xi32>
    %shift_right_logical3A_16 = arith.constant 16 : i32
    %shift_right_logical3A_17 = vector.broadcast %shift_right_logical3A_16 : i32 to vector<1792x64xi32>
    %shift_right_logical3A_18 = arith.shrui %bitcast_convert_type3A_15, %shift_right_logical3A_17 : vector<1792x64xi32>
    %convert_element_type3A_19 = arith.trunci %shift_right_logical3A_18 : vector<1792x64xi32> to vector<1792x64xi16>
    %bitcast_convert_type3A_20 = tpu.bitcast %convert_element_type3A_19 : vector<1792x64xi16> -> vector<1792x64xbf16>
    %convert_element_type3A_21 = arith.trunci %bitcast_convert_type3A_15 : vector<1792x64xi32> to vector<1792x64xi16>
    %bitcast_convert_type3A_22 = tpu.bitcast %convert_element_type3A_21 : vector<1792x64xi16> -> vector<1792x64xbf16>
    %concatenate3A_23 = tpu.concatenate %bitcast_convert_type3A_20, %bitcast_convert_type3A_22 in 1 : vector<1792x64xbf16>, vector<1792x64xbf16> -> vector<1792x128xbf16>
    %convert_element_type3A_24 = arith.extf %concatenate3A_23 : vector<1792x128xbf16> to vector<1792x128xf32>
    %add3A = arith.addf %convert_element_type3A_13, %convert_element_type3A_24 : vector<1792x128xf32>
    %get3A_25 = arith.constant 0 : index
    %get3A_26 = arith.constant 0 : index
    %get3A_27 = vector.load %arg4[%get3A_25, %get3A_26] : memref<1x128xf32, #tpu.memory_space<vmem>>, vector<1x128xf32>
    %mul3A_28 = vector.broadcast %broadcast_in_dim3A : vector<1792x1xf32> to vector<1792x128xf32>
    %mul3A_29 = vector.broadcast %get3A_27 : vector<1x128xf32> to vector<1792x128xf32>
    %mul3A_30 = arith.mulf %mul3A_28, %mul3A_29 : vector<1792x128xf32>
    %add3A_31 = arith.addf %add3A, %mul3A_30 : vector<1792x128xf32>
    %get3A_32 = arith.constant 0 : index
    %get3A_33 = arith.constant 0 : index
    %get3A_34 = vector.load %arg3[%get3A_32, %get3A_33] : memref<1792x16xf32, #tpu.memory_space<vmem>>, vector<1792x16xf32>
    %get3A_35 = arith.constant 0 : index
    %get3A_36 = arith.constant 0 : index
    %get3A_37 = vector.load %arg5[%get3A_35, %get3A_36] : memref<16x128xf32, #tpu.memory_space<vmem>>, vector<16x128xf32>
    %dot_general3A = arith.constant dense<0.000000e+00> : vector<1792x128xf32>
    %dot_general3A_38 = tpu.matmul %get3A_34, %get3A_37, %dot_general3A {dimension_numbers = #tpu.dot_dimension_numbers<[1], [0], [0], [1], [0, 0, 1, 1], [], []>, transpose_lhs_hint = false} : vector<1792x16xf32>, vector<16x128xf32>, vector<1792x128xf32> -> vector<1792x128xf32>
    %add3A_39 = arith.addf %add3A_31, %dot_general3A_38 : vector<1792x128xf32>
    %get3A_40 = arith.constant 0 : index
    %get3A_41 = arith.constant 0 : index
    %get3A_42 = vector.load %arg6[%get3A_40, %get3A_41] : memref<1x128xf32, #tpu.memory_space<vmem>>, vector<1x128xf32>
    %add3A_43 = vector.broadcast %get3A_42 : vector<1x128xf32> to vector<1792x128xf32>
    %add3A_44 = arith.addf %add3A_39, %add3A_43 : vector<1792x128xf32>
    %logistic3A = arith.negf %add3A_44 : vector<1792x128xf32>
    %logistic3A_45 = math.exp %logistic3A : vector<1792x128xf32>
    %logistic3A_46 = arith.constant 1.000000e+00 : f32
    %logistic3A_47 = vector.broadcast %logistic3A_46 : f32 to vector<1792x128xf32>
    %logistic3A_48 = arith.addf %logistic3A_47, %logistic3A_45 : vector<1792x128xf32>
    %logistic3A_49 = arith.divf %logistic3A_47, %logistic3A_48 : vector<1792x128xf32>
    %mul3A_50 = arith.mulf %add3A_44, %logistic3A_49 : vector<1792x128xf32>
    %get3A_51 = arith.constant 0 : index
    %get3A_52 = arith.constant 0 : index
    %get3A_53 = vector.load %arg7[%get3A_51, %get3A_52] : memref<128x128xf32, #tpu.memory_space<vmem>>, vector<128x128xf32>
    %convert_element_type3A_54 = arith.truncf %mul3A_50 : vector<1792x128xf32> to vector<1792x128xbf16>
    %convert_element_type3A_55 = arith.truncf %get3A_53 : vector<128x128xf32> to vector<128x128xbf16>
    %dot_general3A_56 = arith.constant dense<0.000000e+00> : vector<1792x128xf32>
    %dot_general3A_57 = tpu.matmul %convert_element_type3A_54, %convert_element_type3A_55, %dot_general3A_56 {dimension_numbers = #tpu.dot_dimension_numbers<[1], [0], [0], [1], [0, 0, 1, 1], [], []>, transpose_lhs_hint = false} : vector<1792x128xbf16>, vector<128x128xbf16>, vector<1792x128xf32> -> vector<1792x128xf32>
    %get3A_58 = arith.constant 0 : index
    %get3A_59 = arith.constant 0 : index
    %get3A_60 = vector.load %arg8[%get3A_58, %get3A_59] : memref<1x128xf32, #tpu.memory_space<vmem>>, vector<1x128xf32>
    %add3A_61 = vector.broadcast %get3A_60 : vector<1x128xf32> to vector<1792x128xf32>
    %add3A_62 = arith.addf %dot_general3A_57, %add3A_61 : vector<1792x128xf32>
    %logistic3A_63 = arith.negf %add3A_62 : vector<1792x128xf32>
    %logistic3A_64 = math.exp %logistic3A_63 : vector<1792x128xf32>
    %logistic3A_65 = arith.constant 1.000000e+00 : f32
    %logistic3A_66 = vector.broadcast %logistic3A_65 : f32 to vector<1792x128xf32>
    %logistic3A_67 = arith.addf %logistic3A_66, %logistic3A_64 : vector<1792x128xf32>
    %logistic3A_68 = arith.divf %logistic3A_66, %logistic3A_67 : vector<1792x128xf32>
    %mul3A_69 = arith.mulf %add3A_62, %logistic3A_68 : vector<1792x128xf32>
    %get3A_70 = arith.constant 0 : index
    %get3A_71 = arith.constant 0 : index
    %get3A_72 = vector.load %arg9[%get3A_70, %get3A_71] : memref<128x128xf32, #tpu.memory_space<vmem>>, vector<128x128xf32>
    %convert_element_type3A_73 = arith.truncf %mul3A_69 : vector<1792x128xf32> to vector<1792x128xbf16>
    %convert_element_type3A_74 = arith.truncf %get3A_72 : vector<128x128xf32> to vector<128x128xbf16>
    %dot_general3A_75 = arith.constant dense<0.000000e+00> : vector<1792x128xf32>
    %dot_general3A_76 = tpu.matmul %convert_element_type3A_73, %convert_element_type3A_74, %dot_general3A_75 {dimension_numbers = #tpu.dot_dimension_numbers<[1], [0], [0], [1], [0, 0, 1, 1], [], []>, transpose_lhs_hint = false} : vector<1792x128xbf16>, vector<128x128xbf16>, vector<1792x128xf32> -> vector<1792x128xf32>
    %get3A_77 = arith.constant 0 : index
    %get3A_78 = arith.constant 0 : index
    %get3A_79 = vector.load %arg10[%get3A_77, %get3A_78] : memref<1x128xf32, #tpu.memory_space<vmem>>, vector<1x128xf32>
    %add3A_80 = vector.broadcast %get3A_79 : vector<1x128xf32> to vector<1792x128xf32>
    %add3A_81 = arith.addf %dot_general3A_76, %add3A_80 : vector<1792x128xf32>
    %logistic3A_82 = arith.negf %add3A_81 : vector<1792x128xf32>
    %logistic3A_83 = math.exp %logistic3A_82 : vector<1792x128xf32>
    %logistic3A_84 = arith.constant 1.000000e+00 : f32
    %logistic3A_85 = vector.broadcast %logistic3A_84 : f32 to vector<1792x128xf32>
    %logistic3A_86 = arith.addf %logistic3A_85, %logistic3A_83 : vector<1792x128xf32>
    %logistic3A_87 = arith.divf %logistic3A_85, %logistic3A_86 : vector<1792x128xf32>
    %mul3A_88 = arith.mulf %add3A_81, %logistic3A_87 : vector<1792x128xf32>
    %get3A_89 = arith.constant 0 : index
    %get3A_90 = arith.constant 0 : index
    %get3A_91 = vector.load %arg11[%get3A_89, %get3A_90] : memref<128x1xf32, #tpu.memory_space<vmem>>, vector<128x1xf32>
    %dot_general3A_92 = arith.constant dense<0.000000e+00> : vector<1792x1xf32>
    %dot_general3A_93 = tpu.matmul %mul3A_88, %get3A_91, %dot_general3A_92 {dimension_numbers = #tpu.dot_dimension_numbers<[1], [0], [0], [1], [0, 0, 1, 1], [], []>, transpose_lhs_hint = false} : vector<1792x128xf32>, vector<128x1xf32>, vector<1792x1xf32> -> vector<1792x1xf32>
    %iota3A = tpu.iota {dimensions = array<i32: 1>} : vector<1x8xi32>
    %mul3A_94 = vector.broadcast %dot_general3A_93 : vector<1792x1xf32> to vector<1792x8xf32>
    %mul3A_95 = arith.mulf %sub3A, %mul3A_94 : vector<1792x8xf32>
    %eq3A = arith.constant 3 : i32
    %eq3A_96 = vector.broadcast %eq3A : i32 to vector<1x8xi32>
    %eq3A_97 = arith.cmpi eq, %iota3A, %eq3A_96 : vector<1x8xi32>
    %convert_element_type3A_98 = arith.extui %eq3A_97 : vector<1x8xi1> to vector<1x8xi32>
    %convert_element_type3A_99 = arith.sitofp %convert_element_type3A_98 : vector<1x8xi32> to vector<1x8xf32>
    %add3A_100 = vector.broadcast %convert_element_type3A_99 : vector<1x8xf32> to vector<1792x8xf32>
    %add3A_101 = arith.addf %mul3A_95, %add3A_100 : vector<1792x8xf32>
    %mul3A_102 = arith.constant 1792 : i32
    %mul3A_103 = arith.muli %arg0, %mul3A_102 : i32
    %iota3A_104 = tpu.iota {dimensions = array<i32: 0>} : vector<1792x1xi32>
    %add3A_105 = vector.broadcast %mul3A_103 : i32 to vector<1792x1xi32>
    %add3A_106 = arith.addi %add3A_105, %iota3A_104 : vector<1792x1xi32>
    %lt3A = arith.constant 320000 : i32
    %lt3A_107 = vector.broadcast %lt3A : i32 to vector<1792x1xi32>
    %lt3A_108 = arith.cmpi slt, %add3A_106, %lt3A_107 : vector<1792x1xi32>
    %convert_element_type3A_109 = arith.extui %lt3A_108 : vector<1792x1xi1> to vector<1792x1xi32>
    %convert_element_type3A_110 = arith.sitofp %convert_element_type3A_109 : vector<1792x1xi32> to vector<1792x1xf32>
    %mul3A_111 = vector.broadcast %convert_element_type3A_110 : vector<1792x1xf32> to vector<1792x128xf32>
    %mul3A_112 = arith.mulf %mul3A_69, %mul3A_111 : vector<1792x128xf32>
    %swap3A = arith.constant 0 : index
    %swap3A_113 = arith.constant 0 : index
    %swap3A_114 = vector.load %arg12[%swap3A, %swap3A_113] : memref<1792x128xf32, #tpu.memory_space<vmem>>, vector<1792x128xf32>
    tpu.vector_store %arg12[%swap3A, %swap3A_113], %mul3A_112 {strides = array<i32>} : memref<1792x128xf32, #tpu.memory_space<vmem>>, vector<1792x128xf32>,
    %mul3A_115 = vector.broadcast %convert_element_type3A_110 : vector<1792x1xf32> to vector<1792x8xf32>
    %mul3A_116 = arith.mulf %add3A_101, %mul3A_115 : vector<1792x8xf32>
    %swap3A_117 = arith.constant 0 : index
    %swap3A_118 = arith.constant 0 : index
    %swap3A_119 = vector.load %arg13[%swap3A_117, %swap3A_118] : memref<1792x8xf32, #tpu.memory_space<vmem>>, vector<1792x8xf32>
    tpu.vector_store %arg13[%swap3A_117, %swap3A_118], %mul3A_116 {strides = array<i32>} : memref<1792x8xf32, #tpu.memory_space<vmem>>, vector<1792x8xf32>,
    return
  }
  func.func @transform_0(%arg0: i32) -> (i32, i32) {
    %c0_i32 = arith.constant 0 : i32
    %c0_i32_0 = arith.constant 0 : i32
    return %arg0, %c0_i32 : i32, i32
  }
  func.func @transform_1(%arg0: i32) -> (i32, i32) {
    %c0_i32 = arith.constant 0 : i32
    %c0_i32_0 = arith.constant 0 : i32
    return %arg0, %c0_i32 : i32, i32
  }
  func.func @transform_2(%arg0: i32) -> (i32, i32) {
    %c0_i32 = arith.constant 0 : i32
    %c0_i32_0 = arith.constant 0 : i32
    return %arg0, %c0_i32 : i32, i32
  }
  func.func @transform_3(%arg0: i32) -> (i32, i32) {
    %c0_i32 = arith.constant 0 : i32
    %c0_i32_0 = arith.constant 0 : i32
    %c0_i32_1 = arith.constant 0 : i32
    return %c0_i32, %c0_i32_0 : i32, i32
  }
  func.func @transform_4(%arg0: i32) -> (i32, i32) {
    %c0_i32 = arith.constant 0 : i32
    %c0_i32_0 = arith.constant 0 : i32
    %c0_i32_1 = arith.constant 0 : i32
    return %c0_i32, %c0_i32_0 : i32, i32
  }
  func.func @transform_5(%arg0: i32) -> (i32, i32) {
    %c0_i32 = arith.constant 0 : i32
    %c0_i32_0 = arith.constant 0 : i32
    %c0_i32_1 = arith.constant 0 : i32
    return %c0_i32, %c0_i32_0 : i32, i32
  }
  func.func @transform_6(%arg0: i32) -> (i32, i32) {
    %c0_i32 = arith.constant 0 : i32
    %c0_i32_0 = arith.constant 0 : i32
    %c0_i32_1 = arith.constant 0 : i32
    return %c0_i32, %c0_i32_0 : i32, i32
  }
  func.func @transform_7(%arg0: i32) -> (i32, i32) {
    %c0_i32 = arith.constant 0 : i32
    %c0_i32_0 = arith.constant 0 : i32
    %c0_i32_1 = arith.constant 0 : i32
    return %c0_i32, %c0_i32_0 : i32, i32
  }
  func.func @transform_8(%arg0: i32) -> (i32, i32) {
    %c0_i32 = arith.constant 0 : i32
    %c0_i32_0 = arith.constant 0 : i32
    %c0_i32_1 = arith.constant 0 : i32
    return %c0_i32, %c0_i32_0 : i32, i32
  }
  func.func @transform_9(%arg0: i32) -> (i32, i32) {
    %c0_i32 = arith.constant 0 : i32
    %c0_i32_0 = arith.constant 0 : i32
    %c0_i32_1 = arith.constant 0 : i32
    return %c0_i32, %c0_i32_0 : i32, i32
  }
  func.func @transform_10(%arg0: i32) -> (i32, i32) {
    %c0_i32 = arith.constant 0 : i32
    %c0_i32_0 = arith.constant 0 : i32
    %c0_i32_1 = arith.constant 0 : i32
    return %c0_i32, %c0_i32_0 : i32, i32
  }
  func.func @transform_11(%arg0: i32) -> (i32, i32) {
    %c0_i32 = arith.constant 0 : i32
    %c0_i32_0 = arith.constant 0 : i32
    return %arg0, %c0_i32 : i32, i32
  }
  func.func @transform_12(%arg0: i32) -> (i32, i32) {
    %c0_i32 = arith.constant 0 : i32
    %c0_i32_0 = arith.constant 0 : i32
    return %arg0, %c0_i32 : i32, i32
  }
}

module attributes {stable_mosaic.version = 14 : i64} {
  func.func @_a_body(%arg0: memref<16x8xf32, #tpu.memory_space<vmem>>, %arg1: memref<16x8xf32, #tpu.memory_space<vmem>>, %arg2: memref<64x8xf32, #tpu.memory_space<vmem>>, %arg3: memref<64x128xf32, #tpu.memory_space<vmem>>, %arg4: memref<128x128xf32, #tpu.memory_space<vmem>>, %arg5: memref<8x128xf32, #tpu.memory_space<vmem>>, %arg6: memref<1x128xf32, #tpu.memory_space<vmem>>, %arg7: memref<64x128xf32, #tpu.memory_space<vmem>>, %arg8: memref<64x8xf32, #tpu.memory_space<vmem>>, %arg9: memref<16x8xf32, #tpu.memory_space<vmem>>) attributes {dimension_semantics = [], scalar_prefetch = 0 : i64, scratch_operands = 0 : i64, tpu.core_type = #tpu.core_type<tc>} {
    %get3A = arith.constant 0 : index
    %get3A_0 = arith.constant 0 : index
    %get3A_1 = vector.load %arg1[%get3A, %get3A_0] : memref<16x8xf32, #tpu.memory_space<vmem>>, vector<16x8xf32>
    %max3A = arith.constant 1.000000e+00 : f32
    %max3A_2 = vector.broadcast %max3A : f32 to vector<16x8xf32>
    %max3A_3 = arith.maximumf %get3A_1, %max3A_2 : vector<16x8xf32>
    %get3A_4 = arith.constant 0 : index
    %get3A_5 = arith.constant 0 : index
    %get3A_6 = vector.load %arg0[%get3A_4, %get3A_5] : memref<16x8xf32, #tpu.memory_space<vmem>>, vector<16x8xf32>
    %div3A = arith.divf %get3A_6, %max3A_3 : vector<16x8xf32>
    %swap3A = arith.constant 0 : index
    %swap3A_7 = arith.constant 0 : index
    %swap3A_8 = vector.load %arg9[%swap3A, %swap3A_7] : memref<16x8xf32, #tpu.memory_space<vmem>>, vector<16x8xf32>
    tpu.vector_store %arg9[%swap3A, %swap3A_7], %max3A_3 {strides = array<i32>} : memref<16x8xf32, #tpu.memory_space<vmem>>, vector<16x8xf32>,
    %iota3A = tpu.iota {dimensions = array<i32: 0>} : vector<64x1xi32>
    %iota3A_9 = tpu.iota {dimensions = array<i32: 1>} : vector<64x16xi32>
    %iota3A_10 = tpu.iota {dimensions = array<i32: 1>} : vector<64x64xi32>
    %iota3A_11 = tpu.iota {dimensions = array<i32: 1>} : vector<1x8xi32>
    %jit3A = arith.constant 4 : i32
    %div3A_12 = vector.broadcast %jit3A : i32 to vector<64x1xi32>
    %div3A_13 = arith.divsi %iota3A, %div3A_12 : vector<64x1xi32>
    %sign3A = arith.constant 0 : i32
    %sign3A_14 = vector.broadcast %sign3A : i32 to vector<64x1xi32>
    %sign3A_15 = arith.cmpi sgt, %iota3A, %sign3A_14 : vector<64x1xi32>
    %sign3A_16 = arith.extui %sign3A_15 : vector<64x1xi1> to vector<64x1xi32>
    %sign3A_17 = arith.constant 0 : i32
    %sign3A_18 = vector.broadcast %sign3A_17 : i32 to vector<64x1xi32>
    %sign3A_19 = arith.cmpi slt, %iota3A, %sign3A_18 : vector<64x1xi32>
    %sign3A_20 = arith.extui %sign3A_19 : vector<64x1xi1> to vector<64x1xi32>
    %sign3A_21 = arith.subi %sign3A_16, %sign3A_20 : vector<64x1xi32>
    %sign3A_22 = arith.constant 0 : i32
    %sign3A_23 = arith.cmpi sgt, %jit3A, %sign3A_22 : i32
    %sign3A_24 = arith.extui %sign3A_23 : i1 to i32
    %sign3A_25 = arith.constant 0 : i32
    %sign3A_26 = arith.cmpi slt, %jit3A, %sign3A_25 : i32
    %sign3A_27 = arith.extui %sign3A_26 : i1 to i32
    %sign3A_28 = arith.subi %sign3A_24, %sign3A_27 : i32
    %ne3A = vector.broadcast %sign3A_28 : i32 to vector<64x1xi32>
    %ne3A_29 = arith.cmpi ne, %sign3A_21, %ne3A : vector<64x1xi32>
    %rem3A = vector.broadcast %jit3A : i32 to vector<64x1xi32>
    %rem3A_30 = arith.remsi %iota3A, %rem3A : vector<64x1xi32>
    %ne3A_31 = arith.constant 0 : i32
    %ne3A_32 = vector.broadcast %ne3A_31 : i32 to vector<64x1xi32>
    %ne3A_33 = arith.cmpi ne, %rem3A_30, %ne3A_32 : vector<64x1xi32>
    %and3A = arith.andi %ne3A_29, %ne3A_33 : vector<64x1xi1>
    %sub3A = arith.constant 1 : i32
    %sub3A_34 = vector.broadcast %sub3A : i32 to vector<64x1xi32>
    %sub3A_35 = arith.subi %div3A_13, %sub3A_34 : vector<64x1xi32>
    %select_n3A = arith.select %and3A, %sub3A_35, %div3A_13 : vector<64x1xi1>, vector<64x1xi32>
    %eq3A = vector.broadcast %select_n3A : vector<64x1xi32> to vector<64x16xi32>
    %eq3A_36 = arith.cmpi eq, %eq3A, %iota3A_9 : vector<64x16xi32>
    %convert_element_type3A = arith.extui %eq3A_36 : vector<64x16xi1> to vector<64x16xi32>
    %convert_element_type3A_37 = arith.sitofp %convert_element_type3A : vector<64x16xi32> to vector<64x16xf32>
    %get3A_38 = arith.constant 0 : index
    %get3A_39 = arith.constant 0 : index
    %get3A_40 = vector.load %arg2[%get3A_38, %get3A_39] : memref<64x8xf32, #tpu.memory_space<vmem>>, vector<64x8xf32>
    %dot_general3A = arith.constant dense<0.000000e+00> : vector<64x8xf32>
    %dot_general3A_41 = tpu.matmul %convert_element_type3A_37, %div3A, %dot_general3A {dimension_numbers = #tpu.dot_dimension_numbers<[1], [0], [0], [1], [0, 0, 1, 1], [], []>, transpose_lhs_hint = false} : vector<64x16xf32>, vector<16x8xf32>, vector<64x8xf32> -> vector<64x8xf32>
    %sub3A_42 = arith.subf %get3A_40, %dot_general3A_41 : vector<64x8xf32>
    %broadcast_in_dim3A = arith.constant 0.000000e+00 : f32
    %broadcast_in_dim3A_43 = vector.broadcast %broadcast_in_dim3A : f32 to vector<64x8xf32>
    %jit3A_44 = arith.constant 4 : i32
    %div3A_45 = vector.broadcast %jit3A_44 : i32 to vector<64x1xi32>
    %div3A_46 = arith.divsi %iota3A, %div3A_45 : vector<64x1xi32>
    %sign3A_47 = arith.constant 0 : i32
    %sign3A_48 = vector.broadcast %sign3A_47 : i32 to vector<64x1xi32>
    %sign3A_49 = arith.cmpi sgt, %iota3A, %sign3A_48 : vector<64x1xi32>
    %sign3A_50 = arith.extui %sign3A_49 : vector<64x1xi1> to vector<64x1xi32>
    %sign3A_51 = arith.constant 0 : i32
    %sign3A_52 = vector.broadcast %sign3A_51 : i32 to vector<64x1xi32>
    %sign3A_53 = arith.cmpi slt, %iota3A, %sign3A_52 : vector<64x1xi32>
    %sign3A_54 = arith.extui %sign3A_53 : vector<64x1xi1> to vector<64x1xi32>
    %sign3A_55 = arith.subi %sign3A_50, %sign3A_54 : vector<64x1xi32>
    %sign3A_56 = arith.constant 0 : i32
    %sign3A_57 = arith.cmpi sgt, %jit3A_44, %sign3A_56 : i32
    %sign3A_58 = arith.extui %sign3A_57 : i1 to i32
    %sign3A_59 = arith.constant 0 : i32
    %sign3A_60 = arith.cmpi slt, %jit3A_44, %sign3A_59 : i32
    %sign3A_61 = arith.extui %sign3A_60 : i1 to i32
    %sign3A_62 = arith.subi %sign3A_58, %sign3A_61 : i32
    %ne3A_63 = vector.broadcast %sign3A_62 : i32 to vector<64x1xi32>
    %ne3A_64 = arith.cmpi ne, %sign3A_55, %ne3A_63 : vector<64x1xi32>
    %rem3A_65 = vector.broadcast %jit3A_44 : i32 to vector<64x1xi32>
    %rem3A_66 = arith.remsi %iota3A, %rem3A_65 : vector<64x1xi32>
    %ne3A_67 = arith.constant 0 : i32
    %ne3A_68 = vector.broadcast %ne3A_67 : i32 to vector<64x1xi32>
    %ne3A_69 = arith.cmpi ne, %rem3A_66, %ne3A_68 : vector<64x1xi32>
    %and3A_70 = arith.andi %ne3A_64, %ne3A_69 : vector<64x1xi1>
    %sub3A_71 = arith.constant 1 : i32
    %sub3A_72 = vector.broadcast %sub3A_71 : i32 to vector<64x1xi32>
    %sub3A_73 = arith.subi %div3A_46, %sub3A_72 : vector<64x1xi32>
    %select_n3A_74 = arith.select %and3A_70, %sub3A_73, %div3A_46 : vector<64x1xi1>, vector<64x1xi32>
    %mul3A = arith.constant 4 : i32
    %mul3A_75 = vector.broadcast %mul3A : i32 to vector<64x1xi32>
    %mul3A_76 = arith.muli %select_n3A_74, %mul3A_75 : vector<64x1xi32>
    %add3A = arith.constant 0 : i32
    %add3A_77 = vector.broadcast %add3A : i32 to vector<64x1xi32>
    %add3A_78 = arith.addi %mul3A_76, %add3A_77 : vector<64x1xi32>
    %eq3A_79 = vector.broadcast %add3A_78 : vector<64x1xi32> to vector<64x64xi32>
    %eq3A_80 = arith.cmpi eq, %iota3A_10, %eq3A_79 : vector<64x64xi32>
    %convert_element_type3A_81 = arith.extui %eq3A_80 : vector<64x64xi1> to vector<64x64xi32>
    %convert_element_type3A_82 = arith.sitofp %convert_element_type3A_81 : vector<64x64xi32> to vector<64x64xf32>
    %dot_general3A_83 = arith.constant dense<0.000000e+00> : vector<64x8xf32>
    %dot_general3A_84 = tpu.matmul %convert_element_type3A_82, %sub3A_42, %dot_general3A_83 {dimension_numbers = #tpu.dot_dimension_numbers<[1], [0], [0], [1], [0, 0, 1, 1], [], []>, transpose_lhs_hint = false} : vector<64x64xf32>, vector<64x8xf32>, vector<64x8xf32> -> vector<64x8xf32>
    %mul3A_85 = arith.mulf %sub3A_42, %dot_general3A_84 : vector<64x8xf32>
    %reduce_sum3A = arith.constant dense<0.000000e+00> : vector<64xf32>
    %reduce_sum3A_86 = vector.multi_reduction <add>, %mul3A_85, %reduce_sum3A [1] : vector<64x8xf32> to vector<64xf32>
    %broadcast_in_dim3A_87 = vector.shape_cast %reduce_sum3A_86 : vector<64xf32> to vector<64x1xf32>
    %eq3A_88 = arith.constant 0 : i32
    %eq3A_89 = vector.broadcast %eq3A_88 : i32 to vector<1x8xi32>
    %eq3A_90 = arith.cmpi eq, %iota3A_11, %eq3A_89 : vector<1x8xi32>
    %convert_element_type3A_91 = arith.extui %eq3A_90 : vector<1x8xi1> to vector<1x8xi32>
    %convert_element_type3A_92 = arith.sitofp %convert_element_type3A_91 : vector<1x8xi32> to vector<1x8xf32>
    %mul3A_93 = vector.broadcast %broadcast_in_dim3A_87 : vector<64x1xf32> to vector<64x8xf32>
    %mul3A_94 = vector.broadcast %convert_element_type3A_92 : vector<1x8xf32> to vector<64x8xf32>
    %mul3A_95 = arith.mulf %mul3A_93, %mul3A_94 : vector<64x8xf32>
    %add3A_96 = arith.addf %broadcast_in_dim3A_43, %mul3A_95 : vector<64x8xf32>
    %jit3A_97 = arith.constant 4 : i32
    %div3A_98 = vector.broadcast %jit3A_97 : i32 to vector<64x1xi32>
    %div3A_99 = arith.divsi %iota3A, %div3A_98 : vector<64x1xi32>
    %sign3A_100 = arith.constant 0 : i32
    %sign3A_101 = vector.broadcast %sign3A_100 : i32 to vector<64x1xi32>
    %sign3A_102 = arith.cmpi sgt, %iota3A, %sign3A_101 : vector<64x1xi32>
    %sign3A_103 = arith.extui %sign3A_102 : vector<64x1xi1> to vector<64x1xi32>
    %sign3A_104 = arith.constant 0 : i32
    %sign3A_105 = vector.broadcast %sign3A_104 : i32 to vector<64x1xi32>
    %sign3A_106 = arith.cmpi slt, %iota3A, %sign3A_105 : vector<64x1xi32>
    %sign3A_107 = arith.extui %sign3A_106 : vector<64x1xi1> to vector<64x1xi32>
    %sign3A_108 = arith.subi %sign3A_103, %sign3A_107 : vector<64x1xi32>
    %sign3A_109 = arith.constant 0 : i32
    %sign3A_110 = arith.cmpi sgt, %jit3A_97, %sign3A_109 : i32
    %sign3A_111 = arith.extui %sign3A_110 : i1 to i32
    %sign3A_112 = arith.constant 0 : i32
    %sign3A_113 = arith.cmpi slt, %jit3A_97, %sign3A_112 : i32
    %sign3A_114 = arith.extui %sign3A_113 : i1 to i32
    %sign3A_115 = arith.subi %sign3A_111, %sign3A_114 : i32
    %ne3A_116 = vector.broadcast %sign3A_115 : i32 to vector<64x1xi32>
    %ne3A_117 = arith.cmpi ne, %sign3A_108, %ne3A_116 : vector<64x1xi32>
    %rem3A_118 = vector.broadcast %jit3A_97 : i32 to vector<64x1xi32>
    %rem3A_119 = arith.remsi %iota3A, %rem3A_118 : vector<64x1xi32>
    %ne3A_120 = arith.constant 0 : i32
    %ne3A_121 = vector.broadcast %ne3A_120 : i32 to vector<64x1xi32>
    %ne3A_122 = arith.cmpi ne, %rem3A_119, %ne3A_121 : vector<64x1xi32>
    %and3A_123 = arith.andi %ne3A_117, %ne3A_122 : vector<64x1xi1>
    %sub3A_124 = arith.constant 1 : i32
    %sub3A_125 = vector.broadcast %sub3A_124 : i32 to vector<64x1xi32>
    %sub3A_126 = arith.subi %div3A_99, %sub3A_125 : vector<64x1xi32>
    %select_n3A_127 = arith.select %and3A_123, %sub3A_126, %div3A_99 : vector<64x1xi1>, vector<64x1xi32>
    %mul3A_128 = arith.constant 4 : i32
    %mul3A_129 = vector.broadcast %mul3A_128 : i32 to vector<64x1xi32>
    %mul3A_130 = arith.muli %select_n3A_127, %mul3A_129 : vector<64x1xi32>
    %add3A_131 = arith.constant 1 : i32
    %add3A_132 = vector.broadcast %add3A_131 : i32 to vector<64x1xi32>
    %add3A_133 = arith.addi %mul3A_130, %add3A_132 : vector<64x1xi32>
    %eq3A_134 = vector.broadcast %add3A_133 : vector<64x1xi32> to vector<64x64xi32>
    %eq3A_135 = arith.cmpi eq, %iota3A_10, %eq3A_134 : vector<64x64xi32>
    %convert_element_type3A_136 = arith.extui %eq3A_135 : vector<64x64xi1> to vector<64x64xi32>
    %convert_element_type3A_137 = arith.sitofp %convert_element_type3A_136 : vector<64x64xi32> to vector<64x64xf32>
    %dot_general3A_138 = arith.constant dense<0.000000e+00> : vector<64x8xf32>
    %dot_general3A_139 = tpu.matmul %convert_element_type3A_137, %sub3A_42, %dot_general3A_138 {dimension_numbers = #tpu.dot_dimension_numbers<[1], [0], [0], [1], [0, 0, 1, 1], [], []>, transpose_lhs_hint = false} : vector<64x64xf32>, vector<64x8xf32>, vector<64x8xf32> -> vector<64x8xf32>
    %mul3A_140 = arith.mulf %sub3A_42, %dot_general3A_139 : vector<64x8xf32>
    %reduce_sum3A_141 = arith.constant dense<0.000000e+00> : vector<64xf32>
    %reduce_sum3A_142 = vector.multi_reduction <add>, %mul3A_140, %reduce_sum3A_141 [1] : vector<64x8xf32> to vector<64xf32>
    %broadcast_in_dim3A_143 = vector.shape_cast %reduce_sum3A_142 : vector<64xf32> to vector<64x1xf32>
    %eq3A_144 = arith.constant 1 : i32
    %eq3A_145 = vector.broadcast %eq3A_144 : i32 to vector<1x8xi32>
    %eq3A_146 = arith.cmpi eq, %iota3A_11, %eq3A_145 : vector<1x8xi32>
    %convert_element_type3A_147 = arith.extui %eq3A_146 : vector<1x8xi1> to vector<1x8xi32>
    %convert_element_type3A_148 = arith.sitofp %convert_element_type3A_147 : vector<1x8xi32> to vector<1x8xf32>
    %mul3A_149 = vector.broadcast %broadcast_in_dim3A_143 : vector<64x1xf32> to vector<64x8xf32>
    %mul3A_150 = vector.broadcast %convert_element_type3A_148 : vector<1x8xf32> to vector<64x8xf32>
    %mul3A_151 = arith.mulf %mul3A_149, %mul3A_150 : vector<64x8xf32>
    %add3A_152 = arith.addf %add3A_96, %mul3A_151 : vector<64x8xf32>
    %jit3A_153 = arith.constant 4 : i32
    %div3A_154 = vector.broadcast %jit3A_153 : i32 to vector<64x1xi32>
    %div3A_155 = arith.divsi %iota3A, %div3A_154 : vector<64x1xi32>
    %sign3A_156 = arith.constant 0 : i32
    %sign3A_157 = vector.broadcast %sign3A_156 : i32 to vector<64x1xi32>
    %sign3A_158 = arith.cmpi sgt, %iota3A, %sign3A_157 : vector<64x1xi32>
    %sign3A_159 = arith.extui %sign3A_158 : vector<64x1xi1> to vector<64x1xi32>
    %sign3A_160 = arith.constant 0 : i32
    %sign3A_161 = vector.broadcast %sign3A_160 : i32 to vector<64x1xi32>
    %sign3A_162 = arith.cmpi slt, %iota3A, %sign3A_161 : vector<64x1xi32>
    %sign3A_163 = arith.extui %sign3A_162 : vector<64x1xi1> to vector<64x1xi32>
    %sign3A_164 = arith.subi %sign3A_159, %sign3A_163 : vector<64x1xi32>
    %sign3A_165 = arith.constant 0 : i32
    %sign3A_166 = arith.cmpi sgt, %jit3A_153, %sign3A_165 : i32
    %sign3A_167 = arith.extui %sign3A_166 : i1 to i32
    %sign3A_168 = arith.constant 0 : i32
    %sign3A_169 = arith.cmpi slt, %jit3A_153, %sign3A_168 : i32
    %sign3A_170 = arith.extui %sign3A_169 : i1 to i32
    %sign3A_171 = arith.subi %sign3A_167, %sign3A_170 : i32
    %ne3A_172 = vector.broadcast %sign3A_171 : i32 to vector<64x1xi32>
    %ne3A_173 = arith.cmpi ne, %sign3A_164, %ne3A_172 : vector<64x1xi32>
    %rem3A_174 = vector.broadcast %jit3A_153 : i32 to vector<64x1xi32>
    %rem3A_175 = arith.remsi %iota3A, %rem3A_174 : vector<64x1xi32>
    %ne3A_176 = arith.constant 0 : i32
    %ne3A_177 = vector.broadcast %ne3A_176 : i32 to vector<64x1xi32>
    %ne3A_178 = arith.cmpi ne, %rem3A_175, %ne3A_177 : vector<64x1xi32>
    %and3A_179 = arith.andi %ne3A_173, %ne3A_178 : vector<64x1xi1>
    %sub3A_180 = arith.constant 1 : i32
    %sub3A_181 = vector.broadcast %sub3A_180 : i32 to vector<64x1xi32>
    %sub3A_182 = arith.subi %div3A_155, %sub3A_181 : vector<64x1xi32>
    %select_n3A_183 = arith.select %and3A_179, %sub3A_182, %div3A_155 : vector<64x1xi1>, vector<64x1xi32>
    %mul3A_184 = arith.constant 4 : i32
    %mul3A_185 = vector.broadcast %mul3A_184 : i32 to vector<64x1xi32>
    %mul3A_186 = arith.muli %select_n3A_183, %mul3A_185 : vector<64x1xi32>
    %add3A_187 = arith.constant 2 : i32
    %add3A_188 = vector.broadcast %add3A_187 : i32 to vector<64x1xi32>
    %add3A_189 = arith.addi %mul3A_186, %add3A_188 : vector<64x1xi32>
    %eq3A_190 = vector.broadcast %add3A_189 : vector<64x1xi32> to vector<64x64xi32>
    %eq3A_191 = arith.cmpi eq, %iota3A_10, %eq3A_190 : vector<64x64xi32>
    %convert_element_type3A_192 = arith.extui %eq3A_191 : vector<64x64xi1> to vector<64x64xi32>
    %convert_element_type3A_193 = arith.sitofp %convert_element_type3A_192 : vector<64x64xi32> to vector<64x64xf32>
    %dot_general3A_194 = arith.constant dense<0.000000e+00> : vector<64x8xf32>
    %dot_general3A_195 = tpu.matmul %convert_element_type3A_193, %sub3A_42, %dot_general3A_194 {dimension_numbers = #tpu.dot_dimension_numbers<[1], [0], [0], [1], [0, 0, 1, 1], [], []>, transpose_lhs_hint = false} : vector<64x64xf32>, vector<64x8xf32>, vector<64x8xf32> -> vector<64x8xf32>
    %mul3A_196 = arith.mulf %sub3A_42, %dot_general3A_195 : vector<64x8xf32>
    %reduce_sum3A_197 = arith.constant dense<0.000000e+00> : vector<64xf32>
    %reduce_sum3A_198 = vector.multi_reduction <add>, %mul3A_196, %reduce_sum3A_197 [1] : vector<64x8xf32> to vector<64xf32>
    %broadcast_in_dim3A_199 = vector.shape_cast %reduce_sum3A_198 : vector<64xf32> to vector<64x1xf32>
    %eq3A_200 = arith.constant 2 : i32
    %eq3A_201 = vector.broadcast %eq3A_200 : i32 to vector<1x8xi32>
    %eq3A_202 = arith.cmpi eq, %iota3A_11, %eq3A_201 : vector<1x8xi32>
    %convert_element_type3A_203 = arith.extui %eq3A_202 : vector<1x8xi1> to vector<1x8xi32>
    %convert_element_type3A_204 = arith.sitofp %convert_element_type3A_203 : vector<1x8xi32> to vector<1x8xf32>
    %mul3A_205 = vector.broadcast %broadcast_in_dim3A_199 : vector<64x1xf32> to vector<64x8xf32>
    %mul3A_206 = vector.broadcast %convert_element_type3A_204 : vector<1x8xf32> to vector<64x8xf32>
    %mul3A_207 = arith.mulf %mul3A_205, %mul3A_206 : vector<64x8xf32>
    %add3A_208 = arith.addf %add3A_152, %mul3A_207 : vector<64x8xf32>
    %jit3A_209 = arith.constant 4 : i32
    %div3A_210 = vector.broadcast %jit3A_209 : i32 to vector<64x1xi32>
    %div3A_211 = arith.divsi %iota3A, %div3A_210 : vector<64x1xi32>
    %sign3A_212 = arith.constant 0 : i32
    %sign3A_213 = vector.broadcast %sign3A_212 : i32 to vector<64x1xi32>
    %sign3A_214 = arith.cmpi sgt, %iota3A, %sign3A_213 : vector<64x1xi32>
    %sign3A_215 = arith.extui %sign3A_214 : vector<64x1xi1> to vector<64x1xi32>
    %sign3A_216 = arith.constant 0 : i32
    %sign3A_217 = vector.broadcast %sign3A_216 : i32 to vector<64x1xi32>
    %sign3A_218 = arith.cmpi slt, %iota3A, %sign3A_217 : vector<64x1xi32>
    %sign3A_219 = arith.extui %sign3A_218 : vector<64x1xi1> to vector<64x1xi32>
    %sign3A_220 = arith.subi %sign3A_215, %sign3A_219 : vector<64x1xi32>
    %sign3A_221 = arith.constant 0 : i32
    %sign3A_222 = arith.cmpi sgt, %jit3A_209, %sign3A_221 : i32
    %sign3A_223 = arith.extui %sign3A_222 : i1 to i32
    %sign3A_224 = arith.constant 0 : i32
    %sign3A_225 = arith.cmpi slt, %jit3A_209, %sign3A_224 : i32
    %sign3A_226 = arith.extui %sign3A_225 : i1 to i32
    %sign3A_227 = arith.subi %sign3A_223, %sign3A_226 : i32
    %ne3A_228 = vector.broadcast %sign3A_227 : i32 to vector<64x1xi32>
    %ne3A_229 = arith.cmpi ne, %sign3A_220, %ne3A_228 : vector<64x1xi32>
    %rem3A_230 = vector.broadcast %jit3A_209 : i32 to vector<64x1xi32>
    %rem3A_231 = arith.remsi %iota3A, %rem3A_230 : vector<64x1xi32>
    %ne3A_232 = arith.constant 0 : i32
    %ne3A_233 = vector.broadcast %ne3A_232 : i32 to vector<64x1xi32>
    %ne3A_234 = arith.cmpi ne, %rem3A_231, %ne3A_233 : vector<64x1xi32>
    %and3A_235 = arith.andi %ne3A_229, %ne3A_234 : vector<64x1xi1>
    %sub3A_236 = arith.constant 1 : i32
    %sub3A_237 = vector.broadcast %sub3A_236 : i32 to vector<64x1xi32>
    %sub3A_238 = arith.subi %div3A_211, %sub3A_237 : vector<64x1xi32>
    %select_n3A_239 = arith.select %and3A_235, %sub3A_238, %div3A_211 : vector<64x1xi1>, vector<64x1xi32>
    %mul3A_240 = arith.constant 4 : i32
    %mul3A_241 = vector.broadcast %mul3A_240 : i32 to vector<64x1xi32>
    %mul3A_242 = arith.muli %select_n3A_239, %mul3A_241 : vector<64x1xi32>
    %add3A_243 = arith.constant 3 : i32
    %add3A_244 = vector.broadcast %add3A_243 : i32 to vector<64x1xi32>
    %add3A_245 = arith.addi %mul3A_242, %add3A_244 : vector<64x1xi32>
    %eq3A_246 = vector.broadcast %add3A_245 : vector<64x1xi32> to vector<64x64xi32>
    %eq3A_247 = arith.cmpi eq, %iota3A_10, %eq3A_246 : vector<64x64xi32>
    %convert_element_type3A_248 = arith.extui %eq3A_247 : vector<64x64xi1> to vector<64x64xi32>
    %convert_element_type3A_249 = arith.sitofp %convert_element_type3A_248 : vector<64x64xi32> to vector<64x64xf32>
    %dot_general3A_250 = arith.constant dense<0.000000e+00> : vector<64x8xf32>
    %dot_general3A_251 = tpu.matmul %convert_element_type3A_249, %sub3A_42, %dot_general3A_250 {dimension_numbers = #tpu.dot_dimension_numbers<[1], [0], [0], [1], [0, 0, 1, 1], [], []>, transpose_lhs_hint = false} : vector<64x64xf32>, vector<64x8xf32>, vector<64x8xf32> -> vector<64x8xf32>
    %mul3A_252 = arith.mulf %sub3A_42, %dot_general3A_251 : vector<64x8xf32>
    %reduce_sum3A_253 = arith.constant dense<0.000000e+00> : vector<64xf32>
    %reduce_sum3A_254 = vector.multi_reduction <add>, %mul3A_252, %reduce_sum3A_253 [1] : vector<64x8xf32> to vector<64xf32>
    %broadcast_in_dim3A_255 = vector.shape_cast %reduce_sum3A_254 : vector<64xf32> to vector<64x1xf32>
    %eq3A_256 = arith.constant 3 : i32
    %eq3A_257 = vector.broadcast %eq3A_256 : i32 to vector<1x8xi32>
    %eq3A_258 = arith.cmpi eq, %iota3A_11, %eq3A_257 : vector<1x8xi32>
    %convert_element_type3A_259 = arith.extui %eq3A_258 : vector<1x8xi1> to vector<1x8xi32>
    %convert_element_type3A_260 = arith.sitofp %convert_element_type3A_259 : vector<1x8xi32> to vector<1x8xf32>
    %mul3A_261 = vector.broadcast %broadcast_in_dim3A_255 : vector<64x1xf32> to vector<64x8xf32>
    %mul3A_262 = vector.broadcast %convert_element_type3A_260 : vector<1x8xf32> to vector<64x8xf32>
    %mul3A_263 = arith.mulf %mul3A_261, %mul3A_262 : vector<64x8xf32>
    %add3A_264 = arith.addf %add3A_208, %mul3A_263 : vector<64x8xf32>
    %get3A_265 = arith.constant 0 : index
    %get3A_266 = arith.constant 0 : index
    %get3A_267 = vector.load %arg3[%get3A_265, %get3A_266] : memref<64x128xf32, #tpu.memory_space<vmem>>, vector<64x128xf32>
    %get3A_268 = arith.constant 0 : index
    %get3A_269 = arith.constant 0 : index
    %get3A_270 = vector.load %arg4[%get3A_268, %get3A_269] : memref<128x128xf32, #tpu.memory_space<vmem>>, vector<128x128xf32>
    %dot_general3A_271 = arith.constant dense<0.000000e+00> : vector<64x128xf32>
    %dot_general3A_272 = tpu.matmul %get3A_267, %get3A_270, %dot_general3A_271 {dimension_numbers = #tpu.dot_dimension_numbers<[1], [0], [0], [1], [0, 0, 1, 1], [], []>, transpose_lhs_hint = false} : vector<64x128xf32>, vector<128x128xf32>, vector<64x128xf32> -> vector<64x128xf32>
    %get3A_273 = arith.constant 0 : index
    %get3A_274 = arith.constant 0 : index
    %get3A_275 = vector.load %arg5[%get3A_273, %get3A_274] : memref<8x128xf32, #tpu.memory_space<vmem>>, vector<8x128xf32>
    %dot_general3A_276 = arith.constant dense<0.000000e+00> : vector<64x128xf32>
    %dot_general3A_277 = tpu.matmul %add3A_264, %get3A_275, %dot_general3A_276 {dimension_numbers = #tpu.dot_dimension_numbers<[1], [0], [0], [1], [0, 0, 1, 1], [], []>, transpose_lhs_hint = false} : vector<64x8xf32>, vector<8x128xf32>, vector<64x128xf32> -> vector<64x128xf32>
    %add3A_278 = arith.addf %dot_general3A_272, %dot_general3A_277 : vector<64x128xf32>
    %get3A_279 = arith.constant 0 : index
    %get3A_280 = arith.constant 0 : index
    %get3A_281 = vector.load %arg6[%get3A_279, %get3A_280] : memref<1x128xf32, #tpu.memory_space<vmem>>, vector<1x128xf32>
    %add3A_282 = vector.broadcast %get3A_281 : vector<1x128xf32> to vector<64x128xf32>
    %add3A_283 = arith.addf %add3A_278, %add3A_282 : vector<64x128xf32>
    %jit3A_284 = arith.constant 16 : i32
    %eq3A_285 = arith.constant 0 : i32
    %eq3A_286 = arith.cmpi eq, %jit3A_284, %eq3A_285 : i32
    %jit3A_287 = arith.constant 1 : i32
    %select_n3A_288 = arith.select %eq3A_286, %jit3A_287, %jit3A_284 : i32
    %rem3A_289 = vector.broadcast %select_n3A_288 : i32 to vector<64x1xi32>
    %rem3A_290 = arith.remsi %iota3A, %rem3A_289 : vector<64x1xi32>
    %ne3A_291 = arith.constant 0 : i32
    %ne3A_292 = vector.broadcast %ne3A_291 : i32 to vector<64x1xi32>
    %ne3A_293 = arith.cmpi ne, %rem3A_290, %ne3A_292 : vector<64x1xi32>
    %lt3A = arith.constant 0 : i32
    %lt3A_294 = vector.broadcast %lt3A : i32 to vector<64x1xi32>
    %lt3A_295 = arith.cmpi slt, %rem3A_290, %lt3A_294 : vector<64x1xi32>
    %lt3A_296 = arith.constant 0 : i32
    %lt3A_297 = arith.cmpi slt, %select_n3A_288, %lt3A_296 : i32
    %ne3A_298 = vector.broadcast %lt3A_297 : i1 to vector<64x1xi1>
    %ne3A_299 = vector.broadcast %ne3A_298 : vector<64x1xi1> to vector<64x1xi1>
    %ne3A_300 = arith.xori %lt3A_295, %ne3A_299 : vector<64x1xi1>
    %and3A_301 = arith.andi %ne3A_300, %ne3A_293 : vector<64x1xi1>
    %add3A_302 = vector.broadcast %select_n3A_288 : i32 to vector<64x1xi32>
    %add3A_303 = arith.addi %rem3A_290, %add3A_302 : vector<64x1xi32>
    %select_n3A_304 = arith.select %and3A_301, %add3A_303, %rem3A_290 : vector<64x1xi1>, vector<64x1xi32>
    %mul3A_305 = arith.constant 4 : i32
    %mul3A_306 = vector.broadcast %mul3A_305 : i32 to vector<64x1xi32>
    %mul3A_307 = arith.muli %select_n3A_304, %mul3A_306 : vector<64x1xi32>
    %jit3A_308 = arith.constant 16 : i32
    %div3A_309 = vector.broadcast %jit3A_308 : i32 to vector<64x1xi32>
    %div3A_310 = arith.divsi %iota3A, %div3A_309 : vector<64x1xi32>
    %sign3A_311 = arith.constant 0 : i32
    %sign3A_312 = vector.broadcast %sign3A_311 : i32 to vector<64x1xi32>
    %sign3A_313 = arith.cmpi sgt, %iota3A, %sign3A_312 : vector<64x1xi32>
    %sign3A_314 = arith.extui %sign3A_313 : vector<64x1xi1> to vector<64x1xi32>
    %sign3A_315 = arith.constant 0 : i32
    %sign3A_316 = vector.broadcast %sign3A_315 : i32 to vector<64x1xi32>
    %sign3A_317 = arith.cmpi slt, %iota3A, %sign3A_316 : vector<64x1xi32>
    %sign3A_318 = arith.extui %sign3A_317 : vector<64x1xi1> to vector<64x1xi32>
    %sign3A_319 = arith.subi %sign3A_314, %sign3A_318 : vector<64x1xi32>
    %sign3A_320 = arith.constant 0 : i32
    %sign3A_321 = arith.cmpi sgt, %jit3A_308, %sign3A_320 : i32
    %sign3A_322 = arith.extui %sign3A_321 : i1 to i32
    %sign3A_323 = arith.constant 0 : i32
    %sign3A_324 = arith.cmpi slt, %jit3A_308, %sign3A_323 : i32
    %sign3A_325 = arith.extui %sign3A_324 : i1 to i32
    %sign3A_326 = arith.subi %sign3A_322, %sign3A_325 : i32
    %ne3A_327 = vector.broadcast %sign3A_326 : i32 to vector<64x1xi32>
    %ne3A_328 = arith.cmpi ne, %sign3A_319, %ne3A_327 : vector<64x1xi32>
    %rem3A_329 = vector.broadcast %jit3A_308 : i32 to vector<64x1xi32>
    %rem3A_330 = arith.remsi %iota3A, %rem3A_329 : vector<64x1xi32>
    %ne3A_331 = arith.constant 0 : i32
    %ne3A_332 = vector.broadcast %ne3A_331 : i32 to vector<64x1xi32>
    %ne3A_333 = arith.cmpi ne, %rem3A_330, %ne3A_332 : vector<64x1xi32>
    %and3A_334 = arith.andi %ne3A_328, %ne3A_333 : vector<64x1xi1>
    %sub3A_335 = arith.constant 1 : i32
    %sub3A_336 = vector.broadcast %sub3A_335 : i32 to vector<64x1xi32>
    %sub3A_337 = arith.subi %div3A_310, %sub3A_336 : vector<64x1xi32>
    %select_n3A_338 = arith.select %and3A_334, %sub3A_337, %div3A_310 : vector<64x1xi1>, vector<64x1xi32>
    %add3A_339 = arith.addi %mul3A_307, %select_n3A_338 : vector<64x1xi32>
    %eq3A_340 = vector.broadcast %add3A_339 : vector<64x1xi32> to vector<64x64xi32>
    %eq3A_341 = arith.cmpi eq, %iota3A_10, %eq3A_340 : vector<64x64xi32>
    %convert_element_type3A_342 = arith.extui %eq3A_341 : vector<64x64xi1> to vector<64x64xi32>
    %convert_element_type3A_343 = arith.sitofp %convert_element_type3A_342 : vector<64x64xi32> to vector<64x64xf32>
    %dot_general3A_344 = arith.constant dense<0.000000e+00> : vector<64x128xf32>
    %dot_general3A_345 = tpu.matmul %convert_element_type3A_343, %add3A_283, %dot_general3A_344 {dimension_numbers = #tpu.dot_dimension_numbers<[1], [0], [0], [1], [0, 0, 1, 1], [], []>, transpose_lhs_hint = false} : vector<64x64xf32>, vector<64x128xf32>, vector<64x128xf32> -> vector<64x128xf32>
    %swap3A_346 = arith.constant 0 : index
    %swap3A_347 = arith.constant 0 : index
    %swap3A_348 = vector.load %arg7[%swap3A_346, %swap3A_347] : memref<64x128xf32, #tpu.memory_space<vmem>>, vector<64x128xf32>
    tpu.vector_store %arg7[%swap3A_346, %swap3A_347], %dot_general3A_345 {strides = array<i32>} : memref<64x128xf32, #tpu.memory_space<vmem>>, vector<64x128xf32>,
    %dot_general3A_349 = arith.constant dense<0.000000e+00> : vector<64x8xf32>
    %dot_general3A_350 = tpu.matmul %convert_element_type3A_343, %get3A_40, %dot_general3A_349 {dimension_numbers = #tpu.dot_dimension_numbers<[1], [0], [0], [1], [0, 0, 1, 1], [], []>, transpose_lhs_hint = false} : vector<64x64xf32>, vector<64x8xf32>, vector<64x8xf32> -> vector<64x8xf32>
    %swap3A_351 = arith.constant 0 : index
    %swap3A_352 = arith.constant 0 : index
    %swap3A_353 = vector.load %arg8[%swap3A_351, %swap3A_352] : memref<64x8xf32, #tpu.memory_space<vmem>>, vector<64x8xf32>
    tpu.vector_store %arg8[%swap3A_351, %swap3A_352], %dot_general3A_350 {strides = array<i32>} : memref<64x8xf32, #tpu.memory_space<vmem>>, vector<64x8xf32>,
    return
  }
}

module attributes {stable_mosaic.version = 14 : i64} {
  func.func @_b_body(%arg0: i32, %arg1: memref<1000x128xf32, #tpu.memory_space<vmem>>, %arg2: memref<1000x8xf32, #tpu.memory_space<vmem>>, %arg3: memref<1000x1xi32, #tpu.memory_space<vmem>>, %arg4: memref<1000x16xf32, #tpu.memory_space<vmem>>, %arg5: memref<64x8xf32, #tpu.memory_space<vmem>>, %arg6: memref<64x128xf32, #tpu.memory_space<vmem>>, %arg7: memref<128x128xf32, #tpu.memory_space<vmem>>, %arg8: memref<1x128xf32, #tpu.memory_space<vmem>>, %arg9: memref<128x128xf32, #tpu.memory_space<vmem>>, %arg10: memref<1x128xf32, #tpu.memory_space<vmem>>, %arg11: memref<128x128xf32, #tpu.memory_space<vmem>>, %arg12: memref<1x128xf32, #tpu.memory_space<vmem>>, %arg13: memref<128x1xf32, #tpu.memory_space<vmem>>, %arg14: memref<128x128xf32, #tpu.memory_space<vmem>>, %arg15: memref<1x128xf32, #tpu.memory_space<vmem>>, %arg16: memref<128x1xf32, #tpu.memory_space<vmem>>, %arg17: memref<512x128xf32, #tpu.memory_space<vmem>>, %arg18: memref<128x128xf32, #tpu.memory_space<vmem>>, %arg19: memref<16x128xf32, #tpu.memory_space<vmem>>, %arg20: memref<1x128xf32, #tpu.memory_space<vmem>>, %arg21: memref<1000x8xf32, #tpu.memory_space<vmem>>, %arg22: memref<1000x128xf32, #tpu.memory_space<vmem>>, %arg23: memref<64x8xf32, #tpu.memory_space<vmem>>, %arg24: memref<64x128xf32, #tpu.memory_space<vmem>>) attributes {dimension_semantics = [#tpu.dimension_semantics<arbitrary>], iteration_bounds = array<i64: 10>, scalar_prefetch = 0 : i64, scratch_operands = 0 : i64, tpu.core_type = #tpu.core_type<tc>, window_params = [{transform_indices = @transform_0, window_bounds = array<i64: 1000, 128>}, {transform_indices = @transform_1, window_bounds = array<i64: 1000, 8>}, {transform_indices = @transform_2, window_bounds = array<i64: 1000, 1>}, {transform_indices = @transform_3, window_bounds = array<i64: 1000, 16>}, {pipeline_mode = #tpu.pipeline_mode<synchronous>, transform_indices = @transform_4, window_bounds = array<i64: 64, 8>}, {pipeline_mode = #tpu.pipeline_mode<synchronous>, transform_indices = @transform_5, window_bounds = array<i64: 64, 128>}, {pipeline_mode = #tpu.pipeline_mode<synchronous>, transform_indices = @transform_6, window_bounds = array<i64: 128, 128>}, {pipeline_mode = #tpu.pipeline_mode<synchronous>, transform_indices = @transform_7, window_bounds = array<i64: 1, 128>}, {pipeline_mode = #tpu.pipeline_mode<synchronous>, transform_indices = @transform_8, window_bounds = array<i64: 128, 128>}, {pipeline_mode = #tpu.pipeline_mode<synchronous>, transform_indices = @transform_9, window_bounds = array<i64: 1, 128>}, {pipeline_mode = #tpu.pipeline_mode<synchronous>, transform_indices = @transform_10, window_bounds = array<i64: 128, 128>}, {pipeline_mode = #tpu.pipeline_mode<synchronous>, transform_indices = @transform_11, window_bounds = array<i64: 1, 128>}, {pipeline_mode = #tpu.pipeline_mode<synchronous>, transform_indices = @transform_12, window_bounds = array<i64: 128, 1>}, {pipeline_mode = #tpu.pipeline_mode<synchronous>, transform_indices = @transform_13, window_bounds = array<i64: 128, 128>}, {pipeline_mode = #tpu.pipeline_mode<synchronous>, transform_indices = @transform_14, window_bounds = array<i64: 1, 128>}, {pipeline_mode = #tpu.pipeline_mode<synchronous>, transform_indices = @transform_15, window_bounds = array<i64: 128, 1>}, {pipeline_mode = #tpu.pipeline_mode<synchronous>, transform_indices = @transform_16, window_bounds = array<i64: 512, 128>}, {pipeline_mode = #tpu.pipeline_mode<synchronous>, transform_indices = @transform_17, window_bounds = array<i64: 128, 128>}, {pipeline_mode = #tpu.pipeline_mode<synchronous>, transform_indices = @transform_18, window_bounds = array<i64: 16, 128>}, {pipeline_mode = #tpu.pipeline_mode<synchronous>, transform_indices = @transform_19, window_bounds = array<i64: 1, 128>}, {transform_indices = @transform_20, window_bounds = array<i64: 1000, 8>}, {transform_indices = @transform_21, window_bounds = array<i64: 1000, 128>}, {pipeline_mode = #tpu.pipeline_mode<synchronous>, transform_indices = @transform_22, window_bounds = array<i64: 64, 8>}, {pipeline_mode = #tpu.pipeline_mode<synchronous>, transform_indices = @transform_23, window_bounds = array<i64: 64, 128>}]} {
    %get3A = arith.constant 0 : index
    %get3A_0 = arith.constant 0 : index
    %get3A_1 = vector.load %arg1[%get3A, %get3A_0] : memref<1000x128xf32, #tpu.memory_space<vmem>>, vector<1000x128xf32>
    %get3A_2 = arith.constant 0 : index
    %get3A_3 = arith.constant 0 : index
    %get3A_4 = vector.load %arg2[%get3A_2, %get3A_3] : memref<1000x8xf32, #tpu.memory_space<vmem>>, vector<1000x8xf32>
    %get3A_5 = arith.constant 0 : index
    %get3A_6 = arith.constant 0 : index
    %get3A_7 = vector.load %arg3[%get3A_5, %get3A_6] : memref<1000x1xi32, #tpu.memory_space<vmem>>, vector<1000x1xi32>
    %iota3A = tpu.iota {dimensions = array<i32: 1>} : vector<1x16xi32>
    %eq3A = vector.broadcast %get3A_7 : vector<1000x1xi32> to vector<1000x16xi32>
    %eq3A_8 = vector.broadcast %iota3A : vector<1x16xi32> to vector<1000x16xi32>
    %eq3A_9 = arith.cmpi eq, %eq3A, %eq3A_8 : vector<1000x16xi32>
    %convert_element_type3A = arith.extui %eq3A_9 : vector<1000x16xi1> to vector<1000x16xi32>
    %convert_element_type3A_10 = arith.sitofp %convert_element_type3A : vector<1000x16xi32> to vector<1000x16xf32>
    %get3A_11 = arith.constant 0 : index
    %get3A_12 = arith.constant 0 : index
    %get3A_13 = vector.load %arg7[%get3A_11, %get3A_12] : memref<128x128xf32, #tpu.memory_space<vmem>>, vector<128x128xf32>
    %convert_element_type3A_14 = arith.truncf %get3A_1 : vector<1000x128xf32> to vector<1000x128xbf16>
    %convert_element_type3A_15 = arith.truncf %get3A_13 : vector<128x128xf32> to vector<128x128xbf16>
    %dot_general3A = arith.constant dense<0.000000e+00> : vector<1000x128xf32>
    %dot_general3A_16 = tpu.matmul %convert_element_type3A_14, %convert_element_type3A_15, %dot_general3A {dimension_numbers = #tpu.dot_dimension_numbers<[1], [0], [0], [1], [0, 0, 1, 1], [], []>, transpose_lhs_hint = false} : vector<1000x128xbf16>, vector<128x128xbf16>, vector<1000x128xf32> -> vector<1000x128xf32>
    %get3A_17 = arith.constant 0 : index
    %get3A_18 = arith.constant 0 : index
    %get3A_19 = vector.load %arg18[%get3A_17, %get3A_18] : memref<128x128xf32, #tpu.memory_space<vmem>>, vector<128x128xf32>
    %convert_element_type3A_20 = arith.truncf %get3A_1 : vector<1000x128xf32> to vector<1000x128xbf16>
    %convert_element_type3A_21 = arith.truncf %get3A_19 : vector<128x128xf32> to vector<128x128xbf16>
    %dot_general3A_22 = arith.constant dense<0.000000e+00> : vector<1000x128xf32>
    %dot_general3A_23 = tpu.matmul %convert_element_type3A_20, %convert_element_type3A_21, %dot_general3A_22 {dimension_numbers = #tpu.dot_dimension_numbers<[1], [0], [0], [1], [0, 0, 1, 1], [], []>, transpose_lhs_hint = false} : vector<1000x128xbf16>, vector<128x128xbf16>, vector<1000x128xf32> -> vector<1000x128xf32>
    %get3A_24 = arith.constant 0 : index
    %get3A_25 = arith.constant 0 : index
    %get3A_26 = vector.load %arg4[%get3A_24, %get3A_25] : memref<1000x16xf32, #tpu.memory_space<vmem>>, vector<1000x16xf32>
    %get3A_27 = arith.constant 0 : index
    %get3A_28 = arith.constant 0 : index
    %get3A_29 = vector.load %arg19[%get3A_27, %get3A_28] : memref<16x128xf32, #tpu.memory_space<vmem>>, vector<16x128xf32>
    %dot_general3A_30 = arith.constant dense<0.000000e+00> : vector<1000x128xf32>
    %dot_general3A_31 = tpu.matmul %get3A_26, %get3A_29, %dot_general3A_30 {dimension_numbers = #tpu.dot_dimension_numbers<[1], [0], [0], [1], [0, 0, 1, 1], [], []>, transpose_lhs_hint = false} : vector<1000x16xf32>, vector<16x128xf32>, vector<1000x128xf32> -> vector<1000x128xf32>
    %add3A = arith.addf %dot_general3A_23, %dot_general3A_31 : vector<1000x128xf32>
    %get3A_32 = arith.constant 0 : index
    %get3A_33 = arith.constant 0 : index
    %get3A_34 = vector.load %arg20[%get3A_32, %get3A_33] : memref<1x128xf32, #tpu.memory_space<vmem>>, vector<1x128xf32>
    %add3A_35 = vector.broadcast %get3A_34 : vector<1x128xf32> to vector<1000x128xf32>
    %add3A_36 = arith.addf %add3A, %add3A_35 : vector<1000x128xf32>
    %broadcast_in_dim3A = arith.constant 0.000000e+00 : f32
    %broadcast_in_dim3A_37 = vector.broadcast %broadcast_in_dim3A : f32 to vector<1000x8xf32>
    %eq3A_38 = arith.constant 0 : i32
    %eq3A_39 = arith.cmpi eq, %arg0, %eq3A_38 : i32
    %convert_element_type3A_40 = arith.extui %eq3A_39 : i1 to i32
    %cond3A = arith.constant 0 : i32
    %cond3A_41 = arith.cmpi ne, %convert_element_type3A_40, %cond3A : i32
    scf.if %cond3A_41 {
      %broadcast_in_dim3A_561 = arith.constant 0.000000e+00 : f32
      %broadcast_in_dim3A_562 = vector.broadcast %broadcast_in_dim3A_561 : f32 to vector<64x8xf32>
      %swap3A_563 = arith.constant 0 : index
      %swap3A_564 = arith.constant 0 : index
      %swap3A_565 = vector.load %arg23[%swap3A_563, %swap3A_564] : memref<64x8xf32, #tpu.memory_space<vmem>>, vector<64x8xf32>
      tpu.vector_store %arg23[%swap3A_563, %swap3A_564], %broadcast_in_dim3A_562 {strides = array<i32>} : memref<64x8xf32, #tpu.memory_space<vmem>>, vector<64x8xf32>,
      %broadcast_in_dim3A_566 = arith.constant 0.000000e+00 : f32
      %broadcast_in_dim3A_567 = vector.broadcast %broadcast_in_dim3A_566 : f32 to vector<64x128xf32>
      %swap3A_568 = arith.constant 0 : index
      %swap3A_569 = arith.constant 0 : index
      %swap3A_570 = vector.load %arg24[%swap3A_568, %swap3A_569] : memref<64x128xf32, #tpu.memory_space<vmem>>, vector<64x128xf32>
      tpu.vector_store %arg24[%swap3A_568, %swap3A_569], %broadcast_in_dim3A_567 {strides = array<i32>} : memref<64x128xf32, #tpu.memory_space<vmem>>, vector<64x128xf32>,
    } else {
    }
    %get3A_42 = arith.constant 0 : index
    %get3A_43 = arith.constant 0 : index
    %get3A_44 = vector.load %arg5[%get3A_42, %get3A_43] : memref<64x8xf32, #tpu.memory_space<vmem>>, vector<16x8xf32>
    %dot_general3A_45 = arith.constant dense<0.000000e+00> : vector<1000x8xf32>
    %dot_general3A_46 = tpu.matmul %convert_element_type3A_10, %get3A_44, %dot_general3A_45 {dimension_numbers = #tpu.dot_dimension_numbers<[1], [0], [0], [1], [0, 0, 1, 1], [], []>, transpose_lhs_hint = false} : vector<1000x16xf32>, vector<16x8xf32>, vector<1000x8xf32> -> vector<1000x8xf32>
    %sub3A = arith.subf %dot_general3A_46, %get3A_4 : vector<1000x8xf32>
    %mul3A = arith.mulf %sub3A, %sub3A : vector<1000x8xf32>
    %reduce_sum3A = arith.constant dense<0.000000e+00> : vector<1000xf32>
    %reduce_sum3A_47 = vector.multi_reduction <add>, %mul3A, %reduce_sum3A [1] : vector<1000x8xf32> to vector<1000xf32>
    %broadcast_in_dim3A_48 = vector.shape_cast %reduce_sum3A_47 : vector<1000xf32> to vector<1000x1xf32>
    %sqrt3A = math.sqrt %broadcast_in_dim3A_48 : vector<1000x1xf32>
    %get3A_49 = arith.constant 0 : index
    %get3A_50 = arith.constant 0 : index
    %get3A_51 = vector.load %arg6[%get3A_49, %get3A_50] : memref<64x128xf32, #tpu.memory_space<vmem>>, vector<16x128xf32>
    %dot_general3A_52 = arith.constant dense<0.000000e+00> : vector<1000x128xf32>
    %dot_general3A_53 = tpu.matmul %convert_element_type3A_10, %get3A_51, %dot_general3A_52 {dimension_numbers = #tpu.dot_dimension_numbers<[1], [0], [0], [1], [0, 0, 1, 1], [], []>, transpose_lhs_hint = false} : vector<1000x16xf32>, vector<16x128xf32>, vector<1000x128xf32> -> vector<1000x128xf32>
    %add3A_54 = arith.addf %dot_general3A_16, %dot_general3A_53 : vector<1000x128xf32>
    %get3A_55 = arith.constant 0 : index
    %get3A_56 = arith.constant 0 : index
    %get3A_57 = vector.load %arg8[%get3A_55, %get3A_56] : memref<1x128xf32, #tpu.memory_space<vmem>>, vector<1x128xf32>
    %mul3A_58 = vector.broadcast %sqrt3A : vector<1000x1xf32> to vector<1000x128xf32>
    %mul3A_59 = vector.broadcast %get3A_57 : vector<1x128xf32> to vector<1000x128xf32>
    %mul3A_60 = arith.mulf %mul3A_58, %mul3A_59 : vector<1000x128xf32>
    %add3A_61 = arith.addf %add3A_54, %mul3A_60 : vector<1000x128xf32>
    %logistic3A = arith.negf %add3A_61 : vector<1000x128xf32>
    %logistic3A_62 = math.exp %logistic3A : vector<1000x128xf32>
    %logistic3A_63 = arith.constant 1.000000e+00 : f32
    %logistic3A_64 = vector.broadcast %logistic3A_63 : f32 to vector<1000x128xf32>
    %logistic3A_65 = arith.addf %logistic3A_64, %logistic3A_62 : vector<1000x128xf32>
    %logistic3A_66 = arith.divf %logistic3A_64, %logistic3A_65 : vector<1000x128xf32>
    %mul3A_67 = arith.mulf %add3A_61, %logistic3A_66 : vector<1000x128xf32>
    %get3A_68 = arith.constant 0 : index
    %get3A_69 = arith.constant 0 : index
    %get3A_70 = vector.load %arg9[%get3A_68, %get3A_69] : memref<128x128xf32, #tpu.memory_space<vmem>>, vector<128x128xf32>
    %convert_element_type3A_71 = arith.truncf %mul3A_67 : vector<1000x128xf32> to vector<1000x128xbf16>
    %convert_element_type3A_72 = arith.truncf %get3A_70 : vector<128x128xf32> to vector<128x128xbf16>
    %dot_general3A_73 = arith.constant dense<0.000000e+00> : vector<1000x128xf32>
    %dot_general3A_74 = tpu.matmul %convert_element_type3A_71, %convert_element_type3A_72, %dot_general3A_73 {dimension_numbers = #tpu.dot_dimension_numbers<[1], [0], [0], [1], [0, 0, 1, 1], [], []>, transpose_lhs_hint = false} : vector<1000x128xbf16>, vector<128x128xbf16>, vector<1000x128xf32> -> vector<1000x128xf32>
    %get3A_75 = arith.constant 0 : index
    %get3A_76 = arith.constant 0 : index
    %get3A_77 = vector.load %arg10[%get3A_75, %get3A_76] : memref<1x128xf32, #tpu.memory_space<vmem>>, vector<1x128xf32>
    %add3A_78 = vector.broadcast %get3A_77 : vector<1x128xf32> to vector<1000x128xf32>
    %add3A_79 = arith.addf %dot_general3A_74, %add3A_78 : vector<1000x128xf32>
    %logistic3A_80 = arith.negf %add3A_79 : vector<1000x128xf32>
    %logistic3A_81 = math.exp %logistic3A_80 : vector<1000x128xf32>
    %logistic3A_82 = arith.constant 1.000000e+00 : f32
    %logistic3A_83 = vector.broadcast %logistic3A_82 : f32 to vector<1000x128xf32>
    %logistic3A_84 = arith.addf %logistic3A_83, %logistic3A_81 : vector<1000x128xf32>
    %logistic3A_85 = arith.divf %logistic3A_83, %logistic3A_84 : vector<1000x128xf32>
    %mul3A_86 = arith.mulf %add3A_79, %logistic3A_85 : vector<1000x128xf32>
    %get3A_87 = arith.constant 0 : index
    %get3A_88 = arith.constant 0 : index
    %get3A_89 = vector.load %arg11[%get3A_87, %get3A_88] : memref<128x128xf32, #tpu.memory_space<vmem>>, vector<128x128xf32>
    %convert_element_type3A_90 = arith.truncf %mul3A_86 : vector<1000x128xf32> to vector<1000x128xbf16>
    %convert_element_type3A_91 = arith.truncf %get3A_89 : vector<128x128xf32> to vector<128x128xbf16>
    %dot_general3A_92 = arith.constant dense<0.000000e+00> : vector<1000x128xf32>
    %dot_general3A_93 = tpu.matmul %convert_element_type3A_90, %convert_element_type3A_91, %dot_general3A_92 {dimension_numbers = #tpu.dot_dimension_numbers<[1], [0], [0], [1], [0, 0, 1, 1], [], []>, transpose_lhs_hint = false} : vector<1000x128xbf16>, vector<128x128xbf16>, vector<1000x128xf32> -> vector<1000x128xf32>
    %get3A_94 = arith.constant 0 : index
    %get3A_95 = arith.constant 0 : index
    %get3A_96 = vector.load %arg12[%get3A_94, %get3A_95] : memref<1x128xf32, #tpu.memory_space<vmem>>, vector<1x128xf32>
    %add3A_97 = vector.broadcast %get3A_96 : vector<1x128xf32> to vector<1000x128xf32>
    %add3A_98 = arith.addf %dot_general3A_93, %add3A_97 : vector<1000x128xf32>
    %logistic3A_99 = arith.negf %add3A_98 : vector<1000x128xf32>
    %logistic3A_100 = math.exp %logistic3A_99 : vector<1000x128xf32>
    %logistic3A_101 = arith.constant 1.000000e+00 : f32
    %logistic3A_102 = vector.broadcast %logistic3A_101 : f32 to vector<1000x128xf32>
    %logistic3A_103 = arith.addf %logistic3A_102, %logistic3A_100 : vector<1000x128xf32>
    %logistic3A_104 = arith.divf %logistic3A_102, %logistic3A_103 : vector<1000x128xf32>
    %mul3A_105 = arith.mulf %add3A_98, %logistic3A_104 : vector<1000x128xf32>
    %get3A_106 = arith.constant 0 : index
    %get3A_107 = arith.constant 0 : index
    %get3A_108 = vector.load %arg13[%get3A_106, %get3A_107] : memref<128x1xf32, #tpu.memory_space<vmem>>, vector<128x1xf32>
    %dot_general3A_109 = arith.constant dense<0.000000e+00> : vector<1000x1xf32>
    %dot_general3A_110 = tpu.matmul %mul3A_105, %get3A_108, %dot_general3A_109 {dimension_numbers = #tpu.dot_dimension_numbers<[1], [0], [0], [1], [0, 0, 1, 1], [], []>, transpose_lhs_hint = false} : vector<1000x128xf32>, vector<128x1xf32>, vector<1000x1xf32> -> vector<1000x1xf32>
    %get3A_111 = arith.constant 0 : index
    %get3A_112 = arith.constant 0 : index
    %get3A_113 = vector.load %arg14[%get3A_111, %get3A_112] : memref<128x128xf32, #tpu.memory_space<vmem>>, vector<128x128xf32>
    %convert_element_type3A_114 = arith.truncf %mul3A_86 : vector<1000x128xf32> to vector<1000x128xbf16>
    %convert_element_type3A_115 = arith.truncf %get3A_113 : vector<128x128xf32> to vector<128x128xbf16>
    %dot_general3A_116 = arith.constant dense<0.000000e+00> : vector<1000x128xf32>
    %dot_general3A_117 = tpu.matmul %convert_element_type3A_114, %convert_element_type3A_115, %dot_general3A_116 {dimension_numbers = #tpu.dot_dimension_numbers<[1], [0], [0], [1], [0, 0, 1, 1], [], []>, transpose_lhs_hint = false} : vector<1000x128xbf16>, vector<128x128xbf16>, vector<1000x128xf32> -> vector<1000x128xf32>
    %get3A_118 = arith.constant 0 : index
    %get3A_119 = arith.constant 0 : index
    %get3A_120 = vector.load %arg15[%get3A_118, %get3A_119] : memref<1x128xf32, #tpu.memory_space<vmem>>, vector<1x128xf32>
    %add3A_121 = vector.broadcast %get3A_120 : vector<1x128xf32> to vector<1000x128xf32>
    %add3A_122 = arith.addf %dot_general3A_117, %add3A_121 : vector<1000x128xf32>
    %logistic3A_123 = arith.negf %add3A_122 : vector<1000x128xf32>
    %logistic3A_124 = math.exp %logistic3A_123 : vector<1000x128xf32>
    %logistic3A_125 = arith.constant 1.000000e+00 : f32
    %logistic3A_126 = vector.broadcast %logistic3A_125 : f32 to vector<1000x128xf32>
    %logistic3A_127 = arith.addf %logistic3A_126, %logistic3A_124 : vector<1000x128xf32>
    %logistic3A_128 = arith.divf %logistic3A_126, %logistic3A_127 : vector<1000x128xf32>
    %mul3A_129 = arith.mulf %add3A_122, %logistic3A_128 : vector<1000x128xf32>
    %get3A_130 = arith.constant 0 : index
    %get3A_131 = arith.constant 0 : index
    %get3A_132 = vector.load %arg16[%get3A_130, %get3A_131] : memref<128x1xf32, #tpu.memory_space<vmem>>, vector<128x1xf32>
    %dot_general3A_133 = arith.constant dense<0.000000e+00> : vector<1000x1xf32>
    %dot_general3A_134 = tpu.matmul %mul3A_129, %get3A_132, %dot_general3A_133 {dimension_numbers = #tpu.dot_dimension_numbers<[1], [0], [0], [1], [0, 0, 1, 1], [], []>, transpose_lhs_hint = false} : vector<1000x128xf32>, vector<128x1xf32>, vector<1000x1xf32> -> vector<1000x1xf32>
    %mul3A_135 = vector.broadcast %dot_general3A_110 : vector<1000x1xf32> to vector<1000x8xf32>
    %mul3A_136 = arith.mulf %sub3A, %mul3A_135 : vector<1000x8xf32>
    %add3A_137 = arith.addf %broadcast_in_dim3A_37, %mul3A_136 : vector<1000x8xf32>
    %get3A_138 = arith.constant 0 : index
    %get3A_139 = arith.constant 0 : index
    %get3A_140 = vector.load %arg23[%get3A_138, %get3A_139] : memref<64x8xf32, #tpu.memory_space<vmem>>, vector<16x8xf32>
    %mul3A_141 = vector.broadcast %dot_general3A_134 : vector<1000x1xf32> to vector<1000x8xf32>
    %mul3A_142 = arith.mulf %sub3A, %mul3A_141 : vector<1000x8xf32>
    %dot_general3A_143 = arith.constant dense<0.000000e+00> : vector<16x8xf32>
    %dot_general3A_144 = tpu.matmul %convert_element_type3A_10, %mul3A_142, %dot_general3A_143 {dimension_numbers = #tpu.dot_dimension_numbers<[0], [0], [1], [1], [0, 1, 1, 1], [], []>, transpose_lhs_hint = false} : vector<1000x16xf32>, vector<1000x8xf32>, vector<16x8xf32> -> vector<16x8xf32>
    %add3A_145 = arith.addf %get3A_140, %dot_general3A_144 : vector<16x8xf32>
    %swap3A = arith.constant 0 : index
    %swap3A_146 = arith.constant 0 : index
    %swap3A_147 = vector.load %arg23[%swap3A, %swap3A_146] : memref<64x8xf32, #tpu.memory_space<vmem>>, vector<16x8xf32>
    tpu.vector_store %arg23[%swap3A, %swap3A_146], %add3A_145 {strides = array<i32>} : memref<64x8xf32, #tpu.memory_space<vmem>>, vector<16x8xf32>,
    %get3A_148 = arith.constant 0 : index
    %get3A_149 = arith.constant 0 : index
    %get3A_150 = vector.load %arg24[%get3A_148, %get3A_149] : memref<64x128xf32, #tpu.memory_space<vmem>>, vector<16x128xf32>
    %dot_general3A_151 = arith.constant dense<0.000000e+00> : vector<16x128xf32>
    %dot_general3A_152 = tpu.matmul %convert_element_type3A_10, %mul3A_86, %dot_general3A_151 {dimension_numbers = #tpu.dot_dimension_numbers<[0], [0], [1], [1], [0, 1, 1, 1], [], []>, transpose_lhs_hint = false} : vector<1000x16xf32>, vector<1000x128xf32>, vector<16x128xf32> -> vector<16x128xf32>
    %add3A_153 = arith.addf %get3A_150, %dot_general3A_152 : vector<16x128xf32>
    %swap3A_154 = arith.constant 0 : index
    %swap3A_155 = arith.constant 0 : index
    %swap3A_156 = vector.load %arg24[%swap3A_154, %swap3A_155] : memref<64x128xf32, #tpu.memory_space<vmem>>, vector<16x128xf32>
    tpu.vector_store %arg24[%swap3A_154, %swap3A_155], %add3A_153 {strides = array<i32>} : memref<64x128xf32, #tpu.memory_space<vmem>>, vector<16x128xf32>,
    %get3A_157 = arith.constant 0 : index
    %get3A_158 = arith.constant 0 : index
    %get3A_159 = vector.load %arg17[%get3A_157, %get3A_158] : memref<512x128xf32, #tpu.memory_space<vmem>>, vector<128x128xf32>
    %convert_element_type3A_160 = arith.truncf %mul3A_86 : vector<1000x128xf32> to vector<1000x128xbf16>
    %convert_element_type3A_161 = arith.truncf %get3A_159 : vector<128x128xf32> to vector<128x128xbf16>
    %dot_general3A_162 = arith.constant dense<0.000000e+00> : vector<1000x128xf32>
    %dot_general3A_163 = tpu.matmul %convert_element_type3A_160, %convert_element_type3A_161, %dot_general3A_162 {dimension_numbers = #tpu.dot_dimension_numbers<[1], [0], [0], [1], [0, 0, 1, 1], [], []>, transpose_lhs_hint = false} : vector<1000x128xbf16>, vector<128x128xbf16>, vector<1000x128xf32> -> vector<1000x128xf32>
    %add3A_164 = arith.addf %add3A_36, %dot_general3A_163 : vector<1000x128xf32>
    %get3A_165 = arith.constant 16 : index
    %get3A_166 = arith.constant 0 : index
    %get3A_167 = vector.load %arg5[%get3A_165, %get3A_166] : memref<64x8xf32, #tpu.memory_space<vmem>>, vector<16x8xf32>
    %dot_general3A_168 = arith.constant dense<0.000000e+00> : vector<1000x8xf32>
    %dot_general3A_169 = tpu.matmul %convert_element_type3A_10, %get3A_167, %dot_general3A_168 {dimension_numbers = #tpu.dot_dimension_numbers<[1], [0], [0], [1], [0, 0, 1, 1], [], []>, transpose_lhs_hint = false} : vector<1000x16xf32>, vector<16x8xf32>, vector<1000x8xf32> -> vector<1000x8xf32>
    %sub3A_170 = arith.subf %dot_general3A_169, %get3A_4 : vector<1000x8xf32>
    %mul3A_171 = arith.mulf %sub3A_170, %sub3A_170 : vector<1000x8xf32>
    %reduce_sum3A_172 = arith.constant dense<0.000000e+00> : vector<1000xf32>
    %reduce_sum3A_173 = vector.multi_reduction <add>, %mul3A_171, %reduce_sum3A_172 [1] : vector<1000x8xf32> to vector<1000xf32>
    %broadcast_in_dim3A_174 = vector.shape_cast %reduce_sum3A_173 : vector<1000xf32> to vector<1000x1xf32>
    %sqrt3A_175 = math.sqrt %broadcast_in_dim3A_174 : vector<1000x1xf32>
    %get3A_176 = arith.constant 16 : index
    %get3A_177 = arith.constant 0 : index
    %get3A_178 = vector.load %arg6[%get3A_176, %get3A_177] : memref<64x128xf32, #tpu.memory_space<vmem>>, vector<16x128xf32>
    %dot_general3A_179 = arith.constant dense<0.000000e+00> : vector<1000x128xf32>
    %dot_general3A_180 = tpu.matmul %convert_element_type3A_10, %get3A_178, %dot_general3A_179 {dimension_numbers = #tpu.dot_dimension_numbers<[1], [0], [0], [1], [0, 0, 1, 1], [], []>, transpose_lhs_hint = false} : vector<1000x16xf32>, vector<16x128xf32>, vector<1000x128xf32> -> vector<1000x128xf32>
    %add3A_181 = arith.addf %dot_general3A_16, %dot_general3A_180 : vector<1000x128xf32>
    %get3A_182 = arith.constant 0 : index
    %get3A_183 = arith.constant 0 : index
    %get3A_184 = vector.load %arg8[%get3A_182, %get3A_183] : memref<1x128xf32, #tpu.memory_space<vmem>>, vector<1x128xf32>
    %mul3A_185 = vector.broadcast %sqrt3A_175 : vector<1000x1xf32> to vector<1000x128xf32>
    %mul3A_186 = vector.broadcast %get3A_184 : vector<1x128xf32> to vector<1000x128xf32>
    %mul3A_187 = arith.mulf %mul3A_185, %mul3A_186 : vector<1000x128xf32>
    %add3A_188 = arith.addf %add3A_181, %mul3A_187 : vector<1000x128xf32>
    %logistic3A_189 = arith.negf %add3A_188 : vector<1000x128xf32>
    %logistic3A_190 = math.exp %logistic3A_189 : vector<1000x128xf32>
    %logistic3A_191 = arith.constant 1.000000e+00 : f32
    %logistic3A_192 = vector.broadcast %logistic3A_191 : f32 to vector<1000x128xf32>
    %logistic3A_193 = arith.addf %logistic3A_192, %logistic3A_190 : vector<1000x128xf32>
    %logistic3A_194 = arith.divf %logistic3A_192, %logistic3A_193 : vector<1000x128xf32>
    %mul3A_195 = arith.mulf %add3A_188, %logistic3A_194 : vector<1000x128xf32>
    %get3A_196 = arith.constant 0 : index
    %get3A_197 = arith.constant 0 : index
    %get3A_198 = vector.load %arg9[%get3A_196, %get3A_197] : memref<128x128xf32, #tpu.memory_space<vmem>>, vector<128x128xf32>
    %convert_element_type3A_199 = arith.truncf %mul3A_195 : vector<1000x128xf32> to vector<1000x128xbf16>
    %convert_element_type3A_200 = arith.truncf %get3A_198 : vector<128x128xf32> to vector<128x128xbf16>
    %dot_general3A_201 = arith.constant dense<0.000000e+00> : vector<1000x128xf32>
    %dot_general3A_202 = tpu.matmul %convert_element_type3A_199, %convert_element_type3A_200, %dot_general3A_201 {dimension_numbers = #tpu.dot_dimension_numbers<[1], [0], [0], [1], [0, 0, 1, 1], [], []>, transpose_lhs_hint = false} : vector<1000x128xbf16>, vector<128x128xbf16>, vector<1000x128xf32> -> vector<1000x128xf32>
    %get3A_203 = arith.constant 0 : index
    %get3A_204 = arith.constant 0 : index
    %get3A_205 = vector.load %arg10[%get3A_203, %get3A_204] : memref<1x128xf32, #tpu.memory_space<vmem>>, vector<1x128xf32>
    %add3A_206 = vector.broadcast %get3A_205 : vector<1x128xf32> to vector<1000x128xf32>
    %add3A_207 = arith.addf %dot_general3A_202, %add3A_206 : vector<1000x128xf32>
    %logistic3A_208 = arith.negf %add3A_207 : vector<1000x128xf32>
    %logistic3A_209 = math.exp %logistic3A_208 : vector<1000x128xf32>
    %logistic3A_210 = arith.constant 1.000000e+00 : f32
    %logistic3A_211 = vector.broadcast %logistic3A_210 : f32 to vector<1000x128xf32>
    %logistic3A_212 = arith.addf %logistic3A_211, %logistic3A_209 : vector<1000x128xf32>
    %logistic3A_213 = arith.divf %logistic3A_211, %logistic3A_212 : vector<1000x128xf32>
    %mul3A_214 = arith.mulf %add3A_207, %logistic3A_213 : vector<1000x128xf32>
    %get3A_215 = arith.constant 0 : index
    %get3A_216 = arith.constant 0 : index
    %get3A_217 = vector.load %arg11[%get3A_215, %get3A_216] : memref<128x128xf32, #tpu.memory_space<vmem>>, vector<128x128xf32>
    %convert_element_type3A_218 = arith.truncf %mul3A_214 : vector<1000x128xf32> to vector<1000x128xbf16>
    %convert_element_type3A_219 = arith.truncf %get3A_217 : vector<128x128xf32> to vector<128x128xbf16>
    %dot_general3A_220 = arith.constant dense<0.000000e+00> : vector<1000x128xf32>
    %dot_general3A_221 = tpu.matmul %convert_element_type3A_218, %convert_element_type3A_219, %dot_general3A_220 {dimension_numbers = #tpu.dot_dimension_numbers<[1], [0], [0], [1], [0, 0, 1, 1], [], []>, transpose_lhs_hint = false} : vector<1000x128xbf16>, vector<128x128xbf16>, vector<1000x128xf32> -> vector<1000x128xf32>
    %get3A_222 = arith.constant 0 : index
    %get3A_223 = arith.constant 0 : index
    %get3A_224 = vector.load %arg12[%get3A_222, %get3A_223] : memref<1x128xf32, #tpu.memory_space<vmem>>, vector<1x128xf32>
    %add3A_225 = vector.broadcast %get3A_224 : vector<1x128xf32> to vector<1000x128xf32>
    %add3A_226 = arith.addf %dot_general3A_221, %add3A_225 : vector<1000x128xf32>
    %logistic3A_227 = arith.negf %add3A_226 : vector<1000x128xf32>
    %logistic3A_228 = math.exp %logistic3A_227 : vector<1000x128xf32>
    %logistic3A_229 = arith.constant 1.000000e+00 : f32
    %logistic3A_230 = vector.broadcast %logistic3A_229 : f32 to vector<1000x128xf32>
    %logistic3A_231 = arith.addf %logistic3A_230, %logistic3A_228 : vector<1000x128xf32>
    %logistic3A_232 = arith.divf %logistic3A_230, %logistic3A_231 : vector<1000x128xf32>
    %mul3A_233 = arith.mulf %add3A_226, %logistic3A_232 : vector<1000x128xf32>
    %get3A_234 = arith.constant 0 : index
    %get3A_235 = arith.constant 0 : index
    %get3A_236 = vector.load %arg13[%get3A_234, %get3A_235] : memref<128x1xf32, #tpu.memory_space<vmem>>, vector<128x1xf32>
    %dot_general3A_237 = arith.constant dense<0.000000e+00> : vector<1000x1xf32>
    %dot_general3A_238 = tpu.matmul %mul3A_233, %get3A_236, %dot_general3A_237 {dimension_numbers = #tpu.dot_dimension_numbers<[1], [0], [0], [1], [0, 0, 1, 1], [], []>, transpose_lhs_hint = false} : vector<1000x128xf32>, vector<128x1xf32>, vector<1000x1xf32> -> vector<1000x1xf32>
    %get3A_239 = arith.constant 0 : index
    %get3A_240 = arith.constant 0 : index
    %get3A_241 = vector.load %arg14[%get3A_239, %get3A_240] : memref<128x128xf32, #tpu.memory_space<vmem>>, vector<128x128xf32>
    %convert_element_type3A_242 = arith.truncf %mul3A_214 : vector<1000x128xf32> to vector<1000x128xbf16>
    %convert_element_type3A_243 = arith.truncf %get3A_241 : vector<128x128xf32> to vector<128x128xbf16>
    %dot_general3A_244 = arith.constant dense<0.000000e+00> : vector<1000x128xf32>
    %dot_general3A_245 = tpu.matmul %convert_element_type3A_242, %convert_element_type3A_243, %dot_general3A_244 {dimension_numbers = #tpu.dot_dimension_numbers<[1], [0], [0], [1], [0, 0, 1, 1], [], []>, transpose_lhs_hint = false} : vector<1000x128xbf16>, vector<128x128xbf16>, vector<1000x128xf32> -> vector<1000x128xf32>
    %get3A_246 = arith.constant 0 : index
    %get3A_247 = arith.constant 0 : index
    %get3A_248 = vector.load %arg15[%get3A_246, %get3A_247] : memref<1x128xf32, #tpu.memory_space<vmem>>, vector<1x128xf32>
    %add3A_249 = vector.broadcast %get3A_248 : vector<1x128xf32> to vector<1000x128xf32>
    %add3A_250 = arith.addf %dot_general3A_245, %add3A_249 : vector<1000x128xf32>
    %logistic3A_251 = arith.negf %add3A_250 : vector<1000x128xf32>
    %logistic3A_252 = math.exp %logistic3A_251 : vector<1000x128xf32>
    %logistic3A_253 = arith.constant 1.000000e+00 : f32
    %logistic3A_254 = vector.broadcast %logistic3A_253 : f32 to vector<1000x128xf32>
    %logistic3A_255 = arith.addf %logistic3A_254, %logistic3A_252 : vector<1000x128xf32>
    %logistic3A_256 = arith.divf %logistic3A_254, %logistic3A_255 : vector<1000x128xf32>
    %mul3A_257 = arith.mulf %add3A_250, %logistic3A_256 : vector<1000x128xf32>
    %get3A_258 = arith.constant 0 : index
    %get3A_259 = arith.constant 0 : index
    %get3A_260 = vector.load %arg16[%get3A_258, %get3A_259] : memref<128x1xf32, #tpu.memory_space<vmem>>, vector<128x1xf32>
    %dot_general3A_261 = arith.constant dense<0.000000e+00> : vector<1000x1xf32>
    %dot_general3A_262 = tpu.matmul %mul3A_257, %get3A_260, %dot_general3A_261 {dimension_numbers = #tpu.dot_dimension_numbers<[1], [0], [0], [1], [0, 0, 1, 1], [], []>, transpose_lhs_hint = false} : vector<1000x128xf32>, vector<128x1xf32>, vector<1000x1xf32> -> vector<1000x1xf32>
    %mul3A_263 = vector.broadcast %dot_general3A_238 : vector<1000x1xf32> to vector<1000x8xf32>
    %mul3A_264 = arith.mulf %sub3A_170, %mul3A_263 : vector<1000x8xf32>
    %add3A_265 = arith.addf %add3A_137, %mul3A_264 : vector<1000x8xf32>
    %get3A_266 = arith.constant 16 : index
    %get3A_267 = arith.constant 0 : index
    %get3A_268 = vector.load %arg23[%get3A_266, %get3A_267] : memref<64x8xf32, #tpu.memory_space<vmem>>, vector<16x8xf32>
    %mul3A_269 = vector.broadcast %dot_general3A_262 : vector<1000x1xf32> to vector<1000x8xf32>
    %mul3A_270 = arith.mulf %sub3A_170, %mul3A_269 : vector<1000x8xf32>
    %dot_general3A_271 = arith.constant dense<0.000000e+00> : vector<16x8xf32>
    %dot_general3A_272 = tpu.matmul %convert_element_type3A_10, %mul3A_270, %dot_general3A_271 {dimension_numbers = #tpu.dot_dimension_numbers<[0], [0], [1], [1], [0, 1, 1, 1], [], []>, transpose_lhs_hint = false} : vector<1000x16xf32>, vector<1000x8xf32>, vector<16x8xf32> -> vector<16x8xf32>
    %add3A_273 = arith.addf %get3A_268, %dot_general3A_272 : vector<16x8xf32>
    %swap3A_274 = arith.constant 16 : index
    %swap3A_275 = arith.constant 0 : index
    %swap3A_276 = vector.load %arg23[%swap3A_274, %swap3A_275] : memref<64x8xf32, #tpu.memory_space<vmem>>, vector<16x8xf32>
    tpu.vector_store %arg23[%swap3A_274, %swap3A_275], %add3A_273 {strides = array<i32>} : memref<64x8xf32, #tpu.memory_space<vmem>>, vector<16x8xf32>,
    %get3A_277 = arith.constant 16 : index
    %get3A_278 = arith.constant 0 : index
    %get3A_279 = vector.load %arg24[%get3A_277, %get3A_278] : memref<64x128xf32, #tpu.memory_space<vmem>>, vector<16x128xf32>
    %dot_general3A_280 = arith.constant dense<0.000000e+00> : vector<16x128xf32>
    %dot_general3A_281 = tpu.matmul %convert_element_type3A_10, %mul3A_214, %dot_general3A_280 {dimension_numbers = #tpu.dot_dimension_numbers<[0], [0], [1], [1], [0, 1, 1, 1], [], []>, transpose_lhs_hint = false} : vector<1000x16xf32>, vector<1000x128xf32>, vector<16x128xf32> -> vector<16x128xf32>
    %add3A_282 = arith.addf %get3A_279, %dot_general3A_281 : vector<16x128xf32>
    %swap3A_283 = arith.constant 16 : index
    %swap3A_284 = arith.constant 0 : index
    %swap3A_285 = vector.load %arg24[%swap3A_283, %swap3A_284] : memref<64x128xf32, #tpu.memory_space<vmem>>, vector<16x128xf32>
    tpu.vector_store %arg24[%swap3A_283, %swap3A_284], %add3A_282 {strides = array<i32>} : memref<64x128xf32, #tpu.memory_space<vmem>>, vector<16x128xf32>,
    %get3A_286 = arith.constant 128 : index
    %get3A_287 = arith.constant 0 : index
    %get3A_288 = vector.load %arg17[%get3A_286, %get3A_287] : memref<512x128xf32, #tpu.memory_space<vmem>>, vector<128x128xf32>
    %convert_element_type3A_289 = arith.truncf %mul3A_214 : vector<1000x128xf32> to vector<1000x128xbf16>
    %convert_element_type3A_290 = arith.truncf %get3A_288 : vector<128x128xf32> to vector<128x128xbf16>
    %dot_general3A_291 = arith.constant dense<0.000000e+00> : vector<1000x128xf32>
    %dot_general3A_292 = tpu.matmul %convert_element_type3A_289, %convert_element_type3A_290, %dot_general3A_291 {dimension_numbers = #tpu.dot_dimension_numbers<[1], [0], [0], [1], [0, 0, 1, 1], [], []>, transpose_lhs_hint = false} : vector<1000x128xbf16>, vector<128x128xbf16>, vector<1000x128xf32> -> vector<1000x128xf32>
    %add3A_293 = arith.addf %add3A_164, %dot_general3A_292 : vector<1000x128xf32>
    %get3A_294 = arith.constant 32 : index
    %get3A_295 = arith.constant 0 : index
    %get3A_296 = vector.load %arg5[%get3A_294, %get3A_295] : memref<64x8xf32, #tpu.memory_space<vmem>>, vector<16x8xf32>
    %dot_general3A_297 = arith.constant dense<0.000000e+00> : vector<1000x8xf32>
    %dot_general3A_298 = tpu.matmul %convert_element_type3A_10, %get3A_296, %dot_general3A_297 {dimension_numbers = #tpu.dot_dimension_numbers<[1], [0], [0], [1], [0, 0, 1, 1], [], []>, transpose_lhs_hint = false} : vector<1000x16xf32>, vector<16x8xf32>, vector<1000x8xf32> -> vector<1000x8xf32>
    %sub3A_299 = arith.subf %dot_general3A_298, %get3A_4 : vector<1000x8xf32>
    %mul3A_300 = arith.mulf %sub3A_299, %sub3A_299 : vector<1000x8xf32>
    %reduce_sum3A_301 = arith.constant dense<0.000000e+00> : vector<1000xf32>
    %reduce_sum3A_302 = vector.multi_reduction <add>, %mul3A_300, %reduce_sum3A_301 [1] : vector<1000x8xf32> to vector<1000xf32>
    %broadcast_in_dim3A_303 = vector.shape_cast %reduce_sum3A_302 : vector<1000xf32> to vector<1000x1xf32>
    %sqrt3A_304 = math.sqrt %broadcast_in_dim3A_303 : vector<1000x1xf32>
    %get3A_305 = arith.constant 32 : index
    %get3A_306 = arith.constant 0 : index
    %get3A_307 = vector.load %arg6[%get3A_305, %get3A_306] : memref<64x128xf32, #tpu.memory_space<vmem>>, vector<16x128xf32>
    %dot_general3A_308 = arith.constant dense<0.000000e+00> : vector<1000x128xf32>
    %dot_general3A_309 = tpu.matmul %convert_element_type3A_10, %get3A_307, %dot_general3A_308 {dimension_numbers = #tpu.dot_dimension_numbers<[1], [0], [0], [1], [0, 0, 1, 1], [], []>, transpose_lhs_hint = false} : vector<1000x16xf32>, vector<16x128xf32>, vector<1000x128xf32> -> vector<1000x128xf32>
    %add3A_310 = arith.addf %dot_general3A_16, %dot_general3A_309 : vector<1000x128xf32>
    %get3A_311 = arith.constant 0 : index
    %get3A_312 = arith.constant 0 : index
    %get3A_313 = vector.load %arg8[%get3A_311, %get3A_312] : memref<1x128xf32, #tpu.memory_space<vmem>>, vector<1x128xf32>
    %mul3A_314 = vector.broadcast %sqrt3A_304 : vector<1000x1xf32> to vector<1000x128xf32>
    %mul3A_315 = vector.broadcast %get3A_313 : vector<1x128xf32> to vector<1000x128xf32>
    %mul3A_316 = arith.mulf %mul3A_314, %mul3A_315 : vector<1000x128xf32>
    %add3A_317 = arith.addf %add3A_310, %mul3A_316 : vector<1000x128xf32>
    %logistic3A_318 = arith.negf %add3A_317 : vector<1000x128xf32>
    %logistic3A_319 = math.exp %logistic3A_318 : vector<1000x128xf32>
    %logistic3A_320 = arith.constant 1.000000e+00 : f32
    %logistic3A_321 = vector.broadcast %logistic3A_320 : f32 to vector<1000x128xf32>
    %logistic3A_322 = arith.addf %logistic3A_321, %logistic3A_319 : vector<1000x128xf32>
    %logistic3A_323 = arith.divf %logistic3A_321, %logistic3A_322 : vector<1000x128xf32>
    %mul3A_324 = arith.mulf %add3A_317, %logistic3A_323 : vector<1000x128xf32>
    %get3A_325 = arith.constant 0 : index
    %get3A_326 = arith.constant 0 : index
    %get3A_327 = vector.load %arg9[%get3A_325, %get3A_326] : memref<128x128xf32, #tpu.memory_space<vmem>>, vector<128x128xf32>
    %convert_element_type3A_328 = arith.truncf %mul3A_324 : vector<1000x128xf32> to vector<1000x128xbf16>
    %convert_element_type3A_329 = arith.truncf %get3A_327 : vector<128x128xf32> to vector<128x128xbf16>
    %dot_general3A_330 = arith.constant dense<0.000000e+00> : vector<1000x128xf32>
    %dot_general3A_331 = tpu.matmul %convert_element_type3A_328, %convert_element_type3A_329, %dot_general3A_330 {dimension_numbers = #tpu.dot_dimension_numbers<[1], [0], [0], [1], [0, 0, 1, 1], [], []>, transpose_lhs_hint = false} : vector<1000x128xbf16>, vector<128x128xbf16>, vector<1000x128xf32> -> vector<1000x128xf32>
    %get3A_332 = arith.constant 0 : index
    %get3A_333 = arith.constant 0 : index
    %get3A_334 = vector.load %arg10[%get3A_332, %get3A_333] : memref<1x128xf32, #tpu.memory_space<vmem>>, vector<1x128xf32>
    %add3A_335 = vector.broadcast %get3A_334 : vector<1x128xf32> to vector<1000x128xf32>
    %add3A_336 = arith.addf %dot_general3A_331, %add3A_335 : vector<1000x128xf32>
    %logistic3A_337 = arith.negf %add3A_336 : vector<1000x128xf32>
    %logistic3A_338 = math.exp %logistic3A_337 : vector<1000x128xf32>
    %logistic3A_339 = arith.constant 1.000000e+00 : f32
    %logistic3A_340 = vector.broadcast %logistic3A_339 : f32 to vector<1000x128xf32>
    %logistic3A_341 = arith.addf %logistic3A_340, %logistic3A_338 : vector<1000x128xf32>
    %logistic3A_342 = arith.divf %logistic3A_340, %logistic3A_341 : vector<1000x128xf32>
    %mul3A_343 = arith.mulf %add3A_336, %logistic3A_342 : vector<1000x128xf32>
    %get3A_344 = arith.constant 0 : index
    %get3A_345 = arith.constant 0 : index
    %get3A_346 = vector.load %arg11[%get3A_344, %get3A_345] : memref<128x128xf32, #tpu.memory_space<vmem>>, vector<128x128xf32>
    %convert_element_type3A_347 = arith.truncf %mul3A_343 : vector<1000x128xf32> to vector<1000x128xbf16>
    %convert_element_type3A_348 = arith.truncf %get3A_346 : vector<128x128xf32> to vector<128x128xbf16>
    %dot_general3A_349 = arith.constant dense<0.000000e+00> : vector<1000x128xf32>
    %dot_general3A_350 = tpu.matmul %convert_element_type3A_347, %convert_element_type3A_348, %dot_general3A_349 {dimension_numbers = #tpu.dot_dimension_numbers<[1], [0], [0], [1], [0, 0, 1, 1], [], []>, transpose_lhs_hint = false} : vector<1000x128xbf16>, vector<128x128xbf16>, vector<1000x128xf32> -> vector<1000x128xf32>
    %get3A_351 = arith.constant 0 : index
    %get3A_352 = arith.constant 0 : index
    %get3A_353 = vector.load %arg12[%get3A_351, %get3A_352] : memref<1x128xf32, #tpu.memory_space<vmem>>, vector<1x128xf32>
    %add3A_354 = vector.broadcast %get3A_353 : vector<1x128xf32> to vector<1000x128xf32>
    %add3A_355 = arith.addf %dot_general3A_350, %add3A_354 : vector<1000x128xf32>
    %logistic3A_356 = arith.negf %add3A_355 : vector<1000x128xf32>
    %logistic3A_357 = math.exp %logistic3A_356 : vector<1000x128xf32>
    %logistic3A_358 = arith.constant 1.000000e+00 : f32
    %logistic3A_359 = vector.broadcast %logistic3A_358 : f32 to vector<1000x128xf32>
    %logistic3A_360 = arith.addf %logistic3A_359, %logistic3A_357 : vector<1000x128xf32>
    %logistic3A_361 = arith.divf %logistic3A_359, %logistic3A_360 : vector<1000x128xf32>
    %mul3A_362 = arith.mulf %add3A_355, %logistic3A_361 : vector<1000x128xf32>
    %get3A_363 = arith.constant 0 : index
    %get3A_364 = arith.constant 0 : index
    %get3A_365 = vector.load %arg13[%get3A_363, %get3A_364] : memref<128x1xf32, #tpu.memory_space<vmem>>, vector<128x1xf32>
    %dot_general3A_366 = arith.constant dense<0.000000e+00> : vector<1000x1xf32>
    %dot_general3A_367 = tpu.matmul %mul3A_362, %get3A_365, %dot_general3A_366 {dimension_numbers = #tpu.dot_dimension_numbers<[1], [0], [0], [1], [0, 0, 1, 1], [], []>, transpose_lhs_hint = false} : vector<1000x128xf32>, vector<128x1xf32>, vector<1000x1xf32> -> vector<1000x1xf32>
    %get3A_368 = arith.constant 0 : index
    %get3A_369 = arith.constant 0 : index
    %get3A_370 = vector.load %arg14[%get3A_368, %get3A_369] : memref<128x128xf32, #tpu.memory_space<vmem>>, vector<128x128xf32>
    %convert_element_type3A_371 = arith.truncf %mul3A_343 : vector<1000x128xf32> to vector<1000x128xbf16>
    %convert_element_type3A_372 = arith.truncf %get3A_370 : vector<128x128xf32> to vector<128x128xbf16>
    %dot_general3A_373 = arith.constant dense<0.000000e+00> : vector<1000x128xf32>
    %dot_general3A_374 = tpu.matmul %convert_element_type3A_371, %convert_element_type3A_372, %dot_general3A_373 {dimension_numbers = #tpu.dot_dimension_numbers<[1], [0], [0], [1], [0, 0, 1, 1], [], []>, transpose_lhs_hint = false} : vector<1000x128xbf16>, vector<128x128xbf16>, vector<1000x128xf32> -> vector<1000x128xf32>
    %get3A_375 = arith.constant 0 : index
    %get3A_376 = arith.constant 0 : index
    %get3A_377 = vector.load %arg15[%get3A_375, %get3A_376] : memref<1x128xf32, #tpu.memory_space<vmem>>, vector<1x128xf32>
    %add3A_378 = vector.broadcast %get3A_377 : vector<1x128xf32> to vector<1000x128xf32>
    %add3A_379 = arith.addf %dot_general3A_374, %add3A_378 : vector<1000x128xf32>
    %logistic3A_380 = arith.negf %add3A_379 : vector<1000x128xf32>
    %logistic3A_381 = math.exp %logistic3A_380 : vector<1000x128xf32>
    %logistic3A_382 = arith.constant 1.000000e+00 : f32
    %logistic3A_383 = vector.broadcast %logistic3A_382 : f32 to vector<1000x128xf32>
    %logistic3A_384 = arith.addf %logistic3A_383, %logistic3A_381 : vector<1000x128xf32>
    %logistic3A_385 = arith.divf %logistic3A_383, %logistic3A_384 : vector<1000x128xf32>
    %mul3A_386 = arith.mulf %add3A_379, %logistic3A_385 : vector<1000x128xf32>
    %get3A_387 = arith.constant 0 : index
    %get3A_388 = arith.constant 0 : index
    %get3A_389 = vector.load %arg16[%get3A_387, %get3A_388] : memref<128x1xf32, #tpu.memory_space<vmem>>, vector<128x1xf32>
    %dot_general3A_390 = arith.constant dense<0.000000e+00> : vector<1000x1xf32>
    %dot_general3A_391 = tpu.matmul %mul3A_386, %get3A_389, %dot_general3A_390 {dimension_numbers = #tpu.dot_dimension_numbers<[1], [0], [0], [1], [0, 0, 1, 1], [], []>, transpose_lhs_hint = false} : vector<1000x128xf32>, vector<128x1xf32>, vector<1000x1xf32> -> vector<1000x1xf32>
    %mul3A_392 = vector.broadcast %dot_general3A_367 : vector<1000x1xf32> to vector<1000x8xf32>
    %mul3A_393 = arith.mulf %sub3A_299, %mul3A_392 : vector<1000x8xf32>
    %add3A_394 = arith.addf %add3A_265, %mul3A_393 : vector<1000x8xf32>
    %get3A_395 = arith.constant 32 : index
    %get3A_396 = arith.constant 0 : index
    %get3A_397 = vector.load %arg23[%get3A_395, %get3A_396] : memref<64x8xf32, #tpu.memory_space<vmem>>, vector<16x8xf32>
    %mul3A_398 = vector.broadcast %dot_general3A_391 : vector<1000x1xf32> to vector<1000x8xf32>
    %mul3A_399 = arith.mulf %sub3A_299, %mul3A_398 : vector<1000x8xf32>
    %dot_general3A_400 = arith.constant dense<0.000000e+00> : vector<16x8xf32>
    %dot_general3A_401 = tpu.matmul %convert_element_type3A_10, %mul3A_399, %dot_general3A_400 {dimension_numbers = #tpu.dot_dimension_numbers<[0], [0], [1], [1], [0, 1, 1, 1], [], []>, transpose_lhs_hint = false} : vector<1000x16xf32>, vector<1000x8xf32>, vector<16x8xf32> -> vector<16x8xf32>
    %add3A_402 = arith.addf %get3A_397, %dot_general3A_401 : vector<16x8xf32>
    %swap3A_403 = arith.constant 32 : index
    %swap3A_404 = arith.constant 0 : index
    %swap3A_405 = vector.load %arg23[%swap3A_403, %swap3A_404] : memref<64x8xf32, #tpu.memory_space<vmem>>, vector<16x8xf32>
    tpu.vector_store %arg23[%swap3A_403, %swap3A_404], %add3A_402 {strides = array<i32>} : memref<64x8xf32, #tpu.memory_space<vmem>>, vector<16x8xf32>,
    %get3A_406 = arith.constant 32 : index
    %get3A_407 = arith.constant 0 : index
    %get3A_408 = vector.load %arg24[%get3A_406, %get3A_407] : memref<64x128xf32, #tpu.memory_space<vmem>>, vector<16x128xf32>
    %dot_general3A_409 = arith.constant dense<0.000000e+00> : vector<16x128xf32>
    %dot_general3A_410 = tpu.matmul %convert_element_type3A_10, %mul3A_343, %dot_general3A_409 {dimension_numbers = #tpu.dot_dimension_numbers<[0], [0], [1], [1], [0, 1, 1, 1], [], []>, transpose_lhs_hint = false} : vector<1000x16xf32>, vector<1000x128xf32>, vector<16x128xf32> -> vector<16x128xf32>
    %add3A_411 = arith.addf %get3A_408, %dot_general3A_410 : vector<16x128xf32>
    %swap3A_412 = arith.constant 32 : index
    %swap3A_413 = arith.constant 0 : index
    %swap3A_414 = vector.load %arg24[%swap3A_412, %swap3A_413] : memref<64x128xf32, #tpu.memory_space<vmem>>, vector<16x128xf32>
    tpu.vector_store %arg24[%swap3A_412, %swap3A_413], %add3A_411 {strides = array<i32>} : memref<64x128xf32, #tpu.memory_space<vmem>>, vector<16x128xf32>,
    %get3A_415 = arith.constant 256 : index
    %get3A_416 = arith.constant 0 : index
    %get3A_417 = vector.load %arg17[%get3A_415, %get3A_416] : memref<512x128xf32, #tpu.memory_space<vmem>>, vector<128x128xf32>
    %convert_element_type3A_418 = arith.truncf %mul3A_343 : vector<1000x128xf32> to vector<1000x128xbf16>
    %convert_element_type3A_419 = arith.truncf %get3A_417 : vector<128x128xf32> to vector<128x128xbf16>
    %dot_general3A_420 = arith.constant dense<0.000000e+00> : vector<1000x128xf32>
    %dot_general3A_421 = tpu.matmul %convert_element_type3A_418, %convert_element_type3A_419, %dot_general3A_420 {dimension_numbers = #tpu.dot_dimension_numbers<[1], [0], [0], [1], [0, 0, 1, 1], [], []>, transpose_lhs_hint = false} : vector<1000x128xbf16>, vector<128x128xbf16>, vector<1000x128xf32> -> vector<1000x128xf32>
    %add3A_422 = arith.addf %add3A_293, %dot_general3A_421 : vector<1000x128xf32>
    %get3A_423 = arith.constant 48 : index
    %get3A_424 = arith.constant 0 : index
    %get3A_425 = vector.load %arg5[%get3A_423, %get3A_424] : memref<64x8xf32, #tpu.memory_space<vmem>>, vector<16x8xf32>
    %dot_general3A_426 = arith.constant dense<0.000000e+00> : vector<1000x8xf32>
    %dot_general3A_427 = tpu.matmul %convert_element_type3A_10, %get3A_425, %dot_general3A_426 {dimension_numbers = #tpu.dot_dimension_numbers<[1], [0], [0], [1], [0, 0, 1, 1], [], []>, transpose_lhs_hint = false} : vector<1000x16xf32>, vector<16x8xf32>, vector<1000x8xf32> -> vector<1000x8xf32>
    %sub3A_428 = arith.subf %dot_general3A_427, %get3A_4 : vector<1000x8xf32>
    %mul3A_429 = arith.mulf %sub3A_428, %sub3A_428 : vector<1000x8xf32>
    %reduce_sum3A_430 = arith.constant dense<0.000000e+00> : vector<1000xf32>
    %reduce_sum3A_431 = vector.multi_reduction <add>, %mul3A_429, %reduce_sum3A_430 [1] : vector<1000x8xf32> to vector<1000xf32>
    %broadcast_in_dim3A_432 = vector.shape_cast %reduce_sum3A_431 : vector<1000xf32> to vector<1000x1xf32>
    %sqrt3A_433 = math.sqrt %broadcast_in_dim3A_432 : vector<1000x1xf32>
    %get3A_434 = arith.constant 48 : index
    %get3A_435 = arith.constant 0 : index
    %get3A_436 = vector.load %arg6[%get3A_434, %get3A_435] : memref<64x128xf32, #tpu.memory_space<vmem>>, vector<16x128xf32>
    %dot_general3A_437 = arith.constant dense<0.000000e+00> : vector<1000x128xf32>
    %dot_general3A_438 = tpu.matmul %convert_element_type3A_10, %get3A_436, %dot_general3A_437 {dimension_numbers = #tpu.dot_dimension_numbers<[1], [0], [0], [1], [0, 0, 1, 1], [], []>, transpose_lhs_hint = false} : vector<1000x16xf32>, vector<16x128xf32>, vector<1000x128xf32> -> vector<1000x128xf32>
    %add3A_439 = arith.addf %dot_general3A_16, %dot_general3A_438 : vector<1000x128xf32>
    %get3A_440 = arith.constant 0 : index
    %get3A_441 = arith.constant 0 : index
    %get3A_442 = vector.load %arg8[%get3A_440, %get3A_441] : memref<1x128xf32, #tpu.memory_space<vmem>>, vector<1x128xf32>
    %mul3A_443 = vector.broadcast %sqrt3A_433 : vector<1000x1xf32> to vector<1000x128xf32>
    %mul3A_444 = vector.broadcast %get3A_442 : vector<1x128xf32> to vector<1000x128xf32>
    %mul3A_445 = arith.mulf %mul3A_443, %mul3A_444 : vector<1000x128xf32>
    %add3A_446 = arith.addf %add3A_439, %mul3A_445 : vector<1000x128xf32>
    %logistic3A_447 = arith.negf %add3A_446 : vector<1000x128xf32>
    %logistic3A_448 = math.exp %logistic3A_447 : vector<1000x128xf32>
    %logistic3A_449 = arith.constant 1.000000e+00 : f32
    %logistic3A_450 = vector.broadcast %logistic3A_449 : f32 to vector<1000x128xf32>
    %logistic3A_451 = arith.addf %logistic3A_450, %logistic3A_448 : vector<1000x128xf32>
    %logistic3A_452 = arith.divf %logistic3A_450, %logistic3A_451 : vector<1000x128xf32>
    %mul3A_453 = arith.mulf %add3A_446, %logistic3A_452 : vector<1000x128xf32>
    %get3A_454 = arith.constant 0 : index
    %get3A_455 = arith.constant 0 : index
    %get3A_456 = vector.load %arg9[%get3A_454, %get3A_455] : memref<128x128xf32, #tpu.memory_space<vmem>>, vector<128x128xf32>
    %convert_element_type3A_457 = arith.truncf %mul3A_453 : vector<1000x128xf32> to vector<1000x128xbf16>
    %convert_element_type3A_458 = arith.truncf %get3A_456 : vector<128x128xf32> to vector<128x128xbf16>
    %dot_general3A_459 = arith.constant dense<0.000000e+00> : vector<1000x128xf32>
    %dot_general3A_460 = tpu.matmul %convert_element_type3A_457, %convert_element_type3A_458, %dot_general3A_459 {dimension_numbers = #tpu.dot_dimension_numbers<[1], [0], [0], [1], [0, 0, 1, 1], [], []>, transpose_lhs_hint = false} : vector<1000x128xbf16>, vector<128x128xbf16>, vector<1000x128xf32> -> vector<1000x128xf32>
    %get3A_461 = arith.constant 0 : index
    %get3A_462 = arith.constant 0 : index
    %get3A_463 = vector.load %arg10[%get3A_461, %get3A_462] : memref<1x128xf32, #tpu.memory_space<vmem>>, vector<1x128xf32>
    %add3A_464 = vector.broadcast %get3A_463 : vector<1x128xf32> to vector<1000x128xf32>
    %add3A_465 = arith.addf %dot_general3A_460, %add3A_464 : vector<1000x128xf32>
    %logistic3A_466 = arith.negf %add3A_465 : vector<1000x128xf32>
    %logistic3A_467 = math.exp %logistic3A_466 : vector<1000x128xf32>
    %logistic3A_468 = arith.constant 1.000000e+00 : f32
    %logistic3A_469 = vector.broadcast %logistic3A_468 : f32 to vector<1000x128xf32>
    %logistic3A_470 = arith.addf %logistic3A_469, %logistic3A_467 : vector<1000x128xf32>
    %logistic3A_471 = arith.divf %logistic3A_469, %logistic3A_470 : vector<1000x128xf32>
    %mul3A_472 = arith.mulf %add3A_465, %logistic3A_471 : vector<1000x128xf32>
    %get3A_473 = arith.constant 0 : index
    %get3A_474 = arith.constant 0 : index
    %get3A_475 = vector.load %arg11[%get3A_473, %get3A_474] : memref<128x128xf32, #tpu.memory_space<vmem>>, vector<128x128xf32>
    %convert_element_type3A_476 = arith.truncf %mul3A_472 : vector<1000x128xf32> to vector<1000x128xbf16>
    %convert_element_type3A_477 = arith.truncf %get3A_475 : vector<128x128xf32> to vector<128x128xbf16>
    %dot_general3A_478 = arith.constant dense<0.000000e+00> : vector<1000x128xf32>
    %dot_general3A_479 = tpu.matmul %convert_element_type3A_476, %convert_element_type3A_477, %dot_general3A_478 {dimension_numbers = #tpu.dot_dimension_numbers<[1], [0], [0], [1], [0, 0, 1, 1], [], []>, transpose_lhs_hint = false} : vector<1000x128xbf16>, vector<128x128xbf16>, vector<1000x128xf32> -> vector<1000x128xf32>
    %get3A_480 = arith.constant 0 : index
    %get3A_481 = arith.constant 0 : index
    %get3A_482 = vector.load %arg12[%get3A_480, %get3A_481] : memref<1x128xf32, #tpu.memory_space<vmem>>, vector<1x128xf32>
    %add3A_483 = vector.broadcast %get3A_482 : vector<1x128xf32> to vector<1000x128xf32>
    %add3A_484 = arith.addf %dot_general3A_479, %add3A_483 : vector<1000x128xf32>
    %logistic3A_485 = arith.negf %add3A_484 : vector<1000x128xf32>
    %logistic3A_486 = math.exp %logistic3A_485 : vector<1000x128xf32>
    %logistic3A_487 = arith.constant 1.000000e+00 : f32
    %logistic3A_488 = vector.broadcast %logistic3A_487 : f32 to vector<1000x128xf32>
    %logistic3A_489 = arith.addf %logistic3A_488, %logistic3A_486 : vector<1000x128xf32>
    %logistic3A_490 = arith.divf %logistic3A_488, %logistic3A_489 : vector<1000x128xf32>
    %mul3A_491 = arith.mulf %add3A_484, %logistic3A_490 : vector<1000x128xf32>
    %get3A_492 = arith.constant 0 : index
    %get3A_493 = arith.constant 0 : index
    %get3A_494 = vector.load %arg13[%get3A_492, %get3A_493] : memref<128x1xf32, #tpu.memory_space<vmem>>, vector<128x1xf32>
    %dot_general3A_495 = arith.constant dense<0.000000e+00> : vector<1000x1xf32>
    %dot_general3A_496 = tpu.matmul %mul3A_491, %get3A_494, %dot_general3A_495 {dimension_numbers = #tpu.dot_dimension_numbers<[1], [0], [0], [1], [0, 0, 1, 1], [], []>, transpose_lhs_hint = false} : vector<1000x128xf32>, vector<128x1xf32>, vector<1000x1xf32> -> vector<1000x1xf32>
    %get3A_497 = arith.constant 0 : index
    %get3A_498 = arith.constant 0 : index
    %get3A_499 = vector.load %arg14[%get3A_497, %get3A_498] : memref<128x128xf32, #tpu.memory_space<vmem>>, vector<128x128xf32>
    %convert_element_type3A_500 = arith.truncf %mul3A_472 : vector<1000x128xf32> to vector<1000x128xbf16>
    %convert_element_type3A_501 = arith.truncf %get3A_499 : vector<128x128xf32> to vector<128x128xbf16>
    %dot_general3A_502 = arith.constant dense<0.000000e+00> : vector<1000x128xf32>
    %dot_general3A_503 = tpu.matmul %convert_element_type3A_500, %convert_element_type3A_501, %dot_general3A_502 {dimension_numbers = #tpu.dot_dimension_numbers<[1], [0], [0], [1], [0, 0, 1, 1], [], []>, transpose_lhs_hint = false} : vector<1000x128xbf16>, vector<128x128xbf16>, vector<1000x128xf32> -> vector<1000x128xf32>
    %get3A_504 = arith.constant 0 : index
    %get3A_505 = arith.constant 0 : index
    %get3A_506 = vector.load %arg15[%get3A_504, %get3A_505] : memref<1x128xf32, #tpu.memory_space<vmem>>, vector<1x128xf32>
    %add3A_507 = vector.broadcast %get3A_506 : vector<1x128xf32> to vector<1000x128xf32>
    %add3A_508 = arith.addf %dot_general3A_503, %add3A_507 : vector<1000x128xf32>
    %logistic3A_509 = arith.negf %add3A_508 : vector<1000x128xf32>
    %logistic3A_510 = math.exp %logistic3A_509 : vector<1000x128xf32>
    %logistic3A_511 = arith.constant 1.000000e+00 : f32
    %logistic3A_512 = vector.broadcast %logistic3A_511 : f32 to vector<1000x128xf32>
    %logistic3A_513 = arith.addf %logistic3A_512, %logistic3A_510 : vector<1000x128xf32>
    %logistic3A_514 = arith.divf %logistic3A_512, %logistic3A_513 : vector<1000x128xf32>
    %mul3A_515 = arith.mulf %add3A_508, %logistic3A_514 : vector<1000x128xf32>
    %get3A_516 = arith.constant 0 : index
    %get3A_517 = arith.constant 0 : index
    %get3A_518 = vector.load %arg16[%get3A_516, %get3A_517] : memref<128x1xf32, #tpu.memory_space<vmem>>, vector<128x1xf32>
    %dot_general3A_519 = arith.constant dense<0.000000e+00> : vector<1000x1xf32>
    %dot_general3A_520 = tpu.matmul %mul3A_515, %get3A_518, %dot_general3A_519 {dimension_numbers = #tpu.dot_dimension_numbers<[1], [0], [0], [1], [0, 0, 1, 1], [], []>, transpose_lhs_hint = false} : vector<1000x128xf32>, vector<128x1xf32>, vector<1000x1xf32> -> vector<1000x1xf32>
    %mul3A_521 = vector.broadcast %dot_general3A_496 : vector<1000x1xf32> to vector<1000x8xf32>
    %mul3A_522 = arith.mulf %sub3A_428, %mul3A_521 : vector<1000x8xf32>
    %add3A_523 = arith.addf %add3A_394, %mul3A_522 : vector<1000x8xf32>
    %get3A_524 = arith.constant 48 : index
    %get3A_525 = arith.constant 0 : index
    %get3A_526 = vector.load %arg23[%get3A_524, %get3A_525] : memref<64x8xf32, #tpu.memory_space<vmem>>, vector<16x8xf32>
    %mul3A_527 = vector.broadcast %dot_general3A_520 : vector<1000x1xf32> to vector<1000x8xf32>
    %mul3A_528 = arith.mulf %sub3A_428, %mul3A_527 : vector<1000x8xf32>
    %dot_general3A_529 = arith.constant dense<0.000000e+00> : vector<16x8xf32>
    %dot_general3A_530 = tpu.matmul %convert_element_type3A_10, %mul3A_528, %dot_general3A_529 {dimension_numbers = #tpu.dot_dimension_numbers<[0], [0], [1], [1], [0, 1, 1, 1], [], []>, transpose_lhs_hint = false} : vector<1000x16xf32>, vector<1000x8xf32>, vector<16x8xf32> -> vector<16x8xf32>
    %add3A_531 = arith.addf %get3A_526, %dot_general3A_530 : vector<16x8xf32>
    %swap3A_532 = arith.constant 48 : index
    %swap3A_533 = arith.constant 0 : index
    %swap3A_534 = vector.load %arg23[%swap3A_532, %swap3A_533] : memref<64x8xf32, #tpu.memory_space<vmem>>, vector<16x8xf32>
    tpu.vector_store %arg23[%swap3A_532, %swap3A_533], %add3A_531 {strides = array<i32>} : memref<64x8xf32, #tpu.memory_space<vmem>>, vector<16x8xf32>,
    %get3A_535 = arith.constant 48 : index
    %get3A_536 = arith.constant 0 : index
    %get3A_537 = vector.load %arg24[%get3A_535, %get3A_536] : memref<64x128xf32, #tpu.memory_space<vmem>>, vector<16x128xf32>
    %dot_general3A_538 = arith.constant dense<0.000000e+00> : vector<16x128xf32>
    %dot_general3A_539 = tpu.matmul %convert_element_type3A_10, %mul3A_472, %dot_general3A_538 {dimension_numbers = #tpu.dot_dimension_numbers<[0], [0], [1], [1], [0, 1, 1, 1], [], []>, transpose_lhs_hint = false} : vector<1000x16xf32>, vector<1000x128xf32>, vector<16x128xf32> -> vector<16x128xf32>
    %add3A_540 = arith.addf %get3A_537, %dot_general3A_539 : vector<16x128xf32>
    %swap3A_541 = arith.constant 48 : index
    %swap3A_542 = arith.constant 0 : index
    %swap3A_543 = vector.load %arg24[%swap3A_541, %swap3A_542] : memref<64x128xf32, #tpu.memory_space<vmem>>, vector<16x128xf32>
    tpu.vector_store %arg24[%swap3A_541, %swap3A_542], %add3A_540 {strides = array<i32>} : memref<64x128xf32, #tpu.memory_space<vmem>>, vector<16x128xf32>,
    %get3A_544 = arith.constant 384 : index
    %get3A_545 = arith.constant 0 : index
    %get3A_546 = vector.load %arg17[%get3A_544, %get3A_545] : memref<512x128xf32, #tpu.memory_space<vmem>>, vector<128x128xf32>
    %convert_element_type3A_547 = arith.truncf %mul3A_472 : vector<1000x128xf32> to vector<1000x128xbf16>
    %convert_element_type3A_548 = arith.truncf %get3A_546 : vector<128x128xf32> to vector<128x128xbf16>
    %dot_general3A_549 = arith.constant dense<0.000000e+00> : vector<1000x128xf32>
    %dot_general3A_550 = tpu.matmul %convert_element_type3A_547, %convert_element_type3A_548, %dot_general3A_549 {dimension_numbers = #tpu.dot_dimension_numbers<[1], [0], [0], [1], [0, 0, 1, 1], [], []>, transpose_lhs_hint = false} : vector<1000x128xbf16>, vector<128x128xbf16>, vector<1000x128xf32> -> vector<1000x128xf32>
    %add3A_551 = arith.addf %add3A_422, %dot_general3A_550 : vector<1000x128xf32>
    %mul3A_552 = arith.constant -2.500000e-01 : f32
    %mul3A_553 = vector.broadcast %mul3A_552 : f32 to vector<1000x8xf32>
    %mul3A_554 = arith.mulf %add3A_523, %mul3A_553 : vector<1000x8xf32>
    %swap3A_555 = arith.constant 0 : index
    %swap3A_556 = arith.constant 0 : index
    %swap3A_557 = vector.load %arg21[%swap3A_555, %swap3A_556] : memref<1000x8xf32, #tpu.memory_space<vmem>>, vector<1000x8xf32>
    tpu.vector_store %arg21[%swap3A_555, %swap3A_556], %mul3A_554 {strides = array<i32>} : memref<1000x8xf32, #tpu.memory_space<vmem>>, vector<1000x8xf32>,
    %swap3A_558 = arith.constant 0 : index
    %swap3A_559 = arith.constant 0 : index
    %swap3A_560 = vector.load %arg22[%swap3A_558, %swap3A_559] : memref<1000x128xf32, #tpu.memory_space<vmem>>, vector<1000x128xf32>
    tpu.vector_store %arg22[%swap3A_558, %swap3A_559], %add3A_551 {strides = array<i32>} : memref<1000x128xf32, #tpu.memory_space<vmem>>, vector<1000x128xf32>,
    return
  }
  func.func @transform_0(%arg0: i32) -> (i32, i32) {
    %c0_i32 = arith.constant 0 : i32
    %c0_i32_0 = arith.constant 0 : i32
    return %arg0, %c0_i32 : i32, i32
  }
  func.func @transform_1(%arg0: i32) -> (i32, i32) {
    %c0_i32 = arith.constant 0 : i32
    %c0_i32_0 = arith.constant 0 : i32
    return %arg0, %c0_i32 : i32, i32
  }
  func.func @transform_2(%arg0: i32) -> (i32, i32) {
    %c0_i32 = arith.constant 0 : i32
    %c0_i32_0 = arith.constant 0 : i32
    return %arg0, %c0_i32 : i32, i32
  }
  func.func @transform_3(%arg0: i32) -> (i32, i32) {
    %c0_i32 = arith.constant 0 : i32
    %c0_i32_0 = arith.constant 0 : i32
    return %arg0, %c0_i32 : i32, i32
  }
  func.func @transform_4(%arg0: i32) -> (i32, i32) {
    %c0_i32 = arith.constant 0 : i32
    %c0_i32_0 = arith.constant 0 : i32
    %c0_i32_1 = arith.constant 0 : i32
    return %c0_i32, %c0_i32_0 : i32, i32
  }
  func.func @transform_5(%arg0: i32) -> (i32, i32) {
    %c0_i32 = arith.constant 0 : i32
    %c0_i32_0 = arith.constant 0 : i32
    %c0_i32_1 = arith.constant 0 : i32
    return %c0_i32, %c0_i32_0 : i32, i32
  }
  func.func @transform_6(%arg0: i32) -> (i32, i32) {
    %c0_i32 = arith.constant 0 : i32
    %c0_i32_0 = arith.constant 0 : i32
    %c0_i32_1 = arith.constant 0 : i32
    return %c0_i32, %c0_i32_0 : i32, i32
  }
  func.func @transform_7(%arg0: i32) -> (i32, i32) {
    %c0_i32 = arith.constant 0 : i32
    %c0_i32_0 = arith.constant 0 : i32
    %c0_i32_1 = arith.constant 0 : i32
    return %c0_i32, %c0_i32_0 : i32, i32
  }
  func.func @transform_8(%arg0: i32) -> (i32, i32) {
    %c0_i32 = arith.constant 0 : i32
    %c0_i32_0 = arith.constant 0 : i32
    %c0_i32_1 = arith.constant 0 : i32
    return %c0_i32, %c0_i32_0 : i32, i32
  }
  func.func @transform_9(%arg0: i32) -> (i32, i32) {
    %c0_i32 = arith.constant 0 : i32
    %c0_i32_0 = arith.constant 0 : i32
    %c0_i32_1 = arith.constant 0 : i32
    return %c0_i32, %c0_i32_0 : i32, i32
  }
  func.func @transform_10(%arg0: i32) -> (i32, i32) {
    %c0_i32 = arith.constant 0 : i32
    %c0_i32_0 = arith.constant 0 : i32
    %c0_i32_1 = arith.constant 0 : i32
    return %c0_i32, %c0_i32_0 : i32, i32
  }
  func.func @transform_11(%arg0: i32) -> (i32, i32) {
    %c0_i32 = arith.constant 0 : i32
    %c0_i32_0 = arith.constant 0 : i32
    %c0_i32_1 = arith.constant 0 : i32
    return %c0_i32, %c0_i32_0 : i32, i32
  }
  func.func @transform_12(%arg0: i32) -> (i32, i32) {
    %c0_i32 = arith.constant 0 : i32
    %c0_i32_0 = arith.constant 0 : i32
    %c0_i32_1 = arith.constant 0 : i32
    return %c0_i32, %c0_i32_0 : i32, i32
  }
  func.func @transform_13(%arg0: i32) -> (i32, i32) {
    %c0_i32 = arith.constant 0 : i32
    %c0_i32_0 = arith.constant 0 : i32
    %c0_i32_1 = arith.constant 0 : i32
    return %c0_i32, %c0_i32_0 : i32, i32
  }
  func.func @transform_14(%arg0: i32) -> (i32, i32) {
    %c0_i32 = arith.constant 0 : i32
    %c0_i32_0 = arith.constant 0 : i32
    %c0_i32_1 = arith.constant 0 : i32
    return %c0_i32, %c0_i32_0 : i32, i32
  }
  func.func @transform_15(%arg0: i32) -> (i32, i32) {
    %c0_i32 = arith.constant 0 : i32
    %c0_i32_0 = arith.constant 0 : i32
    %c0_i32_1 = arith.constant 0 : i32
    return %c0_i32, %c0_i32_0 : i32, i32
  }
  func.func @transform_16(%arg0: i32) -> (i32, i32) {
    %c0_i32 = arith.constant 0 : i32
    %c0_i32_0 = arith.constant 0 : i32
    %c0_i32_1 = arith.constant 0 : i32
    return %c0_i32, %c0_i32_0 : i32, i32
  }
  func.func @transform_17(%arg0: i32) -> (i32, i32) {
    %c0_i32 = arith.constant 0 : i32
    %c0_i32_0 = arith.constant 0 : i32
    %c0_i32_1 = arith.constant 0 : i32
    return %c0_i32, %c0_i32_0 : i32, i32
  }
  func.func @transform_18(%arg0: i32) -> (i32, i32) {
    %c0_i32 = arith.constant 0 : i32
    %c0_i32_0 = arith.constant 0 : i32
    %c0_i32_1 = arith.constant 0 : i32
    return %c0_i32, %c0_i32_0 : i32, i32
  }
  func.func @transform_19(%arg0: i32) -> (i32, i32) {
    %c0_i32 = arith.constant 0 : i32
    %c0_i32_0 = arith.constant 0 : i32
    %c0_i32_1 = arith.constant 0 : i32
    return %c0_i32, %c0_i32_0 : i32, i32
  }
  func.func @transform_20(%arg0: i32) -> (i32, i32) {
    %c0_i32 = arith.constant 0 : i32
    %c0_i32_0 = arith.constant 0 : i32
    return %arg0, %c0_i32 : i32, i32
  }
  func.func @transform_21(%arg0: i32) -> (i32, i32) {
    %c0_i32 = arith.constant 0 : i32
    %c0_i32_0 = arith.constant 0 : i32
    return %arg0, %c0_i32 : i32, i32
  }
  func.func @transform_22(%arg0: i32) -> (i32, i32) {
    %c0_i32 = arith.constant 0 : i32
    %c0_i32_0 = arith.constant 0 : i32
    %c0_i32_1 = arith.constant 0 : i32
    return %c0_i32, %c0_i32_0 : i32, i32
  }
  func.func @transform_23(%arg0: i32) -> (i32, i32) {
    %c0_i32 = arith.constant 0 : i32
    %c0_i32_0 = arith.constant 0 : i32
    %c0_i32_1 = arith.constant 0 : i32
    return %c0_i32, %c0_i32_0 : i32, i32
  }
}

module attributes {stable_mosaic.version = 14 : i64} {
  func.func @_c_body(%arg0: memref<64x8xf32, #tpu.memory_space<vmem>>, %arg1: memref<64x128xf32, #tpu.memory_space<vmem>>, %arg2: memref<16x8xf32, #tpu.memory_space<vmem>>, %arg3: memref<64x128xf32, #tpu.memory_space<vmem>>, %arg4: memref<64x8xf32, #tpu.memory_space<vmem>>, %arg5: memref<256x128xf32, #tpu.memory_space<vmem>>, %arg6: memref<1x128xf32, #tpu.memory_space<vmem>>, %arg7: memref<128x128xf32, #tpu.memory_space<vmem>>, %arg8: memref<1x128xf32, #tpu.memory_space<vmem>>, %arg9: memref<64x8xf32, #tpu.memory_space<vmem>>, %arg10: memref<64x128xf32, #tpu.memory_space<vmem>>) attributes {dimension_semantics = [], scalar_prefetch = 0 : i64, scratch_operands = 0 : i64, tpu.core_type = #tpu.core_type<tc>} {
    %get3A = arith.constant 0 : index
    %get3A_0 = arith.constant 0 : index
    %get3A_1 = vector.load %arg2[%get3A, %get3A_0] : memref<16x8xf32, #tpu.memory_space<vmem>>, vector<16x8xf32>
    %concatenate3A = tpu.concatenate %get3A_1, %get3A_1, %get3A_1, %get3A_1 in 0 : vector<16x8xf32>, vector<16x8xf32>, vector<16x8xf32>, vector<16x8xf32> -> vector<64x8xf32>
    %iota3A = tpu.iota {dimensions = array<i32: 0>} : vector<64x1xi32>
    %iota3A_2 = tpu.iota {dimensions = array<i32: 1>} : vector<64x64xi32>
    %jit3A = arith.constant 4 : i32
    %eq3A = arith.constant 0 : i32
    %eq3A_3 = arith.cmpi eq, %jit3A, %eq3A : i32
    %jit3A_4 = arith.constant 1 : i32
    %select_n3A = arith.select %eq3A_3, %jit3A_4, %jit3A : i32
    %rem3A = vector.broadcast %select_n3A : i32 to vector<64x1xi32>
    %rem3A_5 = arith.remsi %iota3A, %rem3A : vector<64x1xi32>
    %ne3A = arith.constant 0 : i32
    %ne3A_6 = vector.broadcast %ne3A : i32 to vector<64x1xi32>
    %ne3A_7 = arith.cmpi ne, %rem3A_5, %ne3A_6 : vector<64x1xi32>
    %lt3A = arith.constant 0 : i32
    %lt3A_8 = vector.broadcast %lt3A : i32 to vector<64x1xi32>
    %lt3A_9 = arith.cmpi slt, %rem3A_5, %lt3A_8 : vector<64x1xi32>
    %lt3A_10 = arith.constant 0 : i32
    %lt3A_11 = arith.cmpi slt, %select_n3A, %lt3A_10 : i32
    %ne3A_12 = vector.broadcast %lt3A_11 : i1 to vector<64x1xi1>
    %ne3A_13 = vector.broadcast %ne3A_12 : vector<64x1xi1> to vector<64x1xi1>
    %ne3A_14 = arith.xori %lt3A_9, %ne3A_13 : vector<64x1xi1>
    %and3A = arith.andi %ne3A_14, %ne3A_7 : vector<64x1xi1>
    %add3A = vector.broadcast %select_n3A : i32 to vector<64x1xi32>
    %add3A_15 = arith.addi %rem3A_5, %add3A : vector<64x1xi32>
    %select_n3A_16 = arith.select %and3A, %add3A_15, %rem3A_5 : vector<64x1xi1>, vector<64x1xi32>
    %mul3A = arith.constant 16 : i32
    %mul3A_17 = vector.broadcast %mul3A : i32 to vector<64x1xi32>
    %mul3A_18 = arith.muli %select_n3A_16, %mul3A_17 : vector<64x1xi32>
    %jit3A_19 = arith.constant 4 : i32
    %div3A = vector.broadcast %jit3A_19 : i32 to vector<64x1xi32>
    %div3A_20 = arith.divsi %iota3A, %div3A : vector<64x1xi32>
    %sign3A = arith.constant 0 : i32
    %sign3A_21 = vector.broadcast %sign3A : i32 to vector<64x1xi32>
    %sign3A_22 = arith.cmpi sgt, %iota3A, %sign3A_21 : vector<64x1xi32>
    %sign3A_23 = arith.extui %sign3A_22 : vector<64x1xi1> to vector<64x1xi32>
    %sign3A_24 = arith.constant 0 : i32
    %sign3A_25 = vector.broadcast %sign3A_24 : i32 to vector<64x1xi32>
    %sign3A_26 = arith.cmpi slt, %iota3A, %sign3A_25 : vector<64x1xi32>
    %sign3A_27 = arith.extui %sign3A_26 : vector<64x1xi1> to vector<64x1xi32>
    %sign3A_28 = arith.subi %sign3A_23, %sign3A_27 : vector<64x1xi32>
    %sign3A_29 = arith.constant 0 : i32
    %sign3A_30 = arith.cmpi sgt, %jit3A_19, %sign3A_29 : i32
    %sign3A_31 = arith.extui %sign3A_30 : i1 to i32
    %sign3A_32 = arith.constant 0 : i32
    %sign3A_33 = arith.cmpi slt, %jit3A_19, %sign3A_32 : i32
    %sign3A_34 = arith.extui %sign3A_33 : i1 to i32
    %sign3A_35 = arith.subi %sign3A_31, %sign3A_34 : i32
    %ne3A_36 = vector.broadcast %sign3A_35 : i32 to vector<64x1xi32>
    %ne3A_37 = arith.cmpi ne, %sign3A_28, %ne3A_36 : vector<64x1xi32>
    %rem3A_38 = vector.broadcast %jit3A_19 : i32 to vector<64x1xi32>
    %rem3A_39 = arith.remsi %iota3A, %rem3A_38 : vector<64x1xi32>
    %ne3A_40 = arith.constant 0 : i32
    %ne3A_41 = vector.broadcast %ne3A_40 : i32 to vector<64x1xi32>
    %ne3A_42 = arith.cmpi ne, %rem3A_39, %ne3A_41 : vector<64x1xi32>
    %and3A_43 = arith.andi %ne3A_37, %ne3A_42 : vector<64x1xi1>
    %sub3A = arith.constant 1 : i32
    %sub3A_44 = vector.broadcast %sub3A : i32 to vector<64x1xi32>
    %sub3A_45 = arith.subi %div3A_20, %sub3A_44 : vector<64x1xi32>
    %select_n3A_46 = arith.select %and3A_43, %sub3A_45, %div3A_20 : vector<64x1xi1>, vector<64x1xi32>
    %add3A_47 = arith.addi %mul3A_18, %select_n3A_46 : vector<64x1xi32>
    %eq3A_48 = vector.broadcast %add3A_47 : vector<64x1xi32> to vector<64x64xi32>
    %eq3A_49 = arith.cmpi eq, %iota3A_2, %eq3A_48 : vector<64x64xi32>
    %convert_element_type3A = arith.extui %eq3A_49 : vector<64x64xi1> to vector<64x64xi32>
    %convert_element_type3A_50 = arith.sitofp %convert_element_type3A : vector<64x64xi32> to vector<64x64xf32>
    %get3A_51 = arith.constant 0 : index
    %get3A_52 = arith.constant 0 : index
    %get3A_53 = vector.load %arg0[%get3A_51, %get3A_52] : memref<64x8xf32, #tpu.memory_space<vmem>>, vector<64x8xf32>
    %div3A_54 = arith.divf %get3A_53, %concatenate3A : vector<64x8xf32>
    %get3A_55 = arith.constant 0 : index
    %get3A_56 = arith.constant 0 : index
    %get3A_57 = vector.load %arg1[%get3A_55, %get3A_56] : memref<64x128xf32, #tpu.memory_space<vmem>>, vector<64x128xf32>
    %slice3A = vector.extract_strided_slice %concatenate3A {offsets = [0, 0], sizes = [64, 1], strides = [1, 1]} : vector<64x8xf32> to vector<64x1xf32>
    %div3A_58 = vector.broadcast %slice3A : vector<64x1xf32> to vector<64x128xf32>
    %div3A_59 = arith.divf %get3A_57, %div3A_58 : vector<64x128xf32>
    %get3A_60 = arith.constant 0 : index
    %get3A_61 = arith.constant 0 : index
    %get3A_62 = vector.load %arg4[%get3A_60, %get3A_61] : memref<64x8xf32, #tpu.memory_space<vmem>>, vector<64x8xf32>
    %dot_general3A = arith.constant dense<0.000000e+00> : vector<64x8xf32>
    %dot_general3A_63 = tpu.matmul %convert_element_type3A_50, %div3A_54, %dot_general3A {dimension_numbers = #tpu.dot_dimension_numbers<[1], [0], [0], [1], [0, 0, 1, 1], [], []>, transpose_lhs_hint = false} : vector<64x64xf32>, vector<64x8xf32>, vector<64x8xf32> -> vector<64x8xf32>
    %add3A_64 = arith.addf %get3A_62, %dot_general3A_63 : vector<64x8xf32>
    %swap3A = arith.constant 0 : index
    %swap3A_65 = arith.constant 0 : index
    %swap3A_66 = vector.load %arg9[%swap3A, %swap3A_65] : memref<64x8xf32, #tpu.memory_space<vmem>>, vector<64x8xf32>
    tpu.vector_store %arg9[%swap3A, %swap3A_65], %add3A_64 {strides = array<i32>} : memref<64x8xf32, #tpu.memory_space<vmem>>, vector<64x8xf32>,
    %get3A_67 = arith.constant 0 : index
    %get3A_68 = arith.constant 0 : index
    %get3A_69 = vector.load %arg3[%get3A_67, %get3A_68] : memref<64x128xf32, #tpu.memory_space<vmem>>, vector<64x128xf32>
    %dot_general3A_70 = arith.constant dense<0.000000e+00> : vector<64x128xf32>
    %dot_general3A_71 = tpu.matmul %convert_element_type3A_50, %div3A_59, %dot_general3A_70 {dimension_numbers = #tpu.dot_dimension_numbers<[1], [0], [0], [1], [0, 0, 1, 1], [], []>, transpose_lhs_hint = false} : vector<64x64xf32>, vector<64x128xf32>, vector<64x128xf32> -> vector<64x128xf32>
    %concatenate3A_72 = tpu.concatenate %get3A_69, %dot_general3A_71 in 1 : vector<64x128xf32>, vector<64x128xf32> -> vector<64x256xf32>
    %get3A_73 = arith.constant 0 : index
    %get3A_74 = arith.constant 0 : index
    %get3A_75 = vector.load %arg5[%get3A_73, %get3A_74] : memref<256x128xf32, #tpu.memory_space<vmem>>, vector<256x128xf32>
    %dot_general3A_76 = arith.constant dense<0.000000e+00> : vector<64x128xf32>
    %dot_general3A_77 = tpu.matmul %concatenate3A_72, %get3A_75, %dot_general3A_76 {dimension_numbers = #tpu.dot_dimension_numbers<[1], [0], [0], [1], [0, 0, 1, 1], [], []>, transpose_lhs_hint = false} : vector<64x256xf32>, vector<256x128xf32>, vector<64x128xf32> -> vector<64x128xf32>
    %get3A_78 = arith.constant 0 : index
    %get3A_79 = arith.constant 0 : index
    %get3A_80 = vector.load %arg6[%get3A_78, %get3A_79] : memref<1x128xf32, #tpu.memory_space<vmem>>, vector<1x128xf32>
    %add3A_81 = vector.broadcast %get3A_80 : vector<1x128xf32> to vector<64x128xf32>
    %add3A_82 = arith.addf %dot_general3A_77, %add3A_81 : vector<64x128xf32>
    %logistic3A = arith.negf %add3A_82 : vector<64x128xf32>
    %logistic3A_83 = math.exp %logistic3A : vector<64x128xf32>
    %logistic3A_84 = arith.constant 1.000000e+00 : f32
    %logistic3A_85 = vector.broadcast %logistic3A_84 : f32 to vector<64x128xf32>
    %logistic3A_86 = arith.addf %logistic3A_85, %logistic3A_83 : vector<64x128xf32>
    %logistic3A_87 = arith.divf %logistic3A_85, %logistic3A_86 : vector<64x128xf32>
    %mul3A_88 = arith.mulf %add3A_82, %logistic3A_87 : vector<64x128xf32>
    %get3A_89 = arith.constant 0 : index
    %get3A_90 = arith.constant 0 : index
    %get3A_91 = vector.load %arg7[%get3A_89, %get3A_90] : memref<128x128xf32, #tpu.memory_space<vmem>>, vector<128x128xf32>
    %dot_general3A_92 = arith.constant dense<0.000000e+00> : vector<64x128xf32>
    %dot_general3A_93 = tpu.matmul %mul3A_88, %get3A_91, %dot_general3A_92 {dimension_numbers = #tpu.dot_dimension_numbers<[1], [0], [0], [1], [0, 0, 1, 1], [], []>, transpose_lhs_hint = false} : vector<64x128xf32>, vector<128x128xf32>, vector<64x128xf32> -> vector<64x128xf32>
    %get3A_94 = arith.constant 0 : index
    %get3A_95 = arith.constant 0 : index
    %get3A_96 = vector.load %arg8[%get3A_94, %get3A_95] : memref<1x128xf32, #tpu.memory_space<vmem>>, vector<1x128xf32>
    %add3A_97 = vector.broadcast %get3A_96 : vector<1x128xf32> to vector<64x128xf32>
    %add3A_98 = arith.addf %dot_general3A_93, %add3A_97 : vector<64x128xf32>
    %get3A_99 = arith.constant 0 : index
    %get3A_100 = arith.constant 0 : index
    %get3A_101 = vector.load %arg3[%get3A_99, %get3A_100] : memref<64x128xf32, #tpu.memory_space<vmem>>, vector<64x128xf32>
    %add3A_102 = arith.addf %get3A_101, %add3A_98 : vector<64x128xf32>
    %swap3A_103 = arith.constant 0 : index
    %swap3A_104 = arith.constant 0 : index
    %swap3A_105 = vector.load %arg10[%swap3A_103, %swap3A_104] : memref<64x128xf32, #tpu.memory_space<vmem>>, vector<64x128xf32>
    tpu.vector_store %arg10[%swap3A_103, %swap3A_104], %add3A_102 {strides = array<i32>} : memref<64x128xf32, #tpu.memory_space<vmem>>, vector<64x128xf32>,
    return
  }
}

module attributes {stable_mosaic.version = 14 : i64} {
  func.func @_e_body(%arg0: i32, %arg1: memref<1000x128xf32, #tpu.memory_space<vmem>>, %arg2: memref<1000x128xf32, #tpu.memory_space<vmem>>, %arg3: memref<1000x8xf32, #tpu.memory_space<vmem>>, %arg4: memref<1000x8xf32, #tpu.memory_space<vmem>>, %arg5: memref<1000x128xf32, #tpu.memory_space<vmem>>, %arg6: memref<1000x8xf32, #tpu.memory_space<vmem>>, %arg7: memref<1000x8xf32, #tpu.memory_space<vmem>>, %arg8: memref<1000x128xf32, #tpu.memory_space<vmem>>, %arg9: memref<128x128xf32, #tpu.memory_space<vmem>>, %arg10: memref<128x128xf32, #tpu.memory_space<vmem>>, %arg11: memref<1x128xf32, #tpu.memory_space<vmem>>, %arg12: memref<1000x128xf32, #tpu.memory_space<vmem>>, %arg13: memref<1000x8xf32, #tpu.memory_space<vmem>>) attributes {dimension_semantics = [#tpu.dimension_semantics<arbitrary>], iteration_bounds = array<i64: 10>, scalar_prefetch = 0 : i64, scratch_operands = 0 : i64, tpu.core_type = #tpu.core_type<tc>, window_params = [{transform_indices = @transform_0, window_bounds = array<i64: 1000, 128>}, {transform_indices = @transform_1, window_bounds = array<i64: 1000, 128>}, {transform_indices = @transform_2, window_bounds = array<i64: 1000, 8>}, {transform_indices = @transform_3, window_bounds = array<i64: 1000, 8>}, {transform_indices = @transform_4, window_bounds = array<i64: 1000, 128>}, {transform_indices = @transform_5, window_bounds = array<i64: 1000, 8>}, {transform_indices = @transform_6, window_bounds = array<i64: 1000, 8>}, {transform_indices = @transform_7, window_bounds = array<i64: 1000, 128>}, {pipeline_mode = #tpu.pipeline_mode<synchronous>, transform_indices = @transform_8, window_bounds = array<i64: 128, 128>}, {pipeline_mode = #tpu.pipeline_mode<synchronous>, transform_indices = @transform_9, window_bounds = array<i64: 128, 128>}, {pipeline_mode = #tpu.pipeline_mode<synchronous>, transform_indices = @transform_10, window_bounds = array<i64: 1, 128>}, {transform_indices = @transform_11, window_bounds = array<i64: 1000, 128>}, {transform_indices = @transform_12, window_bounds = array<i64: 1000, 8>}]} {
    %get3A = arith.constant 0 : index
    %get3A_0 = arith.constant 0 : index
    %get3A_1 = vector.load %arg3[%get3A, %get3A_0] : memref<1000x8xf32, #tpu.memory_space<vmem>>, vector<1000x8xf32>
    %get3A_2 = arith.constant 0 : index
    %get3A_3 = arith.constant 0 : index
    %get3A_4 = vector.load %arg4[%get3A_2, %get3A_3] : memref<1000x8xf32, #tpu.memory_space<vmem>>, vector<1000x8xf32>
    %add3A = arith.addf %get3A_1, %get3A_4 : vector<1000x8xf32>
    %iota3A = tpu.iota {dimensions = array<i32: 1>} : vector<1x8xi32>
    %eq3A = arith.constant 3 : i32
    %eq3A_5 = vector.broadcast %eq3A : i32 to vector<1x8xi32>
    %eq3A_6 = arith.cmpi eq, %iota3A, %eq3A_5 : vector<1x8xi32>
    %convert_element_type3A = arith.extui %eq3A_6 : vector<1x8xi1> to vector<1x8xi32>
    %convert_element_type3A_7 = arith.sitofp %convert_element_type3A : vector<1x8xi32> to vector<1x8xf32>
    %mul3A = vector.broadcast %convert_element_type3A_7 : vector<1x8xf32> to vector<1000x8xf32>
    %mul3A_8 = arith.mulf %add3A, %mul3A : vector<1000x8xf32>
    %reduce_sum3A = arith.constant dense<0.000000e+00> : vector<1000xf32>
    %reduce_sum3A_9 = vector.multi_reduction <add>, %mul3A_8, %reduce_sum3A [1] : vector<1000x8xf32> to vector<1000xf32>
    %broadcast_in_dim3A = vector.shape_cast %reduce_sum3A_9 : vector<1000xf32> to vector<1000x1xf32>
    %max3A = arith.constant 1.000000e+00 : f32
    %max3A_10 = vector.broadcast %max3A : f32 to vector<1000x1xf32>
    %max3A_11 = arith.maximumf %broadcast_in_dim3A, %max3A_10 : vector<1000x1xf32>
    %get3A_12 = arith.constant 0 : index
    %get3A_13 = arith.constant 0 : index
    %get3A_14 = vector.load %arg1[%get3A_12, %get3A_13] : memref<1000x128xf32, #tpu.memory_space<vmem>>, vector<1000x128xf32>
    %get3A_15 = arith.constant 0 : index
    %get3A_16 = arith.constant 0 : index
    %get3A_17 = vector.load %arg2[%get3A_15, %get3A_16] : memref<1000x128xf32, #tpu.memory_space<vmem>>, vector<1000x128xf32>
    %add3A_18 = arith.addf %get3A_14, %get3A_17 : vector<1000x128xf32>
    %div3A = vector.broadcast %max3A_11 : vector<1000x1xf32> to vector<1000x128xf32>
    %div3A_19 = arith.divf %add3A_18, %div3A : vector<1000x128xf32>
    %get3A_20 = arith.constant 0 : index
    %get3A_21 = arith.constant 0 : index
    %get3A_22 = vector.load %arg6[%get3A_20, %get3A_21] : memref<1000x8xf32, #tpu.memory_space<vmem>>, vector<1000x8xf32>
    %lt3A = arith.constant 3 : i32
    %lt3A_23 = vector.broadcast %lt3A : i32 to vector<1x8xi32>
    %lt3A_24 = arith.cmpi slt, %iota3A, %lt3A_23 : vector<1x8xi32>
    %convert_element_type3A_25 = arith.extui %lt3A_24 : vector<1x8xi1> to vector<1x8xi32>
    %convert_element_type3A_26 = arith.sitofp %convert_element_type3A_25 : vector<1x8xi32> to vector<1x8xf32>
    %mul3A_27 = vector.broadcast %convert_element_type3A_26 : vector<1x8xf32> to vector<1000x8xf32>
    %mul3A_28 = arith.mulf %add3A, %mul3A_27 : vector<1000x8xf32>
    %div3A_29 = vector.broadcast %max3A_11 : vector<1000x1xf32> to vector<1000x8xf32>
    %div3A_30 = arith.divf %mul3A_28, %div3A_29 : vector<1000x8xf32>
    %add3A_31 = arith.addf %get3A_22, %div3A_30 : vector<1000x8xf32>
    %get3A_32 = arith.constant 0 : index
    %get3A_33 = arith.constant 0 : index
    %get3A_34 = vector.load %arg7[%get3A_32, %get3A_33] : memref<1000x8xf32, #tpu.memory_space<vmem>>, vector<1000x8xf32>
    %add3A_35 = arith.addf %add3A_31, %get3A_34 : vector<1000x8xf32>
    %swap3A = arith.constant 0 : index
    %swap3A_36 = arith.constant 0 : index
    %swap3A_37 = vector.load %arg13[%swap3A, %swap3A_36] : memref<1000x8xf32, #tpu.memory_space<vmem>>, vector<1000x8xf32>
    tpu.vector_store %arg13[%swap3A, %swap3A_36], %add3A_35 {strides = array<i32>} : memref<1000x8xf32, #tpu.memory_space<vmem>>, vector<1000x8xf32>,
    %get3A_38 = arith.constant 0 : index
    %get3A_39 = arith.constant 0 : index
    %get3A_40 = vector.load %arg5[%get3A_38, %get3A_39] : memref<1000x128xf32, #tpu.memory_space<vmem>>, vector<1000x128xf32>
    %get3A_41 = arith.constant 0 : index
    %get3A_42 = arith.constant 0 : index
    %get3A_43 = vector.load %arg8[%get3A_41, %get3A_42] : memref<1000x128xf32, #tpu.memory_space<vmem>>, vector<1000x128xf32>
    %get3A_44 = arith.constant 0 : index
    %get3A_45 = arith.constant 0 : index
    %get3A_46 = vector.load %arg9[%get3A_44, %get3A_45] : memref<128x128xf32, #tpu.memory_space<vmem>>, vector<128x128xf32>
    %convert_element_type3A_47 = arith.truncf %div3A_19 : vector<1000x128xf32> to vector<1000x128xbf16>
    %convert_element_type3A_48 = arith.truncf %get3A_46 : vector<128x128xf32> to vector<128x128xbf16>
    %dot_general3A = arith.constant dense<0.000000e+00> : vector<1000x128xf32>
    %dot_general3A_49 = tpu.matmul %convert_element_type3A_47, %convert_element_type3A_48, %dot_general3A {dimension_numbers = #tpu.dot_dimension_numbers<[1], [0], [0], [1], [0, 0, 1, 1], [], []>, transpose_lhs_hint = false} : vector<1000x128xbf16>, vector<128x128xbf16>, vector<1000x128xf32> -> vector<1000x128xf32>
    %add3A_50 = arith.addf %get3A_43, %dot_general3A_49 : vector<1000x128xf32>
    %logistic3A = arith.negf %add3A_50 : vector<1000x128xf32>
    %logistic3A_51 = math.exp %logistic3A : vector<1000x128xf32>
    %logistic3A_52 = arith.constant 1.000000e+00 : f32
    %logistic3A_53 = vector.broadcast %logistic3A_52 : f32 to vector<1000x128xf32>
    %logistic3A_54 = arith.addf %logistic3A_53, %logistic3A_51 : vector<1000x128xf32>
    %logistic3A_55 = arith.divf %logistic3A_53, %logistic3A_54 : vector<1000x128xf32>
    %mul3A_56 = arith.mulf %add3A_50, %logistic3A_55 : vector<1000x128xf32>
    %get3A_57 = arith.constant 0 : index
    %get3A_58 = arith.constant 0 : index
    %get3A_59 = vector.load %arg10[%get3A_57, %get3A_58] : memref<128x128xf32, #tpu.memory_space<vmem>>, vector<128x128xf32>
    %convert_element_type3A_60 = arith.truncf %mul3A_56 : vector<1000x128xf32> to vector<1000x128xbf16>
    %convert_element_type3A_61 = arith.truncf %get3A_59 : vector<128x128xf32> to vector<128x128xbf16>
    %dot_general3A_62 = arith.constant dense<0.000000e+00> : vector<1000x128xf32>
    %dot_general3A_63 = tpu.matmul %convert_element_type3A_60, %convert_element_type3A_61, %dot_general3A_62 {dimension_numbers = #tpu.dot_dimension_numbers<[1], [0], [0], [1], [0, 0, 1, 1], [], []>, transpose_lhs_hint = false} : vector<1000x128xbf16>, vector<128x128xbf16>, vector<1000x128xf32> -> vector<1000x128xf32>
    %add3A_64 = arith.addf %get3A_40, %dot_general3A_63 : vector<1000x128xf32>
    %get3A_65 = arith.constant 0 : index
    %get3A_66 = arith.constant 0 : index
    %get3A_67 = vector.load %arg11[%get3A_65, %get3A_66] : memref<1x128xf32, #tpu.memory_space<vmem>>, vector<1x128xf32>
    %add3A_68 = vector.broadcast %get3A_67 : vector<1x128xf32> to vector<1000x128xf32>
    %add3A_69 = arith.addf %add3A_64, %add3A_68 : vector<1000x128xf32>
    %swap3A_70 = arith.constant 0 : index
    %swap3A_71 = arith.constant 0 : index
    %swap3A_72 = vector.load %arg12[%swap3A_70, %swap3A_71] : memref<1000x128xf32, #tpu.memory_space<vmem>>, vector<1000x128xf32>
    tpu.vector_store %arg12[%swap3A_70, %swap3A_71], %add3A_69 {strides = array<i32>} : memref<1000x128xf32, #tpu.memory_space<vmem>>, vector<1000x128xf32>,
    return
  }
  func.func @transform_0(%arg0: i32) -> (i32, i32) {
    %c0_i32 = arith.constant 0 : i32
    %c0_i32_0 = arith.constant 0 : i32
    return %arg0, %c0_i32 : i32, i32
  }
  func.func @transform_1(%arg0: i32) -> (i32, i32) {
    %c0_i32 = arith.constant 0 : i32
    %c0_i32_0 = arith.constant 0 : i32
    return %arg0, %c0_i32 : i32, i32
  }
  func.func @transform_2(%arg0: i32) -> (i32, i32) {
    %c0_i32 = arith.constant 0 : i32
    %c0_i32_0 = arith.constant 0 : i32
    return %arg0, %c0_i32 : i32, i32
  }
  func.func @transform_3(%arg0: i32) -> (i32, i32) {
    %c0_i32 = arith.constant 0 : i32
    %c0_i32_0 = arith.constant 0 : i32
    return %arg0, %c0_i32 : i32, i32
  }
  func.func @transform_4(%arg0: i32) -> (i32, i32) {
    %c0_i32 = arith.constant 0 : i32
    %c0_i32_0 = arith.constant 0 : i32
    return %arg0, %c0_i32 : i32, i32
  }
  func.func @transform_5(%arg0: i32) -> (i32, i32) {
    %c0_i32 = arith.constant 0 : i32
    %c0_i32_0 = arith.constant 0 : i32
    return %arg0, %c0_i32 : i32, i32
  }
  func.func @transform_6(%arg0: i32) -> (i32, i32) {
    %c0_i32 = arith.constant 0 : i32
    %c0_i32_0 = arith.constant 0 : i32
    return %arg0, %c0_i32 : i32, i32
  }
  func.func @transform_7(%arg0: i32) -> (i32, i32) {
    %c0_i32 = arith.constant 0 : i32
    %c0_i32_0 = arith.constant 0 : i32
    return %arg0, %c0_i32 : i32, i32
  }
  func.func @transform_8(%arg0: i32) -> (i32, i32) {
    %c0_i32 = arith.constant 0 : i32
    %c0_i32_0 = arith.constant 0 : i32
    %c0_i32_1 = arith.constant 0 : i32
    return %c0_i32, %c0_i32_0 : i32, i32
  }
  func.func @transform_9(%arg0: i32) -> (i32, i32) {
    %c0_i32 = arith.constant 0 : i32
    %c0_i32_0 = arith.constant 0 : i32
    %c0_i32_1 = arith.constant 0 : i32
    return %c0_i32, %c0_i32_0 : i32, i32
  }
  func.func @transform_10(%arg0: i32) -> (i32, i32) {
    %c0_i32 = arith.constant 0 : i32
    %c0_i32_0 = arith.constant 0 : i32
    %c0_i32_1 = arith.constant 0 : i32
    return %c0_i32, %c0_i32_0 : i32, i32
  }
  func.func @transform_11(%arg0: i32) -> (i32, i32) {
    %c0_i32 = arith.constant 0 : i32
    %c0_i32_0 = arith.constant 0 : i32
    return %arg0, %c0_i32 : i32, i32
  }
  func.func @transform_12(%arg0: i32) -> (i32, i32) {
    %c0_i32 = arith.constant 0 : i32
    %c0_i32_0 = arith.constant 0 : i32
    return %arg0, %c0_i32 : i32, i32
  }
}

</mosaic_0001>

<sc_bundles>
// kernel: kernel.11.cloned.1.call-start
scs
__scs_entry_jumppad:
0x0: {  	(pc) =	sbr.rel $0x88, $3  }
0x1: {  	(tag) =	ssettag $0x0;
	lr =	simm.s32 $0x1  }
0x2: {  	[smem:$0x3F80] =	sst lr;
	_ =	strace $0xD0000000  }
0x3: {  	_ = 	snop  }
0x4: {  	_ = 	snop  }
0x5: {  	_ = 	snop  }
0x6: {  	_ = 	snop  }
0x7: {  	_ = 	snop  }
__scs_overlays_trampoline_lowered:
0x8: {  	[smem:$0x3F8F] =	sst s0  }
0x9: {  	[smem:$0x3F90] =	sst s1  }
0xa: {  	[smem:$0x3F91] =	sst s2  }
0xb: {  	[smem:$0x3F92] =	sst s3  }
0xc: {  	[smem:$0x3F93] =	sst s4  }
0xd: {  	[smem:$0x3F94] =	sst s5  }
0xe: {  	[smem:$0x3F95] =	sst s6  }
0xf: {  	[smem:$0x3F96] =	sst s7  }
0x10: {  	[smem:$0x3F97] =	sst s8  }
0x11: {  	[smem:$0x3F98] =	sst s9;
	s0 =	simm.s32 @!p0 $0x0  }
0x12: {  	s1 =	sld [smem:$0x3F7E];
	s0 =	simm.s32 @p0 $0x1  }
0x13: {  	[smem:$0x3F99] =	sst s0;
	s0 =	simm.s32 @!p1 $0x0  }
0x14: {  	s2 =	sld [smem:$0x3F7D];
	s0 =	simm.s32 @p1 $0x1  }
0x15: {  	[smem:$0x3F9A] =	sst s0;
	s0 =	simm.s32 @!p2 $0x0  }
0x16: {  	s3 =	sld [smem:$0x3FDB];
	s0 =	simm.s32 @p2 $0x1  }
0x17: {  	s4 =	simm.s32 $0x1BF5;
	[smem:$0x3F9C] =	sst s0  }
0x18: {  	s0 =	sld [smem:$0x3F7F];
	_ =	swait.ge [sflag:s4], $0x0  }
0x19: {  	s7 =	sld [smem:$0x3F80]  }
0x1a: {  	s8 =	sadd.s32 $0xFFFFE003, lr  }
0x1b: {  	s9 =	sadd.s32 $0xFFFFFEF7, lr;
	s5 =	simm.s32 $0xFFFFFFFF;
	p2 =	slt.u32 s8, $0xFFFFF086  }
0x1c: {  	p1 =	slt.u32 s9, $0xF7A;
	s5 =	simm.s32 @!p2 $0x0  }
0x1d: {  	s5 =	simm.s32 @p1 $0x1;
	p0 =	seq.s32 s7, s2  }
0x1e: {  	s7 =	smul.u32 @!p0 $0xF7A, s2;
	p2 =	seq.s32 @!p0 s5, $0x0  }
0x1f: {  	s9 =	smul.u32 $0xF7A, s1;
	s8 =	simm.s32 @!p0 $0x1BF5;
	p2 =	por !p2, p0  }
0x20: {  	[sflag:s8] =	ssyncset.s32 @!p0 $0xFFFFF086;
	s6 =	sadd.s32 @!p0 s3, s7;
	s7 =	simm.s32 @!p0 $0x108  }
0x21: {  	s3 =	sadd.s32 s3, s9;
	s6 =	sadd.s32 @!p0 $0x88, s6;
	s7 =	simm.s32 @p2 $0x1082  }
0x22: {  	[simem:s7], [sflag:s8] =	dma.local @!p0 [hbm:s6], $0xF7A  }
0x23: {  	s9 =	sor.u32 $0xD0000000, s2;
	s6 =	simm.s32 $0x108;
	_ =	swait.ge @!p0 [sflag:s8], $0x0  }
0x24: {  	s3 =	sadd.s32 $0x88, s3;
	s6 =	simm.s32 @!p1 $0x1082;
	[sflag:s4] =	ssyncset.s32 $0xFFFFF086  }
0x25: {  	[simem:s6], [sflag:s4] =	dma.local [hbm:s3], $0xF7A  }
0x26: {  	[smem:$0x3F80] =	sst s1;
	(tag) =	ssettag s2;
	_ =	strace s9  }
0x27: {  	s1 =	sld [smem:$0x3F90]  }
0x28: {  	s2 =	sld [smem:$0x3F91]  }
0x29: {  	s4 =	sld [smem:$0x3F93]  }
0x2a: {  	p0 =	seq.s32 s5, $0x0;
	s5 =	sld [smem:$0x3F94]  }
0x2b: {  	s6 =	sld [smem:$0x3F95]  }
0x2c: {  	s7 =	sld [smem:$0x3F96]  }
0x2d: {  	s3 =	simm.s32 $0x108;
	s8 =	sld [smem:$0x3F97]  }
0x2e: {  	s3 =	simm.s32 @!p0 $0x1082;
	s9 =	sld [smem:$0x3F98]  }
0x2f: {  	lr =	sadd.s32 s0, s3;
	s0 =	sld [smem:$0x3F8F]  }
0x30: {  	s3 =	sld [smem:$0x3F92]  }
0x31: {  	[smem:$0x3F9B] =	sst s10  }
0x32: {  	s10 =	sld [smem:$0x3F99];
	_ =	sdelay $0x3  }
0x33: {  	p0 =	seq.s32 s10, $0x1;
	s10 =	sld [smem:$0x3F9B];
	_ =	sdelay $0x3  }
0x34: {  	[smem:$0x3F9B] =	sst s10  }
0x35: {  	s10 =	sld [smem:$0x3F9A];
	_ =	sdelay $0x3  }
0x36: {  	p1 =	seq.s32 s10, $0x1;
	s10 =	sld [smem:$0x3F9B];
	_ =	sdelay $0x3  }
0x37: {  	[smem:$0x3F9B] =	sst s10  }
0x38: {  	s10 =	sld [smem:$0x3F9C]  }
0x39: {  	_ = 	snop;
	(pc) =	sbr.ind lr, $3  }
0x3a: {  	_ = 	snop  }
0x3b: {  	_ = 	snop  }
0x3c: {  	p2 =	seq.s32 s10, $0x1;
	s10 =	sld [smem:$0x3F9B]  }
0x3d: {  	_ =	shalt  }
0x3e: {  	_ =	shalt  }
0x3f: {  	_ =	shalt  }
0x40: {  	_ =	shalt  }
0x41: {  	_ =	shalt  }
0x42: {  	_ =	shalt  }
0x43: {  	_ =	shalt  }
0x44: {  	_ =	shalt  }
0x45: {  	_ =	shalt  }
0x46: {  	_ =	shalt  }
0x47: {  	_ =	shalt  }
0x48: {  	_ =	shalt  }
0x49: {  	_ =	shalt  }
0x4a: {  	_ =	shalt  }
0x4b: {  	_ =	shalt  }
0x4c: {  	_ =	shalt  }
0x4d: {  	_ =	shalt  }
0x4e: {  	_ =	shalt  }
0x4f: {  	_ =	shalt  }
0x50: {  	_ =	shalt  }
0x51: {  	_ =	shalt  }
0x52: {  	_ =	shalt  }
0x53: {  	_ =	shalt  }
0x54: {  	_ =	shalt  }
0x55: {  	_ =	shalt  }
0x56: {  	_ =	shalt  }
0x57: {  	_ =	shalt  }
0x58: {  	_ =	shalt  }
0x59: {  	_ =	shalt  }
0x5a: {  	_ =	shalt  }
0x5b: {  	_ =	shalt  }
0x5c: {  	_ =	shalt  }
0x5d: {  	_ =	shalt  }
0x5e: {  	_ =	shalt  }
0x5f: {  	_ =	shalt  }
0x60: {  	_ =	shalt  }
0x61: {  	_ =	shalt  }
0x62: {  	_ =	shalt  }
0x63: {  	_ =	shalt  }
0x64: {  	_ =	shalt  }
0x65: {  	_ =	shalt  }
0x66: {  	_ =	shalt  }
0x67: {  	_ =	shalt  }
0x68: {  	_ =	shalt  }
0x69: {  	_ =	shalt  }
0x6a: {  	_ =	shalt  }
0x6b: {  	_ =	shalt  }
0x6c: {  	_ =	shalt  }
0x6d: {  	_ =	shalt  }
0x6e: {  	_ =	shalt  }
0x6f: {  	_ =	shalt  }
0x70: {  	_ =	shalt  }
0x71: {  	_ =	shalt  }
0x72: {  	_ =	shalt  }
0x73: {  	_ =	shalt  }
0x74: {  	_ =	shalt  }
0x75: {  	_ =	shalt  }
0x76: {  	_ =	shalt  }
0x77: {  	_ =	shalt  }
0x78: {  	_ =	shalt  }
0x79: {  	_ =	shalt  }
0x7a: {  	_ =	shalt  }
0x7b: {  	_ =	shalt  }
0x7c: {  	_ =	shalt  }
0x7d: {  	_ =	shalt  }
0x7e: {  	_ =	shalt  }
0x7f: {  	_ =	shalt  }
0x80: {  	_ =	shalt  }
0x81: {  	_ =	shalt  }
0x82: {  	_ =	shalt  }
0x83: {  	_ =	shalt  }
0x84: {  	_ =	shalt  }
0x85: {  	_ =	shalt  }
0x86: {  	_ =	shalt  }
0x87: {  	_ =	shalt  }
.Lfunc_end0:
.L_simem_size_0:
called_computation_lowered:
.L_overlay_start_0:
0x88: {  	s2 =	sld [smem:$0x3FD9]  }
0x89: {  	s3 =	sld [smem:$0x3FFE];
	_ =	sdelay $0x1  }
0x8a: {  	s1 =	srdreg.scid  }
0x8b: {  	s0 =	sand.u32 $0x1, s1  }
0x8c: {  	s16 =	sshll.u32 s0, $0xA;
	s2 =	sadd.s32 s3, s2  }
0x8d: {  	s2 =	sadd.s32 s2, s16  }
0x8e: {  	[smem:$0x3FA7] =	sst s2  }
0x8f: {  	_ = 	snop  }
0x90: {  	(tm) =	ssettm $0x1  }
0x91: {  	s17 =	sld [smem:$0x3FFB];
	_ =	sdelay $0x3  }
0x92: {  	_ =	strace s17  }
0x93: {  	s2 =	sld [smem:$0x3FFC];
	_ =	sdelay $0x3  }
0x94: {  	_ =	strace s2  }
0x95: {  	s2 =	sld [smem:$0x3FFD];
	_ =	sdelay $0x3  }
0x96: {  	_ =	strace s2  }
0x97: {  	_ =	strace $0x8FFFFFFF  }
0x98: {  	s18 =	sld [smem:$0x3FDB];
	_ =	sdelay $0x1  }
0x99: {  	s19 =	simm.s32 $_scs_section_size  }
0x9a: {  	s4 =	simm.s32 $_size__tile_overlayer_lowered;
	s5 =	simm.s32 $_tile_overlayer_lowered  }
0x9b: {  	s22 =	simm.s32 $0x1BFF;
	s21 =	sshll.u32 s5, $0x1;
	s2 =	sadd.s32 s19, s18  }
0x9c: {  	s6 =	simm.s32 $0x0;
	s20 =	sshll.u32 s4, $0x1;
	s4 =	sadd.s32 s21, s2  }
0x9d: {  	[timem:s6], [sflag:s22] =	dma.local [hbm:s4], s20  }
0x9e: {  	_ =	swait.ge [sflag:s22], s20  }
0x9f: {  	s3 =	ssub.s32 $0x0, s20;
	[sflag:s22] =	ssyncset.done $0x0  }
0xa0: {  	[sflag:s22] =	ssyncadd.s32 s3;
	_ =	sdelay $0x1  }
0xa1: {  	s23 =	simm.s32 $0x1B8B  }
0xa2: {  	_ =	swait.ge [sflag:s23], $0x1  }
0xa3: {  	[sflag:s23] =	ssyncset.done $0x0  }
0xa4: {  	s25 =	simm.s32 $0x1B8E;
	s24 =	sld [smem:$0x3FFE];
	[sflag:s23] =	ssyncadd.s32 $0xFFFFFFFF  }
0xa5: {  	s26 =	simm.s32 $execute0_lowered;
	[smem:$0x3FD2] =	sst s25  }
0xa6: {  	s4 =	sshll.u32 s26, $0x1;
	_ =	strace $0x80000046;
	[dreg:$0x1] =	wrdreg $0xFFFFFFFF  }
0xa7: {  	s28 =	simm.s32 $_size_execute0_lowered;
	s2 =	sadd.s32 s2, s4;
	[dreg:$0x0] =	wrdreg $0x0  }
0xa8: {  	s4 =	sshll.u32 s28, $0x1;
	[dreg:$0x2] =	wrdreg s2  }
0xa9: {  	[dreg:$0x3] =	wrdreg s4  }
0xaa: {  	[dreg:$0x4] =	wrdreg $0xC0  }
0xab: {  	_ =	task [dreg:s6], $0x5FFFF  }
0xac: {  	[dreg:$0x1] =	wrdreg $0xFFFFFFFF  }
0xad: {  	[dreg:$0x0] =	wrdreg $0x60  }
0xae: {  	[dreg:$0x2] =	wrdreg s24  }
0xaf: {  	[dreg:$0x3] =	wrdreg $0x9  }
0xb0: {  	_ =	task.clear_ibuf [dreg:s6], $0x4FFFF;
	_ =	strace $0x90000046  }
0xb1: {  	s29 =	simm.s32 $0x9;
	_ =	strace $0x80000048  }
0xb2: {  	_ =	swait.ge [sflag:s29], $0x1  }
0xb3: {  	[sflag:s29] =	ssyncadd.s32 $0xFFFFFFFF  }
0xb4: {  	_ =	strace $0x90000048  }
0xb5: {  	_ =	sfence  }
0xb6: {  	s30 =	sld [smem:$0x0];
	_ =	sdelay $0x2  }
0xb7: {  	s31 =	sshll.u32 s1, $0xD;
	s1 =	sshrl.u32 s1, $0x2  }
0xb8: {  	s3 =	sand.u32 $0x4000, s31;
	s1 =	sadd.s32 s1, s30  }
0xb9: {  	s0 =	sor.u32 s3, s0;
	s1 =	sshll.u32 s1, $0x11  }
0xba: {  	s0 =	sor.u32 s1, s0  }
0xbb: {  	s0 =	sadd.s32 $0x8F2B, s0  }
0xbc: {  	[sflag:s0] =	ssyncadd.remote.s32 $0x1  }
0xbd: {  	_ =	sfence.sel $0xFFFF  }
0xbe: {  	[dreg:$0x0] =	wrdreg $0xFFFFFFFF;
	(pc) =	sbr.abs _section_cstart, $3  }
0xbf: {  	[dreg:$0x1] =	wrdreg $0xFFFFFFFF  }
0xc0: {  	_ =	task.clear_ibuf [dreg:s6], $0x2FFFF;
	_ =	strace $0x9FFFFFFF  }
0xc1: {  	(tm) =	ssettm $0x7FFFFFFF  }
tec
execute0_lowered:
.L_overlay_start_1:
0x0: {  	(tag) =	ssettag $0x1  }
0x1: {  	s0 =	srdreg.scid  }
0x2: {  	s5 =	rddreg [dreg:$0x0];
	s30 =	stileid.u32;
	s2 =	simm.s32 $0x0  }
0x3: {  	s16 =	simm.s32 $0x68;
	s17 =	simm.s32 $0x4FA0;
	s18 =	simm.s32 $0xB7A0  }
0x4: {  	s19 =	simm.s32 $0x83A0;
	s21 =	simm.s32 $0xEBA0;
	s22 =	simm.s32 $0x1  }
0x5: {  	s23 =	simm.s32 $0x3;
	s24 =	simm.s32 $0x2;
	s25 =	simm.s32 $0x4  }
0x6: {  	s26 =	simm.s32 $0x0;
	s9 =	sand.u32 $0x1, s0;
	[smem:$0x7FF] =	sst s2  }
0x7: {  	s4 =	sadd.s32 $0x6B400, s5;
	s15 =	smul.u32 $0x27D00, s30;
	s3 =	sshll.u32 s9, $0x4  }
0x8: {  	s12 =	sadd.s32 $0x92800, s5;
	s14 =	smul.u32 $0x27D000, s9;
	s6 =	sor.u32 s30, s3  }
0x9: {  	s13 =	sadd.s32 $0x58C800, s5;
	s8 =	ssub.s32 $0x2, s9;
	s7 =	smul.u32 $0x4FA, s6  }
0xa: {  	_ =	strace $0x80000047;
	s10 =	sshrl.u32 s8, $0x1;
	s11 =	smul.u32 $0x27D00, s6  }
0xb: {  	s3 =	sadd.s32 $0x44200, s5;
	s8 =	ssub.s32 s8, s10;
	s7 =	sadd.s32 s7, s5  }
0xc: {  	s31 =	sadd.s32 $0x27000, s11;
	s11 =	sadd.s32 $0x27680, s11;
	s5 =	sadd.s32 $0x9000, s7  }
0xd: {  	s6 =	sadd.s32 $0x13000, s7;
	s7 =	smax.u32 s8, $0x1;
	s8 =	sadd.s32 s12, s31  }
0xe: {  	s9 =	sadd.s32 s13, s31;
	s10 =	sadd.s32 s12, s11;
	s11 =	sadd.s32 s13, s11  }
0xf: {  	s12 =	sadd.s32 s14, s12;
	s13 =	sadd.s32 s14, s13;
	s14 =	simm.s32 $0x5  }
0x10: {  	s12 =	sadd.s32 s15, s12;
	s13 =	sadd.s32 s15, s13;
	s15 =	simm.s32 $0x27D0  }
.LBB2_1:
0x11: {  	[tilespmem:s2], [sflag:$0x5] =	stream.linear.gather [hbm4b:s5+s2], $0x27D0, $0x38;
	[tilespmem:$0x11FA0] =	vst v63  }
0x12: {  	_ =	swait.ge [sflag:s14], $0x27D0  }
0x13: {  	[sflag:s14] =	ssyncset.done $0x0  }
0x14: {  	[sflag:s14] =	ssyncadd.s32 $0xFFFFD830  }
0x15: {  	[tilespmem:s15], [sflag:$0x5] =	stream.linear.gather [hbm4b:s6+s2], $0x27D0, $0x38;
	[tilespmem:$0x11FA0] =	vst v63  }
0x16: {  	_ =	swait.ge [sflag:s14], $0x27D0  }
0x17: {  	[sflag:s14] =	ssyncset.done $0x0  }
0x18: {  	[sflag:s14] =	ssyncadd.s32 $0xFFFFD830  }
0x19: {  	[tilespmem:s17], [sflag:$0x1] =	stream.indirect.gather [hbm4b:s3+s16], $0x80, s2, s16, $0xb8;
	[tilespmem:$0x11FA0] =	vst v63  }
0x1a: {  	_ = 	snop  }
0x1b: {  	[tilespmem:s18], [sflag:$0x3] =	stream.indirect.gather [hbm4b:s4+s16], $0x80, s15, s16, $0xb8;
	[tilespmem:$0x11FA0] =	vst v63  }
0x1c: {  	_ = 	snop  }
0x1d: {  	[tilespmem:s19], [sflag:$0x2] =	stream.indirect.gather [hbm4b:s3+s16], $0x80, s16, s16, $0xb8;
	[tilespmem:$0x11FA0] =	vst v63  }
0x1e: {  	s0 =	simm.s32 $0x2838  }
0x1f: {  	[tilespmem:s21], [sflag:$0x4] =	stream.indirect.gather [hbm4b:s4+s16], $0x80, s0, s16, $0xb8;
	[tilespmem:$0x11FA0] =	vst v63  }
0x20: {  	_ =	swait.ge [sflag:s22], $0x3400  }
0x21: {  	[sflag:s22] =	ssyncset.done $0x0  }
0x22: {  	s28 =	sadd.s32 $0x0, s12;
	[sflag:s22] =	ssyncadd.s32 $0xFFFFCC00  }
0x23: {  	[hbm4b:s28+s2] =	stream.linear.scatter [tilespmem:s17], [sflag:$0x5], $0x3400, $0x38;
	[tilespmem:$0x11FA0] =	vst v63  }
0x24: {  	_ =	swait.ge [sflag:s14], $0x3400  }
0x25: {  	[sflag:s14] =	ssyncset.done $0x0  }
0x26: {  	[sflag:s14] =	ssyncadd.s32 $0xFFFFCC00  }
0x27: {  	_ =	swait.ge [sflag:s23], $0x3400  }
0x28: {  	[sflag:s23] =	ssyncset.done $0x0  }
0x29: {  	s29 =	sadd.s32 $0x0, s13;
	[sflag:s23] =	ssyncadd.s32 $0xFFFFCC00  }
0x2a: {  	[hbm4b:s29+s2] =	stream.linear.scatter [tilespmem:s18], [sflag:$0x5], $0x3400, $0x38;
	[tilespmem:$0x11FA0] =	vst v63  }
0x2b: {  	_ =	swait.ge [sflag:s14], $0x3400  }
0x2c: {  	[sflag:s14] =	ssyncset.done $0x0  }
0x2d: {  	s30 =	simm.s32 $0xD0;
	[sflag:s14] =	ssyncadd.s32 $0xFFFFCC00  }
0x2e: {  	[tilespmem:s17], [sflag:$0x1] =	stream.indirect.gather [hbm4b:s3+s16], $0x80, s30, s16, $0xb8;
	[tilespmem:$0x11FA0] =	vst v63  }
0x2f: {  	s30 =	simm.s32 $0x28A0  }
0x30: {  	[tilespmem:s18], [sflag:$0x3] =	stream.indirect.gather [hbm4b:s4+s16], $0x80, s30, s16, $0xb8;
	[tilespmem:$0x11FA0] =	vst v63  }
0x31: {  	_ =	swait.ge [sflag:s24], $0x3400  }
0x32: {  	[sflag:s24] =	ssyncset.done $0x0  }
0x33: {  	s28 =	sadd.s32 $0x680, s28;
	[sflag:s24] =	ssyncadd.s32 $0xFFFFCC00  }
0x34: {  	[hbm4b:s28+s2] =	stream.linear.scatter [tilespmem:s19], [sflag:$0x5], $0x3400, $0x38;
	[tilespmem:$0x11FA0] =	vst v63  }
0x35: {  	_ =	swait.ge [sflag:s14], $0x3400  }
0x36: {  	[sflag:s14] =	ssyncset.done $0x0  }
0x37: {  	[sflag:s14] =	ssyncadd.s32 $0xFFFFCC00  }
0x38: {  	_ =	swait.ge [sflag:s25], $0x3400  }
0x39: {  	[sflag:s25] =	ssyncset.done $0x0  }
0x3a: {  	s28 =	sadd.s32 $0x680, s29;
	[sflag:s25] =	ssyncadd.s32 $0xFFFFCC00  }
0x3b: {  	[hbm4b:s28+s2] =	stream.linear.scatter [tilespmem:s21], [sflag:$0x5], $0x3400, $0x38;
	[tilespmem:$0x11FA0] =	vst v63  }
0x3c: {  	_ =	swait.ge [sflag:s14], $0x3400  }
0x3d: {  	[sflag:s14] =	ssyncset.done $0x0  }
0x3e: {  	s31 =	simm.s32 $0x29D8;
	s28 =	simm.s32 $0x138;
	[sflag:s14] =	ssyncadd.s32 $0xFFFFCC00  }
0x3f: {  	[tilespmem:s19], [sflag:$0x2] =	stream.indirect.gather [hbm4b:s3+s16], $0x80, s28, s16, $0xb8;
	[tilespmem:$0x11FA0] =	vst v63  }
0x40: {  	s30 =	simm.s32 $0x208;
	s29 =	simm.s32 $0xD00;
	s28 =	simm.s32 $0x2908  }
.LBB2_2:
0x41: {  	[tilespmem:s21], [sflag:$0x4] =	stream.indirect.gather [hbm4b:s4+s16], $0x80, s28, s16, $0xb8;
	[tilespmem:$0x11FA0] =	vst v63  }
0x42: {  	s0 =	smov.u32 s29;
	s28 =	smov.u32 s31  }
0x43: {  	p0 =	sne.s32 s29, $0x26300;
	s29 =	sadd.s32 $0xD00, s29;
	_ =	swait.ge [sflag:s22], $0x3400  }
0x44: {  	[sflag:s22] =	ssyncset.done $0x0  }
0x45: {  	s1 =	sadd.s32 s0, s12;
	[sflag:s22] =	ssyncadd.s32 $0xFFFFCC00  }
0x46: {  	[hbm4b:s1+s2] =	stream.linear.scatter [tilespmem:s17], [sflag:$0x5], $0x3400, $0x38;
	[tilespmem:$0x11FA0] =	vst v63  }
0x47: {  	_ =	swait.ge [sflag:s14], $0x3400  }
0x48: {  	[sflag:s14] =	ssyncset.done $0x0  }
0x49: {  	[sflag:s14] =	ssyncadd.s32 $0xFFFFCC00  }
0x4a: {  	_ =	swait.ge [sflag:s23], $0x3400  }
0x4b: {  	[sflag:s23] =	ssyncset.done $0x0  }
0x4c: {  	s0 =	sadd.s32 s0, s13;
	[sflag:s23] =	ssyncadd.s32 $0xFFFFCC00  }
0x4d: {  	[hbm4b:s0+s2] =	stream.linear.scatter [tilespmem:s18], [sflag:$0x5], $0x3400, $0x38;
	[tilespmem:$0x11FA0] =	vst v63  }
0x4e: {  	_ =	swait.ge [sflag:s14], $0x3400  }
0x4f: {  	[sflag:s14] =	ssyncset.done $0x0  }
0x50: {  	s20 =	sadd.s32 $0xFFFFFF98, s30;
	[sflag:s14] =	ssyncadd.s32 $0xFFFFCC00  }
0x51: {  	[tilespmem:s17], [sflag:$0x1] =	stream.indirect.gather [hbm4b:s3+s16], $0x80, s20, s16, $0xb8;
	[tilespmem:$0x11FA0] =	vst v63  }
0x52: {  	s20 =	sadd.s32 $0xFFFFFF98, s31  }
0x53: {  	[tilespmem:s18], [sflag:$0x3] =	stream.indirect.gather [hbm4b:s4+s16], $0x80, s20, s16, $0xb8;
	[tilespmem:$0x11FA0] =	vst v63  }
0x54: {  	_ =	swait.ge [sflag:s24], $0x3400  }
0x55: {  	[sflag:s24] =	ssyncset.done $0x0  }
0x56: {  	s1 =	sadd.s32 $0x680, s1;
	[sflag:s24] =	ssyncadd.s32 $0xFFFFCC00  }
0x57: {  	[hbm4b:s1+s2] =	stream.linear.scatter [tilespmem:s19], [sflag:$0x5], $0x3400, $0x38;
	[tilespmem:$0x11FA0] =	vst v63  }
0x58: {  	_ =	swait.ge [sflag:s14], $0x3400  }
0x59: {  	[sflag:s14] =	ssyncset.done $0x0  }
0x5a: {  	[sflag:s14] =	ssyncadd.s32 $0xFFFFCC00  }
0x5b: {  	_ =	swait.ge [sflag:s25], $0x3400  }
0x5c: {  	[sflag:s25] =	ssyncset.done $0x0  }
0x5d: {  	s0 =	sadd.s32 $0x680, s0;
	[sflag:s25] =	ssyncadd.s32 $0xFFFFCC00  }
0x5e: {  	[hbm4b:s0+s2] =	stream.linear.scatter [tilespmem:s21], [sflag:$0x5], $0x3400, $0x38;
	[tilespmem:$0x11FA0] =	vst v63  }
.Ltmp0:
0x5f: {  	_ =	swait.ge [sflag:s14], $0x3400;
	(pc) =	sbr.rel @p0 .LBB2_2-.Ltmp0, $4  }
0x60: {  	[sflag:s14] =	ssyncset.done $0x0  }
0x61: {  	[sflag:s14] =	ssyncadd.s32 $0xFFFFCC00  }
0x62: {  	[tilespmem:s19], [sflag:$0x2] =	stream.indirect.gather [hbm4b:s3+s16], $0x80, s30, s16, $0xb8;
	[tilespmem:$0x11FA0] =	vst v63  }
0x63: {  	s31 =	sadd.s32 $0xD0, s31;
	s30 =	sadd.s32 $0xD0, s30  }
0x64: {  	[tilespmem:s21], [sflag:$0x4] =	stream.indirect.gather [hbm4b:s4+s16], $0x80, s28, s16, $0xb8;
	[tilespmem:$0x11FA0] =	vst v63  }
0x65: {  	_ =	swait.ge [sflag:s22], $0x3400  }
0x66: {  	[sflag:s22] =	ssyncset.done $0x0  }
0x67: {  	[sflag:s22] =	ssyncadd.s32 $0xFFFFCC00  }
0x68: {  	[hbm4b:s8+s2] =	stream.linear.scatter [tilespmem:s17], [sflag:$0x5], $0x3400, $0x38;
	[tilespmem:$0x11FA0] =	vst v63  }
0x69: {  	_ =	swait.ge [sflag:s14], $0x3400  }
0x6a: {  	[sflag:s14] =	ssyncset.done $0x0  }
0x6b: {  	[sflag:s14] =	ssyncadd.s32 $0xFFFFCC00  }
0x6c: {  	_ =	swait.ge [sflag:s23], $0x3400  }
0x6d: {  	[sflag:s23] =	ssyncset.done $0x0  }
0x6e: {  	[sflag:s23] =	ssyncadd.s32 $0xFFFFCC00  }
0x6f: {  	[hbm4b:s9+s2] =	stream.linear.scatter [tilespmem:s18], [sflag:$0x5], $0x3400, $0x38;
	[tilespmem:$0x11FA0] =	vst v63  }
0x70: {  	_ =	swait.ge [sflag:s14], $0x3400  }
0x71: {  	[sflag:s14] =	ssyncset.done $0x0  }
0x72: {  	[sflag:s14] =	ssyncadd.s32 $0xFFFFCC00  }
0x73: {  	_ =	swait.ge [sflag:s24], $0x3400  }
0x74: {  	[sflag:s24] =	ssyncset.done $0x0  }
0x75: {  	[sflag:s24] =	ssyncadd.s32 $0xFFFFCC00  }
0x76: {  	[hbm4b:s10+s2] =	stream.linear.scatter [tilespmem:s19], [sflag:$0x5], $0x3400, $0x38;
	[tilespmem:$0x11FA0] =	vst v63  }
0x77: {  	_ =	swait.ge [sflag:s14], $0x3400  }
0x78: {  	[sflag:s14] =	ssyncset.done $0x0  }
0x79: {  	[sflag:s14] =	ssyncadd.s32 $0xFFFFCC00  }
0x7a: {  	s26 =	sadd.s32 $0x1, s26;
	_ =	swait.ge [sflag:s25], $0x3400  }
0x7b: {  	p0 =	sne.s32 s26, s7;
	[sflag:s25] =	ssyncset.done $0x0  }
.Ltmp1:
0x7c: {  	[sflag:s25] =	ssyncadd.s32 $0xFFFFCC00;
	(pc) =	sbr.rel @p0 .LBB2_1-.Ltmp1, $4  }
0x7d: {  	[hbm4b:s11+s2] =	stream.linear.scatter [tilespmem:s21], [sflag:$0x5], $0x3400, $0x38;
	[tilespmem:$0x11FA0] =	vst v63  }
0x7e: {  	_ =	swait.ge [sflag:s14], $0x3400  }
0x7f: {  	[sflag:s14] =	ssyncset.done $0x0  }
0x80: {  	[sflag:s14] =	ssyncadd.s32 $0xFFFFCC00  }
0x81: {  	_ =	sfence.sel $0x180000  }
0x82: {  	[bflag:$0x0] =	sbarrier.arrive $0xFFFF  }
0x83: {  	_ =	strace $0x90000047  }
0x84: {  	s0 =	stileid.u32;
	[bflag:$0x2] =	sbarrier.arrive $0xFFFF  }
0x85: {  	p0 =	sne.s32 s0, $0x0;
	s0 =	rddreg [dreg:$0x1]  }
0x86: {  	s0 =	sadd.s32 @!p0 $0x100000, s0  }
0x87: {  	[sflag:s0] =	ssyncadd.tile.s32 @!p0 $0x1;
	_ =	shalt  }
.Lfunc_end2:
_tile_overlayer_lowered:
.L_overlay_start_2:
0x88: {  	(tag) =	ssettag $0x2  }
0x89: {  	s0 =	rddreg [dreg:$0x0];
	s2 =	stileid.u32  }
0x8a: {  	s1 =	rddreg [dreg:$0x1];
	p0 =	sne.s32 s2, $0x0  }
0x8b: {  	s3 =	rddreg [dreg:$0x2];
	[bflag:$0x3] =	sbarrier.arrive $0xFFFF;
	s2 =	simm.s32 @!p0 $0x1C05  }
0x8c: {  	[timem:s3], [sflag:s2] =	dma.local @!p0 [hbm:s0], s1  }
0x8d: {  	s0 =	simm.s32 @!p0 $0x5  }
0x8e: {  	_ =	swait.ge @!p0 [sflag:s0], s1  }
0x8f: {  	s1 =	ssub.s32 @!p0 $0x0, s1;
	[sflag:s0] =	ssyncset.done @!p0 $0x0  }
0x90: {  	[sflag:s0] =	ssyncadd.s32 @!p0 s1  }
0x91: {  	[bflag:$0x3] =	sbarrier.arrive $0xFFFF  }
0x92: {  	_ =	shalt  }

// kernel: kernel.14.cloned.1.call-start
scs
__scs_entry_jumppad:
0x0: {  	(pc) =	sbr.rel $0x88, $3  }
0x1: {  	(tag) =	ssettag $0x0;
	lr =	simm.s32 $0x1  }
0x2: {  	[smem:$0x3F80] =	sst lr;
	_ =	strace $0xD0000000  }
0x3: {  	_ = 	snop  }
0x4: {  	_ = 	snop  }
0x5: {  	_ = 	snop  }
0x6: {  	_ = 	snop  }
0x7: {  	_ = 	snop  }
__scs_overlays_trampoline_lowered:
0x8: {  	[smem:$0x3F8F] =	sst s0  }
0x9: {  	[smem:$0x3F90] =	sst s1  }
0xa: {  	[smem:$0x3F91] =	sst s2  }
0xb: {  	[smem:$0x3F92] =	sst s3  }
0xc: {  	[smem:$0x3F93] =	sst s4  }
0xd: {  	[smem:$0x3F94] =	sst s5  }
0xe: {  	[smem:$0x3F95] =	sst s6  }
0xf: {  	[smem:$0x3F96] =	sst s7  }
0x10: {  	[smem:$0x3F97] =	sst s8  }
0x11: {  	[smem:$0x3F98] =	sst s9;
	s0 =	simm.s32 @!p0 $0x0  }
0x12: {  	s1 =	sld [smem:$0x3F7E];
	s0 =	simm.s32 @p0 $0x1  }
0x13: {  	[smem:$0x3F99] =	sst s0;
	s0 =	simm.s32 @!p1 $0x0  }
0x14: {  	s2 =	sld [smem:$0x3F7D];
	s0 =	simm.s32 @p1 $0x1  }
0x15: {  	[smem:$0x3F9A] =	sst s0;
	s0 =	simm.s32 @!p2 $0x0  }
0x16: {  	s3 =	sld [smem:$0x3FDB];
	s0 =	simm.s32 @p2 $0x1  }
0x17: {  	s4 =	simm.s32 $0x1BF5;
	[smem:$0x3F9C] =	sst s0  }
0x18: {  	s0 =	sld [smem:$0x3F7F];
	_ =	swait.ge [sflag:s4], $0x0  }
0x19: {  	s7 =	sld [smem:$0x3F80]  }
0x1a: {  	s8 =	sadd.s32 $0xFFFFE003, lr  }
0x1b: {  	s9 =	sadd.s32 $0xFFFFFEF7, lr;
	s5 =	simm.s32 $0xFFFFFFFF;
	p2 =	slt.u32 s8, $0xFFFFF086  }
0x1c: {  	p1 =	slt.u32 s9, $0xF7A;
	s5 =	simm.s32 @!p2 $0x0  }
0x1d: {  	s5 =	simm.s32 @p1 $0x1;
	p0 =	seq.s32 s7, s2  }
0x1e: {  	s7 =	smul.u32 @!p0 $0xF7A, s2;
	p2 =	seq.s32 @!p0 s5, $0x0  }
0x1f: {  	s9 =	smul.u32 $0xF7A, s1;
	s8 =	simm.s32 @!p0 $0x1BF5;
	p2 =	por !p2, p0  }
0x20: {  	[sflag:s8] =	ssyncset.s32 @!p0 $0xFFFFF086;
	s6 =	sadd.s32 @!p0 s3, s7;
	s7 =	simm.s32 @!p0 $0x108  }
0x21: {  	s3 =	sadd.s32 s3, s9;
	s6 =	sadd.s32 @!p0 $0x88, s6;
	s7 =	simm.s32 @p2 $0x1082  }
0x22: {  	[simem:s7], [sflag:s8] =	dma.local @!p0 [hbm:s6], $0xF7A  }
0x23: {  	s9 =	sor.u32 $0xD0000000, s2;
	s6 =	simm.s32 $0x108;
	_ =	swait.ge @!p0 [sflag:s8], $0x0  }
0x24: {  	s3 =	sadd.s32 $0x88, s3;
	s6 =	simm.s32 @!p1 $0x1082;
	[sflag:s4] =	ssyncset.s32 $0xFFFFF086  }
0x25: {  	[simem:s6], [sflag:s4] =	dma.local [hbm:s3], $0xF7A  }
0x26: {  	[smem:$0x3F80] =	sst s1;
	(tag) =	ssettag s2;
	_ =	strace s9  }
0x27: {  	s1 =	sld [smem:$0x3F90]  }
0x28: {  	s2 =	sld [smem:$0x3F91]  }
0x29: {  	s4 =	sld [smem:$0x3F93]  }
0x2a: {  	p0 =	seq.s32 s5, $0x0;
	s5 =	sld [smem:$0x3F94]  }
0x2b: {  	s6 =	sld [smem:$0x3F95]  }
0x2c: {  	s7 =	sld [smem:$0x3F96]  }
0x2d: {  	s3 =	simm.s32 $0x108;
	s8 =	sld [smem:$0x3F97]  }
0x2e: {  	s3 =	simm.s32 @!p0 $0x1082;
	s9 =	sld [smem:$0x3F98]  }
0x2f: {  	lr =	sadd.s32 s0, s3;
	s0 =	sld [smem:$0x3F8F]  }
0x30: {  	s3 =	sld [smem:$0x3F92]  }
0x31: {  	[smem:$0x3F9B] =	sst s10  }
0x32: {  	s10 =	sld [smem:$0x3F99];
	_ =	sdelay $0x3  }
0x33: {  	p0 =	seq.s32 s10, $0x1;
	s10 =	sld [smem:$0x3F9B];
	_ =	sdelay $0x3  }
0x34: {  	[smem:$0x3F9B] =	sst s10  }
0x35: {  	s10 =	sld [smem:$0x3F9A];
	_ =	sdelay $0x3  }
0x36: {  	p1 =	seq.s32 s10, $0x1;
	s10 =	sld [smem:$0x3F9B];
	_ =	sdelay $0x3  }
0x37: {  	[smem:$0x3F9B] =	sst s10  }
0x38: {  	s10 =	sld [smem:$0x3F9C]  }
0x39: {  	_ = 	snop;
	(pc) =	sbr.ind lr, $3  }
0x3a: {  	_ = 	snop  }
0x3b: {  	_ = 	snop  }
0x3c: {  	p2 =	seq.s32 s10, $0x1;
	s10 =	sld [smem:$0x3F9B]  }
0x3d: {  	_ =	shalt  }
0x3e: {  	_ =	shalt  }
0x3f: {  	_ =	shalt  }
0x40: {  	_ =	shalt  }
0x41: {  	_ =	shalt  }
0x42: {  	_ =	shalt  }
0x43: {  	_ =	shalt  }
0x44: {  	_ =	shalt  }
0x45: {  	_ =	shalt  }
0x46: {  	_ =	shalt  }
0x47: {  	_ =	shalt  }
0x48: {  	_ =	shalt  }
0x49: {  	_ =	shalt  }
0x4a: {  	_ =	shalt  }
0x4b: {  	_ =	shalt  }
0x4c: {  	_ =	shalt  }
0x4d: {  	_ =	shalt  }
0x4e: {  	_ =	shalt  }
0x4f: {  	_ =	shalt  }
0x50: {  	_ =	shalt  }
0x51: {  	_ =	shalt  }
0x52: {  	_ =	shalt  }
0x53: {  	_ =	shalt  }
0x54: {  	_ =	shalt  }
0x55: {  	_ =	shalt  }
0x56: {  	_ =	shalt  }
0x57: {  	_ =	shalt  }
0x58: {  	_ =	shalt  }
0x59: {  	_ =	shalt  }
0x5a: {  	_ =	shalt  }
0x5b: {  	_ =	shalt  }
0x5c: {  	_ =	shalt  }
0x5d: {  	_ =	shalt  }
0x5e: {  	_ =	shalt  }
0x5f: {  	_ =	shalt  }
0x60: {  	_ =	shalt  }
0x61: {  	_ =	shalt  }
0x62: {  	_ =	shalt  }
0x63: {  	_ =	shalt  }
0x64: {  	_ =	shalt  }
0x65: {  	_ =	shalt  }
0x66: {  	_ =	shalt  }
0x67: {  	_ =	shalt  }
0x68: {  	_ =	shalt  }
0x69: {  	_ =	shalt  }
0x6a: {  	_ =	shalt  }
0x6b: {  	_ =	shalt  }
0x6c: {  	_ =	shalt  }
0x6d: {  	_ =	shalt  }
0x6e: {  	_ =	shalt  }
0x6f: {  	_ =	shalt  }
0x70: {  	_ =	shalt  }
0x71: {  	_ =	shalt  }
0x72: {  	_ =	shalt  }
0x73: {  	_ =	shalt  }
0x74: {  	_ =	shalt  }
0x75: {  	_ =	shalt  }
0x76: {  	_ =	shalt  }
0x77: {  	_ =	shalt  }
0x78: {  	_ =	shalt  }
0x79: {  	_ =	shalt  }
0x7a: {  	_ =	shalt  }
0x7b: {  	_ =	shalt  }
0x7c: {  	_ =	shalt  }
0x7d: {  	_ =	shalt  }
0x7e: {  	_ =	shalt  }
0x7f: {  	_ =	shalt  }
0x80: {  	_ =	shalt  }
0x81: {  	_ =	shalt  }
0x82: {  	_ =	shalt  }
0x83: {  	_ =	shalt  }
0x84: {  	_ =	shalt  }
0x85: {  	_ =	shalt  }
0x86: {  	_ =	shalt  }
0x87: {  	_ =	shalt  }
.Lfunc_end0:
.L_simem_size_0:
called_computation.1_lowered:
.L_overlay_start_0:
0x88: {  	s2 =	sld [smem:$0x3FD9]  }
0x89: {  	s3 =	sld [smem:$0x3FFE];
	_ =	sdelay $0x1  }
0x8a: {  	s1 =	srdreg.scid  }
0x8b: {  	s0 =	sand.u32 $0x1, s1  }
0x8c: {  	s17 =	sshll.u32 s0, $0xA;
	s2 =	sadd.s32 s3, s2  }
0x8d: {  	s2 =	sadd.s32 s2, s17  }
0x8e: {  	[smem:$0x3FA7] =	sst s2  }
0x8f: {  	_ = 	snop  }
0x90: {  	(tm) =	ssettm $0x1  }
0x91: {  	s18 =	sld [smem:$0x3FFB];
	_ =	sdelay $0x3  }
0x92: {  	_ =	strace s18  }
0x93: {  	s2 =	sld [smem:$0x3FFC];
	_ =	sdelay $0x3  }
0x94: {  	_ =	strace s2  }
0x95: {  	s2 =	sld [smem:$0x3FFD];
	_ =	sdelay $0x3  }
0x96: {  	_ =	strace s2  }
0x97: {  	_ =	strace $0x8FFFFFFF  }
0x98: {  	s19 =	sld [smem:$0x3FDB];
	_ =	sdelay $0x1  }
0x99: {  	s20 =	simm.s32 $_scs_section_size  }
0x9a: {  	s4 =	simm.s32 $_size__tile_overlayer_lowered;
	s5 =	simm.s32 $_tile_overlayer_lowered  }
0x9b: {  	s6 =	simm.s32 $0x1BFF;
	s21 =	sshll.u32 s5, $0x1;
	s3 =	sadd.s32 s20, s19  }
0x9c: {  	s22 =	simm.s32 $0x0;
	s4 =	sshll.u32 s4, $0x1;
	s5 =	sadd.s32 s21, s3  }
0x9d: {  	[timem:s22], [sflag:s6] =	dma.local [hbm:s5], s4  }
0x9e: {  	_ =	swait.ge [sflag:s6], s4  }
0x9f: {  	s4 =	ssub.s32 $0x0, s4;
	[sflag:s6] =	ssyncset.done $0x0  }
0xa0: {  	[sflag:s6] =	ssyncadd.s32 s4;
	_ =	sdelay $0x1  }
0xa1: {  	s23 =	simm.s32 $0x1B8B  }
0xa2: {  	_ =	swait.ge [sflag:s23], $0x1  }
0xa3: {  	[sflag:s23] =	ssyncset.done $0x0  }
0xa4: {  	[sflag:s23] =	ssyncadd.s32 $0xFFFFFFFF  }
0xa5: {  	s4 =	sld [smem:$0x0]  }
0xa6: {  	s5 =	sand.u32 $0xFFFFFFFE, s1  }
0xa7: {  	p0 =	sne.s32 s1, s5  }
0xa8: {  	s5 =	sshll.u32 @p0 s5, $0xE  }
0xa9: {  	s5 =	sadd.s32 @p0 $0x11B8D, s5;
	s6 =	sshll.u32 @p0 s4, $0x11  }
0xaa: {  	s5 =	sor.u32 @p0 s6, s5  }
0xab: {  	[sflag:s5] =	ssyncadd.remote.s32 @p0 $0x1;
	_ =	sdelay $0x1  }
0xac: {  	s5 =	simm.s32 @p0 $0x1B8D  }
0xad: {  	_ =	swait.eq @p0 [sflag:s5], $0x1  }
0xae: {  	[sflag:s5] =	ssyncadd.s32 @p0 $0xFFFFFFFF  }
0xaf: {  	s6 =	sshll.u32 @!p0 s1, $0xE  }
0xb0: {  	s6 =	sor.u32 @!p0 $0x4000, s6;
	s5 =	simm.s32 @!p0 $0x1B8D  }
0xb1: {  	s4 =	sshll.u32 @!p0 s4, $0x11;
	s6 =	sadd.s32 @!p0 $0x11B8D, s6;
	_ =	swait.eq @!p0 [sflag:s5], $0x1  }
0xb2: {  	s4 =	sor.u32 @!p0 s4, s6;
	[sflag:s5] =	ssyncadd.s32 @!p0 $0xFFFFFFFF  }
0xb3: {  	s25 =	simm.s32 $0x1B8E;
	s24 =	sld [smem:$0x3FFE];
	[sflag:s4] =	ssyncadd.remote.s32 @!p0 $0x1  }
0xb4: {  	s26 =	simm.s32 $execute0_lowered;
	[smem:$0x3FD2] =	sst s25  }
0xb5: {  	s5 =	sshll.u32 s26, $0x1;
	_ =	strace $0x8000004C;
	[dreg:$0x1] =	wrdreg $0xFFFFFFFF  }
0xb6: {  	s28 =	simm.s32 $_size_execute0_lowered;
	s3 =	sadd.s32 s3, s5;
	[dreg:$0x0] =	wrdreg $0x0  }
0xb7: {  	s5 =	sshll.u32 s28, $0x1;
	[dreg:$0x2] =	wrdreg s3  }
0xb8: {  	[dreg:$0x3] =	wrdreg s5  }
0xb9: {  	[dreg:$0x4] =	wrdreg $0xC0  }
0xba: {  	_ =	task [dreg:s22], $0x5FFFF  }
0xbb: {  	[dreg:$0x1] =	wrdreg $0xFFFFFFFF  }
0xbc: {  	[dreg:$0x0] =	wrdreg $0x60  }
0xbd: {  	[dreg:$0x2] =	wrdreg s24  }
0xbe: {  	[dreg:$0x3] =	wrdreg $0x99000  }
0xbf: {  	[dreg:$0x4] =	wrdreg $0x9  }
0xc0: {  	_ =	task.clear_ibuf [dreg:s22], $0x5FFFF;
	_ =	strace $0x9000004C  }
0xc1: {  	s29 =	simm.s32 $0x9;
	_ =	strace $0x8000004E  }
0xc2: {  	_ =	swait.ge [sflag:s29], $0x1  }
0xc3: {  	[sflag:s29] =	ssyncadd.s32 $0xFFFFFFFF  }
0xc4: {  	_ =	strace $0x9000004E  }
0xc5: {  	_ =	sfence  }
0xc6: {  	s30 =	sld [smem:$0x0];
	_ =	sdelay $0x2  }
0xc7: {  	s31 =	sshll.u32 s1, $0xD;
	s1 =	sshrl.u32 s1, $0x2  }
0xc8: {  	s4 =	sand.u32 $0x4000, s31;
	s1 =	sadd.s32 s1, s30  }
0xc9: {  	s0 =	sor.u32 s4, s0;
	s1 =	sshll.u32 s1, $0x11  }
0xca: {  	s0 =	sor.u32 s1, s0  }
0xcb: {  	s0 =	sadd.s32 $0x8F2B, s0  }
0xcc: {  	[sflag:s0] =	ssyncadd.remote.s32 $0x1  }
0xcd: {  	_ =	sfence.sel $0xFFFF  }
0xce: {  	[dreg:$0x0] =	wrdreg $0xFFFFFFFF;
	(pc) =	sbr.abs _section_cstart, $3  }
0xcf: {  	[dreg:$0x1] =	wrdreg $0xFFFFFFFF  }
0xd0: {  	_ =	task.clear_ibuf [dreg:s22], $0x2FFFF;
	_ =	strace $0x9FFFFFFF  }
0xd1: {  	(tm) =	ssettm $0x7FFFFFFF  }
tec
execute0_lowered:
.L_overlay_start_1:
0x0: {  	(tag) =	ssettag $0x1  }
0x1: {  	s6 =	rddreg [dreg:$0x0]  }
0x2: {  	s1 =	rddreg [dreg:$0x1]  }
0x3: {  	s2 =	srdreg.scid;
	s0 =	rddreg [dreg:$0x2];
	s3 =	simm.s32 $0x0  }
0x4: {  	s16 =	simm.s32 $0x6500;
	s17 =	simm.s32 $0x1;
	s18 =	simm.s32 $0x68  }
0x5: {  	s19 =	simm.s32 $0x2;
	s20 =	simm.s32 $0x3000;
	s7 =	sand.u32 $0x1, s2  }
0x6: {  	s21 =	simm.s32 $0x3080;
	s2 =	stileid.u32;
	s9 =	smul.u32 $0x28000, s7  }
0x7: {  	[smem:$0x7FF] =	sst s3;
	s4 =	sshll.u32 s7, $0x4;
	s12 =	smul.u32 $0x50000, s2  }
0x8: {  	_ =	strace $0x8000004D;
	s11 =	ssub.s32 $0x2, s7;
	s22 =	smul.u32 $0x13E8000, s7  }
0x9: {  	s24 =	sshll.u32 s2, $0x6;
	s25 =	smul.u32 $0x13E800, s2;
	s8 =	sor.u32 s2, s4  }
0xa: {  	s4 =	sadd.s32 $0x195C800, s6;
	s13 =	sshrl.u32 s11, $0x1;
	s5 =	smul.u32 $0x620, s8  }
0xb: {  	s14 =	smul.u32 $0x13E800, s8;
	s15 =	sadd.s32 s9, s6;
	s11 =	ssub.s32 s11, s13  }
0xc: {  	s23 =	sshrl.u32 s12, $0x2;
	s8 =	smul.u32 $0x27D00, s8;
	s12 =	sadd.s32 s25, s22  }
0xd: {  	s26 =	sadd.s32 s23, s1;
	s30 =	sadd.s32 $0x9C00, s12;
	s22 =	sadd.s32 $0xE2200, s15  }
0xe: {  	s23 =	smul.u32 $0x2800, s2;
	s12 =	sadd.s32 $0x6800, s12;
	s15 =	simm.s32 $0x3100  }
0xf: {  	s10 =	sadd.s32 s5, s6;
	s5 =	sadd.s32 $0x18000, s6;
	s6 =	sor.u32 $0x1C03, s24  }
0x10: {  	s28 =	sshrl.u32 s14, $0x3;
	s8 =	sadd.s32 s4, s8;
	s31 =	sshrl.u32 s30, $0x3  }
0x11: {  	s13 =	sshrl.u32 s26, $0x3;
	s14 =	simm.s32 $0x3;
	s7 =	sadd.s32 $0x44200, s10  }
0x12: {  	s29 =	sadd.s32 s4, s28;
	s10 =	smax.u32 s11, $0x1;
	s11 =	sadd.s32 s31, s4  }
0x13: {  	s22 =	sadd.s32 s23, s22;
	s23 =	simm.s32 $0x0;
	s9 =	sadd.s32 $0x680, s29  }
.LBB2_1:
0x14: {  	[spmem:s13], [sflag:s6] =	dma.local [hbm:s5], $0x2800  }
0x15: {  	_ =	swait.ge [sflag:s14], $0x2800  }
0x16: {  	[sflag:s14] =	ssyncset.done $0x0  }
0x17: {  	[sflag:s14] =	ssyncadd.s32 $0xFFFFD800  }
0x18: {  	[bflag:$0x0] =	sbarrier.arrive $0xFFFF  }
0x19: {  	[tilespmem:s3], [sflag:$0x3] =	stream.linear.gather [hbm4b:s7+s3], $0x3100, $0x38;
	[tilespmem:$0x1D900] =	vst v63  }
0x1a: {  	_ =	swait.ge [sflag:s14], $0x3100  }
0x1b: {  	[sflag:s14] =	ssyncset.done $0x0  }
0x1c: {  	[sflag:s14] =	ssyncadd.s32 $0xFFFFCF00  }
0x1d: {  	[tilespmem:s15], [sflag:$0x1] =	stream.linear.gather [hbm4b:s8+s3], $0x3400, $0x38;
	[tilespmem:$0x1D900] =	vst v63  }
0x1e: {  	_ = 	snop  }
0x1f: {  	[tilespmem:s16], [sflag:$0x2] =	stream.linear.gather [hbm4b:s9+s3], $0x3400, $0x38;
	[tilespmem:$0x1D900] =	vst v63  }
0x20: {  	_ =	swait.ge [sflag:s17], $0x3400  }
0x21: {  	[sflag:s17] =	ssyncset.done $0x0  }
0x22: {  	[sflag:s17] =	ssyncadd.s32 $0xFFFFCC00  }
0x23: {  	[spmem:s1] =	stream.indirect.scatter.add.f32 [tilespmem:s15], [sflag:$0x3], $0x80, s3, s18, $0xb8;
	[tilespmem:$0x1D900] =	vst v63  }
0x24: {  	_ =	swait.ge [sflag:s14], $0x3400  }
0x25: {  	s24 =	sshrl.u32 s12, $0x3;
	[sflag:s14] =	ssyncset.done $0x0  }
0x26: {  	s24 =	sadd.s32 s4, s24;
	[sflag:s14] =	ssyncadd.s32 $0xFFFFCC00  }
0x27: {  	[tilespmem:s15], [sflag:$0x1] =	stream.linear.gather [hbm4b:s24+s3], $0x3400, $0x38;
	[tilespmem:$0x1D900] =	vst v63  }
0x28: {  	_ =	swait.ge [sflag:s19], $0x3400  }
0x29: {  	[sflag:s19] =	ssyncset.done $0x0  }
0x2a: {  	s31 =	simm.s32 $0x80;
	[sflag:s19] =	ssyncadd.s32 $0xFFFFCC00  }
0x2b: {  	[spmem:s1] =	stream.indirect.scatter.add.f32 [tilespmem:s16], [sflag:$0x3], $0x80, s31, s18, $0xb8;
	[tilespmem:$0x1D900] =	vst v63  }
0x2c: {  	_ =	swait.ge [sflag:s14], $0x3400  }
0x2d: {  	s25 =	sadd.s32 $0x6800, s12;
	s28 =	sadd.s32 $0x0, s11;
	[sflag:s14] =	ssyncset.done $0x0  }
0x2e: {  	s26 =	simm.s32 $0x100;
	s24 =	simm.s32 $0xD00;
	[sflag:s14] =	ssyncadd.s32 $0xFFFFCC00  }
.LBB2_2:
0x2f: {  	[tilespmem:s16], [sflag:$0x2] =	stream.linear.gather [hbm4b:s28+s3], $0x3400, $0x38;
	[tilespmem:$0x1D900] =	vst v63  }
0x30: {  	s28 =	smov.u32 s24  }
0x31: {  	p0 =	sne.s32 s24, $0x26300;
	s24 =	sadd.s32 $0xD00, s24;
	_ =	swait.ge [sflag:s17], $0x3400  }
0x32: {  	[sflag:s17] =	ssyncset.done $0x0  }
0x33: {  	[sflag:s17] =	ssyncadd.s32 $0xFFFFCC00  }
0x34: {  	[spmem:s1] =	stream.indirect.scatter.add.f32 [tilespmem:s15], [sflag:$0x3], $0x80, s26, s18, $0xb8;
	[tilespmem:$0x1D900] =	vst v63  }
0x35: {  	_ =	swait.ge [sflag:s14], $0x3400  }
0x36: {  	s29 =	sshrl.u32 s25, $0x3;
	[sflag:s14] =	ssyncset.done $0x0  }
0x37: {  	s29 =	sadd.s32 s4, s29;
	[sflag:s14] =	ssyncadd.s32 $0xFFFFCC00  }
0x38: {  	[tilespmem:s15], [sflag:$0x1] =	stream.linear.gather [hbm4b:s29+s3], $0x3400, $0x38;
	[tilespmem:$0x1D900] =	vst v63  }
0x39: {  	_ =	swait.ge [sflag:s19], $0x3400  }
0x3a: {  	[sflag:s19] =	ssyncset.done $0x0  }
.Ltmp0:
0x3b: {  	s29 =	sadd.s32 $0x80, s26;
	[sflag:s19] =	ssyncadd.s32 $0xFFFFCC00;
	(pc) =	sbr.rel @p0 .LBB2_2-.Ltmp0, $4  }
0x3c: {  	[spmem:s1] =	stream.indirect.scatter.add.f32 [tilespmem:s16], [sflag:$0x3], $0x80, s29, s18, $0xb8;
	[tilespmem:$0x1D900] =	vst v63  }
0x3d: {  	_ =	swait.ge [sflag:s14], $0x3400  }
0x3e: {  	s25 =	sadd.s32 $0x6800, s25;
	[sflag:s14] =	ssyncset.done $0x0  }
0x3f: {  	s28 =	sadd.s32 s28, s11;
	s26 =	sadd.s32 $0x100, s26;
	[sflag:s14] =	ssyncadd.s32 $0xFFFFCC00  }
0x40: {  	[tilespmem:s16], [sflag:$0x2] =	stream.linear.gather [hbm4b:s28+s3], $0x3400, $0x38;
	[tilespmem:$0x1D900] =	vst v63  }
0x41: {  	_ =	swait.ge [sflag:s17], $0x3400  }
0x42: {  	[sflag:s17] =	ssyncset.done $0x0  }
0x43: {  	[sflag:s17] =	ssyncadd.s32 $0xFFFFCC00  }
0x44: {  	[spmem:s1] =	stream.indirect.scatter.add.f32 [tilespmem:s15], [sflag:$0x3], $0x80, s20, s18, $0xb8;
	[tilespmem:$0x1D900] =	vst v63  }
0x45: {  	_ =	swait.ge [sflag:s14], $0x3400  }
0x46: {  	[sflag:s14] =	ssyncset.done $0x0  }
0x47: {  	[sflag:s14] =	ssyncadd.s32 $0xFFFFCC00  }
0x48: {  	_ =	swait.ge [sflag:s19], $0x3400  }
0x49: {  	[sflag:s19] =	ssyncset.done $0x0  }
0x4a: {  	[sflag:s19] =	ssyncadd.s32 $0xFFFFCC00  }
0x4b: {  	[spmem:s1] =	stream.indirect.scatter.add.f32 [tilespmem:s16], [sflag:$0x3], $0x80, s21, s18, $0xb8;
	[tilespmem:$0x1D900] =	vst v63  }
0x4c: {  	_ =	swait.ge [sflag:s14], $0x3400  }
0x4d: {  	s23 =	sadd.s32 $0x1, s23;
	[sflag:s14] =	ssyncset.done $0x0  }
0x4e: {  	p0 =	sne.s32 s23, s10;
	[sflag:s14] =	ssyncadd.s32 $0xFFFFCC00  }
.Ltmp1:
0x4f: {  	[bflag:$0x0] =	sbarrier.arrive $0xFFFF;
	(pc) =	sbr.rel @p0 .LBB2_1-.Ltmp1, $4  }
0x50: {  	[hbm:s22], [sflag:s6] =	dma.local [spmem:s13], $0x2800  }
0x51: {  	_ =	swait.ge [sflag:s14], $0x2800  }
0x52: {  	[sflag:s14] =	ssyncset.done $0x0  }
0x53: {  	[sflag:s14] =	ssyncadd.s32 $0xFFFFD800  }
0x54: {  	_ =	sfence.sel $0x180000  }
0x55: {  	[bflag:$0x0] =	sbarrier.arrive $0xFFFF  }
0x56: {  	p0 =	sne.s32 s2, $0x0;
	_ =	strace $0x9000004D  }
0x57: {  	s0 =	sadd.s32 @!p0 $0x100000, s0;
	[bflag:$0x2] =	sbarrier.arrive $0xFFFF  }
0x58: {  	[sflag:s0] =	ssyncadd.tile.s32 @!p0 $0x1;
	_ =	shalt  }
.Lfunc_end2:
_tile_overlayer_lowered:
.L_overlay_start_2:
0x59: {  	(tag) =	ssettag $0x2  }
0x5a: {  	s0 =	rddreg [dreg:$0x0];
	s2 =	stileid.u32  }
0x5b: {  	s1 =	rddreg [dreg:$0x1];
	p0 =	sne.s32 s2, $0x0  }
0x5c: {  	s3 =	rddreg [dreg:$0x2];
	[bflag:$0x3] =	sbarrier.arrive $0xFFFF;
	s2 =	simm.s32 @!p0 $0x1C03  }
0x5d: {  	[timem:s3], [sflag:s2] =	dma.local @!p0 [hbm:s0], s1  }
0x5e: {  	s0 =	simm.s32 @!p0 $0x3  }
0x5f: {  	_ =	swait.ge @!p0 [sflag:s0], s1  }
0x60: {  	s1 =	ssub.s32 @!p0 $0x0, s1;
	[sflag:s0] =	ssyncset.done @!p0 $0x0  }
0x61: {  	[sflag:s0] =	ssyncadd.s32 @!p0 s1  }
0x62: {  	[bflag:$0x3] =	sbarrier.arrive $0xFFFF  }
0x63: {  	_ =	shalt  }

// kernel: kernel.17.cloned.1.call-start
scs
__scs_entry_jumppad:
0x0: {  	(pc) =	sbr.rel $0x88, $3  }
0x1: {  	(tag) =	ssettag $0x0;
	lr =	simm.s32 $0x1  }
0x2: {  	[smem:$0x3F80] =	sst lr;
	_ =	strace $0xD0000000  }
0x3: {  	_ = 	snop  }
0x4: {  	_ = 	snop  }
0x5: {  	_ = 	snop  }
0x6: {  	_ = 	snop  }
0x7: {  	_ = 	snop  }
__scs_overlays_trampoline_lowered:
0x8: {  	[smem:$0x3F8F] =	sst s0  }
0x9: {  	[smem:$0x3F90] =	sst s1  }
0xa: {  	[smem:$0x3F91] =	sst s2  }
0xb: {  	[smem:$0x3F92] =	sst s3  }
0xc: {  	[smem:$0x3F93] =	sst s4  }
0xd: {  	[smem:$0x3F94] =	sst s5  }
0xe: {  	[smem:$0x3F95] =	sst s6  }
0xf: {  	[smem:$0x3F96] =	sst s7  }
0x10: {  	[smem:$0x3F97] =	sst s8  }
0x11: {  	[smem:$0x3F98] =	sst s9;
	s0 =	simm.s32 @!p0 $0x0  }
0x12: {  	s1 =	sld [smem:$0x3F7E];
	s0 =	simm.s32 @p0 $0x1  }
0x13: {  	[smem:$0x3F99] =	sst s0;
	s0 =	simm.s32 @!p1 $0x0  }
0x14: {  	s2 =	sld [smem:$0x3F7D];
	s0 =	simm.s32 @p1 $0x1  }
0x15: {  	[smem:$0x3F9A] =	sst s0;
	s0 =	simm.s32 @!p2 $0x0  }
0x16: {  	s3 =	sld [smem:$0x3FDB];
	s0 =	simm.s32 @p2 $0x1  }
0x17: {  	s4 =	simm.s32 $0x1BF5;
	[smem:$0x3F9C] =	sst s0  }
0x18: {  	s0 =	sld [smem:$0x3F7F];
	_ =	swait.ge [sflag:s4], $0x0  }
0x19: {  	s7 =	sld [smem:$0x3F80]  }
0x1a: {  	s8 =	sadd.s32 $0xFFFFE003, lr  }
0x1b: {  	s9 =	sadd.s32 $0xFFFFFEF7, lr;
	s5 =	simm.s32 $0xFFFFFFFF;
	p2 =	slt.u32 s8, $0xFFFFF086  }
0x1c: {  	p1 =	slt.u32 s9, $0xF7A;
	s5 =	simm.s32 @!p2 $0x0  }
0x1d: {  	s5 =	simm.s32 @p1 $0x1;
	p0 =	seq.s32 s7, s2  }
0x1e: {  	s7 =	smul.u32 @!p0 $0xF7A, s2;
	p2 =	seq.s32 @!p0 s5, $0x0  }
0x1f: {  	s9 =	smul.u32 $0xF7A, s1;
	s8 =	simm.s32 @!p0 $0x1BF5;
	p2 =	por !p2, p0  }
0x20: {  	[sflag:s8] =	ssyncset.s32 @!p0 $0xFFFFF086;
	s6 =	sadd.s32 @!p0 s3, s7;
	s7 =	simm.s32 @!p0 $0x108  }
0x21: {  	s3 =	sadd.s32 s3, s9;
	s6 =	sadd.s32 @!p0 $0x88, s6;
	s7 =	simm.s32 @p2 $0x1082  }
0x22: {  	[simem:s7], [sflag:s8] =	dma.local @!p0 [hbm:s6], $0xF7A  }
0x23: {  	s9 =	sor.u32 $0xD0000000, s2;
	s6 =	simm.s32 $0x108;
	_ =	swait.ge @!p0 [sflag:s8], $0x0  }
0x24: {  	s3 =	sadd.s32 $0x88, s3;
	s6 =	simm.s32 @!p1 $0x1082;
	[sflag:s4] =	ssyncset.s32 $0xFFFFF086  }
0x25: {  	[simem:s6], [sflag:s4] =	dma.local [hbm:s3], $0xF7A  }
0x26: {  	[smem:$0x3F80] =	sst s1;
	(tag) =	ssettag s2;
	_ =	strace s9  }
0x27: {  	s1 =	sld [smem:$0x3F90]  }
0x28: {  	s2 =	sld [smem:$0x3F91]  }
0x29: {  	s4 =	sld [smem:$0x3F93]  }
0x2a: {  	p0 =	seq.s32 s5, $0x0;
	s5 =	sld [smem:$0x3F94]  }
0x2b: {  	s6 =	sld [smem:$0x3F95]  }
0x2c: {  	s7 =	sld [smem:$0x3F96]  }
0x2d: {  	s3 =	simm.s32 $0x108;
	s8 =	sld [smem:$0x3F97]  }
0x2e: {  	s3 =	simm.s32 @!p0 $0x1082;
	s9 =	sld [smem:$0x3F98]  }
0x2f: {  	lr =	sadd.s32 s0, s3;
	s0 =	sld [smem:$0x3F8F]  }
0x30: {  	s3 =	sld [smem:$0x3F92]  }
0x31: {  	[smem:$0x3F9B] =	sst s10  }
0x32: {  	s10 =	sld [smem:$0x3F99];
	_ =	sdelay $0x3  }
0x33: {  	p0 =	seq.s32 s10, $0x1;
	s10 =	sld [smem:$0x3F9B];
	_ =	sdelay $0x3  }
0x34: {  	[smem:$0x3F9B] =	sst s10  }
0x35: {  	s10 =	sld [smem:$0x3F9A];
	_ =	sdelay $0x3  }
0x36: {  	p1 =	seq.s32 s10, $0x1;
	s10 =	sld [smem:$0x3F9B];
	_ =	sdelay $0x3  }
0x37: {  	[smem:$0x3F9B] =	sst s10  }
0x38: {  	s10 =	sld [smem:$0x3F9C]  }
0x39: {  	_ = 	snop;
	(pc) =	sbr.ind lr, $3  }
0x3a: {  	_ = 	snop  }
0x3b: {  	_ = 	snop  }
0x3c: {  	p2 =	seq.s32 s10, $0x1;
	s10 =	sld [smem:$0x3F9B]  }
0x3d: {  	_ =	shalt  }
0x3e: {  	_ =	shalt  }
0x3f: {  	_ =	shalt  }
0x40: {  	_ =	shalt  }
0x41: {  	_ =	shalt  }
0x42: {  	_ =	shalt  }
0x43: {  	_ =	shalt  }
0x44: {  	_ =	shalt  }
0x45: {  	_ =	shalt  }
0x46: {  	_ =	shalt  }
0x47: {  	_ =	shalt  }
0x48: {  	_ =	shalt  }
0x49: {  	_ =	shalt  }
0x4a: {  	_ =	shalt  }
0x4b: {  	_ =	shalt  }
0x4c: {  	_ =	shalt  }
0x4d: {  	_ =	shalt  }
0x4e: {  	_ =	shalt  }
0x4f: {  	_ =	shalt  }
0x50: {  	_ =	shalt  }
0x51: {  	_ =	shalt  }
0x52: {  	_ =	shalt  }
0x53: {  	_ =	shalt  }
0x54: {  	_ =	shalt  }
0x55: {  	_ =	shalt  }
0x56: {  	_ =	shalt  }
0x57: {  	_ =	shalt  }
0x58: {  	_ =	shalt  }
0x59: {  	_ =	shalt  }
0x5a: {  	_ =	shalt  }
0x5b: {  	_ =	shalt  }
0x5c: {  	_ =	shalt  }
0x5d: {  	_ =	shalt  }
0x5e: {  	_ =	shalt  }
0x5f: {  	_ =	shalt  }
0x60: {  	_ =	shalt  }
0x61: {  	_ =	shalt  }
0x62: {  	_ =	shalt  }
0x63: {  	_ =	shalt  }
0x64: {  	_ =	shalt  }
0x65: {  	_ =	shalt  }
0x66: {  	_ =	shalt  }
0x67: {  	_ =	shalt  }
0x68: {  	_ =	shalt  }
0x69: {  	_ =	shalt  }
0x6a: {  	_ =	shalt  }
0x6b: {  	_ =	shalt  }
0x6c: {  	_ =	shalt  }
0x6d: {  	_ =	shalt  }
0x6e: {  	_ =	shalt  }
0x6f: {  	_ =	shalt  }
0x70: {  	_ =	shalt  }
0x71: {  	_ =	shalt  }
0x72: {  	_ =	shalt  }
0x73: {  	_ =	shalt  }
0x74: {  	_ =	shalt  }
0x75: {  	_ =	shalt  }
0x76: {  	_ =	shalt  }
0x77: {  	_ =	shalt  }
0x78: {  	_ =	shalt  }
0x79: {  	_ =	shalt  }
0x7a: {  	_ =	shalt  }
0x7b: {  	_ =	shalt  }
0x7c: {  	_ =	shalt  }
0x7d: {  	_ =	shalt  }
0x7e: {  	_ =	shalt  }
0x7f: {  	_ =	shalt  }
0x80: {  	_ =	shalt  }
0x81: {  	_ =	shalt  }
0x82: {  	_ =	shalt  }
0x83: {  	_ =	shalt  }
0x84: {  	_ =	shalt  }
0x85: {  	_ =	shalt  }
0x86: {  	_ =	shalt  }
0x87: {  	_ =	shalt  }
.Lfunc_end0:
.L_simem_size_0:
called_computation.2_lowered:
.L_overlay_start_0:
0x88: {  	s2 =	sld [smem:$0x3FD9]  }
0x89: {  	s3 =	sld [smem:$0x3FFE];
	_ =	sdelay $0x1  }
0x8a: {  	s1 =	srdreg.scid  }
0x8b: {  	s0 =	sand.u32 $0x1, s1  }
0x8c: {  	s14 =	sshll.u32 s0, $0xA;
	s2 =	sadd.s32 s3, s2  }
0x8d: {  	s2 =	sadd.s32 s2, s14  }
0x8e: {  	[smem:$0x3FA7] =	sst s2  }
0x8f: {  	_ = 	snop  }
0x90: {  	s2 =	sld [smem:$0x3FD0];
	_ =	sdelay $0x2  }
0x91: {  	s15 =	simm.s32 $0xB;
	s4 =	simm.s32 $0x10  }
0x92: {  	[smem:s4], [sflag:s15] =	dma.local [hbm:s2], $0x1  }
0x93: {  	_ =	swait.eq [sflag:s15], $0x1  }
0x94: {  	[sflag:s15] =	ssyncset.done $0x0  }
0x95: {  	[sflag:s15] =	ssyncadd.s32 $0xFFFFFFFF  }
0x96: {  	s16 =	sld [smem:$0x11];
	(tm) =	ssettm $0x1  }
0x97: {  	s17 =	sld [smem:$0x3FFB];
	_ =	sdelay $0x3  }
0x98: {  	_ =	strace s17  }
0x99: {  	s3 =	sld [smem:$0x3FFC];
	_ =	sdelay $0x3  }
0x9a: {  	_ =	strace s3  }
0x9b: {  	s3 =	sld [smem:$0x3FFD];
	_ =	sdelay $0x3  }
0x9c: {  	_ =	strace s3  }
0x9d: {  	_ =	strace $0x8FFFFFFF  }
0x9e: {  	s18 =	sld [smem:$0x3FDB];
	_ =	sdelay $0x1  }
0x9f: {  	s19 =	simm.s32 $_scs_section_size  }
0xa0: {  	s5 =	simm.s32 $_size__tile_overlayer_lowered;
	s6 =	simm.s32 $_tile_overlayer_lowered  }
0xa1: {  	s22 =	simm.s32 $0x1BFF;
	s21 =	sshll.u32 s6, $0x1;
	s3 =	sadd.s32 s19, s18  }
0xa2: {  	s7 =	simm.s32 $0x0;
	s20 =	sshll.u32 s5, $0x1;
	s5 =	sadd.s32 s21, s3  }
0xa3: {  	[timem:s7], [sflag:s22] =	dma.local [hbm:s5], s20  }
0xa4: {  	_ =	swait.ge [sflag:s22], s20  }
0xa5: {  	s4 =	ssub.s32 $0x0, s20;
	[sflag:s22] =	ssyncset.done $0x0  }
0xa6: {  	[sflag:s22] =	ssyncadd.s32 s4;
	_ =	sdelay $0x1  }
0xa7: {  	s23 =	simm.s32 $0x1B8B  }
0xa8: {  	_ =	swait.ge [sflag:s23], $0x1  }
0xa9: {  	[sflag:s23] =	ssyncset.done $0x0  }
0xaa: {  	s25 =	simm.s32 $0x1B8E;
	s24 =	sld [smem:$0x3FFE];
	[sflag:s23] =	ssyncadd.s32 $0xFFFFFFFF  }
0xab: {  	s26 =	simm.s32 $execute0_lowered;
	[smem:$0x3FD2] =	sst s25  }
0xac: {  	s5 =	sshll.u32 s26, $0x1;
	_ =	strace $0x80000049;
	[dreg:$0x1] =	wrdreg $0xFFFFFFFF  }
0xad: {  	s28 =	simm.s32 $_size_execute0_lowered;
	s3 =	sadd.s32 s3, s5;
	[dreg:$0x0] =	wrdreg $0x0  }
0xae: {  	s5 =	sshll.u32 s28, $0x1;
	[dreg:$0x2] =	wrdreg s3  }
0xaf: {  	[dreg:$0x3] =	wrdreg s5  }
0xb0: {  	[dreg:$0x4] =	wrdreg $0xC0  }
0xb1: {  	_ =	task [dreg:s7], $0x5FFFF  }
0xb2: {  	[dreg:$0x1] =	wrdreg $0xFFFFFFFF  }
0xb3: {  	[dreg:$0x0] =	wrdreg $0x60  }
0xb4: {  	[dreg:$0x2] =	wrdreg s24  }
0xb5: {  	[dreg:$0x3] =	wrdreg s16  }
0xb6: {  	[dreg:$0x4] =	wrdreg $0x2E500  }
0xb7: {  	[dreg:$0x5] =	wrdreg $0xA  }
0xb8: {  	_ =	task.clear_ibuf [dreg:s7], $0x6FFFF;
	_ =	strace $0x90000049  }
0xb9: {  	s29 =	simm.s32 $0xA;
	_ =	strace $0x8000004B  }
0xba: {  	_ =	swait.ge [sflag:s29], $0x1  }
0xbb: {  	[sflag:s29] =	ssyncadd.s32 $0xFFFFFFFF  }
0xbc: {  	_ =	strace $0x9000004B  }
0xbd: {  	_ =	sfence  }
0xbe: {  	s30 =	sld [smem:$0x0];
	_ =	sdelay $0x2  }
0xbf: {  	s31 =	sshll.u32 s1, $0xD;
	s1 =	sshrl.u32 s1, $0x2  }
0xc0: {  	s3 =	sand.u32 $0x4000, s31;
	s1 =	sadd.s32 s1, s30  }
0xc1: {  	s0 =	sor.u32 s3, s0;
	s1 =	sshll.u32 s1, $0x11  }
0xc2: {  	s0 =	sor.u32 s1, s0  }
0xc3: {  	s0 =	sadd.s32 $0x8F2B, s0  }
0xc4: {  	[sflag:s0] =	ssyncadd.remote.s32 $0x1  }
0xc5: {  	_ =	sfence.sel $0xFFFF  }
0xc6: {  	[dreg:$0x0] =	wrdreg $0xFFFFFFFF;
	(pc) =	sbr.abs _section_cstart, $3  }
0xc7: {  	[dreg:$0x1] =	wrdreg $0xFFFFFFFF  }
0xc8: {  	_ =	task.clear_ibuf [dreg:s7], $0x2FFFF;
	_ =	strace $0x9FFFFFFF  }
0xc9: {  	(tm) =	ssettm $0x7FFFFFFF  }
tec
execute0_lowered:
.L_overlay_start_1:
0x0: {  	(tag) =	ssettag $0x1  }
0x1: {  	s6 =	rddreg [dreg:$0x0]  }
0x2: {  	s2 =	rddreg [dreg:$0x1]  }
0x3: {  	s0 =	srdreg.scid;
	s3 =	rddreg [dreg:$0x2]  }
0x4: {  	s4 =	simm.s32 $0x0;
	s17 =	simm.s32 $0x1;
	s18 =	simm.s32 $0x68  }
0x5: {  	s19 =	simm.s32 $0x2;
	s20 =	simm.s32 $0x2700;
	s7 =	sand.u32 $0x1, s0  }
0x6: {  	s21 =	simm.s32 $0x2768;
	s0 =	stileid.u32;
	s10 =	smul.u32 $0x2800, s7  }
0x7: {  	[smem:$0x7FF] =	sst s4;
	s5 =	sadd.s32 $0x92800, s6;
	s11 =	smul.u32 $0x1400, s0  }
0x8: {  	s1 =	sshll.u32 s7, $0x4;
	s12 =	ssub.s32 $0x2, s7;
	s14 =	smul.u32 $0x13E800, s7  }
0x9: {  	s29 =	sshll.u32 s0, $0x6;
	s15 =	smul.u32 $0x13E80, s0;
	s8 =	sor.u32 s0, s1  }
0xa: {  	s1 =	rddreg [dreg:$0x3];
	_ =	strace $0x8000004A;
	s9 =	smul.u32 $0x4FA, s8  }
0xb: {  	s28 =	sshrl.u32 s12, $0x1;
	s13 =	smul.u32 $0x13E80, s8;
	s10 =	sadd.s32 s10, s6  }
0xc: {  	s12 =	ssub.s32 s12, s28;
	s16 =	sadd.s32 s11, s3;
	s8 =	smul.u32 $0x27D0, s8  }
0xd: {  	s31 =	sadd.s32 s15, s14;
	s23 =	sshrl.u32 s11, $0x3;
	s15 =	simm.s32 $0x27D0  }
0xe: {  	s14 =	sadd.s32 $0x9C0, s31;
	s22 =	sadd.s32 $0x13000, s10;
	s10 =	smax.u32 s12, $0x1  }
0xf: {  	s12 =	sadd.s32 $0x680, s31;
	s9 =	sadd.s32 s9, s6;
	s6 =	sor.u32 $0x1C03, s29  }
0x10: {  	s30 =	sshrl.u32 s13, $0x3;
	s8 =	sadd.s32 s5, s8;
	s14 =	sshrl.u32 s14, $0x3  }
0x11: {  	s13 =	sshrl.u32 s16, $0x3;
	s16 =	simm.s32 $0x2B10;
	s22 =	sadd.s32 s23, s22  }
0x12: {  	s23 =	simm.s32 $0x0;
	s7 =	sadd.s32 $0x9000, s9;
	s9 =	sadd.s32 s5, s30  }
0x13: {  	s11 =	sadd.s32 s14, s5;
	s14 =	simm.s32 $0x3;
	s9 =	sadd.s32 $0x68, s9  }
.LBB2_1:
0x14: {  	[spmem:s13], [sflag:s6] =	dma.local [hbm:s2], $0x280  }
0x15: {  	_ =	swait.ge [sflag:s14], $0x280  }
0x16: {  	[sflag:s14] =	ssyncset.done $0x0  }
0x17: {  	[sflag:s14] =	ssyncadd.s32 $0xFFFFFD80  }
0x18: {  	[bflag:$0x0] =	sbarrier.arrive $0xFFFF  }
0x19: {  	[tilespmem:s4], [sflag:$0x3] =	stream.linear.gather [hbm4b:s7+s4], $0x27D0, $0x38;
	[tilespmem:$0x4250] =	vst v63  }
0x1a: {  	_ =	swait.ge [sflag:s14], $0x27D0  }
0x1b: {  	[sflag:s14] =	ssyncset.done $0x0  }
0x1c: {  	[sflag:s14] =	ssyncadd.s32 $0xFFFFD830  }
0x1d: {  	[tilespmem:s15], [sflag:$0x1] =	stream.linear.gather [hbm4b:s8+s4], $0x340, $0x38;
	[tilespmem:$0x4250] =	vst v63  }
0x1e: {  	_ = 	snop  }
0x1f: {  	[tilespmem:s16], [sflag:$0x2] =	stream.linear.gather [hbm4b:s9+s4], $0x340, $0x38;
	[tilespmem:$0x4250] =	vst v63  }
0x20: {  	_ =	swait.ge [sflag:s17], $0x340  }
0x21: {  	[sflag:s17] =	ssyncset.done $0x0  }
0x22: {  	[sflag:s17] =	ssyncadd.s32 $0xFFFFFCC0  }
0x23: {  	[spmem:s3] =	stream.indirect.scatter.add.f32 [tilespmem:s15], [sflag:$0x3], $0x8, s4, s18, $0xb8;
	[tilespmem:$0x4250] =	vst v63  }
0x24: {  	_ =	swait.ge [sflag:s14], $0x340  }
0x25: {  	s24 =	sshrl.u32 s12, $0x3;
	[sflag:s14] =	ssyncset.done $0x0  }
0x26: {  	s24 =	sadd.s32 s5, s24;
	[sflag:s14] =	ssyncadd.s32 $0xFFFFFCC0  }
0x27: {  	[tilespmem:s15], [sflag:$0x1] =	stream.linear.gather [hbm4b:s24+s4], $0x340, $0x38;
	[tilespmem:$0x4250] =	vst v63  }
0x28: {  	_ =	swait.ge [sflag:s19], $0x340  }
0x29: {  	[sflag:s19] =	ssyncset.done $0x0  }
0x2a: {  	s31 =	simm.s32 $0x68;
	[sflag:s19] =	ssyncadd.s32 $0xFFFFFCC0  }
0x2b: {  	[spmem:s3] =	stream.indirect.scatter.add.f32 [tilespmem:s16], [sflag:$0x3], $0x8, s31, s18, $0xb8;
	[tilespmem:$0x4250] =	vst v63  }
0x2c: {  	_ =	swait.ge [sflag:s14], $0x340  }
0x2d: {  	s25 =	sadd.s32 $0x680, s12;
	s28 =	sadd.s32 $0x0, s11;
	[sflag:s14] =	ssyncset.done $0x0  }
0x2e: {  	s26 =	simm.s32 $0xD0;
	s24 =	simm.s32 $0xD0;
	[sflag:s14] =	ssyncadd.s32 $0xFFFFFCC0  }
.LBB2_2:
0x2f: {  	[tilespmem:s16], [sflag:$0x2] =	stream.linear.gather [hbm4b:s28+s4], $0x340, $0x38;
	[tilespmem:$0x4250] =	vst v63  }
0x30: {  	s28 =	smov.u32 s24  }
0x31: {  	p0 =	sne.s32 s24, $0x2630;
	s24 =	sadd.s32 $0xD0, s24;
	_ =	swait.ge [sflag:s17], $0x340  }
0x32: {  	[sflag:s17] =	ssyncset.done $0x0  }
0x33: {  	[sflag:s17] =	ssyncadd.s32 $0xFFFFFCC0  }
0x34: {  	[spmem:s3] =	stream.indirect.scatter.add.f32 [tilespmem:s15], [sflag:$0x3], $0x8, s26, s18, $0xb8;
	[tilespmem:$0x4250] =	vst v63  }
0x35: {  	_ =	swait.ge [sflag:s14], $0x340  }
0x36: {  	s29 =	sshrl.u32 s25, $0x3;
	[sflag:s14] =	ssyncset.done $0x0  }
0x37: {  	s29 =	sadd.s32 s5, s29;
	[sflag:s14] =	ssyncadd.s32 $0xFFFFFCC0  }
0x38: {  	[tilespmem:s15], [sflag:$0x1] =	stream.linear.gather [hbm4b:s29+s4], $0x340, $0x38;
	[tilespmem:$0x4250] =	vst v63  }
0x39: {  	_ =	swait.ge [sflag:s19], $0x340  }
0x3a: {  	[sflag:s19] =	ssyncset.done $0x0  }
.Ltmp0:
0x3b: {  	s29 =	sadd.s32 $0x68, s26;
	[sflag:s19] =	ssyncadd.s32 $0xFFFFFCC0;
	(pc) =	sbr.rel @p0 .LBB2_2-.Ltmp0, $4  }
0x3c: {  	[spmem:s3] =	stream.indirect.scatter.add.f32 [tilespmem:s16], [sflag:$0x3], $0x8, s29, s18, $0xb8;
	[tilespmem:$0x4250] =	vst v63  }
0x3d: {  	_ =	swait.ge [sflag:s14], $0x340  }
0x3e: {  	s25 =	sadd.s32 $0x680, s25;
	[sflag:s14] =	ssyncset.done $0x0  }
0x3f: {  	s28 =	sadd.s32 s28, s11;
	s26 =	sadd.s32 $0xD0, s26;
	[sflag:s14] =	ssyncadd.s32 $0xFFFFFCC0  }
0x40: {  	[tilespmem:s16], [sflag:$0x2] =	stream.linear.gather [hbm4b:s28+s4], $0x340, $0x38;
	[tilespmem:$0x4250] =	vst v63  }
0x41: {  	_ =	swait.ge [sflag:s17], $0x340  }
0x42: {  	[sflag:s17] =	ssyncset.done $0x0  }
0x43: {  	[sflag:s17] =	ssyncadd.s32 $0xFFFFFCC0  }
0x44: {  	[spmem:s3] =	stream.indirect.scatter.add.f32 [tilespmem:s15], [sflag:$0x3], $0x8, s20, s18, $0xb8;
	[tilespmem:$0x4250] =	vst v63  }
0x45: {  	_ =	swait.ge [sflag:s14], $0x340  }
0x46: {  	[sflag:s14] =	ssyncset.done $0x0  }
0x47: {  	[sflag:s14] =	ssyncadd.s32 $0xFFFFFCC0  }
0x48: {  	_ =	swait.ge [sflag:s19], $0x340  }
0x49: {  	[sflag:s19] =	ssyncset.done $0x0  }
0x4a: {  	[sflag:s19] =	ssyncadd.s32 $0xFFFFFCC0  }
0x4b: {  	[spmem:s3] =	stream.indirect.scatter.add.f32 [tilespmem:s16], [sflag:$0x3], $0x8, s21, s18, $0xb8;
	[tilespmem:$0x4250] =	vst v63  }
0x4c: {  	_ =	swait.ge [sflag:s14], $0x340  }
0x4d: {  	s23 =	sadd.s32 $0x1, s23;
	[sflag:s14] =	ssyncset.done $0x0  }
0x4e: {  	p0 =	sne.s32 s23, s10;
	[sflag:s14] =	ssyncadd.s32 $0xFFFFFCC0  }
.Ltmp1:
0x4f: {  	[bflag:$0x0] =	sbarrier.arrive $0xFFFF;
	(pc) =	sbr.rel @p0 .LBB2_1-.Ltmp1, $4  }
0x50: {  	[hbm:s22], [sflag:s6] =	dma.local [spmem:s13], $0x280  }
0x51: {  	_ =	swait.ge [sflag:s14], $0x280  }
0x52: {  	[sflag:s14] =	ssyncset.done $0x0  }
0x53: {  	[sflag:s14] =	ssyncadd.s32 $0xFFFFFD80  }
0x54: {  	_ =	sfence.sel $0x180000  }
0x55: {  	[bflag:$0x0] =	sbarrier.arrive $0xFFFF  }
0x56: {  	p0 =	sne.s32 s0, $0x0;
	_ =	strace $0x9000004A  }
0x57: {  	s0 =	sadd.s32 @!p0 $0x100000, s1;
	[bflag:$0x2] =	sbarrier.arrive $0xFFFF  }
0x58: {  	[sflag:s0] =	ssyncadd.tile.s32 @!p0 $0x1;
	_ =	shalt  }
.Lfunc_end2:
_tile_overlayer_lowered:
.L_overlay_start_2:
0x59: {  	(tag) =	ssettag $0x2  }
0x5a: {  	s0 =	rddreg [dreg:$0x0];
	s2 =	stileid.u32  }
0x5b: {  	s1 =	rddreg [dreg:$0x1];
	p0 =	sne.s32 s2, $0x0  }
0x5c: {  	s3 =	rddreg [dreg:$0x2];
	[bflag:$0x3] =	sbarrier.arrive $0xFFFF;
	s2 =	simm.s32 @!p0 $0x1C03  }
0x5d: {  	[timem:s3], [sflag:s2] =	dma.local @!p0 [hbm:s0], s1  }
0x5e: {  	s0 =	simm.s32 @!p0 $0x3  }
0x5f: {  	_ =	swait.ge @!p0 [sflag:s0], s1  }
0x60: {  	s1 =	ssub.s32 @!p0 $0x0, s1;
	[sflag:s0] =	ssyncset.done @!p0 $0x0  }
0x61: {  	[sflag:s0] =	ssyncadd.s32 @!p0 s1  }
0x62: {  	[bflag:$0x3] =	sbarrier.arrive $0xFFFF  }
0x63: {  	_ =	shalt  }

</sc_bundles>
